<compile_context>
chip_gen: v7x
topology: tpu7x:2x2x1
jax: 0.10.2.dev20260603
libtpu: 0.0.44.dev20260713+nightly
codegen_flags: <defaults>
</compile_context>

<pallas_src>
import functools

import jax
import jax.numpy as jnp
from jax import lax
from jax.experimental import pallas as pl
from jax.experimental.pallas import tpu as pltpu
from jax.experimental.pallas import tpu_sc as plsc

N = 10000
E = 320000
F = 128
D = 16
G = 64
C = 16
H = F // 2

_LP = (7.942077648770418e-05, 0.9959657831345109, -0.4650204374456057,
       0.2164487077843725, -0.054370933555584255)
_PP = (0.9999489821947851, -0.9962757002193527, 0.9534207438394723,
       -0.7705729299522883, 0.41793786031301505, -0.10448446507823898)


def _poly(coefs, x):
    p = jnp.float32(coefs[-1])
    for cf in coefs[-2::-1]:
        p = p * x + jnp.float32(cf)
    return p

_NC = 2
_NS = 16
_EPT = E // _NS
_K = 80
_NCHUNK = _EPT // _K
_NP = 10240
_RPT = _NP // _NS



def _edge_mm_body(a_ref, w00, b00, w01, b01, w10, b10, w11, b11, c0_ref, c1_ref):
    a = a_ref[...]
    c0_ref[0] = jnp.dot(a, w00[...], preferred_element_type=jnp.float32) + b00[...]
    c0_ref[1] = jnp.dot(a, w01[...], preferred_element_type=jnp.float32) + b01[...]
    c1_ref[0] = jnp.dot(a, w10[...], preferred_element_type=jnp.float32) + b10[...]
    c1_ref[1] = jnp.dot(a, w11[...], preferred_element_type=jnp.float32) + b11[...]


def _edge_mm(attr, ws_bs):
    be = 4000
    wspec = pl.BlockSpec((D, F), lambda i: (0, 0))
    bspec = pl.BlockSpec((1, F), lambda i: (0, 0))
    return pl.pallas_call(
        _edge_mm_body,
        grid=(E // be,),
        in_specs=[pl.BlockSpec((be, D), lambda i: (i, 0))] + [wspec, bspec] * 4,
        out_specs=[pl.BlockSpec((_NC, be, F), lambda i: (0, i, 0))] * 2,
        out_shape=[jax.ShapeDtypeStruct((_NC, E, F), jnp.float32)] * 2,
    )(attr, *ws_bs)


def _table_mm_body(x_ref, wda, wdb, wsa, wsb, td_ref, ts_ref):
    x = x_ref[...]
    td_ref[0] = jnp.dot(x, wda[...], preferred_element_type=jnp.float32)
    td_ref[1] = jnp.dot(x, wdb[...], preferred_element_type=jnp.float32)
    ts_ref[0] = jnp.dot(x, wsa[...], preferred_element_type=jnp.float32)
    ts_ref[1] = jnp.dot(x, wsb[...], preferred_element_type=jnp.float32)


def _table_mm(x, wda, wdb, wsa, wsb):
    bn = 2000
    wspec = pl.BlockSpec((F, F), lambda i: (0, 0))
    return pl.pallas_call(
        _table_mm_body,
        grid=(N // bn,),
        in_specs=[pl.BlockSpec((bn, F), lambda i: (i, 0))] + [wspec] * 4,
        out_specs=[pl.BlockSpec((_NC, bn, F), lambda i: (0, i, 0))] * 2,
        out_shape=[jax.ShapeDtypeStruct((_NC, N, F), jnp.float32)] * 2,
    )(x, wda, wdb, wsa, wsb)


def _bn_tables_body(x_ref, agg_ref, g_ref, b_ref, wda, wdb, wsa, wsb,
                    h_ref, td_ref, ts_ref):
    h = x_ref[...] + agg_ref[...]
    m = jnp.mean(h, axis=0, keepdims=True)
    hc = h - m
    v = jnp.mean(hc * hc, axis=0, keepdims=True)
    hn = hc * lax.rsqrt(v + 1e-5) * g_ref[...] + b_ref[...]
    h_ref[...] = hn
    td_ref[0] = jnp.dot(hn, wda[...], preferred_element_type=jnp.float32)
    td_ref[1] = jnp.dot(hn, wdb[...], preferred_element_type=jnp.float32)
    ts_ref[0] = jnp.dot(hn, wsa[...], preferred_element_type=jnp.float32)
    ts_ref[1] = jnp.dot(hn, wsb[...], preferred_element_type=jnp.float32)


def _bn_tables(x, agg, g, b, wda, wdb, wsa, wsb):
    return pl.pallas_call(
        _bn_tables_body,
        out_shape=[jax.ShapeDtypeStruct((N, F), jnp.float32),
                   jax.ShapeDtypeStruct((_NC, N, F), jnp.float32),
                   jax.ShapeDtypeStruct((_NC, N, F), jnp.float32)],
    )(x, agg, g, b, wda, wdb, wsa, wsb)


def _final_body(x_ref, agg_ref, g_ref, b_ref, batch_ref, wfc_ref, bfc_ref, o_ref):
    h = x_ref[...] + agg_ref[...]
    m = jnp.mean(h, axis=0, keepdims=True)
    hc = h - m
    v = jnp.mean(hc * hc, axis=0, keepdims=True)
    hn = hc * lax.rsqrt(v + 1e-5) * g_ref[...] + b_ref[...]
    gids = lax.broadcasted_iota(jnp.int32, (G, N), 0)
    mm = (batch_ref[...] == gids).astype(jnp.float32)
    s = jnp.dot(mm, hn, preferred_element_type=jnp.float32)
    cnt = jnp.sum(mm, axis=1, keepdims=True)
    pooled = s / jnp.maximum(cnt, 1.0)
    o_ref[...] = jnp.dot(pooled, wfc_ref[...], preferred_element_type=jnp.float32) + bfc_ref[...]


def _final(x, agg, g, b, batch2d, wfc, bfc):
    return pl.pallas_call(
        _final_body,
        out_shape=jax.ShapeDtypeStruct((G, C), jnp.float32),
    )(x, agg, g, b, batch2d, wfc, bfc)



def _sc_layer_body(dst_hbm, src_hbm, td_hbm, ts_hbm, ce_hbm, zeros_hbm, out_hbm,
                   idx_d, idx_s, rows_d, rows_s, ce_buf, msg, agg_sh,
                   sem_d, sem_s, sem_c, sem_i, sem_sc):
    cid = lax.axis_index("c")
    sid = lax.axis_index("s")
    base0 = sid * _EPT
    row0 = sid * _RPT
    pltpu.sync_copy(zeros_hbm.at[pl.ds(row0, _RPT)], agg_sh.at[pl.ds(row0, _RPT)])
    plsc.subcore_barrier()

    def fetch_idx_async(t, s):
        base = base0 + t * _K
        pltpu.async_copy(dst_hbm.at[pl.ds(base, _K)], idx_d.at[s], sem_i)
        pltpu.async_copy(src_hbm.at[pl.ds(base, _K)], idx_s.at[s], sem_i)

    def fetch_rows(t, s, p):
        base = base0 + t * _K
        pltpu.async_copy(td_hbm.at[cid].at[idx_d.at[s]], rows_d.at[p], sem_d)
        pltpu.async_copy(ts_hbm.at[cid].at[idx_s.at[s]], rows_s.at[p], sem_s)
        pltpu.async_copy(ce_hbm.at[cid, pl.ds(base, _K)], ce_buf.at[p], sem_c)

    pltpu.sync_copy(dst_hbm.at[pl.ds(base0, _K)], idx_d.at[0])
    pltpu.sync_copy(src_hbm.at[pl.ds(base0, _K)], idx_s.at[0])
    fetch_rows(0, 0, 0)
    fetch_idx_async(1, 1)

    def chunk(t, carry):
        p = jnp.bitwise_and(t, 1)
        q = 1 - p
        si = jnp.bitwise_and(t, 3)
        sn = jnp.bitwise_and(t + 1, 3)
        sf = jnp.bitwise_and(t + 2, 3)

        @pl.when(t >= 2)
        def _():
            pltpu.make_async_copy(msg.at[p], agg_sh.at[idx_d.at[si]], sem_sc).wait()

        @pl.when(t + 1 < _NCHUNK)
        def _():
            pltpu.make_async_copy(dst_hbm.at[pl.ds(base0, _K)], idx_d.at[sn], sem_i).wait()
            pltpu.make_async_copy(src_hbm.at[pl.ds(base0, _K)], idx_s.at[sn], sem_i).wait()
            fetch_rows(t + 1, sn, q)

        @pl.when(t + 2 < _NCHUNK)
        def _():
            fetch_idx_async(t + 2, sf)

        pltpu.make_async_copy(td_hbm.at[cid].at[idx_d.at[si]], rows_d.at[p], sem_d).wait()
        pltpu.make_async_copy(ts_hbm.at[cid].at[idx_s.at[si]], rows_s.at[p], sem_s).wait()
        pltpu.make_async_copy(ce_hbm.at[cid, pl.ds(base0, _K)], ce_buf.at[p], sem_c).wait()

        rd = rows_d.at[p]
        rs = rows_s.at[p]
        cb = ce_buf.at[p]
        mg = msg.at[p]

        @plsc.parallel_loop(0, _K, step=1, unroll=8)
        def edge(e):
            for j in range(H // 16):
                lo = 16 * j
                hi = H + 16 * j
                gf = rd[e, pl.ds(lo, 16)] + rs[e, pl.ds(lo, 16)] + cb[e, pl.ds(lo, 16)]
                gs = rd[e, pl.ds(hi, 16)] + rs[e, pl.ds(hi, 16)] + cb[e, pl.ds(hi, 16)]
                uf = jnp.exp(-jnp.abs(gf))
                pf = _poly(_PP, uf)
                gate = jnp.where(gf >= 0.0, pf, 1.0 - pf)
                tt = jnp.exp(-jnp.abs(gs))
                sp = jnp.maximum(gs, 0.0) + _poly(_LP, tt)
                mg[e, pl.ds(lo, 16)] = gate * sp
        pltpu.async_copy(msg.at[p], agg_sh.at[idx_d.at[si]], sem_sc, add=True)
        return carry

    lax.fori_loop(0, _NCHUNK, chunk, 0, unroll=False)
    pltpu.make_async_copy(msg.at[0], agg_sh.at[idx_d.at[0]], sem_sc).wait()
    pltpu.make_async_copy(msg.at[1], agg_sh.at[idx_d.at[1]], sem_sc).wait()
    plsc.subcore_barrier()
    pltpu.sync_copy(agg_sh.at[pl.ds(row0, _RPT)], out_hbm.at[cid, pl.ds(row0, _RPT)])


@functools.cache
def _sc_layer_fn():
    return pl.kernel(
        _sc_layer_body,
        mesh=plsc.VectorSubcoreMesh(core_axis_name="c", subcore_axis_name="s"),
        out_type=jax.ShapeDtypeStruct((_NC, _NP, H), jnp.float32),
        scratch_types=[
            pltpu.VMEM((4, _K), jnp.int32),
            pltpu.VMEM((4, _K), jnp.int32),
            pltpu.VMEM((2, _K, F), jnp.float32),
            pltpu.VMEM((2, _K, F), jnp.float32),
            pltpu.VMEM((2, _K, F), jnp.float32),
            pltpu.VMEM((2, _K, H), jnp.float32),
            pltpu.VMEM_SHARED((_NP, H), jnp.float32),
            pltpu.SemaphoreType.DMA,
            pltpu.SemaphoreType.DMA,
            pltpu.SemaphoreType.DMA,
            pltpu.SemaphoreType.DMA,
            pltpu.SemaphoreType.DMA,
        ],
        compiler_params=pltpu.CompilerParams(use_tc_tiling_on_sc=False),
    )


def _sc_layer(*args):
    out = _sc_layer_fn()(*args)
    return jnp.concatenate([out[0, :N], out[1, :N]], axis=1)



def kernel(x, edge_index, edge_attr, batch, Wf0, bf0, Ws0, bs0, Wf1, bf1, Ws1, bs1,
           gamma0, beta0, gamma1, beta1, Wfc, bfc):
    x = x.astype(jnp.float32)
    ei = edge_index.astype(jnp.int32)
    src = ei[0]
    dst = ei[1]
    batch2d = batch.astype(jnp.int32).reshape(1, N)

    def pack(Wf, Ws, r0, r1):
        wa = jnp.concatenate([Wf[r0:r1, :H], Ws[r0:r1, :H]], axis=1)
        wb = jnp.concatenate([Wf[r0:r1, H:], Ws[r0:r1, H:]], axis=1)
        return wa, wb

    wd0a, wd0b = pack(Wf0, Ws0, 0, F)
    ws0a, ws0b = pack(Wf0, Ws0, F, 2 * F)
    we0a, we0b = pack(Wf0, Ws0, 2 * F, 2 * F + D)
    wd1a, wd1b = pack(Wf1, Ws1, 0, F)
    ws1a, ws1b = pack(Wf1, Ws1, F, 2 * F)
    we1a, we1b = pack(Wf1, Ws1, 2 * F, 2 * F + D)
    be0a = jnp.concatenate([bf0[:H], bs0[:H]]).reshape(1, F)
    be0b = jnp.concatenate([bf0[H:], bs0[H:]]).reshape(1, F)
    be1a = jnp.concatenate([bf1[:H], bs1[:H]]).reshape(1, F)
    be1b = jnp.concatenate([bf1[H:], bs1[H:]]).reshape(1, F)
    zeros = jnp.zeros((_NP, H), jnp.float32)

    ce0, ce1 = _edge_mm(edge_attr, (we0a, be0a, we0b, be0b, we1a, be1a, we1b, be1b))
    td0, ts0 = _table_mm(x, wd0a, wd0b, ws0a, ws0b)
    agg0 = _sc_layer(dst, src, td0, ts0, ce0, zeros)
    h1, td1, ts1 = _bn_tables(x, agg0, gamma0.reshape(1, F), beta0.reshape(1, F),
                              wd1a, wd1b, ws1a, ws1b)
    agg1 = _sc_layer(dst, src, td1, ts1, ce1, zeros)
    out = _final(h1, agg1, gamma1.reshape(1, F), beta1.reshape(1, F),
                 batch2d, Wfc, bfc.reshape(1, C))
    return out

# --- scband reference (transcript-rebuilt; emitter-appended) ---
"""Pipeline reference for scband-encoder-25116968747406 (READ-ONLY COPY).

The authoritative reference and input builder live on the scoring server;
editing this copy changes nothing except your own understanding.
"""

import jax, jax.numpy as jnp
import numpy as np

N = 10000
E = 320000
F = 128
D = 16
G = 64
C = 16
Z = 2 * F + D


def _uniform(key, shape, fan_in):
    s = 1.0 / np.sqrt(fan_in)
    return jax.random.uniform(key, shape, minval=-s, maxval=s, dtype=jnp.float32)


def setup_inputs(seed: int = 0) -> dict:
    key = jax.random.key(seed)
    ks = jax.random.split(key, 16)
    x = jax.random.normal(ks[0], (N, F), dtype=jnp.float32)
    edge_index = jax.random.randint(ks[1], (2, E), 0, N, dtype=jnp.int32).astype(jnp.int64)
    edge_attr = jax.random.normal(ks[2], (E, D), dtype=jnp.float32)
    batch = jnp.sort(jax.random.randint(ks[3], (N,), 0, G, dtype=jnp.int32)).astype(jnp.int64)
    # CGConv layer 0: lin_f, lin_s : (2F+D) -> F
    Wf0 = _uniform(ks[4], (Z, F), Z); bf0 = _uniform(ks[5], (F,), Z)
    Ws0 = _uniform(ks[6], (Z, F), Z); bs0 = _uniform(ks[7], (F,), Z)
    # CGConv layer 1 (same channel count)
    Wf1 = _uniform(ks[8], (Z, F), Z); bf1 = _uniform(ks[9], (F,), Z)
    Ws1 = _uniform(ks[10], (Z, F), Z); bs1 = _uniform(ks[11], (F,), Z)
    # BatchNorm params
    gamma0 = jnp.ones((F,), dtype=jnp.float32); beta0 = jnp.zeros((F,), dtype=jnp.float32)
    gamma1 = jnp.ones((F,), dtype=jnp.float32); beta1 = jnp.zeros((F,), dtype=jnp.float32)
    # final fc: F -> C
    Wfc = _uniform(ks[12], (F, C), F); bfc = _uniform(ks[13], (C,), F)
    return {"x": x, "edge_index": edge_index, "edge_attr": edge_attr, "batch": batch,
            "Wf0": Wf0, "bf0": bf0, "Ws0": Ws0, "bs0": bs0,
            "Wf1": Wf1, "bf1": bf1, "Ws1": Ws1, "bs1": bs1,
            "gamma0": gamma0, "beta0": beta0, "gamma1": gamma1, "beta1": beta1,
            "Wfc": Wfc, "bfc": bfc}


def _cgconv(x, edge_index, edge_attr, Wf, bf, Ws, bs):
    src = edge_index[0]
    dst = edge_index[1]
    # PyG CGConv message: z = cat([x_i, x_j, edge_attr]); x_i = x[dst], x_j = x[src]
    z = jnp.concatenate([x[dst], x[src], edge_attr], axis=-1)
    gate = jax.nn.sigmoid(z @ Wf + bf)
    core = jax.nn.softplus(z @ Ws + bs)
    msg = gate * core
    agg = jax.ops.segment_sum(msg, dst, num_segments=N)
    return x + agg


def _batchnorm(x, gamma, beta, eps=1e-5):
    m = jnp.mean(x, axis=0)
    v = jnp.var(x, axis=0)
    return (x - m) / jnp.sqrt(v + eps) * gamma + beta


def _global_mean_pool(x, batch):
    s = jax.ops.segment_sum(x, batch, num_segments=G)
    cnt = jax.ops.segment_sum(jnp.ones((x.shape[0], 1), dtype=x.dtype), batch, num_segments=G)
    return s / jnp.clip(cnt, 1.0, None)


def reference(x, edge_index, edge_attr, batch, Wf0, bf0, Ws0, bs0, Wf1, bf1, Ws1, bs1, gamma0, beta0, gamma1, beta1, Wfc, bfc):
    h = _cgconv(x, edge_index, edge_attr, Wf0, bf0, Ws0, bs0)
    h = _batchnorm(h, gamma0, beta0)
    h = _cgconv(h, edge_index, edge_attr, Wf1, bf1, Ws1, bs1)
    h = _batchnorm(h, gamma1, beta1)
    pooled = _global_mean_pool(h, batch)
    out = pooled @ Wfc + bfc
    return out

if __name__ == "__main__":
    import jax
    _d = setup_inputs()
    print(jax.jit(kernel)(*tuple(_d.values())))

</pallas_src>

<mosaic_0001>
#map = affine_map<(d0, d1) -> (0)>
#map1 = affine_map<(d0, d1) -> (0, 0, 0)>
#map2 = affine_map<(d0, d1) -> (0, 0)>
module attributes {stable_mosaic.version = 14 : i64} {
  func.func @_sc_layer_body(%arg0: i32, %arg1: i32, %arg2: memref<320000xi32, #tpu.memory_space<hbm>>, %arg3: memref<320000xi32, #tpu.memory_space<hbm>>, %arg4: memref<2x10000x128xf32, #tpu.memory_space<hbm>>, %arg5: memref<2x10000x128xf32, #tpu.memory_space<hbm>>, %arg6: memref<2x320000x128xf32, #tpu.memory_space<hbm>>, %arg7: memref<10240x64xf32, #tpu.memory_space<hbm>>, %arg8: memref<2x10240x64xf32, #tpu.memory_space<hbm>>, %arg9: memref<4x80xi32, #tpu.memory_space<vmem>>, %arg10: memref<4x80xi32, #tpu.memory_space<vmem>>, %arg11: memref<2x80x128xf32, #tpu.memory_space<vmem>>, %arg12: memref<2x80x128xf32, #tpu.memory_space<vmem>>, %arg13: memref<2x80x128xf32, #tpu.memory_space<vmem>>, %arg14: memref<2x80x64xf32, #tpu.memory_space<vmem>>, %arg15: memref<10240x64xf32, #tpu.memory_space<vmem_shared>>, %arg16: memref<!tpu.dma_semaphore, #tpu.memory_space<semaphore_mem>>, %arg17: memref<!tpu.dma_semaphore, #tpu.memory_space<semaphore_mem>>, %arg18: memref<!tpu.dma_semaphore, #tpu.memory_space<semaphore_mem>>, %arg19: memref<!tpu.dma_semaphore, #tpu.memory_space<semaphore_mem>>, %arg20: memref<!tpu.dma_semaphore, #tpu.memory_space<semaphore_mem>>) attributes {dimension_semantics = [#tpu.dimension_semantics<core_parallel>, #tpu.dimension_semantics<subcore_parallel>], iteration_bounds = array<i64: 2, 16>, scalar_prefetch = 0 : i64, scratch_operands = 12 : i64, tpu.core_type = #tpu.core_type<sc_vector_subcore>, window_params = [{transform_indices = #map}, {transform_indices = #map}, {transform_indices = #map1}, {transform_indices = #map1}, {transform_indices = #map1}, {transform_indices = #map2}, {transform_indices = #map1}]} {
    %mul3A = arith.constant 20000 : i32
    %mul3A_0 = arith.muli %arg1, %mul3A : i32
    %mul3A_1 = arith.constant 640 : i32
    %mul3A_2 = arith.muli %arg1, %mul3A_1 : i32
    "tpu.region"() ({
      %run_scoped3A_100 = tpu.sem_alloc : memref<!tpu.dma_semaphore, #tpu.memory_space<semaphore_mem>>
      %dma_start3A_101 = arith.constant 0 : i32
      %dma_start3A_102 = tpu.memref_slice %arg15[%mul3A_2, %dma_start3A_101] : memref<10240x64xf32, #tpu.memory_space<vmem_shared>> -> memref<640x64xf32, #tpu.memory_space<vmem_shared>>
      %dma_start3A_103 = arith.constant 0 : i32
      %dma_start3A_104 = tpu.memref_slice %arg7[%mul3A_2, %dma_start3A_103] : memref<10240x64xf32, #tpu.memory_space<hbm>> -> memref<640x64xf32, #tpu.memory_space<hbm>>
      tpu.enqueue_dma source(%dma_start3A_104 : memref<640x64xf32, #tpu.memory_space<hbm>>) target(%dma_start3A_102 : memref<640x64xf32, #tpu.memory_space<vmem_shared>>) target_semaphore(%run_scoped3A_100 : memref<!tpu.dma_semaphore, #tpu.memory_space<semaphore_mem>>)
      %dma_wait3A_105 = arith.constant 0 : i32
      %dma_wait3A_106 = tpu.memref_slice %arg15[%mul3A_2, %dma_wait3A_105] : memref<10240x64xf32, #tpu.memory_space<vmem_shared>> -> memref<640x64xf32, #tpu.memory_space<vmem_shared>>
      %dma_wait3A_107 = arith.constant 0 : i32
      %dma_wait3A_108 = tpu.memref_slice %arg7[%mul3A_2, %dma_wait3A_107] : memref<10240x64xf32, #tpu.memory_space<hbm>> -> memref<640x64xf32, #tpu.memory_space<hbm>>
      tpu.wait_dma2 semaphore(%run_scoped3A_100 : memref<!tpu.dma_semaphore, #tpu.memory_space<semaphore_mem>>) src(%dma_wait3A_108 : memref<640x64xf32, #tpu.memory_space<hbm>>) dst(%dma_wait3A_106 : memref<640x64xf32, #tpu.memory_space<vmem_shared>>)
      tpu.yield
    }) : () -> ()
    %barrier3A = arith.constant 0 : index
    tpu.barrier barrier_id(%barrier3A)
    %run_scoped3A = arith.constant 0 : i32
    "tpu.region"() ({
      %run_scoped3A_100 = tpu.sem_alloc : memref<!tpu.dma_semaphore, #tpu.memory_space<semaphore_mem>>
      %dma_start3A_101 = arith.constant 0 : i32
      %dma_start3A_102 = tpu.memref_slice %arg9[%run_scoped3A, %dma_start3A_101] : memref<4x80xi32, #tpu.memory_space<vmem>> -> memref<1x80xi32, #tpu.memory_space<vmem>>
      %dma_start3A_103 = tpu.memref_squeeze %dma_start3A_102 : memref<1x80xi32, #tpu.memory_space<vmem>> -> memref<80xi32, #tpu.memory_space<vmem>>
      %dma_start3A_104 = tpu.memref_slice %arg2[%mul3A_0] : memref<320000xi32, #tpu.memory_space<hbm>> -> memref<80xi32, #tpu.memory_space<hbm>>
      %dma_start3A_105 = arith.constant 0 : i32
      %dma_start3A_106 = tpu.memref_slice %arg9[%run_scoped3A, %dma_start3A_105] : memref<4x80xi32, #tpu.memory_space<vmem>> -> memref<1x80xi32, #tpu.memory_space<vmem>>
      %dma_start3A_107 = tpu.memref_squeeze %dma_start3A_106 : memref<1x80xi32, #tpu.memory_space<vmem>> -> memref<80xi32, #tpu.memory_space<vmem>>
      %dma_start3A_108 = tpu.memref_slice %arg2[%mul3A_0] : memref<320000xi32, #tpu.memory_space<hbm>> -> memref<80xi32, #tpu.memory_space<hbm>>
      tpu.enqueue_dma source(%dma_start3A_108 : memref<80xi32, #tpu.memory_space<hbm>>) target(%dma_start3A_107 : memref<80xi32, #tpu.memory_space<vmem>>) target_semaphore(%run_scoped3A_100 : memref<!tpu.dma_semaphore, #tpu.memory_space<semaphore_mem>>)
      %dma_wait3A_109 = arith.constant 0 : i32
      %dma_wait3A_110 = tpu.memref_slice %arg9[%run_scoped3A, %dma_wait3A_109] : memref<4x80xi32, #tpu.memory_space<vmem>> -> memref<1x80xi32, #tpu.memory_space<vmem>>
      %dma_wait3A_111 = tpu.memref_squeeze %dma_wait3A_110 : memref<1x80xi32, #tpu.memory_space<vmem>> -> memref<80xi32, #tpu.memory_space<vmem>>
      %dma_wait3A_112 = tpu.memref_slice %arg2[%mul3A_0] : memref<320000xi32, #tpu.memory_space<hbm>> -> memref<80xi32, #tpu.memory_space<hbm>>
      %dma_wait3A_113 = arith.constant 0 : i32
      %dma_wait3A_114 = tpu.memref_slice %arg9[%run_scoped3A, %dma_wait3A_113] : memref<4x80xi32, #tpu.memory_space<vmem>> -> memref<1x80xi32, #tpu.memory_space<vmem>>
      %dma_wait3A_115 = tpu.memref_squeeze %dma_wait3A_114 : memref<1x80xi32, #tpu.memory_space<vmem>> -> memref<80xi32, #tpu.memory_space<vmem>>
      %dma_wait3A_116 = tpu.memref_slice %arg2[%mul3A_0] : memref<320000xi32, #tpu.memory_space<hbm>> -> memref<80xi32, #tpu.memory_space<hbm>>
      tpu.wait_dma2 semaphore(%run_scoped3A_100 : memref<!tpu.dma_semaphore, #tpu.memory_space<semaphore_mem>>) src(%dma_wait3A_116 : memref<80xi32, #tpu.memory_space<hbm>>) dst(%dma_wait3A_115 : memref<80xi32, #tpu.memory_space<vmem>>)
      tpu.yield
    }) : () -> ()
    %run_scoped3A_3 = arith.constant 0 : i32
    "tpu.region"() ({
      %run_scoped3A_100 = tpu.sem_alloc : memref<!tpu.dma_semaphore, #tpu.memory_space<semaphore_mem>>
      %dma_start3A_101 = arith.constant 0 : i32
      %dma_start3A_102 = tpu.memref_slice %arg10[%run_scoped3A_3, %dma_start3A_101] : memref<4x80xi32, #tpu.memory_space<vmem>> -> memref<1x80xi32, #tpu.memory_space<vmem>>
      %dma_start3A_103 = tpu.memref_squeeze %dma_start3A_102 : memref<1x80xi32, #tpu.memory_space<vmem>> -> memref<80xi32, #tpu.memory_space<vmem>>
      %dma_start3A_104 = tpu.memref_slice %arg3[%mul3A_0] : memref<320000xi32, #tpu.memory_space<hbm>> -> memref<80xi32, #tpu.memory_space<hbm>>
      %dma_start3A_105 = arith.constant 0 : i32
      %dma_start3A_106 = tpu.memref_slice %arg10[%run_scoped3A_3, %dma_start3A_105] : memref<4x80xi32, #tpu.memory_space<vmem>> -> memref<1x80xi32, #tpu.memory_space<vmem>>
      %dma_start3A_107 = tpu.memref_squeeze %dma_start3A_106 : memref<1x80xi32, #tpu.memory_space<vmem>> -> memref<80xi32, #tpu.memory_space<vmem>>
      %dma_start3A_108 = tpu.memref_slice %arg3[%mul3A_0] : memref<320000xi32, #tpu.memory_space<hbm>> -> memref<80xi32, #tpu.memory_space<hbm>>
      tpu.enqueue_dma source(%dma_start3A_108 : memref<80xi32, #tpu.memory_space<hbm>>) target(%dma_start3A_107 : memref<80xi32, #tpu.memory_space<vmem>>) target_semaphore(%run_scoped3A_100 : memref<!tpu.dma_semaphore, #tpu.memory_space<semaphore_mem>>)
      %dma_wait3A_109 = arith.constant 0 : i32
      %dma_wait3A_110 = tpu.memref_slice %arg10[%run_scoped3A_3, %dma_wait3A_109] : memref<4x80xi32, #tpu.memory_space<vmem>> -> memref<1x80xi32, #tpu.memory_space<vmem>>
      %dma_wait3A_111 = tpu.memref_squeeze %dma_wait3A_110 : memref<1x80xi32, #tpu.memory_space<vmem>> -> memref<80xi32, #tpu.memory_space<vmem>>
      %dma_wait3A_112 = tpu.memref_slice %arg3[%mul3A_0] : memref<320000xi32, #tpu.memory_space<hbm>> -> memref<80xi32, #tpu.memory_space<hbm>>
      %dma_wait3A_113 = arith.constant 0 : i32
      %dma_wait3A_114 = tpu.memref_slice %arg10[%run_scoped3A_3, %dma_wait3A_113] : memref<4x80xi32, #tpu.memory_space<vmem>> -> memref<1x80xi32, #tpu.memory_space<vmem>>
      %dma_wait3A_115 = tpu.memref_squeeze %dma_wait3A_114 : memref<1x80xi32, #tpu.memory_space<vmem>> -> memref<80xi32, #tpu.memory_space<vmem>>
      %dma_wait3A_116 = tpu.memref_slice %arg3[%mul3A_0] : memref<320000xi32, #tpu.memory_space<hbm>> -> memref<80xi32, #tpu.memory_space<hbm>>
      tpu.wait_dma2 semaphore(%run_scoped3A_100 : memref<!tpu.dma_semaphore, #tpu.memory_space<semaphore_mem>>) src(%dma_wait3A_116 : memref<80xi32, #tpu.memory_space<hbm>>) dst(%dma_wait3A_115 : memref<80xi32, #tpu.memory_space<vmem>>)
      tpu.yield
    }) : () -> ()
    %add3A = arith.constant 0 : i32
    %add3A_4 = arith.addi %mul3A_0, %add3A : i32
    %dma_start3A = arith.constant 0 : i32
    %dma_start3A_5 = arith.constant 0 : i32
    %dma_start3A_6 = arith.constant 0 : i32
    %dma_start3A_7 = arith.constant 0 : i32
    %dma_start3A_8 = tpu.memref_slice %arg11[%dma_start3A_5, %dma_start3A_6, %dma_start3A_7] : memref<2x80x128xf32, #tpu.memory_space<vmem>> -> memref<1x80x128xf32, #tpu.memory_space<vmem>>
    %dma_start3A_9 = tpu.memref_squeeze %dma_start3A_8 : memref<1x80x128xf32, #tpu.memory_space<vmem>> -> memref<80x128xf32, #tpu.memory_space<vmem>>
    %dma_start3A_10 = arith.constant 0 : i32
    %dma_start3A_11 = tpu.memref_slice %arg9[%dma_start3A, %dma_start3A_10] : memref<4x80xi32, #tpu.memory_space<vmem>> -> memref<1x80xi32, #tpu.memory_space<vmem>>
    %dma_start3A_12 = tpu.memref_squeeze %dma_start3A_11 : memref<1x80xi32, #tpu.memory_space<vmem>> -> memref<80xi32, #tpu.memory_space<vmem>>
    %dma_start3A_13 = arith.constant 0 : i32
    %dma_start3A_14 = arith.constant 0 : i32
    %dma_start3A_15 = tpu.memref_slice %arg4[%arg0, %dma_start3A_13, %dma_start3A_14] : memref<2x10000x128xf32, #tpu.memory_space<hbm>> -> memref<1x10000x128xf32, #tpu.memory_space<hbm>>
    %dma_start3A_16 = tpu.memref_squeeze %dma_start3A_15 : memref<1x10000x128xf32, #tpu.memory_space<hbm>> -> memref<10000x128xf32, #tpu.memory_space<hbm>>
    %dma_start3A_17 = arith.constant 0 : i32
    %dma_start3A_18 = arith.constant 0 : i32
    %dma_start3A_19 = tpu.memref_slice %dma_start3A_16[%dma_start3A_17, %dma_start3A_18] : memref<10000x128xf32, #tpu.memory_space<hbm>> -> memref<10000x128xf32, #tpu.memory_space<hbm>>
    tpu.enqueue_indirect_dma source(%dma_start3A_19 : memref<10000x128xf32, #tpu.memory_space<hbm>>) target(%dma_start3A_9 : memref<80x128xf32, #tpu.memory_space<vmem>>) offsets(%dma_start3A_12 : memref<80xi32, #tpu.memory_space<vmem>>) semaphore(%arg16 : memref<!tpu.dma_semaphore, #tpu.memory_space<semaphore_mem>>)
    %dma_start3A_20 = arith.constant 0 : i32
    %dma_start3A_21 = arith.constant 0 : i32
    %dma_start3A_22 = arith.constant 0 : i32
    %dma_start3A_23 = arith.constant 0 : i32
    %dma_start3A_24 = tpu.memref_slice %arg12[%dma_start3A_21, %dma_start3A_22, %dma_start3A_23] : memref<2x80x128xf32, #tpu.memory_space<vmem>> -> memref<1x80x128xf32, #tpu.memory_space<vmem>>
    %dma_start3A_25 = tpu.memref_squeeze %dma_start3A_24 : memref<1x80x128xf32, #tpu.memory_space<vmem>> -> memref<80x128xf32, #tpu.memory_space<vmem>>
    %dma_start3A_26 = arith.constant 0 : i32
    %dma_start3A_27 = tpu.memref_slice %arg10[%dma_start3A_20, %dma_start3A_26] : memref<4x80xi32, #tpu.memory_space<vmem>> -> memref<1x80xi32, #tpu.memory_space<vmem>>
    %dma_start3A_28 = tpu.memref_squeeze %dma_start3A_27 : memref<1x80xi32, #tpu.memory_space<vmem>> -> memref<80xi32, #tpu.memory_space<vmem>>
    %dma_start3A_29 = arith.constant 0 : i32
    %dma_start3A_30 = arith.constant 0 : i32
    %dma_start3A_31 = tpu.memref_slice %arg5[%arg0, %dma_start3A_29, %dma_start3A_30] : memref<2x10000x128xf32, #tpu.memory_space<hbm>> -> memref<1x10000x128xf32, #tpu.memory_space<hbm>>
    %dma_start3A_32 = tpu.memref_squeeze %dma_start3A_31 : memref<1x10000x128xf32, #tpu.memory_space<hbm>> -> memref<10000x128xf32, #tpu.memory_space<hbm>>
    %dma_start3A_33 = arith.constant 0 : i32
    %dma_start3A_34 = arith.constant 0 : i32
    %dma_start3A_35 = tpu.memref_slice %dma_start3A_32[%dma_start3A_33, %dma_start3A_34] : memref<10000x128xf32, #tpu.memory_space<hbm>> -> memref<10000x128xf32, #tpu.memory_space<hbm>>
    tpu.enqueue_indirect_dma source(%dma_start3A_35 : memref<10000x128xf32, #tpu.memory_space<hbm>>) target(%dma_start3A_25 : memref<80x128xf32, #tpu.memory_space<vmem>>) offsets(%dma_start3A_28 : memref<80xi32, #tpu.memory_space<vmem>>) semaphore(%arg17 : memref<!tpu.dma_semaphore, #tpu.memory_space<semaphore_mem>>)
    %dma_start3A_36 = arith.constant 0 : i32
    %dma_start3A_37 = arith.constant 0 : i32
    %dma_start3A_38 = arith.constant 0 : i32
    %dma_start3A_39 = tpu.memref_slice %arg13[%dma_start3A_36, %dma_start3A_37, %dma_start3A_38] : memref<2x80x128xf32, #tpu.memory_space<vmem>> -> memref<1x80x128xf32, #tpu.memory_space<vmem>>
    %dma_start3A_40 = tpu.memref_squeeze %dma_start3A_39 : memref<1x80x128xf32, #tpu.memory_space<vmem>> -> memref<80x128xf32, #tpu.memory_space<vmem>>
    %dma_start3A_41 = arith.constant 0 : i32
    %dma_start3A_42 = tpu.memref_slice %arg6[%arg0, %add3A_4, %dma_start3A_41] : memref<2x320000x128xf32, #tpu.memory_space<hbm>> -> memref<1x80x128xf32, #tpu.memory_space<hbm>>
    %dma_start3A_43 = tpu.memref_squeeze %dma_start3A_42 : memref<1x80x128xf32, #tpu.memory_space<hbm>> -> memref<80x128xf32, #tpu.memory_space<hbm>>
    %dma_start3A_44 = arith.constant 0 : i32
    %dma_start3A_45 = arith.constant 0 : i32
    %dma_start3A_46 = tpu.memref_slice %arg13[%dma_start3A_36, %dma_start3A_44, %dma_start3A_45] : memref<2x80x128xf32, #tpu.memory_space<vmem>> -> memref<1x80x128xf32, #tpu.memory_space<vmem>>
    %dma_start3A_47 = tpu.memref_squeeze %dma_start3A_46 : memref<1x80x128xf32, #tpu.memory_space<vmem>> -> memref<80x128xf32, #tpu.memory_space<vmem>>
    %dma_start3A_48 = arith.constant 0 : i32
    %dma_start3A_49 = tpu.memref_slice %arg6[%arg0, %add3A_4, %dma_start3A_48] : memref<2x320000x128xf32, #tpu.memory_space<hbm>> -> memref<1x80x128xf32, #tpu.memory_space<hbm>>
    %dma_start3A_50 = tpu.memref_squeeze %dma_start3A_49 : memref<1x80x128xf32, #tpu.memory_space<hbm>> -> memref<80x128xf32, #tpu.memory_space<hbm>>
    tpu.enqueue_dma source(%dma_start3A_50 : memref<80x128xf32, #tpu.memory_space<hbm>>) target(%dma_start3A_47 : memref<80x128xf32, #tpu.memory_space<vmem>>) target_semaphore(%arg18 : memref<!tpu.dma_semaphore, #tpu.memory_space<semaphore_mem>>)
    %add3A_51 = arith.constant 80 : i32
    %add3A_52 = arith.addi %mul3A_0, %add3A_51 : i32
    %dma_start3A_53 = arith.constant 1 : i32
    %dma_start3A_54 = arith.constant 0 : i32
    %dma_start3A_55 = tpu.memref_slice %arg9[%dma_start3A_53, %dma_start3A_54] : memref<4x80xi32, #tpu.memory_space<vmem>> -> memref<1x80xi32, #tpu.memory_space<vmem>>
    %dma_start3A_56 = tpu.memref_squeeze %dma_start3A_55 : memref<1x80xi32, #tpu.memory_space<vmem>> -> memref<80xi32, #tpu.memory_space<vmem>>
    %dma_start3A_57 = tpu.memref_slice %arg2[%add3A_52] : memref<320000xi32, #tpu.memory_space<hbm>> -> memref<80xi32, #tpu.memory_space<hbm>>
    %dma_start3A_58 = arith.constant 0 : i32
    %dma_start3A_59 = tpu.memref_slice %arg9[%dma_start3A_53, %dma_start3A_58] : memref<4x80xi32, #tpu.memory_space<vmem>> -> memref<1x80xi32, #tpu.memory_space<vmem>>
    %dma_start3A_60 = tpu.memref_squeeze %dma_start3A_59 : memref<1x80xi32, #tpu.memory_space<vmem>> -> memref<80xi32, #tpu.memory_space<vmem>>
    %dma_start3A_61 = tpu.memref_slice %arg2[%add3A_52] : memref<320000xi32, #tpu.memory_space<hbm>> -> memref<80xi32, #tpu.memory_space<hbm>>
    tpu.enqueue_dma source(%dma_start3A_61 : memref<80xi32, #tpu.memory_space<hbm>>) target(%dma_start3A_60 : memref<80xi32, #tpu.memory_space<vmem>>) target_semaphore(%arg19 : memref<!tpu.dma_semaphore, #tpu.memory_space<semaphore_mem>>)
    %dma_start3A_62 = arith.constant 1 : i32
    %dma_start3A_63 = arith.constant 0 : i32
    %dma_start3A_64 = tpu.memref_slice %arg10[%dma_start3A_62, %dma_start3A_63] : memref<4x80xi32, #tpu.memory_space<vmem>> -> memref<1x80xi32, #tpu.memory_space<vmem>>
    %dma_start3A_65 = tpu.memref_squeeze %dma_start3A_64 : memref<1x80xi32, #tpu.memory_space<vmem>> -> memref<80xi32, #tpu.memory_space<vmem>>
    %dma_start3A_66 = tpu.memref_slice %arg3[%add3A_52] : memref<320000xi32, #tpu.memory_space<hbm>> -> memref<80xi32, #tpu.memory_space<hbm>>
    %dma_start3A_67 = arith.constant 0 : i32
    %dma_start3A_68 = tpu.memref_slice %arg10[%dma_start3A_62, %dma_start3A_67] : memref<4x80xi32, #tpu.memory_space<vmem>> -> memref<1x80xi32, #tpu.memory_space<vmem>>
    %dma_start3A_69 = tpu.memref_squeeze %dma_start3A_68 : memref<1x80xi32, #tpu.memory_space<vmem>> -> memref<80xi32, #tpu.memory_space<vmem>>
    %dma_start3A_70 = tpu.memref_slice %arg3[%add3A_52] : memref<320000xi32, #tpu.memory_space<hbm>> -> memref<80xi32, #tpu.memory_space<hbm>>
    tpu.enqueue_dma source(%dma_start3A_70 : memref<80xi32, #tpu.memory_space<hbm>>) target(%dma_start3A_69 : memref<80xi32, #tpu.memory_space<vmem>>) target_semaphore(%arg19 : memref<!tpu.dma_semaphore, #tpu.memory_space<semaphore_mem>>)
    %scan3A = arith.constant 0 : i32
    %scan3A_71 = arith.constant 0 : i32
    %scan3A_72 = arith.constant 250 : i32
    %scan3A_73 = arith.addi %scan3A_71, %scan3A_72 : i32
    %scan3A_74 = arith.constant 1 : i32
    scf.for %scan3A_100 = %scan3A_71 to %scan3A_73 step %scan3A_74  : i32 {
      %and3A = arith.constant 1 : i32
      %and3A_101 = arith.andi %scan3A_100, %and3A : i32
      %sub3A = arith.constant 1 : i32
      %sub3A_102 = arith.subi %sub3A, %and3A_101 : i32
      %and3A_103 = arith.constant 3 : i32
      %and3A_104 = arith.andi %scan3A_100, %and3A_103 : i32
      %add3A_105 = arith.constant 1 : i32
      %add3A_106 = arith.addi %scan3A_100, %add3A_105 : i32
      %and3A_107 = arith.constant 3 : i32
      %and3A_108 = arith.andi %add3A_106, %and3A_107 : i32
      %add3A_109 = arith.constant 2 : i32
      %add3A_110 = arith.addi %scan3A_100, %add3A_109 : i32
      %and3A_111 = arith.constant 3 : i32
      %and3A_112 = arith.andi %add3A_110, %and3A_111 : i32
      %ge3A = arith.constant 2 : i32
      %ge3A_113 = arith.cmpi sge, %scan3A_100, %ge3A : i32
      %convert_element_type3A = arith.extui %ge3A_113 : i1 to i32
      %cond3A = arith.constant 0 : i32
      %cond3A_114 = arith.cmpi ne, %convert_element_type3A, %cond3A : i32
      scf.if %cond3A_114 {
        %dma_wait3A_182 = arith.constant 0 : i32
        %dma_wait3A_183 = arith.constant 0 : i32
        %dma_wait3A_184 = tpu.memref_slice %arg14[%and3A_101, %dma_wait3A_182, %dma_wait3A_183] : memref<2x80x64xf32, #tpu.memory_space<vmem>> -> memref<1x80x64xf32, #tpu.memory_space<vmem>>
        %dma_wait3A_185 = tpu.memref_squeeze %dma_wait3A_184 : memref<1x80x64xf32, #tpu.memory_space<vmem>> -> memref<80x64xf32, #tpu.memory_space<vmem>>
        %dma_wait3A_186 = arith.constant 0 : i32
        %dma_wait3A_187 = tpu.memref_slice %arg9[%and3A_104, %dma_wait3A_186] : memref<4x80xi32, #tpu.memory_space<vmem>> -> memref<1x80xi32, #tpu.memory_space<vmem>>
        %dma_wait3A_188 = tpu.memref_squeeze %dma_wait3A_187 : memref<1x80xi32, #tpu.memory_space<vmem>> -> memref<80xi32, #tpu.memory_space<vmem>>
        %dma_wait3A_189 = arith.constant 0 : i32
        %dma_wait3A_190 = arith.constant 0 : i32
        %dma_wait3A_191 = tpu.memref_slice %arg15[%dma_wait3A_189, %dma_wait3A_190] : memref<10240x64xf32, #tpu.memory_space<vmem_shared>> -> memref<10240x64xf32, #tpu.memory_space<vmem_shared>>
        tpu.wait_indirect_dma semaphore(%arg20 : memref<!tpu.dma_semaphore, #tpu.memory_space<semaphore_mem>>) src(%dma_wait3A_185 : memref<80x64xf32, #tpu.memory_space<vmem>>) dst(%dma_wait3A_191 : memref<10240x64xf32, #tpu.memory_space<vmem_shared>>)
      } else {
      }
      %add3A_115 = arith.constant 1 : i32
      %add3A_116 = arith.addi %scan3A_100, %add3A_115 : i32
      %lt3A = arith.constant 250 : i32
      %lt3A_117 = arith.cmpi slt, %add3A_116, %lt3A : i32
      %convert_element_type3A_118 = arith.extui %lt3A_117 : i1 to i32
      %cond3A_119 = arith.constant 0 : i32
      %cond3A_120 = arith.cmpi ne, %convert_element_type3A_118, %cond3A_119 : i32
      scf.if %cond3A_120 {
        %dma_wait3A_182 = arith.constant 0 : i32
        %dma_wait3A_183 = tpu.memref_slice %arg9[%and3A_108, %dma_wait3A_182] : memref<4x80xi32, #tpu.memory_space<vmem>> -> memref<1x80xi32, #tpu.memory_space<vmem>>
        %dma_wait3A_184 = tpu.memref_squeeze %dma_wait3A_183 : memref<1x80xi32, #tpu.memory_space<vmem>> -> memref<80xi32, #tpu.memory_space<vmem>>
        %dma_wait3A_185 = tpu.memref_slice %arg2[%mul3A_0] : memref<320000xi32, #tpu.memory_space<hbm>> -> memref<80xi32, #tpu.memory_space<hbm>>
        %dma_wait3A_186 = arith.constant 0 : i32
        %dma_wait3A_187 = tpu.memref_slice %arg9[%and3A_108, %dma_wait3A_186] : memref<4x80xi32, #tpu.memory_space<vmem>> -> memref<1x80xi32, #tpu.memory_space<vmem>>
        %dma_wait3A_188 = tpu.memref_squeeze %dma_wait3A_187 : memref<1x80xi32, #tpu.memory_space<vmem>> -> memref<80xi32, #tpu.memory_space<vmem>>
        %dma_wait3A_189 = tpu.memref_slice %arg2[%mul3A_0] : memref<320000xi32, #tpu.memory_space<hbm>> -> memref<80xi32, #tpu.memory_space<hbm>>
        tpu.wait_dma2 semaphore(%arg19 : memref<!tpu.dma_semaphore, #tpu.memory_space<semaphore_mem>>) src(%dma_wait3A_189 : memref<80xi32, #tpu.memory_space<hbm>>) dst(%dma_wait3A_188 : memref<80xi32, #tpu.memory_space<vmem>>)
        %dma_wait3A_190 = arith.constant 0 : i32
        %dma_wait3A_191 = tpu.memref_slice %arg10[%and3A_108, %dma_wait3A_190] : memref<4x80xi32, #tpu.memory_space<vmem>> -> memref<1x80xi32, #tpu.memory_space<vmem>>
        %dma_wait3A_192 = tpu.memref_squeeze %dma_wait3A_191 : memref<1x80xi32, #tpu.memory_space<vmem>> -> memref<80xi32, #tpu.memory_space<vmem>>
        %dma_wait3A_193 = tpu.memref_slice %arg3[%mul3A_0] : memref<320000xi32, #tpu.memory_space<hbm>> -> memref<80xi32, #tpu.memory_space<hbm>>
        %dma_wait3A_194 = arith.constant 0 : i32
        %dma_wait3A_195 = tpu.memref_slice %arg10[%and3A_108, %dma_wait3A_194] : memref<4x80xi32, #tpu.memory_space<vmem>> -> memref<1x80xi32, #tpu.memory_space<vmem>>
        %dma_wait3A_196 = tpu.memref_squeeze %dma_wait3A_195 : memref<1x80xi32, #tpu.memory_space<vmem>> -> memref<80xi32, #tpu.memory_space<vmem>>
        %dma_wait3A_197 = tpu.memref_slice %arg3[%mul3A_0] : memref<320000xi32, #tpu.memory_space<hbm>> -> memref<80xi32, #tpu.memory_space<hbm>>
        tpu.wait_dma2 semaphore(%arg19 : memref<!tpu.dma_semaphore, #tpu.memory_space<semaphore_mem>>) src(%dma_wait3A_197 : memref<80xi32, #tpu.memory_space<hbm>>) dst(%dma_wait3A_196 : memref<80xi32, #tpu.memory_space<vmem>>)
        %add3A_198 = arith.constant 1 : i32
        %add3A_199 = arith.addi %scan3A_100, %add3A_198 : i32
        %mul3A_200 = arith.constant 80 : i32
        %mul3A_201 = arith.muli %add3A_199, %mul3A_200 : i32
        %add3A_202 = arith.addi %mul3A_0, %mul3A_201 : i32
        %dma_start3A_203 = arith.constant 0 : i32
        %dma_start3A_204 = arith.constant 0 : i32
        %dma_start3A_205 = tpu.memref_slice %arg11[%sub3A_102, %dma_start3A_203, %dma_start3A_204] : memref<2x80x128xf32, #tpu.memory_space<vmem>> -> memref<1x80x128xf32, #tpu.memory_space<vmem>>
        %dma_start3A_206 = tpu.memref_squeeze %dma_start3A_205 : memref<1x80x128xf32, #tpu.memory_space<vmem>> -> memref<80x128xf32, #tpu.memory_space<vmem>>
        %dma_start3A_207 = arith.constant 0 : i32
        %dma_start3A_208 = tpu.memref_slice %arg9[%and3A_108, %dma_start3A_207] : memref<4x80xi32, #tpu.memory_space<vmem>> -> memref<1x80xi32, #tpu.memory_space<vmem>>
        %dma_start3A_209 = tpu.memref_squeeze %dma_start3A_208 : memref<1x80xi32, #tpu.memory_space<vmem>> -> memref<80xi32, #tpu.memory_space<vmem>>
        %dma_start3A_210 = arith.constant 0 : i32
        %dma_start3A_211 = arith.constant 0 : i32
        %dma_start3A_212 = tpu.memref_slice %arg4[%arg0, %dma_start3A_210, %dma_start3A_211] : memref<2x10000x128xf32, #tpu.memory_space<hbm>> -> memref<1x10000x128xf32, #tpu.memory_space<hbm>>
        %dma_start3A_213 = tpu.memref_squeeze %dma_start3A_212 : memref<1x10000x128xf32, #tpu.memory_space<hbm>> -> memref<10000x128xf32, #tpu.memory_space<hbm>>
        %dma_start3A_214 = arith.constant 0 : i32
        %dma_start3A_215 = arith.constant 0 : i32
        %dma_start3A_216 = tpu.memref_slice %dma_start3A_213[%dma_start3A_214, %dma_start3A_215] : memref<10000x128xf32, #tpu.memory_space<hbm>> -> memref<10000x128xf32, #tpu.memory_space<hbm>>
        tpu.enqueue_indirect_dma source(%dma_start3A_216 : memref<10000x128xf32, #tpu.memory_space<hbm>>) target(%dma_start3A_206 : memref<80x128xf32, #tpu.memory_space<vmem>>) offsets(%dma_start3A_209 : memref<80xi32, #tpu.memory_space<vmem>>) semaphore(%arg16 : memref<!tpu.dma_semaphore, #tpu.memory_space<semaphore_mem>>)
        %dma_start3A_217 = arith.constant 0 : i32
        %dma_start3A_218 = arith.constant 0 : i32
        %dma_start3A_219 = tpu.memref_slice %arg12[%sub3A_102, %dma_start3A_217, %dma_start3A_218] : memref<2x80x128xf32, #tpu.memory_space<vmem>> -> memref<1x80x128xf32, #tpu.memory_space<vmem>>
        %dma_start3A_220 = tpu.memref_squeeze %dma_start3A_219 : memref<1x80x128xf32, #tpu.memory_space<vmem>> -> memref<80x128xf32, #tpu.memory_space<vmem>>
        %dma_start3A_221 = arith.constant 0 : i32
        %dma_start3A_222 = tpu.memref_slice %arg10[%and3A_108, %dma_start3A_221] : memref<4x80xi32, #tpu.memory_space<vmem>> -> memref<1x80xi32, #tpu.memory_space<vmem>>
        %dma_start3A_223 = tpu.memref_squeeze %dma_start3A_222 : memref<1x80xi32, #tpu.memory_space<vmem>> -> memref<80xi32, #tpu.memory_space<vmem>>
        %dma_start3A_224 = arith.constant 0 : i32
        %dma_start3A_225 = arith.constant 0 : i32
        %dma_start3A_226 = tpu.memref_slice %arg5[%arg0, %dma_start3A_224, %dma_start3A_225] : memref<2x10000x128xf32, #tpu.memory_space<hbm>> -> memref<1x10000x128xf32, #tpu.memory_space<hbm>>
        %dma_start3A_227 = tpu.memref_squeeze %dma_start3A_226 : memref<1x10000x128xf32, #tpu.memory_space<hbm>> -> memref<10000x128xf32, #tpu.memory_space<hbm>>
        %dma_start3A_228 = arith.constant 0 : i32
        %dma_start3A_229 = arith.constant 0 : i32
        %dma_start3A_230 = tpu.memref_slice %dma_start3A_227[%dma_start3A_228, %dma_start3A_229] : memref<10000x128xf32, #tpu.memory_space<hbm>> -> memref<10000x128xf32, #tpu.memory_space<hbm>>
        tpu.enqueue_indirect_dma source(%dma_start3A_230 : memref<10000x128xf32, #tpu.memory_space<hbm>>) target(%dma_start3A_220 : memref<80x128xf32, #tpu.memory_space<vmem>>) offsets(%dma_start3A_223 : memref<80xi32, #tpu.memory_space<vmem>>) semaphore(%arg17 : memref<!tpu.dma_semaphore, #tpu.memory_space<semaphore_mem>>)
        %dma_start3A_231 = arith.constant 0 : i32
        %dma_start3A_232 = arith.constant 0 : i32
        %dma_start3A_233 = tpu.memref_slice %arg13[%sub3A_102, %dma_start3A_231, %dma_start3A_232] : memref<2x80x128xf32, #tpu.memory_space<vmem>> -> memref<1x80x128xf32, #tpu.memory_space<vmem>>
        %dma_start3A_234 = tpu.memref_squeeze %dma_start3A_233 : memref<1x80x128xf32, #tpu.memory_space<vmem>> -> memref<80x128xf32, #tpu.memory_space<vmem>>
        %dma_start3A_235 = arith.constant 0 : i32
        %dma_start3A_236 = tpu.memref_slice %arg6[%arg0, %add3A_202, %dma_start3A_235] : memref<2x320000x128xf32, #tpu.memory_space<hbm>> -> memref<1x80x128xf32, #tpu.memory_space<hbm>>
        %dma_start3A_237 = tpu.memref_squeeze %dma_start3A_236 : memref<1x80x128xf32, #tpu.memory_space<hbm>> -> memref<80x128xf32, #tpu.memory_space<hbm>>
        %dma_start3A_238 = arith.constant 0 : i32
        %dma_start3A_239 = arith.constant 0 : i32
        %dma_start3A_240 = tpu.memref_slice %arg13[%sub3A_102, %dma_start3A_238, %dma_start3A_239] : memref<2x80x128xf32, #tpu.memory_space<vmem>> -> memref<1x80x128xf32, #tpu.memory_space<vmem>>
        %dma_start3A_241 = tpu.memref_squeeze %dma_start3A_240 : memref<1x80x128xf32, #tpu.memory_space<vmem>> -> memref<80x128xf32, #tpu.memory_space<vmem>>
        %dma_start3A_242 = arith.constant 0 : i32
        %dma_start3A_243 = tpu.memref_slice %arg6[%arg0, %add3A_202, %dma_start3A_242] : memref<2x320000x128xf32, #tpu.memory_space<hbm>> -> memref<1x80x128xf32, #tpu.memory_space<hbm>>
        %dma_start3A_244 = tpu.memref_squeeze %dma_start3A_243 : memref<1x80x128xf32, #tpu.memory_space<hbm>> -> memref<80x128xf32, #tpu.memory_space<hbm>>
        tpu.enqueue_dma source(%dma_start3A_244 : memref<80x128xf32, #tpu.memory_space<hbm>>) target(%dma_start3A_241 : memref<80x128xf32, #tpu.memory_space<vmem>>) target_semaphore(%arg18 : memref<!tpu.dma_semaphore, #tpu.memory_space<semaphore_mem>>)
      } else {
      }
      %add3A_121 = arith.constant 2 : i32
      %add3A_122 = arith.addi %scan3A_100, %add3A_121 : i32
      %lt3A_123 = arith.constant 250 : i32
      %lt3A_124 = arith.cmpi slt, %add3A_122, %lt3A_123 : i32
      %convert_element_type3A_125 = arith.extui %lt3A_124 : i1 to i32
      %cond3A_126 = arith.constant 0 : i32
      %cond3A_127 = arith.cmpi ne, %convert_element_type3A_125, %cond3A_126 : i32
      scf.if %cond3A_127 {
        %add3A_182 = arith.constant 2 : i32
        %add3A_183 = arith.addi %scan3A_100, %add3A_182 : i32
        %mul3A_184 = arith.constant 80 : i32
        %mul3A_185 = arith.muli %add3A_183, %mul3A_184 : i32
        %add3A_186 = arith.addi %mul3A_0, %mul3A_185 : i32
        %dma_start3A_187 = arith.constant 0 : i32
        %dma_start3A_188 = tpu.memref_slice %arg9[%and3A_112, %dma_start3A_187] : memref<4x80xi32, #tpu.memory_space<vmem>> -> memref<1x80xi32, #tpu.memory_space<vmem>>
        %dma_start3A_189 = tpu.memref_squeeze %dma_start3A_188 : memref<1x80xi32, #tpu.memory_space<vmem>> -> memref<80xi32, #tpu.memory_space<vmem>>
        %dma_start3A_190 = tpu.memref_slice %arg2[%add3A_186] : memref<320000xi32, #tpu.memory_space<hbm>> -> memref<80xi32, #tpu.memory_space<hbm>>
        %dma_start3A_191 = arith.constant 0 : i32
        %dma_start3A_192 = tpu.memref_slice %arg9[%and3A_112, %dma_start3A_191] : memref<4x80xi32, #tpu.memory_space<vmem>> -> memref<1x80xi32, #tpu.memory_space<vmem>>
        %dma_start3A_193 = tpu.memref_squeeze %dma_start3A_192 : memref<1x80xi32, #tpu.memory_space<vmem>> -> memref<80xi32, #tpu.memory_space<vmem>>
        %dma_start3A_194 = tpu.memref_slice %arg2[%add3A_186] : memref<320000xi32, #tpu.memory_space<hbm>> -> memref<80xi32, #tpu.memory_space<hbm>>
        tpu.enqueue_dma source(%dma_start3A_194 : memref<80xi32, #tpu.memory_space<hbm>>) target(%dma_start3A_193 : memref<80xi32, #tpu.memory_space<vmem>>) target_semaphore(%arg19 : memref<!tpu.dma_semaphore, #tpu.memory_space<semaphore_mem>>)
        %dma_start3A_195 = arith.constant 0 : i32
        %dma_start3A_196 = tpu.memref_slice %arg10[%and3A_112, %dma_start3A_195] : memref<4x80xi32, #tpu.memory_space<vmem>> -> memref<1x80xi32, #tpu.memory_space<vmem>>
        %dma_start3A_197 = tpu.memref_squeeze %dma_start3A_196 : memref<1x80xi32, #tpu.memory_space<vmem>> -> memref<80xi32, #tpu.memory_space<vmem>>
        %dma_start3A_198 = tpu.memref_slice %arg3[%add3A_186] : memref<320000xi32, #tpu.memory_space<hbm>> -> memref<80xi32, #tpu.memory_space<hbm>>
        %dma_start3A_199 = arith.constant 0 : i32
        %dma_start3A_200 = tpu.memref_slice %arg10[%and3A_112, %dma_start3A_199] : memref<4x80xi32, #tpu.memory_space<vmem>> -> memref<1x80xi32, #tpu.memory_space<vmem>>
        %dma_start3A_201 = tpu.memref_squeeze %dma_start3A_200 : memref<1x80xi32, #tpu.memory_space<vmem>> -> memref<80xi32, #tpu.memory_space<vmem>>
        %dma_start3A_202 = tpu.memref_slice %arg3[%add3A_186] : memref<320000xi32, #tpu.memory_space<hbm>> -> memref<80xi32, #tpu.memory_space<hbm>>
        tpu.enqueue_dma source(%dma_start3A_202 : memref<80xi32, #tpu.memory_space<hbm>>) target(%dma_start3A_201 : memref<80xi32, #tpu.memory_space<vmem>>) target_semaphore(%arg19 : memref<!tpu.dma_semaphore, #tpu.memory_space<semaphore_mem>>)
      } else {
      }
      %dma_wait3A_128 = arith.constant 0 : i32
      %dma_wait3A_129 = arith.constant 0 : i32
      %dma_wait3A_130 = tpu.memref_slice %arg11[%and3A_101, %dma_wait3A_128, %dma_wait3A_129] : memref<2x80x128xf32, #tpu.memory_space<vmem>> -> memref<1x80x128xf32, #tpu.memory_space<vmem>>
      %dma_wait3A_131 = tpu.memref_squeeze %dma_wait3A_130 : memref<1x80x128xf32, #tpu.memory_space<vmem>> -> memref<80x128xf32, #tpu.memory_space<vmem>>
      %dma_wait3A_132 = arith.constant 0 : i32
      %dma_wait3A_133 = tpu.memref_slice %arg9[%and3A_104, %dma_wait3A_132] : memref<4x80xi32, #tpu.memory_space<vmem>> -> memref<1x80xi32, #tpu.memory_space<vmem>>
      %dma_wait3A_134 = tpu.memref_squeeze %dma_wait3A_133 : memref<1x80xi32, #tpu.memory_space<vmem>> -> memref<80xi32, #tpu.memory_space<vmem>>
      %dma_wait3A_135 = arith.constant 0 : i32
      %dma_wait3A_136 = arith.constant 0 : i32
      %dma_wait3A_137 = tpu.memref_slice %arg4[%arg0, %dma_wait3A_135, %dma_wait3A_136] : memref<2x10000x128xf32, #tpu.memory_space<hbm>> -> memref<1x10000x128xf32, #tpu.memory_space<hbm>>
      %dma_wait3A_138 = tpu.memref_squeeze %dma_wait3A_137 : memref<1x10000x128xf32, #tpu.memory_space<hbm>> -> memref<10000x128xf32, #tpu.memory_space<hbm>>
      %dma_wait3A_139 = arith.constant 0 : i32
      %dma_wait3A_140 = arith.constant 0 : i32
      %dma_wait3A_141 = tpu.memref_slice %dma_wait3A_138[%dma_wait3A_139, %dma_wait3A_140] : memref<10000x128xf32, #tpu.memory_space<hbm>> -> memref<10000x128xf32, #tpu.memory_space<hbm>>
      tpu.wait_indirect_dma semaphore(%arg16 : memref<!tpu.dma_semaphore, #tpu.memory_space<semaphore_mem>>) src(%dma_wait3A_141 : memref<10000x128xf32, #tpu.memory_space<hbm>>) dst(%dma_wait3A_131 : memref<80x128xf32, #tpu.memory_space<vmem>>)
      %dma_wait3A_142 = arith.constant 0 : i32
      %dma_wait3A_143 = arith.constant 0 : i32
      %dma_wait3A_144 = tpu.memref_slice %arg12[%and3A_101, %dma_wait3A_142, %dma_wait3A_143] : memref<2x80x128xf32, #tpu.memory_space<vmem>> -> memref<1x80x128xf32, #tpu.memory_space<vmem>>
      %dma_wait3A_145 = tpu.memref_squeeze %dma_wait3A_144 : memref<1x80x128xf32, #tpu.memory_space<vmem>> -> memref<80x128xf32, #tpu.memory_space<vmem>>
      %dma_wait3A_146 = arith.constant 0 : i32
      %dma_wait3A_147 = tpu.memref_slice %arg10[%and3A_104, %dma_wait3A_146] : memref<4x80xi32, #tpu.memory_space<vmem>> -> memref<1x80xi32, #tpu.memory_space<vmem>>
      %dma_wait3A_148 = tpu.memref_squeeze %dma_wait3A_147 : memref<1x80xi32, #tpu.memory_space<vmem>> -> memref<80xi32, #tpu.memory_space<vmem>>
      %dma_wait3A_149 = arith.constant 0 : i32
      %dma_wait3A_150 = arith.constant 0 : i32
      %dma_wait3A_151 = tpu.memref_slice %arg5[%arg0, %dma_wait3A_149, %dma_wait3A_150] : memref<2x10000x128xf32, #tpu.memory_space<hbm>> -> memref<1x10000x128xf32, #tpu.memory_space<hbm>>
      %dma_wait3A_152 = tpu.memref_squeeze %dma_wait3A_151 : memref<1x10000x128xf32, #tpu.memory_space<hbm>> -> memref<10000x128xf32, #tpu.memory_space<hbm>>
      %dma_wait3A_153 = arith.constant 0 : i32
      %dma_wait3A_154 = arith.constant 0 : i32
      %dma_wait3A_155 = tpu.memref_slice %dma_wait3A_152[%dma_wait3A_153, %dma_wait3A_154] : memref<10000x128xf32, #tpu.memory_space<hbm>> -> memref<10000x128xf32, #tpu.memory_space<hbm>>
      tpu.wait_indirect_dma semaphore(%arg17 : memref<!tpu.dma_semaphore, #tpu.memory_space<semaphore_mem>>) src(%dma_wait3A_155 : memref<10000x128xf32, #tpu.memory_space<hbm>>) dst(%dma_wait3A_145 : memref<80x128xf32, #tpu.memory_space<vmem>>)
      %dma_wait3A_156 = arith.constant 0 : i32
      %dma_wait3A_157 = arith.constant 0 : i32
      %dma_wait3A_158 = tpu.memref_slice %arg13[%and3A_101, %dma_wait3A_156, %dma_wait3A_157] : memref<2x80x128xf32, #tpu.memory_space<vmem>> -> memref<1x80x128xf32, #tpu.memory_space<vmem>>
      %dma_wait3A_159 = tpu.memref_squeeze %dma_wait3A_158 : memref<1x80x128xf32, #tpu.memory_space<vmem>> -> memref<80x128xf32, #tpu.memory_space<vmem>>
      %dma_wait3A_160 = arith.constant 0 : i32
      %dma_wait3A_161 = tpu.memref_slice %arg6[%arg0, %mul3A_0, %dma_wait3A_160] : memref<2x320000x128xf32, #tpu.memory_space<hbm>> -> memref<1x80x128xf32, #tpu.memory_space<hbm>>
      %dma_wait3A_162 = tpu.memref_squeeze %dma_wait3A_161 : memref<1x80x128xf32, #tpu.memory_space<hbm>> -> memref<80x128xf32, #tpu.memory_space<hbm>>
      %dma_wait3A_163 = arith.constant 0 : i32
      %dma_wait3A_164 = arith.constant 0 : i32
      %dma_wait3A_165 = tpu.memref_slice %arg13[%and3A_101, %dma_wait3A_163, %dma_wait3A_164] : memref<2x80x128xf32, #tpu.memory_space<vmem>> -> memref<1x80x128xf32, #tpu.memory_space<vmem>>
      %dma_wait3A_166 = tpu.memref_squeeze %dma_wait3A_165 : memref<1x80x128xf32, #tpu.memory_space<vmem>> -> memref<80x128xf32, #tpu.memory_space<vmem>>
      %dma_wait3A_167 = arith.constant 0 : i32
      %dma_wait3A_168 = tpu.memref_slice %arg6[%arg0, %mul3A_0, %dma_wait3A_167] : memref<2x320000x128xf32, #tpu.memory_space<hbm>> -> memref<1x80x128xf32, #tpu.memory_space<hbm>>
      %dma_wait3A_169 = tpu.memref_squeeze %dma_wait3A_168 : memref<1x80x128xf32, #tpu.memory_space<hbm>> -> memref<80x128xf32, #tpu.memory_space<hbm>>
      tpu.wait_dma2 semaphore(%arg18 : memref<!tpu.dma_semaphore, #tpu.memory_space<semaphore_mem>>) src(%dma_wait3A_169 : memref<80x128xf32, #tpu.memory_space<hbm>>) dst(%dma_wait3A_166 : memref<80x128xf32, #tpu.memory_space<vmem>>)
      %parallel_loop3A = arith.constant 0 : i32
      %parallel_loop3A_170 = arith.constant 80 : i32
      %parallel_loop3A_171 = arith.constant 1 : i32
      scf.for %parallel_loop3A_182 = %parallel_loop3A to %parallel_loop3A_170 step %parallel_loop3A_171  : i32 {
        %parallel_loop3A_183 = arith.constant 0 : i32
        %parallel_loop3A_184 = arith.constant 0 : i32
        %parallel_loop3A_185 = tpu.memref_slice %arg11[%and3A_101, %parallel_loop3A_183, %parallel_loop3A_184] : memref<2x80x128xf32, #tpu.memory_space<vmem>> -> memref<1x80x128xf32, #tpu.memory_space<vmem>>
        %parallel_loop3A_186 = tpu.memref_squeeze %parallel_loop3A_185 : memref<1x80x128xf32, #tpu.memory_space<vmem>> -> memref<80x128xf32, #tpu.memory_space<vmem>>
        %parallel_loop3A_187 = arith.index_cast %parallel_loop3A_182 : i32 to index
        %parallel_loop3A_188 = arith.constant 0 : index
        %parallel_loop3A_189 = tpu.vector_load %parallel_loop3A_186[%parallel_loop3A_187, %parallel_loop3A_188] {strides = array<i32>} : memref<80x128xf32, #tpu.memory_space<vmem>>, vector<1x16xf32>,
        %parallel_loop3A_190 = vector.shape_cast %parallel_loop3A_189 : vector<1x16xf32> to vector<16xf32>
        %parallel_loop3A_191 = arith.constant 0 : i32
        %parallel_loop3A_192 = arith.constant 0 : i32
        %parallel_loop3A_193 = tpu.memref_slice %arg12[%and3A_101, %parallel_loop3A_191, %parallel_loop3A_192] : memref<2x80x128xf32, #tpu.memory_space<vmem>> -> memref<1x80x128xf32, #tpu.memory_space<vmem>>
        %parallel_loop3A_194 = tpu.memref_squeeze %parallel_loop3A_193 : memref<1x80x128xf32, #tpu.memory_space<vmem>> -> memref<80x128xf32, #tpu.memory_space<vmem>>
        %parallel_loop3A_195 = arith.index_cast %parallel_loop3A_182 : i32 to index
        %parallel_loop3A_196 = arith.constant 0 : index
        %parallel_loop3A_197 = tpu.vector_load %parallel_loop3A_194[%parallel_loop3A_195, %parallel_loop3A_196] {strides = array<i32>} : memref<80x128xf32, #tpu.memory_space<vmem>>, vector<1x16xf32>,
        %parallel_loop3A_198 = vector.shape_cast %parallel_loop3A_197 : vector<1x16xf32> to vector<16xf32>
        %parallel_loop3A_199 = arith.addf %parallel_loop3A_190, %parallel_loop3A_198 : vector<16xf32>
        %parallel_loop3A_200 = arith.constant 0 : i32
        %parallel_loop3A_201 = arith.constant 0 : i32
        %parallel_loop3A_202 = tpu.memref_slice %arg13[%and3A_101, %parallel_loop3A_200, %parallel_loop3A_201] : memref<2x80x128xf32, #tpu.memory_space<vmem>> -> memref<1x80x128xf32, #tpu.memory_space<vmem>>
        %parallel_loop3A_203 = tpu.memref_squeeze %parallel_loop3A_202 : memref<1x80x128xf32, #tpu.memory_space<vmem>> -> memref<80x128xf32, #tpu.memory_space<vmem>>
        %parallel_loop3A_204 = arith.index_cast %parallel_loop3A_182 : i32 to index
        %parallel_loop3A_205 = arith.constant 0 : index
        %parallel_loop3A_206 = tpu.vector_load %parallel_loop3A_203[%parallel_loop3A_204, %parallel_loop3A_205] {strides = array<i32>} : memref<80x128xf32, #tpu.memory_space<vmem>>, vector<1x16xf32>,
        %parallel_loop3A_207 = vector.shape_cast %parallel_loop3A_206 : vector<1x16xf32> to vector<16xf32>
        %parallel_loop3A_208 = arith.addf %parallel_loop3A_199, %parallel_loop3A_207 : vector<16xf32>
        %parallel_loop3A_209 = arith.constant 0 : i32
        %parallel_loop3A_210 = arith.constant 0 : i32
        %parallel_loop3A_211 = tpu.memref_slice %arg11[%and3A_101, %parallel_loop3A_209, %parallel_loop3A_210] : memref<2x80x128xf32, #tpu.memory_space<vmem>> -> memref<1x80x128xf32, #tpu.memory_space<vmem>>
        %parallel_loop3A_212 = tpu.memref_squeeze %parallel_loop3A_211 : memref<1x80x128xf32, #tpu.memory_space<vmem>> -> memref<80x128xf32, #tpu.memory_space<vmem>>
        %parallel_loop3A_213 = arith.index_cast %parallel_loop3A_182 : i32 to index
        %parallel_loop3A_214 = arith.constant 64 : index
        %parallel_loop3A_215 = tpu.vector_load %parallel_loop3A_212[%parallel_loop3A_213, %parallel_loop3A_214] {strides = array<i32>} : memref<80x128xf32, #tpu.memory_space<vmem>>, vector<1x16xf32>,
        %parallel_loop3A_216 = vector.shape_cast %parallel_loop3A_215 : vector<1x16xf32> to vector<16xf32>
        %parallel_loop3A_217 = arith.constant 0 : i32
        %parallel_loop3A_218 = arith.constant 0 : i32
        %parallel_loop3A_219 = tpu.memref_slice %arg12[%and3A_101, %parallel_loop3A_217, %parallel_loop3A_218] : memref<2x80x128xf32, #tpu.memory_space<vmem>> -> memref<1x80x128xf32, #tpu.memory_space<vmem>>
        %parallel_loop3A_220 = tpu.memref_squeeze %parallel_loop3A_219 : memref<1x80x128xf32, #tpu.memory_space<vmem>> -> memref<80x128xf32, #tpu.memory_space<vmem>>
        %parallel_loop3A_221 = arith.index_cast %parallel_loop3A_182 : i32 to index
        %parallel_loop3A_222 = arith.constant 64 : index
        %parallel_loop3A_223 = tpu.vector_load %parallel_loop3A_220[%parallel_loop3A_221, %parallel_loop3A_222] {strides = array<i32>} : memref<80x128xf32, #tpu.memory_space<vmem>>, vector<1x16xf32>,
        %parallel_loop3A_224 = vector.shape_cast %parallel_loop3A_223 : vector<1x16xf32> to vector<16xf32>
        %parallel_loop3A_225 = arith.addf %parallel_loop3A_216, %parallel_loop3A_224 : vector<16xf32>
        %parallel_loop3A_226 = arith.constant 0 : i32
        %parallel_loop3A_227 = arith.constant 0 : i32
        %parallel_loop3A_228 = tpu.memref_slice %arg13[%and3A_101, %parallel_loop3A_226, %parallel_loop3A_227] : memref<2x80x128xf32, #tpu.memory_space<vmem>> -> memref<1x80x128xf32, #tpu.memory_space<vmem>>
        %parallel_loop3A_229 = tpu.memref_squeeze %parallel_loop3A_228 : memref<1x80x128xf32, #tpu.memory_space<vmem>> -> memref<80x128xf32, #tpu.memory_space<vmem>>
        %parallel_loop3A_230 = arith.index_cast %parallel_loop3A_182 : i32 to index
        %parallel_loop3A_231 = arith.constant 64 : index
        %parallel_loop3A_232 = tpu.vector_load %parallel_loop3A_229[%parallel_loop3A_230, %parallel_loop3A_231] {strides = array<i32>} : memref<80x128xf32, #tpu.memory_space<vmem>>, vector<1x16xf32>,
        %parallel_loop3A_233 = vector.shape_cast %parallel_loop3A_232 : vector<1x16xf32> to vector<16xf32>
        %parallel_loop3A_234 = arith.addf %parallel_loop3A_225, %parallel_loop3A_233 : vector<16xf32>
        %parallel_loop3A_235 = math.absf %parallel_loop3A_208 : vector<16xf32>
        %parallel_loop3A_236 = arith.constant 0.000000e+00 : f32
        %parallel_loop3A_237 = vector.broadcast %parallel_loop3A_236 : f32 to vector<16xf32>
        %parallel_loop3A_238 = arith.subf %parallel_loop3A_237, %parallel_loop3A_235 : vector<16xf32>
        %parallel_loop3A_239 = math.exp %parallel_loop3A_238 : vector<16xf32>
        %parallel_loop3A_240 = arith.constant -0.104484469 : f32
        %parallel_loop3A_241 = vector.broadcast %parallel_loop3A_240 : f32 to vector<16xf32>
        %parallel_loop3A_242 = arith.mulf %parallel_loop3A_241, %parallel_loop3A_239 : vector<16xf32>
        %parallel_loop3A_243 = arith.constant 0.417937875 : f32
        %parallel_loop3A_244 = vector.broadcast %parallel_loop3A_243 : f32 to vector<16xf32>
        %parallel_loop3A_245 = arith.addf %parallel_loop3A_242, %parallel_loop3A_244 : vector<16xf32>
        %parallel_loop3A_246 = arith.mulf %parallel_loop3A_245, %parallel_loop3A_239 : vector<16xf32>
        %parallel_loop3A_247 = arith.constant -0.770572901 : f32
        %parallel_loop3A_248 = vector.broadcast %parallel_loop3A_247 : f32 to vector<16xf32>
        %parallel_loop3A_249 = arith.addf %parallel_loop3A_246, %parallel_loop3A_248 : vector<16xf32>
        %parallel_loop3A_250 = arith.mulf %parallel_loop3A_249, %parallel_loop3A_239 : vector<16xf32>
        %parallel_loop3A_251 = arith.constant 0.953420758 : f32
        %parallel_loop3A_252 = vector.broadcast %parallel_loop3A_251 : f32 to vector<16xf32>
        %parallel_loop3A_253 = arith.addf %parallel_loop3A_250, %parallel_loop3A_252 : vector<16xf32>
        %parallel_loop3A_254 = arith.mulf %parallel_loop3A_253, %parallel_loop3A_239 : vector<16xf32>
        %parallel_loop3A_255 = arith.constant -0.996275722 : f32
        %parallel_loop3A_256 = vector.broadcast %parallel_loop3A_255 : f32 to vector<16xf32>
        %parallel_loop3A_257 = arith.addf %parallel_loop3A_254, %parallel_loop3A_256 : vector<16xf32>
        %parallel_loop3A_258 = arith.mulf %parallel_loop3A_257, %parallel_loop3A_239 : vector<16xf32>
        %parallel_loop3A_259 = arith.constant 0.999948978 : f32
        %parallel_loop3A_260 = vector.broadcast %parallel_loop3A_259 : f32 to vector<16xf32>
        %parallel_loop3A_261 = arith.addf %parallel_loop3A_258, %parallel_loop3A_260 : vector<16xf32>
        %parallel_loop3A_262 = arith.constant 0.000000e+00 : f32
        %parallel_loop3A_263 = vector.broadcast %parallel_loop3A_262 : f32 to vector<16xf32>
        %parallel_loop3A_264 = arith.cmpf oge, %parallel_loop3A_208, %parallel_loop3A_263 : vector<16xf32>
        %parallel_loop3A_265 = arith.constant 1.000000e+00 : f32
        %parallel_loop3A_266 = vector.broadcast %parallel_loop3A_265 : f32 to vector<16xf32>
        %parallel_loop3A_267 = arith.subf %parallel_loop3A_266, %parallel_loop3A_261 : vector<16xf32>
        %parallel_loop3A_268 = arith.select %parallel_loop3A_264, %parallel_loop3A_261, %parallel_loop3A_267 : vector<16xi1>, vector<16xf32>
        %parallel_loop3A_269 = math.absf %parallel_loop3A_234 : vector<16xf32>
        %parallel_loop3A_270 = arith.constant 0.000000e+00 : f32
        %parallel_loop3A_271 = vector.broadcast %parallel_loop3A_270 : f32 to vector<16xf32>
        %parallel_loop3A_272 = arith.subf %parallel_loop3A_271, %parallel_loop3A_269 : vector<16xf32>
        %parallel_loop3A_273 = math.exp %parallel_loop3A_272 : vector<16xf32>
        %parallel_loop3A_274 = arith.constant 0.000000e+00 : f32
        %parallel_loop3A_275 = vector.broadcast %parallel_loop3A_274 : f32 to vector<16xf32>
        %parallel_loop3A_276 = arith.maximumf %parallel_loop3A_234, %parallel_loop3A_275 : vector<16xf32>
        %parallel_loop3A_277 = arith.constant -0.0543709323 : f32
        %parallel_loop3A_278 = vector.broadcast %parallel_loop3A_277 : f32 to vector<16xf32>
        %parallel_loop3A_279 = arith.mulf %parallel_loop3A_278, %parallel_loop3A_273 : vector<16xf32>
        %parallel_loop3A_280 = arith.constant 0.216448709 : f32
        %parallel_loop3A_281 = vector.broadcast %parallel_loop3A_280 : f32 to vector<16xf32>
        %parallel_loop3A_282 = arith.addf %parallel_loop3A_279, %parallel_loop3A_281 : vector<16xf32>
        %parallel_loop3A_283 = arith.mulf %parallel_loop3A_282, %parallel_loop3A_273 : vector<16xf32>
        %parallel_loop3A_284 = arith.constant -0.465020448 : f32
        %parallel_loop3A_285 = vector.broadcast %parallel_loop3A_284 : f32 to vector<16xf32>
        %parallel_loop3A_286 = arith.addf %parallel_loop3A_283, %parallel_loop3A_285 : vector<16xf32>
        %parallel_loop3A_287 = arith.mulf %parallel_loop3A_286, %parallel_loop3A_273 : vector<16xf32>
        %parallel_loop3A_288 = arith.constant 0.995965778 : f32
        %parallel_loop3A_289 = vector.broadcast %parallel_loop3A_288 : f32 to vector<16xf32>
        %parallel_loop3A_290 = arith.addf %parallel_loop3A_287, %parallel_loop3A_289 : vector<16xf32>
        %parallel_loop3A_291 = arith.mulf %parallel_loop3A_290, %parallel_loop3A_273 : vector<16xf32>
        %parallel_loop3A_292 = arith.constant 7.94207735E-5 : f32
        %parallel_loop3A_293 = vector.broadcast %parallel_loop3A_292 : f32 to vector<16xf32>
        %parallel_loop3A_294 = arith.addf %parallel_loop3A_291, %parallel_loop3A_293 : vector<16xf32>
        %parallel_loop3A_295 = arith.addf %parallel_loop3A_276, %parallel_loop3A_294 : vector<16xf32>
        %parallel_loop3A_296 = arith.mulf %parallel_loop3A_268, %parallel_loop3A_295 : vector<16xf32>
        %parallel_loop3A_297 = arith.constant 0 : i32
        %parallel_loop3A_298 = arith.constant 0 : i32
        %parallel_loop3A_299 = tpu.memref_slice %arg14[%and3A_101, %parallel_loop3A_297, %parallel_loop3A_298] : memref<2x80x64xf32, #tpu.memory_space<vmem>> -> memref<1x80x64xf32, #tpu.memory_space<vmem>>
        %parallel_loop3A_300 = tpu.memref_squeeze %parallel_loop3A_299 : memref<1x80x64xf32, #tpu.memory_space<vmem>> -> memref<80x64xf32, #tpu.memory_space<vmem>>
        %parallel_loop3A_301 = arith.index_cast %parallel_loop3A_182 : i32 to index
        %parallel_loop3A_302 = arith.constant 0 : index
        %parallel_loop3A_303 = tpu.vector_load %parallel_loop3A_300[%parallel_loop3A_301, %parallel_loop3A_302] {strides = array<i32>} : memref<80x64xf32, #tpu.memory_space<vmem>>, vector<1x16xf32>,
        %parallel_loop3A_304 = vector.shape_cast %parallel_loop3A_303 : vector<1x16xf32> to vector<16xf32>
        %parallel_loop3A_305 = vector.shape_cast %parallel_loop3A_296 : vector<16xf32> to vector<1x16xf32>
        tpu.vector_store %parallel_loop3A_300[%parallel_loop3A_301, %parallel_loop3A_302], %parallel_loop3A_305 {strides = array<i32>} : memref<80x64xf32, #tpu.memory_space<vmem>>, vector<1x16xf32>,
        %parallel_loop3A_306 = arith.constant 0 : i32
        %parallel_loop3A_307 = arith.constant 0 : i32
        %parallel_loop3A_308 = tpu.memref_slice %arg11[%and3A_101, %parallel_loop3A_306, %parallel_loop3A_307] : memref<2x80x128xf32, #tpu.memory_space<vmem>> -> memref<1x80x128xf32, #tpu.memory_space<vmem>>
        %parallel_loop3A_309 = tpu.memref_squeeze %parallel_loop3A_308 : memref<1x80x128xf32, #tpu.memory_space<vmem>> -> memref<80x128xf32, #tpu.memory_space<vmem>>
        %parallel_loop3A_310 = arith.index_cast %parallel_loop3A_182 : i32 to index
        %parallel_loop3A_311 = arith.constant 16 : index
        %parallel_loop3A_312 = tpu.vector_load %parallel_loop3A_309[%parallel_loop3A_310, %parallel_loop3A_311] {strides = array<i32>} : memref<80x128xf32, #tpu.memory_space<vmem>>, vector<1x16xf32>,
        %parallel_loop3A_313 = vector.shape_cast %parallel_loop3A_312 : vector<1x16xf32> to vector<16xf32>
        %parallel_loop3A_314 = arith.constant 0 : i32
        %parallel_loop3A_315 = arith.constant 0 : i32
        %parallel_loop3A_316 = tpu.memref_slice %arg12[%and3A_101, %parallel_loop3A_314, %parallel_loop3A_315] : memref<2x80x128xf32, #tpu.memory_space<vmem>> -> memref<1x80x128xf32, #tpu.memory_space<vmem>>
        %parallel_loop3A_317 = tpu.memref_squeeze %parallel_loop3A_316 : memref<1x80x128xf32, #tpu.memory_space<vmem>> -> memref<80x128xf32, #tpu.memory_space<vmem>>
        %parallel_loop3A_318 = arith.index_cast %parallel_loop3A_182 : i32 to index
        %parallel_loop3A_319 = arith.constant 16 : index
        %parallel_loop3A_320 = tpu.vector_load %parallel_loop3A_317[%parallel_loop3A_318, %parallel_loop3A_319] {strides = array<i32>} : memref<80x128xf32, #tpu.memory_space<vmem>>, vector<1x16xf32>,
        %parallel_loop3A_321 = vector.shape_cast %parallel_loop3A_320 : vector<1x16xf32> to vector<16xf32>
        %parallel_loop3A_322 = arith.addf %parallel_loop3A_313, %parallel_loop3A_321 : vector<16xf32>
        %parallel_loop3A_323 = arith.constant 0 : i32
        %parallel_loop3A_324 = arith.constant 0 : i32
        %parallel_loop3A_325 = tpu.memref_slice %arg13[%and3A_101, %parallel_loop3A_323, %parallel_loop3A_324] : memref<2x80x128xf32, #tpu.memory_space<vmem>> -> memref<1x80x128xf32, #tpu.memory_space<vmem>>
        %parallel_loop3A_326 = tpu.memref_squeeze %parallel_loop3A_325 : memref<1x80x128xf32, #tpu.memory_space<vmem>> -> memref<80x128xf32, #tpu.memory_space<vmem>>
        %parallel_loop3A_327 = arith.index_cast %parallel_loop3A_182 : i32 to index
        %parallel_loop3A_328 = arith.constant 16 : index
        %parallel_loop3A_329 = tpu.vector_load %parallel_loop3A_326[%parallel_loop3A_327, %parallel_loop3A_328] {strides = array<i32>} : memref<80x128xf32, #tpu.memory_space<vmem>>, vector<1x16xf32>,
        %parallel_loop3A_330 = vector.shape_cast %parallel_loop3A_329 : vector<1x16xf32> to vector<16xf32>
        %parallel_loop3A_331 = arith.addf %parallel_loop3A_322, %parallel_loop3A_330 : vector<16xf32>
        %parallel_loop3A_332 = arith.constant 0 : i32
        %parallel_loop3A_333 = arith.constant 0 : i32
        %parallel_loop3A_334 = tpu.memref_slice %arg11[%and3A_101, %parallel_loop3A_332, %parallel_loop3A_333] : memref<2x80x128xf32, #tpu.memory_space<vmem>> -> memref<1x80x128xf32, #tpu.memory_space<vmem>>
        %parallel_loop3A_335 = tpu.memref_squeeze %parallel_loop3A_334 : memref<1x80x128xf32, #tpu.memory_space<vmem>> -> memref<80x128xf32, #tpu.memory_space<vmem>>
        %parallel_loop3A_336 = arith.index_cast %parallel_loop3A_182 : i32 to index
        %parallel_loop3A_337 = arith.constant 80 : index
        %parallel_loop3A_338 = tpu.vector_load %parallel_loop3A_335[%parallel_loop3A_336, %parallel_loop3A_337] {strides = array<i32>} : memref<80x128xf32, #tpu.memory_space<vmem>>, vector<1x16xf32>,
        %parallel_loop3A_339 = vector.shape_cast %parallel_loop3A_338 : vector<1x16xf32> to vector<16xf32>
        %parallel_loop3A_340 = arith.constant 0 : i32
        %parallel_loop3A_341 = arith.constant 0 : i32
        %parallel_loop3A_342 = tpu.memref_slice %arg12[%and3A_101, %parallel_loop3A_340, %parallel_loop3A_341] : memref<2x80x128xf32, #tpu.memory_space<vmem>> -> memref<1x80x128xf32, #tpu.memory_space<vmem>>
        %parallel_loop3A_343 = tpu.memref_squeeze %parallel_loop3A_342 : memref<1x80x128xf32, #tpu.memory_space<vmem>> -> memref<80x128xf32, #tpu.memory_space<vmem>>
        %parallel_loop3A_344 = arith.index_cast %parallel_loop3A_182 : i32 to index
        %parallel_loop3A_345 = arith.constant 80 : index
        %parallel_loop3A_346 = tpu.vector_load %parallel_loop3A_343[%parallel_loop3A_344, %parallel_loop3A_345] {strides = array<i32>} : memref<80x128xf32, #tpu.memory_space<vmem>>, vector<1x16xf32>,
        %parallel_loop3A_347 = vector.shape_cast %parallel_loop3A_346 : vector<1x16xf32> to vector<16xf32>
        %parallel_loop3A_348 = arith.addf %parallel_loop3A_339, %parallel_loop3A_347 : vector<16xf32>
        %parallel_loop3A_349 = arith.constant 0 : i32
        %parallel_loop3A_350 = arith.constant 0 : i32
        %parallel_loop3A_351 = tpu.memref_slice %arg13[%and3A_101, %parallel_loop3A_349, %parallel_loop3A_350] : memref<2x80x128xf32, #tpu.memory_space<vmem>> -> memref<1x80x128xf32, #tpu.memory_space<vmem>>
        %parallel_loop3A_352 = tpu.memref_squeeze %parallel_loop3A_351 : memref<1x80x128xf32, #tpu.memory_space<vmem>> -> memref<80x128xf32, #tpu.memory_space<vmem>>
        %parallel_loop3A_353 = arith.index_cast %parallel_loop3A_182 : i32 to index
        %parallel_loop3A_354 = arith.constant 80 : index
        %parallel_loop3A_355 = tpu.vector_load %parallel_loop3A_352[%parallel_loop3A_353, %parallel_loop3A_354] {strides = array<i32>} : memref<80x128xf32, #tpu.memory_space<vmem>>, vector<1x16xf32>,
        %parallel_loop3A_356 = vector.shape_cast %parallel_loop3A_355 : vector<1x16xf32> to vector<16xf32>
        %parallel_loop3A_357 = arith.addf %parallel_loop3A_348, %parallel_loop3A_356 : vector<16xf32>
        %parallel_loop3A_358 = math.absf %parallel_loop3A_331 : vector<16xf32>
        %parallel_loop3A_359 = arith.constant 0.000000e+00 : f32
        %parallel_loop3A_360 = vector.broadcast %parallel_loop3A_359 : f32 to vector<16xf32>
        %parallel_loop3A_361 = arith.subf %parallel_loop3A_360, %parallel_loop3A_358 : vector<16xf32>
        %parallel_loop3A_362 = math.exp %parallel_loop3A_361 : vector<16xf32>
        %parallel_loop3A_363 = arith.constant -0.104484469 : f32
        %parallel_loop3A_364 = vector.broadcast %parallel_loop3A_363 : f32 to vector<16xf32>
        %parallel_loop3A_365 = arith.mulf %parallel_loop3A_364, %parallel_loop3A_362 : vector<16xf32>
        %parallel_loop3A_366 = arith.constant 0.417937875 : f32
        %parallel_loop3A_367 = vector.broadcast %parallel_loop3A_366 : f32 to vector<16xf32>
        %parallel_loop3A_368 = arith.addf %parallel_loop3A_365, %parallel_loop3A_367 : vector<16xf32>
        %parallel_loop3A_369 = arith.mulf %parallel_loop3A_368, %parallel_loop3A_362 : vector<16xf32>
        %parallel_loop3A_370 = arith.constant -0.770572901 : f32
        %parallel_loop3A_371 = vector.broadcast %parallel_loop3A_370 : f32 to vector<16xf32>
        %parallel_loop3A_372 = arith.addf %parallel_loop3A_369, %parallel_loop3A_371 : vector<16xf32>
        %parallel_loop3A_373 = arith.mulf %parallel_loop3A_372, %parallel_loop3A_362 : vector<16xf32>
        %parallel_loop3A_374 = arith.constant 0.953420758 : f32
        %parallel_loop3A_375 = vector.broadcast %parallel_loop3A_374 : f32 to vector<16xf32>
        %parallel_loop3A_376 = arith.addf %parallel_loop3A_373, %parallel_loop3A_375 : vector<16xf32>
        %parallel_loop3A_377 = arith.mulf %parallel_loop3A_376, %parallel_loop3A_362 : vector<16xf32>
        %parallel_loop3A_378 = arith.constant -0.996275722 : f32
        %parallel_loop3A_379 = vector.broadcast %parallel_loop3A_378 : f32 to vector<16xf32>
        %parallel_loop3A_380 = arith.addf %parallel_loop3A_377, %parallel_loop3A_379 : vector<16xf32>
        %parallel_loop3A_381 = arith.mulf %parallel_loop3A_380, %parallel_loop3A_362 : vector<16xf32>
        %parallel_loop3A_382 = arith.constant 0.999948978 : f32
        %parallel_loop3A_383 = vector.broadcast %parallel_loop3A_382 : f32 to vector<16xf32>
        %parallel_loop3A_384 = arith.addf %parallel_loop3A_381, %parallel_loop3A_383 : vector<16xf32>
        %parallel_loop3A_385 = arith.constant 0.000000e+00 : f32
        %parallel_loop3A_386 = vector.broadcast %parallel_loop3A_385 : f32 to vector<16xf32>
        %parallel_loop3A_387 = arith.cmpf oge, %parallel_loop3A_331, %parallel_loop3A_386 : vector<16xf32>
        %parallel_loop3A_388 = arith.constant 1.000000e+00 : f32
        %parallel_loop3A_389 = vector.broadcast %parallel_loop3A_388 : f32 to vector<16xf32>
        %parallel_loop3A_390 = arith.subf %parallel_loop3A_389, %parallel_loop3A_384 : vector<16xf32>
        %parallel_loop3A_391 = arith.select %parallel_loop3A_387, %parallel_loop3A_384, %parallel_loop3A_390 : vector<16xi1>, vector<16xf32>
        %parallel_loop3A_392 = math.absf %parallel_loop3A_357 : vector<16xf32>
        %parallel_loop3A_393 = arith.constant 0.000000e+00 : f32
        %parallel_loop3A_394 = vector.broadcast %parallel_loop3A_393 : f32 to vector<16xf32>
        %parallel_loop3A_395 = arith.subf %parallel_loop3A_394, %parallel_loop3A_392 : vector<16xf32>
        %parallel_loop3A_396 = math.exp %parallel_loop3A_395 : vector<16xf32>
        %parallel_loop3A_397 = arith.constant 0.000000e+00 : f32
        %parallel_loop3A_398 = vector.broadcast %parallel_loop3A_397 : f32 to vector<16xf32>
        %parallel_loop3A_399 = arith.maximumf %parallel_loop3A_357, %parallel_loop3A_398 : vector<16xf32>
        %parallel_loop3A_400 = arith.constant -0.0543709323 : f32
        %parallel_loop3A_401 = vector.broadcast %parallel_loop3A_400 : f32 to vector<16xf32>
        %parallel_loop3A_402 = arith.mulf %parallel_loop3A_401, %parallel_loop3A_396 : vector<16xf32>
        %parallel_loop3A_403 = arith.constant 0.216448709 : f32
        %parallel_loop3A_404 = vector.broadcast %parallel_loop3A_403 : f32 to vector<16xf32>
        %parallel_loop3A_405 = arith.addf %parallel_loop3A_402, %parallel_loop3A_404 : vector<16xf32>
        %parallel_loop3A_406 = arith.mulf %parallel_loop3A_405, %parallel_loop3A_396 : vector<16xf32>
        %parallel_loop3A_407 = arith.constant -0.465020448 : f32
        %parallel_loop3A_408 = vector.broadcast %parallel_loop3A_407 : f32 to vector<16xf32>
        %parallel_loop3A_409 = arith.addf %parallel_loop3A_406, %parallel_loop3A_408 : vector<16xf32>
        %parallel_loop3A_410 = arith.mulf %parallel_loop3A_409, %parallel_loop3A_396 : vector<16xf32>
        %parallel_loop3A_411 = arith.constant 0.995965778 : f32
        %parallel_loop3A_412 = vector.broadcast %parallel_loop3A_411 : f32 to vector<16xf32>
        %parallel_loop3A_413 = arith.addf %parallel_loop3A_410, %parallel_loop3A_412 : vector<16xf32>
        %parallel_loop3A_414 = arith.mulf %parallel_loop3A_413, %parallel_loop3A_396 : vector<16xf32>
        %parallel_loop3A_415 = arith.constant 7.94207735E-5 : f32
        %parallel_loop3A_416 = vector.broadcast %parallel_loop3A_415 : f32 to vector<16xf32>
        %parallel_loop3A_417 = arith.addf %parallel_loop3A_414, %parallel_loop3A_416 : vector<16xf32>
        %parallel_loop3A_418 = arith.addf %parallel_loop3A_399, %parallel_loop3A_417 : vector<16xf32>
        %parallel_loop3A_419 = arith.mulf %parallel_loop3A_391, %parallel_loop3A_418 : vector<16xf32>
        %parallel_loop3A_420 = arith.constant 0 : i32
        %parallel_loop3A_421 = arith.constant 0 : i32
        %parallel_loop3A_422 = tpu.memref_slice %arg14[%and3A_101, %parallel_loop3A_420, %parallel_loop3A_421] : memref<2x80x64xf32, #tpu.memory_space<vmem>> -> memref<1x80x64xf32, #tpu.memory_space<vmem>>
        %parallel_loop3A_423 = tpu.memref_squeeze %parallel_loop3A_422 : memref<1x80x64xf32, #tpu.memory_space<vmem>> -> memref<80x64xf32, #tpu.memory_space<vmem>>
        %parallel_loop3A_424 = arith.index_cast %parallel_loop3A_182 : i32 to index
        %parallel_loop3A_425 = arith.constant 16 : index
        %parallel_loop3A_426 = tpu.vector_load %parallel_loop3A_423[%parallel_loop3A_424, %parallel_loop3A_425] {strides = array<i32>} : memref<80x64xf32, #tpu.memory_space<vmem>>, vector<1x16xf32>,
        %parallel_loop3A_427 = vector.shape_cast %parallel_loop3A_426 : vector<1x16xf32> to vector<16xf32>
        %parallel_loop3A_428 = vector.shape_cast %parallel_loop3A_419 : vector<16xf32> to vector<1x16xf32>
        tpu.vector_store %parallel_loop3A_423[%parallel_loop3A_424, %parallel_loop3A_425], %parallel_loop3A_428 {strides = array<i32>} : memref<80x64xf32, #tpu.memory_space<vmem>>, vector<1x16xf32>,
        %parallel_loop3A_429 = arith.constant 0 : i32
        %parallel_loop3A_430 = arith.constant 0 : i32
        %parallel_loop3A_431 = tpu.memref_slice %arg11[%and3A_101, %parallel_loop3A_429, %parallel_loop3A_430] : memref<2x80x128xf32, #tpu.memory_space<vmem>> -> memref<1x80x128xf32, #tpu.memory_space<vmem>>
        %parallel_loop3A_432 = tpu.memref_squeeze %parallel_loop3A_431 : memref<1x80x128xf32, #tpu.memory_space<vmem>> -> memref<80x128xf32, #tpu.memory_space<vmem>>
        %parallel_loop3A_433 = arith.index_cast %parallel_loop3A_182 : i32 to index
        %parallel_loop3A_434 = arith.constant 32 : index
        %parallel_loop3A_435 = tpu.vector_load %parallel_loop3A_432[%parallel_loop3A_433, %parallel_loop3A_434] {strides = array<i32>} : memref<80x128xf32, #tpu.memory_space<vmem>>, vector<1x16xf32>,
        %parallel_loop3A_436 = vector.shape_cast %parallel_loop3A_435 : vector<1x16xf32> to vector<16xf32>
        %parallel_loop3A_437 = arith.constant 0 : i32
        %parallel_loop3A_438 = arith.constant 0 : i32
        %parallel_loop3A_439 = tpu.memref_slice %arg12[%and3A_101, %parallel_loop3A_437, %parallel_loop3A_438] : memref<2x80x128xf32, #tpu.memory_space<vmem>> -> memref<1x80x128xf32, #tpu.memory_space<vmem>>
        %parallel_loop3A_440 = tpu.memref_squeeze %parallel_loop3A_439 : memref<1x80x128xf32, #tpu.memory_space<vmem>> -> memref<80x128xf32, #tpu.memory_space<vmem>>
        %parallel_loop3A_441 = arith.index_cast %parallel_loop3A_182 : i32 to index
        %parallel_loop3A_442 = arith.constant 32 : index
        %parallel_loop3A_443 = tpu.vector_load %parallel_loop3A_440[%parallel_loop3A_441, %parallel_loop3A_442] {strides = array<i32>} : memref<80x128xf32, #tpu.memory_space<vmem>>, vector<1x16xf32>,
        %parallel_loop3A_444 = vector.shape_cast %parallel_loop3A_443 : vector<1x16xf32> to vector<16xf32>
        %parallel_loop3A_445 = arith.addf %parallel_loop3A_436, %parallel_loop3A_444 : vector<16xf32>
        %parallel_loop3A_446 = arith.constant 0 : i32
        %parallel_loop3A_447 = arith.constant 0 : i32
        %parallel_loop3A_448 = tpu.memref_slice %arg13[%and3A_101, %parallel_loop3A_446, %parallel_loop3A_447] : memref<2x80x128xf32, #tpu.memory_space<vmem>> -> memref<1x80x128xf32, #tpu.memory_space<vmem>>
        %parallel_loop3A_449 = tpu.memref_squeeze %parallel_loop3A_448 : memref<1x80x128xf32, #tpu.memory_space<vmem>> -> memref<80x128xf32, #tpu.memory_space<vmem>>
        %parallel_loop3A_450 = arith.index_cast %parallel_loop3A_182 : i32 to index
        %parallel_loop3A_451 = arith.constant 32 : index
        %parallel_loop3A_452 = tpu.vector_load %parallel_loop3A_449[%parallel_loop3A_450, %parallel_loop3A_451] {strides = array<i32>} : memref<80x128xf32, #tpu.memory_space<vmem>>, vector<1x16xf32>,
        %parallel_loop3A_453 = vector.shape_cast %parallel_loop3A_452 : vector<1x16xf32> to vector<16xf32>
        %parallel_loop3A_454 = arith.addf %parallel_loop3A_445, %parallel_loop3A_453 : vector<16xf32>
        %parallel_loop3A_455 = arith.constant 0 : i32
        %parallel_loop3A_456 = arith.constant 0 : i32
        %parallel_loop3A_457 = tpu.memref_slice %arg11[%and3A_101, %parallel_loop3A_455, %parallel_loop3A_456] : memref<2x80x128xf32, #tpu.memory_space<vmem>> -> memref<1x80x128xf32, #tpu.memory_space<vmem>>
        %parallel_loop3A_458 = tpu.memref_squeeze %parallel_loop3A_457 : memref<1x80x128xf32, #tpu.memory_space<vmem>> -> memref<80x128xf32, #tpu.memory_space<vmem>>
        %parallel_loop3A_459 = arith.index_cast %parallel_loop3A_182 : i32 to index
        %parallel_loop3A_460 = arith.constant 96 : index
        %parallel_loop3A_461 = tpu.vector_load %parallel_loop3A_458[%parallel_loop3A_459, %parallel_loop3A_460] {strides = array<i32>} : memref<80x128xf32, #tpu.memory_space<vmem>>, vector<1x16xf32>,
        %parallel_loop3A_462 = vector.shape_cast %parallel_loop3A_461 : vector<1x16xf32> to vector<16xf32>
        %parallel_loop3A_463 = arith.constant 0 : i32
        %parallel_loop3A_464 = arith.constant 0 : i32
        %parallel_loop3A_465 = tpu.memref_slice %arg12[%and3A_101, %parallel_loop3A_463, %parallel_loop3A_464] : memref<2x80x128xf32, #tpu.memory_space<vmem>> -> memref<1x80x128xf32, #tpu.memory_space<vmem>>
        %parallel_loop3A_466 = tpu.memref_squeeze %parallel_loop3A_465 : memref<1x80x128xf32, #tpu.memory_space<vmem>> -> memref<80x128xf32, #tpu.memory_space<vmem>>
        %parallel_loop3A_467 = arith.index_cast %parallel_loop3A_182 : i32 to index
        %parallel_loop3A_468 = arith.constant 96 : index
        %parallel_loop3A_469 = tpu.vector_load %parallel_loop3A_466[%parallel_loop3A_467, %parallel_loop3A_468] {strides = array<i32>} : memref<80x128xf32, #tpu.memory_space<vmem>>, vector<1x16xf32>,
        %parallel_loop3A_470 = vector.shape_cast %parallel_loop3A_469 : vector<1x16xf32> to vector<16xf32>
        %parallel_loop3A_471 = arith.addf %parallel_loop3A_462, %parallel_loop3A_470 : vector<16xf32>
        %parallel_loop3A_472 = arith.constant 0 : i32
        %parallel_loop3A_473 = arith.constant 0 : i32
        %parallel_loop3A_474 = tpu.memref_slice %arg13[%and3A_101, %parallel_loop3A_472, %parallel_loop3A_473] : memref<2x80x128xf32, #tpu.memory_space<vmem>> -> memref<1x80x128xf32, #tpu.memory_space<vmem>>
        %parallel_loop3A_475 = tpu.memref_squeeze %parallel_loop3A_474 : memref<1x80x128xf32, #tpu.memory_space<vmem>> -> memref<80x128xf32, #tpu.memory_space<vmem>>
        %parallel_loop3A_476 = arith.index_cast %parallel_loop3A_182 : i32 to index
        %parallel_loop3A_477 = arith.constant 96 : index
        %parallel_loop3A_478 = tpu.vector_load %parallel_loop3A_475[%parallel_loop3A_476, %parallel_loop3A_477] {strides = array<i32>} : memref<80x128xf32, #tpu.memory_space<vmem>>, vector<1x16xf32>,
        %parallel_loop3A_479 = vector.shape_cast %parallel_loop3A_478 : vector<1x16xf32> to vector<16xf32>
        %parallel_loop3A_480 = arith.addf %parallel_loop3A_471, %parallel_loop3A_479 : vector<16xf32>
        %parallel_loop3A_481 = math.absf %parallel_loop3A_454 : vector<16xf32>
        %parallel_loop3A_482 = arith.constant 0.000000e+00 : f32
        %parallel_loop3A_483 = vector.broadcast %parallel_loop3A_482 : f32 to vector<16xf32>
        %parallel_loop3A_484 = arith.subf %parallel_loop3A_483, %parallel_loop3A_481 : vector<16xf32>
        %parallel_loop3A_485 = math.exp %parallel_loop3A_484 : vector<16xf32>
        %parallel_loop3A_486 = arith.constant -0.104484469 : f32
        %parallel_loop3A_487 = vector.broadcast %parallel_loop3A_486 : f32 to vector<16xf32>
        %parallel_loop3A_488 = arith.mulf %parallel_loop3A_487, %parallel_loop3A_485 : vector<16xf32>
        %parallel_loop3A_489 = arith.constant 0.417937875 : f32
        %parallel_loop3A_490 = vector.broadcast %parallel_loop3A_489 : f32 to vector<16xf32>
        %parallel_loop3A_491 = arith.addf %parallel_loop3A_488, %parallel_loop3A_490 : vector<16xf32>
        %parallel_loop3A_492 = arith.mulf %parallel_loop3A_491, %parallel_loop3A_485 : vector<16xf32>
        %parallel_loop3A_493 = arith.constant -0.770572901 : f32
        %parallel_loop3A_494 = vector.broadcast %parallel_loop3A_493 : f32 to vector<16xf32>
        %parallel_loop3A_495 = arith.addf %parallel_loop3A_492, %parallel_loop3A_494 : vector<16xf32>
        %parallel_loop3A_496 = arith.mulf %parallel_loop3A_495, %parallel_loop3A_485 : vector<16xf32>
        %parallel_loop3A_497 = arith.constant 0.953420758 : f32
        %parallel_loop3A_498 = vector.broadcast %parallel_loop3A_497 : f32 to vector<16xf32>
        %parallel_loop3A_499 = arith.addf %parallel_loop3A_496, %parallel_loop3A_498 : vector<16xf32>
        %parallel_loop3A_500 = arith.mulf %parallel_loop3A_499, %parallel_loop3A_485 : vector<16xf32>
        %parallel_loop3A_501 = arith.constant -0.996275722 : f32
        %parallel_loop3A_502 = vector.broadcast %parallel_loop3A_501 : f32 to vector<16xf32>
        %parallel_loop3A_503 = arith.addf %parallel_loop3A_500, %parallel_loop3A_502 : vector<16xf32>
        %parallel_loop3A_504 = arith.mulf %parallel_loop3A_503, %parallel_loop3A_485 : vector<16xf32>
        %parallel_loop3A_505 = arith.constant 0.999948978 : f32
        %parallel_loop3A_506 = vector.broadcast %parallel_loop3A_505 : f32 to vector<16xf32>
        %parallel_loop3A_507 = arith.addf %parallel_loop3A_504, %parallel_loop3A_506 : vector<16xf32>
        %parallel_loop3A_508 = arith.constant 0.000000e+00 : f32
        %parallel_loop3A_509 = vector.broadcast %parallel_loop3A_508 : f32 to vector<16xf32>
        %parallel_loop3A_510 = arith.cmpf oge, %parallel_loop3A_454, %parallel_loop3A_509 : vector<16xf32>
        %parallel_loop3A_511 = arith.constant 1.000000e+00 : f32
        %parallel_loop3A_512 = vector.broadcast %parallel_loop3A_511 : f32 to vector<16xf32>
        %parallel_loop3A_513 = arith.subf %parallel_loop3A_512, %parallel_loop3A_507 : vector<16xf32>
        %parallel_loop3A_514 = arith.select %parallel_loop3A_510, %parallel_loop3A_507, %parallel_loop3A_513 : vector<16xi1>, vector<16xf32>
        %parallel_loop3A_515 = math.absf %parallel_loop3A_480 : vector<16xf32>
        %parallel_loop3A_516 = arith.constant 0.000000e+00 : f32
        %parallel_loop3A_517 = vector.broadcast %parallel_loop3A_516 : f32 to vector<16xf32>
        %parallel_loop3A_518 = arith.subf %parallel_loop3A_517, %parallel_loop3A_515 : vector<16xf32>
        %parallel_loop3A_519 = math.exp %parallel_loop3A_518 : vector<16xf32>
        %parallel_loop3A_520 = arith.constant 0.000000e+00 : f32
        %parallel_loop3A_521 = vector.broadcast %parallel_loop3A_520 : f32 to vector<16xf32>
        %parallel_loop3A_522 = arith.maximumf %parallel_loop3A_480, %parallel_loop3A_521 : vector<16xf32>
        %parallel_loop3A_523 = arith.constant -0.0543709323 : f32
        %parallel_loop3A_524 = vector.broadcast %parallel_loop3A_523 : f32 to vector<16xf32>
        %parallel_loop3A_525 = arith.mulf %parallel_loop3A_524, %parallel_loop3A_519 : vector<16xf32>
        %parallel_loop3A_526 = arith.constant 0.216448709 : f32
        %parallel_loop3A_527 = vector.broadcast %parallel_loop3A_526 : f32 to vector<16xf32>
        %parallel_loop3A_528 = arith.addf %parallel_loop3A_525, %parallel_loop3A_527 : vector<16xf32>
        %parallel_loop3A_529 = arith.mulf %parallel_loop3A_528, %parallel_loop3A_519 : vector<16xf32>
        %parallel_loop3A_530 = arith.constant -0.465020448 : f32
        %parallel_loop3A_531 = vector.broadcast %parallel_loop3A_530 : f32 to vector<16xf32>
        %parallel_loop3A_532 = arith.addf %parallel_loop3A_529, %parallel_loop3A_531 : vector<16xf32>
        %parallel_loop3A_533 = arith.mulf %parallel_loop3A_532, %parallel_loop3A_519 : vector<16xf32>
        %parallel_loop3A_534 = arith.constant 0.995965778 : f32
        %parallel_loop3A_535 = vector.broadcast %parallel_loop3A_534 : f32 to vector<16xf32>
        %parallel_loop3A_536 = arith.addf %parallel_loop3A_533, %parallel_loop3A_535 : vector<16xf32>
        %parallel_loop3A_537 = arith.mulf %parallel_loop3A_536, %parallel_loop3A_519 : vector<16xf32>
        %parallel_loop3A_538 = arith.constant 7.94207735E-5 : f32
        %parallel_loop3A_539 = vector.broadcast %parallel_loop3A_538 : f32 to vector<16xf32>
        %parallel_loop3A_540 = arith.addf %parallel_loop3A_537, %parallel_loop3A_539 : vector<16xf32>
        %parallel_loop3A_541 = arith.addf %parallel_loop3A_522, %parallel_loop3A_540 : vector<16xf32>
        %parallel_loop3A_542 = arith.mulf %parallel_loop3A_514, %parallel_loop3A_541 : vector<16xf32>
        %parallel_loop3A_543 = arith.constant 0 : i32
        %parallel_loop3A_544 = arith.constant 0 : i32
        %parallel_loop3A_545 = tpu.memref_slice %arg14[%and3A_101, %parallel_loop3A_543, %parallel_loop3A_544] : memref<2x80x64xf32, #tpu.memory_space<vmem>> -> memref<1x80x64xf32, #tpu.memory_space<vmem>>
        %parallel_loop3A_546 = tpu.memref_squeeze %parallel_loop3A_545 : memref<1x80x64xf32, #tpu.memory_space<vmem>> -> memref<80x64xf32, #tpu.memory_space<vmem>>
        %parallel_loop3A_547 = arith.index_cast %parallel_loop3A_182 : i32 to index
        %parallel_loop3A_548 = arith.constant 32 : index
        %parallel_loop3A_549 = tpu.vector_load %parallel_loop3A_546[%parallel_loop3A_547, %parallel_loop3A_548] {strides = array<i32>} : memref<80x64xf32, #tpu.memory_space<vmem>>, vector<1x16xf32>,
        %parallel_loop3A_550 = vector.shape_cast %parallel_loop3A_549 : vector<1x16xf32> to vector<16xf32>
        %parallel_loop3A_551 = vector.shape_cast %parallel_loop3A_542 : vector<16xf32> to vector<1x16xf32>
        tpu.vector_store %parallel_loop3A_546[%parallel_loop3A_547, %parallel_loop3A_548], %parallel_loop3A_551 {strides = array<i32>} : memref<80x64xf32, #tpu.memory_space<vmem>>, vector<1x16xf32>,
        %parallel_loop3A_552 = arith.constant 0 : i32
        %parallel_loop3A_553 = arith.constant 0 : i32
        %parallel_loop3A_554 = tpu.memref_slice %arg11[%and3A_101, %parallel_loop3A_552, %parallel_loop3A_553] : memref<2x80x128xf32, #tpu.memory_space<vmem>> -> memref<1x80x128xf32, #tpu.memory_space<vmem>>
        %parallel_loop3A_555 = tpu.memref_squeeze %parallel_loop3A_554 : memref<1x80x128xf32, #tpu.memory_space<vmem>> -> memref<80x128xf32, #tpu.memory_space<vmem>>
        %parallel_loop3A_556 = arith.index_cast %parallel_loop3A_182 : i32 to index
        %parallel_loop3A_557 = arith.constant 48 : index
        %parallel_loop3A_558 = tpu.vector_load %parallel_loop3A_555[%parallel_loop3A_556, %parallel_loop3A_557] {strides = array<i32>} : memref<80x128xf32, #tpu.memory_space<vmem>>, vector<1x16xf32>,
        %parallel_loop3A_559 = vector.shape_cast %parallel_loop3A_558 : vector<1x16xf32> to vector<16xf32>
        %parallel_loop3A_560 = arith.constant 0 : i32
        %parallel_loop3A_561 = arith.constant 0 : i32
        %parallel_loop3A_562 = tpu.memref_slice %arg12[%and3A_101, %parallel_loop3A_560, %parallel_loop3A_561] : memref<2x80x128xf32, #tpu.memory_space<vmem>> -> memref<1x80x128xf32, #tpu.memory_space<vmem>>
        %parallel_loop3A_563 = tpu.memref_squeeze %parallel_loop3A_562 : memref<1x80x128xf32, #tpu.memory_space<vmem>> -> memref<80x128xf32, #tpu.memory_space<vmem>>
        %parallel_loop3A_564 = arith.index_cast %parallel_loop3A_182 : i32 to index
        %parallel_loop3A_565 = arith.constant 48 : index
        %parallel_loop3A_566 = tpu.vector_load %parallel_loop3A_563[%parallel_loop3A_564, %parallel_loop3A_565] {strides = array<i32>} : memref<80x128xf32, #tpu.memory_space<vmem>>, vector<1x16xf32>,
        %parallel_loop3A_567 = vector.shape_cast %parallel_loop3A_566 : vector<1x16xf32> to vector<16xf32>
        %parallel_loop3A_568 = arith.addf %parallel_loop3A_559, %parallel_loop3A_567 : vector<16xf32>
        %parallel_loop3A_569 = arith.constant 0 : i32
        %parallel_loop3A_570 = arith.constant 0 : i32
        %parallel_loop3A_571 = tpu.memref_slice %arg13[%and3A_101, %parallel_loop3A_569, %parallel_loop3A_570] : memref<2x80x128xf32, #tpu.memory_space<vmem>> -> memref<1x80x128xf32, #tpu.memory_space<vmem>>
        %parallel_loop3A_572 = tpu.memref_squeeze %parallel_loop3A_571 : memref<1x80x128xf32, #tpu.memory_space<vmem>> -> memref<80x128xf32, #tpu.memory_space<vmem>>
        %parallel_loop3A_573 = arith.index_cast %parallel_loop3A_182 : i32 to index
        %parallel_loop3A_574 = arith.constant 48 : index
        %parallel_loop3A_575 = tpu.vector_load %parallel_loop3A_572[%parallel_loop3A_573, %parallel_loop3A_574] {strides = array<i32>} : memref<80x128xf32, #tpu.memory_space<vmem>>, vector<1x16xf32>,
        %parallel_loop3A_576 = vector.shape_cast %parallel_loop3A_575 : vector<1x16xf32> to vector<16xf32>
        %parallel_loop3A_577 = arith.addf %parallel_loop3A_568, %parallel_loop3A_576 : vector<16xf32>
        %parallel_loop3A_578 = arith.constant 0 : i32
        %parallel_loop3A_579 = arith.constant 0 : i32
        %parallel_loop3A_580 = tpu.memref_slice %arg11[%and3A_101, %parallel_loop3A_578, %parallel_loop3A_579] : memref<2x80x128xf32, #tpu.memory_space<vmem>> -> memref<1x80x128xf32, #tpu.memory_space<vmem>>
        %parallel_loop3A_581 = tpu.memref_squeeze %parallel_loop3A_580 : memref<1x80x128xf32, #tpu.memory_space<vmem>> -> memref<80x128xf32, #tpu.memory_space<vmem>>
        %parallel_loop3A_582 = arith.index_cast %parallel_loop3A_182 : i32 to index
        %parallel_loop3A_583 = arith.constant 112 : index
        %parallel_loop3A_584 = tpu.vector_load %parallel_loop3A_581[%parallel_loop3A_582, %parallel_loop3A_583] {strides = array<i32>} : memref<80x128xf32, #tpu.memory_space<vmem>>, vector<1x16xf32>,
        %parallel_loop3A_585 = vector.shape_cast %parallel_loop3A_584 : vector<1x16xf32> to vector<16xf32>
        %parallel_loop3A_586 = arith.constant 0 : i32
        %parallel_loop3A_587 = arith.constant 0 : i32
        %parallel_loop3A_588 = tpu.memref_slice %arg12[%and3A_101, %parallel_loop3A_586, %parallel_loop3A_587] : memref<2x80x128xf32, #tpu.memory_space<vmem>> -> memref<1x80x128xf32, #tpu.memory_space<vmem>>
        %parallel_loop3A_589 = tpu.memref_squeeze %parallel_loop3A_588 : memref<1x80x128xf32, #tpu.memory_space<vmem>> -> memref<80x128xf32, #tpu.memory_space<vmem>>
        %parallel_loop3A_590 = arith.index_cast %parallel_loop3A_182 : i32 to index
        %parallel_loop3A_591 = arith.constant 112 : index
        %parallel_loop3A_592 = tpu.vector_load %parallel_loop3A_589[%parallel_loop3A_590, %parallel_loop3A_591] {strides = array<i32>} : memref<80x128xf32, #tpu.memory_space<vmem>>, vector<1x16xf32>,
        %parallel_loop3A_593 = vector.shape_cast %parallel_loop3A_592 : vector<1x16xf32> to vector<16xf32>
        %parallel_loop3A_594 = arith.addf %parallel_loop3A_585, %parallel_loop3A_593 : vector<16xf32>
        %parallel_loop3A_595 = arith.constant 0 : i32
        %parallel_loop3A_596 = arith.constant 0 : i32
        %parallel_loop3A_597 = tpu.memref_slice %arg13[%and3A_101, %parallel_loop3A_595, %parallel_loop3A_596] : memref<2x80x128xf32, #tpu.memory_space<vmem>> -> memref<1x80x128xf32, #tpu.memory_space<vmem>>
        %parallel_loop3A_598 = tpu.memref_squeeze %parallel_loop3A_597 : memref<1x80x128xf32, #tpu.memory_space<vmem>> -> memref<80x128xf32, #tpu.memory_space<vmem>>
        %parallel_loop3A_599 = arith.index_cast %parallel_loop3A_182 : i32 to index
        %parallel_loop3A_600 = arith.constant 112 : index
        %parallel_loop3A_601 = tpu.vector_load %parallel_loop3A_598[%parallel_loop3A_599, %parallel_loop3A_600] {strides = array<i32>} : memref<80x128xf32, #tpu.memory_space<vmem>>, vector<1x16xf32>,
        %parallel_loop3A_602 = vector.shape_cast %parallel_loop3A_601 : vector<1x16xf32> to vector<16xf32>
        %parallel_loop3A_603 = arith.addf %parallel_loop3A_594, %parallel_loop3A_602 : vector<16xf32>
        %parallel_loop3A_604 = math.absf %parallel_loop3A_577 : vector<16xf32>
        %parallel_loop3A_605 = arith.constant 0.000000e+00 : f32
        %parallel_loop3A_606 = vector.broadcast %parallel_loop3A_605 : f32 to vector<16xf32>
        %parallel_loop3A_607 = arith.subf %parallel_loop3A_606, %parallel_loop3A_604 : vector<16xf32>
        %parallel_loop3A_608 = math.exp %parallel_loop3A_607 : vector<16xf32>
        %parallel_loop3A_609 = arith.constant -0.104484469 : f32
        %parallel_loop3A_610 = vector.broadcast %parallel_loop3A_609 : f32 to vector<16xf32>
        %parallel_loop3A_611 = arith.mulf %parallel_loop3A_610, %parallel_loop3A_608 : vector<16xf32>
        %parallel_loop3A_612 = arith.constant 0.417937875 : f32
        %parallel_loop3A_613 = vector.broadcast %parallel_loop3A_612 : f32 to vector<16xf32>
        %parallel_loop3A_614 = arith.addf %parallel_loop3A_611, %parallel_loop3A_613 : vector<16xf32>
        %parallel_loop3A_615 = arith.mulf %parallel_loop3A_614, %parallel_loop3A_608 : vector<16xf32>
        %parallel_loop3A_616 = arith.constant -0.770572901 : f32
        %parallel_loop3A_617 = vector.broadcast %parallel_loop3A_616 : f32 to vector<16xf32>
        %parallel_loop3A_618 = arith.addf %parallel_loop3A_615, %parallel_loop3A_617 : vector<16xf32>
        %parallel_loop3A_619 = arith.mulf %parallel_loop3A_618, %parallel_loop3A_608 : vector<16xf32>
        %parallel_loop3A_620 = arith.constant 0.953420758 : f32
        %parallel_loop3A_621 = vector.broadcast %parallel_loop3A_620 : f32 to vector<16xf32>
        %parallel_loop3A_622 = arith.addf %parallel_loop3A_619, %parallel_loop3A_621 : vector<16xf32>
        %parallel_loop3A_623 = arith.mulf %parallel_loop3A_622, %parallel_loop3A_608 : vector<16xf32>
        %parallel_loop3A_624 = arith.constant -0.996275722 : f32
        %parallel_loop3A_625 = vector.broadcast %parallel_loop3A_624 : f32 to vector<16xf32>
        %parallel_loop3A_626 = arith.addf %parallel_loop3A_623, %parallel_loop3A_625 : vector<16xf32>
        %parallel_loop3A_627 = arith.mulf %parallel_loop3A_626, %parallel_loop3A_608 : vector<16xf32>
        %parallel_loop3A_628 = arith.constant 0.999948978 : f32
        %parallel_loop3A_629 = vector.broadcast %parallel_loop3A_628 : f32 to vector<16xf32>
        %parallel_loop3A_630 = arith.addf %parallel_loop3A_627, %parallel_loop3A_629 : vector<16xf32>
        %parallel_loop3A_631 = arith.constant 0.000000e+00 : f32
        %parallel_loop3A_632 = vector.broadcast %parallel_loop3A_631 : f32 to vector<16xf32>
        %parallel_loop3A_633 = arith.cmpf oge, %parallel_loop3A_577, %parallel_loop3A_632 : vector<16xf32>
        %parallel_loop3A_634 = arith.constant 1.000000e+00 : f32
        %parallel_loop3A_635 = vector.broadcast %parallel_loop3A_634 : f32 to vector<16xf32>
        %parallel_loop3A_636 = arith.subf %parallel_loop3A_635, %parallel_loop3A_630 : vector<16xf32>
        %parallel_loop3A_637 = arith.select %parallel_loop3A_633, %parallel_loop3A_630, %parallel_loop3A_636 : vector<16xi1>, vector<16xf32>
        %parallel_loop3A_638 = math.absf %parallel_loop3A_603 : vector<16xf32>
        %parallel_loop3A_639 = arith.constant 0.000000e+00 : f32
        %parallel_loop3A_640 = vector.broadcast %parallel_loop3A_639 : f32 to vector<16xf32>
        %parallel_loop3A_641 = arith.subf %parallel_loop3A_640, %parallel_loop3A_638 : vector<16xf32>
        %parallel_loop3A_642 = math.exp %parallel_loop3A_641 : vector<16xf32>
        %parallel_loop3A_643 = arith.constant 0.000000e+00 : f32
        %parallel_loop3A_644 = vector.broadcast %parallel_loop3A_643 : f32 to vector<16xf32>
        %parallel_loop3A_645 = arith.maximumf %parallel_loop3A_603, %parallel_loop3A_644 : vector<16xf32>
        %parallel_loop3A_646 = arith.constant -0.0543709323 : f32
        %parallel_loop3A_647 = vector.broadcast %parallel_loop3A_646 : f32 to vector<16xf32>
        %parallel_loop3A_648 = arith.mulf %parallel_loop3A_647, %parallel_loop3A_642 : vector<16xf32>
        %parallel_loop3A_649 = arith.constant 0.216448709 : f32
        %parallel_loop3A_650 = vector.broadcast %parallel_loop3A_649 : f32 to vector<16xf32>
        %parallel_loop3A_651 = arith.addf %parallel_loop3A_648, %parallel_loop3A_650 : vector<16xf32>
        %parallel_loop3A_652 = arith.mulf %parallel_loop3A_651, %parallel_loop3A_642 : vector<16xf32>
        %parallel_loop3A_653 = arith.constant -0.465020448 : f32
        %parallel_loop3A_654 = vector.broadcast %parallel_loop3A_653 : f32 to vector<16xf32>
        %parallel_loop3A_655 = arith.addf %parallel_loop3A_652, %parallel_loop3A_654 : vector<16xf32>
        %parallel_loop3A_656 = arith.mulf %parallel_loop3A_655, %parallel_loop3A_642 : vector<16xf32>
        %parallel_loop3A_657 = arith.constant 0.995965778 : f32
        %parallel_loop3A_658 = vector.broadcast %parallel_loop3A_657 : f32 to vector<16xf32>
        %parallel_loop3A_659 = arith.addf %parallel_loop3A_656, %parallel_loop3A_658 : vector<16xf32>
        %parallel_loop3A_660 = arith.mulf %parallel_loop3A_659, %parallel_loop3A_642 : vector<16xf32>
        %parallel_loop3A_661 = arith.constant 7.94207735E-5 : f32
        %parallel_loop3A_662 = vector.broadcast %parallel_loop3A_661 : f32 to vector<16xf32>
        %parallel_loop3A_663 = arith.addf %parallel_loop3A_660, %parallel_loop3A_662 : vector<16xf32>
        %parallel_loop3A_664 = arith.addf %parallel_loop3A_645, %parallel_loop3A_663 : vector<16xf32>
        %parallel_loop3A_665 = arith.mulf %parallel_loop3A_637, %parallel_loop3A_664 : vector<16xf32>
        %parallel_loop3A_666 = arith.constant 0 : i32
        %parallel_loop3A_667 = arith.constant 0 : i32
        %parallel_loop3A_668 = tpu.memref_slice %arg14[%and3A_101, %parallel_loop3A_666, %parallel_loop3A_667] : memref<2x80x64xf32, #tpu.memory_space<vmem>> -> memref<1x80x64xf32, #tpu.memory_space<vmem>>
        %parallel_loop3A_669 = tpu.memref_squeeze %parallel_loop3A_668 : memref<1x80x64xf32, #tpu.memory_space<vmem>> -> memref<80x64xf32, #tpu.memory_space<vmem>>
        %parallel_loop3A_670 = arith.index_cast %parallel_loop3A_182 : i32 to index
        %parallel_loop3A_671 = arith.constant 48 : index
        %parallel_loop3A_672 = tpu.vector_load %parallel_loop3A_669[%parallel_loop3A_670, %parallel_loop3A_671] {strides = array<i32>} : memref<80x64xf32, #tpu.memory_space<vmem>>, vector<1x16xf32>,
        %parallel_loop3A_673 = vector.shape_cast %parallel_loop3A_672 : vector<1x16xf32> to vector<16xf32>
        %parallel_loop3A_674 = vector.shape_cast %parallel_loop3A_665 : vector<16xf32> to vector<1x16xf32>
        tpu.vector_store %parallel_loop3A_669[%parallel_loop3A_670, %parallel_loop3A_671], %parallel_loop3A_674 {strides = array<i32>} : memref<80x64xf32, #tpu.memory_space<vmem>>, vector<1x16xf32>,
      } {sc.loop_unroll_factor = 8 : i64, sc.parallel_access}
      %dma_start3A_172 = arith.constant 0 : i32
      %dma_start3A_173 = arith.constant 0 : i32
      %dma_start3A_174 = tpu.memref_slice %arg14[%and3A_101, %dma_start3A_172, %dma_start3A_173] : memref<2x80x64xf32, #tpu.memory_space<vmem>> -> memref<1x80x64xf32, #tpu.memory_space<vmem>>
      %dma_start3A_175 = tpu.memref_squeeze %dma_start3A_174 : memref<1x80x64xf32, #tpu.memory_space<vmem>> -> memref<80x64xf32, #tpu.memory_space<vmem>>
      %dma_start3A_176 = arith.constant 0 : i32
      %dma_start3A_177 = tpu.memref_slice %arg9[%and3A_104, %dma_start3A_176] : memref<4x80xi32, #tpu.memory_space<vmem>> -> memref<1x80xi32, #tpu.memory_space<vmem>>
      %dma_start3A_178 = tpu.memref_squeeze %dma_start3A_177 : memref<1x80xi32, #tpu.memory_space<vmem>> -> memref<80xi32, #tpu.memory_space<vmem>>
      %dma_start3A_179 = arith.constant 0 : i32
      %dma_start3A_180 = arith.constant 0 : i32
      %dma_start3A_181 = tpu.memref_slice %arg15[%dma_start3A_179, %dma_start3A_180] : memref<10240x64xf32, #tpu.memory_space<vmem_shared>> -> memref<10240x64xf32, #tpu.memory_space<vmem_shared>>
      tpu.enqueue_indirect_dma source(%dma_start3A_175 : memref<80x64xf32, #tpu.memory_space<vmem>>) target(%dma_start3A_181 : memref<10240x64xf32, #tpu.memory_space<vmem_shared>>) offsets(%dma_start3A_178 : memref<80xi32, #tpu.memory_space<vmem>>) semaphore(%arg20 : memref<!tpu.dma_semaphore, #tpu.memory_space<semaphore_mem>>) {add = true}
    }
    %scan3A_75 = arith.constant 250 : i32
    %dma_wait3A = arith.constant 0 : i32
    %dma_wait3A_76 = arith.constant 0 : i32
    %dma_wait3A_77 = arith.constant 0 : i32
    %dma_wait3A_78 = arith.constant 0 : i32
    %dma_wait3A_79 = tpu.memref_slice %arg14[%dma_wait3A, %dma_wait3A_77, %dma_wait3A_78] : memref<2x80x64xf32, #tpu.memory_space<vmem>> -> memref<1x80x64xf32, #tpu.memory_space<vmem>>
    %dma_wait3A_80 = tpu.memref_squeeze %dma_wait3A_79 : memref<1x80x64xf32, #tpu.memory_space<vmem>> -> memref<80x64xf32, #tpu.memory_space<vmem>>
    %dma_wait3A_81 = arith.constant 0 : i32
    %dma_wait3A_82 = tpu.memref_slice %arg9[%dma_wait3A_76, %dma_wait3A_81] : memref<4x80xi32, #tpu.memory_space<vmem>> -> memref<1x80xi32, #tpu.memory_space<vmem>>
    %dma_wait3A_83 = tpu.memref_squeeze %dma_wait3A_82 : memref<1x80xi32, #tpu.memory_space<vmem>> -> memref<80xi32, #tpu.memory_space<vmem>>
    %dma_wait3A_84 = arith.constant 0 : i32
    %dma_wait3A_85 = arith.constant 0 : i32
    %dma_wait3A_86 = tpu.memref_slice %arg15[%dma_wait3A_84, %dma_wait3A_85] : memref<10240x64xf32, #tpu.memory_space<vmem_shared>> -> memref<10240x64xf32, #tpu.memory_space<vmem_shared>>
    tpu.wait_indirect_dma semaphore(%arg20 : memref<!tpu.dma_semaphore, #tpu.memory_space<semaphore_mem>>) src(%dma_wait3A_80 : memref<80x64xf32, #tpu.memory_space<vmem>>) dst(%dma_wait3A_86 : memref<10240x64xf32, #tpu.memory_space<vmem_shared>>)
    %dma_wait3A_87 = arith.constant 1 : i32
    %dma_wait3A_88 = arith.constant 1 : i32
    %dma_wait3A_89 = arith.constant 0 : i32
    %dma_wait3A_90 = arith.constant 0 : i32
    %dma_wait3A_91 = tpu.memref_slice %arg14[%dma_wait3A_87, %dma_wait3A_89, %dma_wait3A_90] : memref<2x80x64xf32, #tpu.memory_space<vmem>> -> memref<1x80x64xf32, #tpu.memory_space<vmem>>
    %dma_wait3A_92 = tpu.memref_squeeze %dma_wait3A_91 : memref<1x80x64xf32, #tpu.memory_space<vmem>> -> memref<80x64xf32, #tpu.memory_space<vmem>>
    %dma_wait3A_93 = arith.constant 0 : i32
    %dma_wait3A_94 = tpu.memref_slice %arg9[%dma_wait3A_88, %dma_wait3A_93] : memref<4x80xi32, #tpu.memory_space<vmem>> -> memref<1x80xi32, #tpu.memory_space<vmem>>
    %dma_wait3A_95 = tpu.memref_squeeze %dma_wait3A_94 : memref<1x80xi32, #tpu.memory_space<vmem>> -> memref<80xi32, #tpu.memory_space<vmem>>
    %dma_wait3A_96 = arith.constant 0 : i32
    %dma_wait3A_97 = arith.constant 0 : i32
    %dma_wait3A_98 = tpu.memref_slice %arg15[%dma_wait3A_96, %dma_wait3A_97] : memref<10240x64xf32, #tpu.memory_space<vmem_shared>> -> memref<10240x64xf32, #tpu.memory_space<vmem_shared>>
    tpu.wait_indirect_dma semaphore(%arg20 : memref<!tpu.dma_semaphore, #tpu.memory_space<semaphore_mem>>) src(%dma_wait3A_92 : memref<80x64xf32, #tpu.memory_space<vmem>>) dst(%dma_wait3A_98 : memref<10240x64xf32, #tpu.memory_space<vmem_shared>>)
    %barrier3A_99 = arith.constant 0 : index
    tpu.barrier barrier_id(%barrier3A_99)
    "tpu.region"() ({
      %run_scoped3A_100 = tpu.sem_alloc : memref<!tpu.dma_semaphore, #tpu.memory_space<semaphore_mem>>
      %dma_start3A_101 = arith.constant 0 : i32
      %dma_start3A_102 = tpu.memref_slice %arg8[%arg0, %mul3A_2, %dma_start3A_101] : memref<2x10240x64xf32, #tpu.memory_space<hbm>> -> memref<1x640x64xf32, #tpu.memory_space<hbm>>
      %dma_start3A_103 = tpu.memref_squeeze %dma_start3A_102 : memref<1x640x64xf32, #tpu.memory_space<hbm>> -> memref<640x64xf32, #tpu.memory_space<hbm>>
      %dma_start3A_104 = arith.constant 0 : i32
      %dma_start3A_105 = tpu.memref_slice %arg15[%mul3A_2, %dma_start3A_104] : memref<10240x64xf32, #tpu.memory_space<vmem_shared>> -> memref<640x64xf32, #tpu.memory_space<vmem_shared>>
      tpu.enqueue_dma source(%dma_start3A_105 : memref<640x64xf32, #tpu.memory_space<vmem_shared>>) target(%dma_start3A_103 : memref<640x64xf32, #tpu.memory_space<hbm>>) target_semaphore(%run_scoped3A_100 : memref<!tpu.dma_semaphore, #tpu.memory_space<semaphore_mem>>)
      %dma_wait3A_106 = arith.constant 0 : i32
      %dma_wait3A_107 = tpu.memref_slice %arg8[%arg0, %mul3A_2, %dma_wait3A_106] : memref<2x10240x64xf32, #tpu.memory_space<hbm>> -> memref<1x640x64xf32, #tpu.memory_space<hbm>>
      %dma_wait3A_108 = tpu.memref_squeeze %dma_wait3A_107 : memref<1x640x64xf32, #tpu.memory_space<hbm>> -> memref<640x64xf32, #tpu.memory_space<hbm>>
      %dma_wait3A_109 = arith.constant 0 : i32
      %dma_wait3A_110 = tpu.memref_slice %arg15[%mul3A_2, %dma_wait3A_109] : memref<10240x64xf32, #tpu.memory_space<vmem_shared>> -> memref<640x64xf32, #tpu.memory_space<vmem_shared>>
      tpu.wait_dma2 semaphore(%run_scoped3A_100 : memref<!tpu.dma_semaphore, #tpu.memory_space<semaphore_mem>>) src(%dma_wait3A_110 : memref<640x64xf32, #tpu.memory_space<vmem_shared>>) dst(%dma_wait3A_108 : memref<640x64xf32, #tpu.memory_space<hbm>>)
      tpu.yield
    }) : () -> ()
    return
  }
}

#map = affine_map<(d0, d1) -> (0)>
#map1 = affine_map<(d0, d1) -> (0, 0, 0)>
#map2 = affine_map<(d0, d1) -> (0, 0)>
module attributes {stable_mosaic.version = 14 : i64} {
  func.func @_sc_layer_body(%arg0: i32, %arg1: i32, %arg2: memref<320000xi32, #tpu.memory_space<hbm>>, %arg3: memref<320000xi32, #tpu.memory_space<hbm>>, %arg4: memref<2x10000x128xf32, #tpu.memory_space<hbm>>, %arg5: memref<2x10000x128xf32, #tpu.memory_space<hbm>>, %arg6: memref<2x320000x128xf32, #tpu.memory_space<hbm>>, %arg7: memref<10240x64xf32, #tpu.memory_space<hbm>>, %arg8: memref<2x10240x64xf32, #tpu.memory_space<hbm>>, %arg9: memref<4x80xi32, #tpu.memory_space<vmem>>, %arg10: memref<4x80xi32, #tpu.memory_space<vmem>>, %arg11: memref<2x80x128xf32, #tpu.memory_space<vmem>>, %arg12: memref<2x80x128xf32, #tpu.memory_space<vmem>>, %arg13: memref<2x80x128xf32, #tpu.memory_space<vmem>>, %arg14: memref<2x80x64xf32, #tpu.memory_space<vmem>>, %arg15: memref<10240x64xf32, #tpu.memory_space<vmem_shared>>, %arg16: memref<!tpu.dma_semaphore, #tpu.memory_space<semaphore_mem>>, %arg17: memref<!tpu.dma_semaphore, #tpu.memory_space<semaphore_mem>>, %arg18: memref<!tpu.dma_semaphore, #tpu.memory_space<semaphore_mem>>, %arg19: memref<!tpu.dma_semaphore, #tpu.memory_space<semaphore_mem>>, %arg20: memref<!tpu.dma_semaphore, #tpu.memory_space<semaphore_mem>>) attributes {dimension_semantics = [#tpu.dimension_semantics<core_parallel>, #tpu.dimension_semantics<subcore_parallel>], iteration_bounds = array<i64: 2, 16>, scalar_prefetch = 0 : i64, scratch_operands = 12 : i64, tpu.core_type = #tpu.core_type<sc_vector_subcore>, window_params = [{transform_indices = #map}, {transform_indices = #map}, {transform_indices = #map1}, {transform_indices = #map1}, {transform_indices = #map1}, {transform_indices = #map2}, {transform_indices = #map1}]} {
    %mul3A = arith.constant 20000 : i32
    %mul3A_0 = arith.muli %arg1, %mul3A : i32
    %mul3A_1 = arith.constant 640 : i32
    %mul3A_2 = arith.muli %arg1, %mul3A_1 : i32
    "tpu.region"() ({
      %run_scoped3A_100 = tpu.sem_alloc : memref<!tpu.dma_semaphore, #tpu.memory_space<semaphore_mem>>
      %dma_start3A_101 = arith.constant 0 : i32
      %dma_start3A_102 = tpu.memref_slice %arg15[%mul3A_2, %dma_start3A_101] : memref<10240x64xf32, #tpu.memory_space<vmem_shared>> -> memref<640x64xf32, #tpu.memory_space<vmem_shared>>
      %dma_start3A_103 = arith.constant 0 : i32
      %dma_start3A_104 = tpu.memref_slice %arg7[%mul3A_2, %dma_start3A_103] : memref<10240x64xf32, #tpu.memory_space<hbm>> -> memref<640x64xf32, #tpu.memory_space<hbm>>
      tpu.enqueue_dma source(%dma_start3A_104 : memref<640x64xf32, #tpu.memory_space<hbm>>) target(%dma_start3A_102 : memref<640x64xf32, #tpu.memory_space<vmem_shared>>) target_semaphore(%run_scoped3A_100 : memref<!tpu.dma_semaphore, #tpu.memory_space<semaphore_mem>>)
      %dma_wait3A_105 = arith.constant 0 : i32
      %dma_wait3A_106 = tpu.memref_slice %arg15[%mul3A_2, %dma_wait3A_105] : memref<10240x64xf32, #tpu.memory_space<vmem_shared>> -> memref<640x64xf32, #tpu.memory_space<vmem_shared>>
      %dma_wait3A_107 = arith.constant 0 : i32
      %dma_wait3A_108 = tpu.memref_slice %arg7[%mul3A_2, %dma_wait3A_107] : memref<10240x64xf32, #tpu.memory_space<hbm>> -> memref<640x64xf32, #tpu.memory_space<hbm>>
      tpu.wait_dma2 semaphore(%run_scoped3A_100 : memref<!tpu.dma_semaphore, #tpu.memory_space<semaphore_mem>>) src(%dma_wait3A_108 : memref<640x64xf32, #tpu.memory_space<hbm>>) dst(%dma_wait3A_106 : memref<640x64xf32, #tpu.memory_space<vmem_shared>>)
      tpu.yield
    }) : () -> ()
    %barrier3A = arith.constant 0 : index
    tpu.barrier barrier_id(%barrier3A)
    %run_scoped3A = arith.constant 0 : i32
    "tpu.region"() ({
      %run_scoped3A_100 = tpu.sem_alloc : memref<!tpu.dma_semaphore, #tpu.memory_space<semaphore_mem>>
      %dma_start3A_101 = arith.constant 0 : i32
      %dma_start3A_102 = tpu.memref_slice %arg9[%run_scoped3A, %dma_start3A_101] : memref<4x80xi32, #tpu.memory_space<vmem>> -> memref<1x80xi32, #tpu.memory_space<vmem>>
      %dma_start3A_103 = tpu.memref_squeeze %dma_start3A_102 : memref<1x80xi32, #tpu.memory_space<vmem>> -> memref<80xi32, #tpu.memory_space<vmem>>
      %dma_start3A_104 = tpu.memref_slice %arg2[%mul3A_0] : memref<320000xi32, #tpu.memory_space<hbm>> -> memref<80xi32, #tpu.memory_space<hbm>>
      %dma_start3A_105 = arith.constant 0 : i32
      %dma_start3A_106 = tpu.memref_slice %arg9[%run_scoped3A, %dma_start3A_105] : memref<4x80xi32, #tpu.memory_space<vmem>> -> memref<1x80xi32, #tpu.memory_space<vmem>>
      %dma_start3A_107 = tpu.memref_squeeze %dma_start3A_106 : memref<1x80xi32, #tpu.memory_space<vmem>> -> memref<80xi32, #tpu.memory_space<vmem>>
      %dma_start3A_108 = tpu.memref_slice %arg2[%mul3A_0] : memref<320000xi32, #tpu.memory_space<hbm>> -> memref<80xi32, #tpu.memory_space<hbm>>
      tpu.enqueue_dma source(%dma_start3A_108 : memref<80xi32, #tpu.memory_space<hbm>>) target(%dma_start3A_107 : memref<80xi32, #tpu.memory_space<vmem>>) target_semaphore(%run_scoped3A_100 : memref<!tpu.dma_semaphore, #tpu.memory_space<semaphore_mem>>)
      %dma_wait3A_109 = arith.constant 0 : i32
      %dma_wait3A_110 = tpu.memref_slice %arg9[%run_scoped3A, %dma_wait3A_109] : memref<4x80xi32, #tpu.memory_space<vmem>> -> memref<1x80xi32, #tpu.memory_space<vmem>>
      %dma_wait3A_111 = tpu.memref_squeeze %dma_wait3A_110 : memref<1x80xi32, #tpu.memory_space<vmem>> -> memref<80xi32, #tpu.memory_space<vmem>>
      %dma_wait3A_112 = tpu.memref_slice %arg2[%mul3A_0] : memref<320000xi32, #tpu.memory_space<hbm>> -> memref<80xi32, #tpu.memory_space<hbm>>
      %dma_wait3A_113 = arith.constant 0 : i32
      %dma_wait3A_114 = tpu.memref_slice %arg9[%run_scoped3A, %dma_wait3A_113] : memref<4x80xi32, #tpu.memory_space<vmem>> -> memref<1x80xi32, #tpu.memory_space<vmem>>
      %dma_wait3A_115 = tpu.memref_squeeze %dma_wait3A_114 : memref<1x80xi32, #tpu.memory_space<vmem>> -> memref<80xi32, #tpu.memory_space<vmem>>
      %dma_wait3A_116 = tpu.memref_slice %arg2[%mul3A_0] : memref<320000xi32, #tpu.memory_space<hbm>> -> memref<80xi32, #tpu.memory_space<hbm>>
      tpu.wait_dma2 semaphore(%run_scoped3A_100 : memref<!tpu.dma_semaphore, #tpu.memory_space<semaphore_mem>>) src(%dma_wait3A_116 : memref<80xi32, #tpu.memory_space<hbm>>) dst(%dma_wait3A_115 : memref<80xi32, #tpu.memory_space<vmem>>)
      tpu.yield
    }) : () -> ()
    %run_scoped3A_3 = arith.constant 0 : i32
    "tpu.region"() ({
      %run_scoped3A_100 = tpu.sem_alloc : memref<!tpu.dma_semaphore, #tpu.memory_space<semaphore_mem>>
      %dma_start3A_101 = arith.constant 0 : i32
      %dma_start3A_102 = tpu.memref_slice %arg10[%run_scoped3A_3, %dma_start3A_101] : memref<4x80xi32, #tpu.memory_space<vmem>> -> memref<1x80xi32, #tpu.memory_space<vmem>>
      %dma_start3A_103 = tpu.memref_squeeze %dma_start3A_102 : memref<1x80xi32, #tpu.memory_space<vmem>> -> memref<80xi32, #tpu.memory_space<vmem>>
      %dma_start3A_104 = tpu.memref_slice %arg3[%mul3A_0] : memref<320000xi32, #tpu.memory_space<hbm>> -> memref<80xi32, #tpu.memory_space<hbm>>
      %dma_start3A_105 = arith.constant 0 : i32
      %dma_start3A_106 = tpu.memref_slice %arg10[%run_scoped3A_3, %dma_start3A_105] : memref<4x80xi32, #tpu.memory_space<vmem>> -> memref<1x80xi32, #tpu.memory_space<vmem>>
      %dma_start3A_107 = tpu.memref_squeeze %dma_start3A_106 : memref<1x80xi32, #tpu.memory_space<vmem>> -> memref<80xi32, #tpu.memory_space<vmem>>
      %dma_start3A_108 = tpu.memref_slice %arg3[%mul3A_0] : memref<320000xi32, #tpu.memory_space<hbm>> -> memref<80xi32, #tpu.memory_space<hbm>>
      tpu.enqueue_dma source(%dma_start3A_108 : memref<80xi32, #tpu.memory_space<hbm>>) target(%dma_start3A_107 : memref<80xi32, #tpu.memory_space<vmem>>) target_semaphore(%run_scoped3A_100 : memref<!tpu.dma_semaphore, #tpu.memory_space<semaphore_mem>>)
      %dma_wait3A_109 = arith.constant 0 : i32
      %dma_wait3A_110 = tpu.memref_slice %arg10[%run_scoped3A_3, %dma_wait3A_109] : memref<4x80xi32, #tpu.memory_space<vmem>> -> memref<1x80xi32, #tpu.memory_space<vmem>>
      %dma_wait3A_111 = tpu.memref_squeeze %dma_wait3A_110 : memref<1x80xi32, #tpu.memory_space<vmem>> -> memref<80xi32, #tpu.memory_space<vmem>>
      %dma_wait3A_112 = tpu.memref_slice %arg3[%mul3A_0] : memref<320000xi32, #tpu.memory_space<hbm>> -> memref<80xi32, #tpu.memory_space<hbm>>
      %dma_wait3A_113 = arith.constant 0 : i32
      %dma_wait3A_114 = tpu.memref_slice %arg10[%run_scoped3A_3, %dma_wait3A_113] : memref<4x80xi32, #tpu.memory_space<vmem>> -> memref<1x80xi32, #tpu.memory_space<vmem>>
      %dma_wait3A_115 = tpu.memref_squeeze %dma_wait3A_114 : memref<1x80xi32, #tpu.memory_space<vmem>> -> memref<80xi32, #tpu.memory_space<vmem>>
      %dma_wait3A_116 = tpu.memref_slice %arg3[%mul3A_0] : memref<320000xi32, #tpu.memory_space<hbm>> -> memref<80xi32, #tpu.memory_space<hbm>>
      tpu.wait_dma2 semaphore(%run_scoped3A_100 : memref<!tpu.dma_semaphore, #tpu.memory_space<semaphore_mem>>) src(%dma_wait3A_116 : memref<80xi32, #tpu.memory_space<hbm>>) dst(%dma_wait3A_115 : memref<80xi32, #tpu.memory_space<vmem>>)
      tpu.yield
    }) : () -> ()
    %add3A = arith.constant 0 : i32
    %add3A_4 = arith.addi %mul3A_0, %add3A : i32
    %dma_start3A = arith.constant 0 : i32
    %dma_start3A_5 = arith.constant 0 : i32
    %dma_start3A_6 = arith.constant 0 : i32
    %dma_start3A_7 = arith.constant 0 : i32
    %dma_start3A_8 = tpu.memref_slice %arg11[%dma_start3A_5, %dma_start3A_6, %dma_start3A_7] : memref<2x80x128xf32, #tpu.memory_space<vmem>> -> memref<1x80x128xf32, #tpu.memory_space<vmem>>
    %dma_start3A_9 = tpu.memref_squeeze %dma_start3A_8 : memref<1x80x128xf32, #tpu.memory_space<vmem>> -> memref<80x128xf32, #tpu.memory_space<vmem>>
    %dma_start3A_10 = arith.constant 0 : i32
    %dma_start3A_11 = tpu.memref_slice %arg9[%dma_start3A, %dma_start3A_10] : memref<4x80xi32, #tpu.memory_space<vmem>> -> memref<1x80xi32, #tpu.memory_space<vmem>>
    %dma_start3A_12 = tpu.memref_squeeze %dma_start3A_11 : memref<1x80xi32, #tpu.memory_space<vmem>> -> memref<80xi32, #tpu.memory_space<vmem>>
    %dma_start3A_13 = arith.constant 0 : i32
    %dma_start3A_14 = arith.constant 0 : i32
    %dma_start3A_15 = tpu.memref_slice %arg4[%arg0, %dma_start3A_13, %dma_start3A_14] : memref<2x10000x128xf32, #tpu.memory_space<hbm>> -> memref<1x10000x128xf32, #tpu.memory_space<hbm>>
    %dma_start3A_16 = tpu.memref_squeeze %dma_start3A_15 : memref<1x10000x128xf32, #tpu.memory_space<hbm>> -> memref<10000x128xf32, #tpu.memory_space<hbm>>
    %dma_start3A_17 = arith.constant 0 : i32
    %dma_start3A_18 = arith.constant 0 : i32
    %dma_start3A_19 = tpu.memref_slice %dma_start3A_16[%dma_start3A_17, %dma_start3A_18] : memref<10000x128xf32, #tpu.memory_space<hbm>> -> memref<10000x128xf32, #tpu.memory_space<hbm>>
    tpu.enqueue_indirect_dma source(%dma_start3A_19 : memref<10000x128xf32, #tpu.memory_space<hbm>>) target(%dma_start3A_9 : memref<80x128xf32, #tpu.memory_space<vmem>>) offsets(%dma_start3A_12 : memref<80xi32, #tpu.memory_space<vmem>>) semaphore(%arg16 : memref<!tpu.dma_semaphore, #tpu.memory_space<semaphore_mem>>)
    %dma_start3A_20 = arith.constant 0 : i32
    %dma_start3A_21 = arith.constant 0 : i32
    %dma_start3A_22 = arith.constant 0 : i32
    %dma_start3A_23 = arith.constant 0 : i32
    %dma_start3A_24 = tpu.memref_slice %arg12[%dma_start3A_21, %dma_start3A_22, %dma_start3A_23] : memref<2x80x128xf32, #tpu.memory_space<vmem>> -> memref<1x80x128xf32, #tpu.memory_space<vmem>>
    %dma_start3A_25 = tpu.memref_squeeze %dma_start3A_24 : memref<1x80x128xf32, #tpu.memory_space<vmem>> -> memref<80x128xf32, #tpu.memory_space<vmem>>
    %dma_start3A_26 = arith.constant 0 : i32
    %dma_start3A_27 = tpu.memref_slice %arg10[%dma_start3A_20, %dma_start3A_26] : memref<4x80xi32, #tpu.memory_space<vmem>> -> memref<1x80xi32, #tpu.memory_space<vmem>>
    %dma_start3A_28 = tpu.memref_squeeze %dma_start3A_27 : memref<1x80xi32, #tpu.memory_space<vmem>> -> memref<80xi32, #tpu.memory_space<vmem>>
    %dma_start3A_29 = arith.constant 0 : i32
    %dma_start3A_30 = arith.constant 0 : i32
    %dma_start3A_31 = tpu.memref_slice %arg5[%arg0, %dma_start3A_29, %dma_start3A_30] : memref<2x10000x128xf32, #tpu.memory_space<hbm>> -> memref<1x10000x128xf32, #tpu.memory_space<hbm>>
    %dma_start3A_32 = tpu.memref_squeeze %dma_start3A_31 : memref<1x10000x128xf32, #tpu.memory_space<hbm>> -> memref<10000x128xf32, #tpu.memory_space<hbm>>
    %dma_start3A_33 = arith.constant 0 : i32
    %dma_start3A_34 = arith.constant 0 : i32
    %dma_start3A_35 = tpu.memref_slice %dma_start3A_32[%dma_start3A_33, %dma_start3A_34] : memref<10000x128xf32, #tpu.memory_space<hbm>> -> memref<10000x128xf32, #tpu.memory_space<hbm>>
    tpu.enqueue_indirect_dma source(%dma_start3A_35 : memref<10000x128xf32, #tpu.memory_space<hbm>>) target(%dma_start3A_25 : memref<80x128xf32, #tpu.memory_space<vmem>>) offsets(%dma_start3A_28 : memref<80xi32, #tpu.memory_space<vmem>>) semaphore(%arg17 : memref<!tpu.dma_semaphore, #tpu.memory_space<semaphore_mem>>)
    %dma_start3A_36 = arith.constant 0 : i32
    %dma_start3A_37 = arith.constant 0 : i32
    %dma_start3A_38 = arith.constant 0 : i32
    %dma_start3A_39 = tpu.memref_slice %arg13[%dma_start3A_36, %dma_start3A_37, %dma_start3A_38] : memref<2x80x128xf32, #tpu.memory_space<vmem>> -> memref<1x80x128xf32, #tpu.memory_space<vmem>>
    %dma_start3A_40 = tpu.memref_squeeze %dma_start3A_39 : memref<1x80x128xf32, #tpu.memory_space<vmem>> -> memref<80x128xf32, #tpu.memory_space<vmem>>
    %dma_start3A_41 = arith.constant 0 : i32
    %dma_start3A_42 = tpu.memref_slice %arg6[%arg0, %add3A_4, %dma_start3A_41] : memref<2x320000x128xf32, #tpu.memory_space<hbm>> -> memref<1x80x128xf32, #tpu.memory_space<hbm>>
    %dma_start3A_43 = tpu.memref_squeeze %dma_start3A_42 : memref<1x80x128xf32, #tpu.memory_space<hbm>> -> memref<80x128xf32, #tpu.memory_space<hbm>>
    %dma_start3A_44 = arith.constant 0 : i32
    %dma_start3A_45 = arith.constant 0 : i32
    %dma_start3A_46 = tpu.memref_slice %arg13[%dma_start3A_36, %dma_start3A_44, %dma_start3A_45] : memref<2x80x128xf32, #tpu.memory_space<vmem>> -> memref<1x80x128xf32, #tpu.memory_space<vmem>>
    %dma_start3A_47 = tpu.memref_squeeze %dma_start3A_46 : memref<1x80x128xf32, #tpu.memory_space<vmem>> -> memref<80x128xf32, #tpu.memory_space<vmem>>
    %dma_start3A_48 = arith.constant 0 : i32
    %dma_start3A_49 = tpu.memref_slice %arg6[%arg0, %add3A_4, %dma_start3A_48] : memref<2x320000x128xf32, #tpu.memory_space<hbm>> -> memref<1x80x128xf32, #tpu.memory_space<hbm>>
    %dma_start3A_50 = tpu.memref_squeeze %dma_start3A_49 : memref<1x80x128xf32, #tpu.memory_space<hbm>> -> memref<80x128xf32, #tpu.memory_space<hbm>>
    tpu.enqueue_dma source(%dma_start3A_50 : memref<80x128xf32, #tpu.memory_space<hbm>>) target(%dma_start3A_47 : memref<80x128xf32, #tpu.memory_space<vmem>>) target_semaphore(%arg18 : memref<!tpu.dma_semaphore, #tpu.memory_space<semaphore_mem>>)
    %add3A_51 = arith.constant 80 : i32
    %add3A_52 = arith.addi %mul3A_0, %add3A_51 : i32
    %dma_start3A_53 = arith.constant 1 : i32
    %dma_start3A_54 = arith.constant 0 : i32
    %dma_start3A_55 = tpu.memref_slice %arg9[%dma_start3A_53, %dma_start3A_54] : memref<4x80xi32, #tpu.memory_space<vmem>> -> memref<1x80xi32, #tpu.memory_space<vmem>>
    %dma_start3A_56 = tpu.memref_squeeze %dma_start3A_55 : memref<1x80xi32, #tpu.memory_space<vmem>> -> memref<80xi32, #tpu.memory_space<vmem>>
    %dma_start3A_57 = tpu.memref_slice %arg2[%add3A_52] : memref<320000xi32, #tpu.memory_space<hbm>> -> memref<80xi32, #tpu.memory_space<hbm>>
    %dma_start3A_58 = arith.constant 0 : i32
    %dma_start3A_59 = tpu.memref_slice %arg9[%dma_start3A_53, %dma_start3A_58] : memref<4x80xi32, #tpu.memory_space<vmem>> -> memref<1x80xi32, #tpu.memory_space<vmem>>
    %dma_start3A_60 = tpu.memref_squeeze %dma_start3A_59 : memref<1x80xi32, #tpu.memory_space<vmem>> -> memref<80xi32, #tpu.memory_space<vmem>>
    %dma_start3A_61 = tpu.memref_slice %arg2[%add3A_52] : memref<320000xi32, #tpu.memory_space<hbm>> -> memref<80xi32, #tpu.memory_space<hbm>>
    tpu.enqueue_dma source(%dma_start3A_61 : memref<80xi32, #tpu.memory_space<hbm>>) target(%dma_start3A_60 : memref<80xi32, #tpu.memory_space<vmem>>) target_semaphore(%arg19 : memref<!tpu.dma_semaphore, #tpu.memory_space<semaphore_mem>>)
    %dma_start3A_62 = arith.constant 1 : i32
    %dma_start3A_63 = arith.constant 0 : i32
    %dma_start3A_64 = tpu.memref_slice %arg10[%dma_start3A_62, %dma_start3A_63] : memref<4x80xi32, #tpu.memory_space<vmem>> -> memref<1x80xi32, #tpu.memory_space<vmem>>
    %dma_start3A_65 = tpu.memref_squeeze %dma_start3A_64 : memref<1x80xi32, #tpu.memory_space<vmem>> -> memref<80xi32, #tpu.memory_space<vmem>>
    %dma_start3A_66 = tpu.memref_slice %arg3[%add3A_52] : memref<320000xi32, #tpu.memory_space<hbm>> -> memref<80xi32, #tpu.memory_space<hbm>>
    %dma_start3A_67 = arith.constant 0 : i32
    %dma_start3A_68 = tpu.memref_slice %arg10[%dma_start3A_62, %dma_start3A_67] : memref<4x80xi32, #tpu.memory_space<vmem>> -> memref<1x80xi32, #tpu.memory_space<vmem>>
    %dma_start3A_69 = tpu.memref_squeeze %dma_start3A_68 : memref<1x80xi32, #tpu.memory_space<vmem>> -> memref<80xi32, #tpu.memory_space<vmem>>
    %dma_start3A_70 = tpu.memref_slice %arg3[%add3A_52] : memref<320000xi32, #tpu.memory_space<hbm>> -> memref<80xi32, #tpu.memory_space<hbm>>
    tpu.enqueue_dma source(%dma_start3A_70 : memref<80xi32, #tpu.memory_space<hbm>>) target(%dma_start3A_69 : memref<80xi32, #tpu.memory_space<vmem>>) target_semaphore(%arg19 : memref<!tpu.dma_semaphore, #tpu.memory_space<semaphore_mem>>)
    %scan3A = arith.constant 0 : i32
    %scan3A_71 = arith.constant 0 : i32
    %scan3A_72 = arith.constant 250 : i32
    %scan3A_73 = arith.addi %scan3A_71, %scan3A_72 : i32
    %scan3A_74 = arith.constant 1 : i32
    scf.for %scan3A_100 = %scan3A_71 to %scan3A_73 step %scan3A_74  : i32 {
      %and3A = arith.constant 1 : i32
      %and3A_101 = arith.andi %scan3A_100, %and3A : i32
      %sub3A = arith.constant 1 : i32
      %sub3A_102 = arith.subi %sub3A, %and3A_101 : i32
      %and3A_103 = arith.constant 3 : i32
      %and3A_104 = arith.andi %scan3A_100, %and3A_103 : i32
      %add3A_105 = arith.constant 1 : i32
      %add3A_106 = arith.addi %scan3A_100, %add3A_105 : i32
      %and3A_107 = arith.constant 3 : i32
      %and3A_108 = arith.andi %add3A_106, %and3A_107 : i32
      %add3A_109 = arith.constant 2 : i32
      %add3A_110 = arith.addi %scan3A_100, %add3A_109 : i32
      %and3A_111 = arith.constant 3 : i32
      %and3A_112 = arith.andi %add3A_110, %and3A_111 : i32
      %ge3A = arith.constant 2 : i32
      %ge3A_113 = arith.cmpi sge, %scan3A_100, %ge3A : i32
      %convert_element_type3A = arith.extui %ge3A_113 : i1 to i32
      %cond3A = arith.constant 0 : i32
      %cond3A_114 = arith.cmpi ne, %convert_element_type3A, %cond3A : i32
      scf.if %cond3A_114 {
        %dma_wait3A_182 = arith.constant 0 : i32
        %dma_wait3A_183 = arith.constant 0 : i32
        %dma_wait3A_184 = tpu.memref_slice %arg14[%and3A_101, %dma_wait3A_182, %dma_wait3A_183] : memref<2x80x64xf32, #tpu.memory_space<vmem>> -> memref<1x80x64xf32, #tpu.memory_space<vmem>>
        %dma_wait3A_185 = tpu.memref_squeeze %dma_wait3A_184 : memref<1x80x64xf32, #tpu.memory_space<vmem>> -> memref<80x64xf32, #tpu.memory_space<vmem>>
        %dma_wait3A_186 = arith.constant 0 : i32
        %dma_wait3A_187 = tpu.memref_slice %arg9[%and3A_104, %dma_wait3A_186] : memref<4x80xi32, #tpu.memory_space<vmem>> -> memref<1x80xi32, #tpu.memory_space<vmem>>
        %dma_wait3A_188 = tpu.memref_squeeze %dma_wait3A_187 : memref<1x80xi32, #tpu.memory_space<vmem>> -> memref<80xi32, #tpu.memory_space<vmem>>
        %dma_wait3A_189 = arith.constant 0 : i32
        %dma_wait3A_190 = arith.constant 0 : i32
        %dma_wait3A_191 = tpu.memref_slice %arg15[%dma_wait3A_189, %dma_wait3A_190] : memref<10240x64xf32, #tpu.memory_space<vmem_shared>> -> memref<10240x64xf32, #tpu.memory_space<vmem_shared>>
        tpu.wait_indirect_dma semaphore(%arg20 : memref<!tpu.dma_semaphore, #tpu.memory_space<semaphore_mem>>) src(%dma_wait3A_185 : memref<80x64xf32, #tpu.memory_space<vmem>>) dst(%dma_wait3A_191 : memref<10240x64xf32, #tpu.memory_space<vmem_shared>>)
      } else {
      }
      %add3A_115 = arith.constant 1 : i32
      %add3A_116 = arith.addi %scan3A_100, %add3A_115 : i32
      %lt3A = arith.constant 250 : i32
      %lt3A_117 = arith.cmpi slt, %add3A_116, %lt3A : i32
      %convert_element_type3A_118 = arith.extui %lt3A_117 : i1 to i32
      %cond3A_119 = arith.constant 0 : i32
      %cond3A_120 = arith.cmpi ne, %convert_element_type3A_118, %cond3A_119 : i32
      scf.if %cond3A_120 {
        %dma_wait3A_182 = arith.constant 0 : i32
        %dma_wait3A_183 = tpu.memref_slice %arg9[%and3A_108, %dma_wait3A_182] : memref<4x80xi32, #tpu.memory_space<vmem>> -> memref<1x80xi32, #tpu.memory_space<vmem>>
        %dma_wait3A_184 = tpu.memref_squeeze %dma_wait3A_183 : memref<1x80xi32, #tpu.memory_space<vmem>> -> memref<80xi32, #tpu.memory_space<vmem>>
        %dma_wait3A_185 = tpu.memref_slice %arg2[%mul3A_0] : memref<320000xi32, #tpu.memory_space<hbm>> -> memref<80xi32, #tpu.memory_space<hbm>>
        %dma_wait3A_186 = arith.constant 0 : i32
        %dma_wait3A_187 = tpu.memref_slice %arg9[%and3A_108, %dma_wait3A_186] : memref<4x80xi32, #tpu.memory_space<vmem>> -> memref<1x80xi32, #tpu.memory_space<vmem>>
        %dma_wait3A_188 = tpu.memref_squeeze %dma_wait3A_187 : memref<1x80xi32, #tpu.memory_space<vmem>> -> memref<80xi32, #tpu.memory_space<vmem>>
        %dma_wait3A_189 = tpu.memref_slice %arg2[%mul3A_0] : memref<320000xi32, #tpu.memory_space<hbm>> -> memref<80xi32, #tpu.memory_space<hbm>>
        tpu.wait_dma2 semaphore(%arg19 : memref<!tpu.dma_semaphore, #tpu.memory_space<semaphore_mem>>) src(%dma_wait3A_189 : memref<80xi32, #tpu.memory_space<hbm>>) dst(%dma_wait3A_188 : memref<80xi32, #tpu.memory_space<vmem>>)
        %dma_wait3A_190 = arith.constant 0 : i32
        %dma_wait3A_191 = tpu.memref_slice %arg10[%and3A_108, %dma_wait3A_190] : memref<4x80xi32, #tpu.memory_space<vmem>> -> memref<1x80xi32, #tpu.memory_space<vmem>>
        %dma_wait3A_192 = tpu.memref_squeeze %dma_wait3A_191 : memref<1x80xi32, #tpu.memory_space<vmem>> -> memref<80xi32, #tpu.memory_space<vmem>>
        %dma_wait3A_193 = tpu.memref_slice %arg3[%mul3A_0] : memref<320000xi32, #tpu.memory_space<hbm>> -> memref<80xi32, #tpu.memory_space<hbm>>
        %dma_wait3A_194 = arith.constant 0 : i32
        %dma_wait3A_195 = tpu.memref_slice %arg10[%and3A_108, %dma_wait3A_194] : memref<4x80xi32, #tpu.memory_space<vmem>> -> memref<1x80xi32, #tpu.memory_space<vmem>>
        %dma_wait3A_196 = tpu.memref_squeeze %dma_wait3A_195 : memref<1x80xi32, #tpu.memory_space<vmem>> -> memref<80xi32, #tpu.memory_space<vmem>>
        %dma_wait3A_197 = tpu.memref_slice %arg3[%mul3A_0] : memref<320000xi32, #tpu.memory_space<hbm>> -> memref<80xi32, #tpu.memory_space<hbm>>
        tpu.wait_dma2 semaphore(%arg19 : memref<!tpu.dma_semaphore, #tpu.memory_space<semaphore_mem>>) src(%dma_wait3A_197 : memref<80xi32, #tpu.memory_space<hbm>>) dst(%dma_wait3A_196 : memref<80xi32, #tpu.memory_space<vmem>>)
        %add3A_198 = arith.constant 1 : i32
        %add3A_199 = arith.addi %scan3A_100, %add3A_198 : i32
        %mul3A_200 = arith.constant 80 : i32
        %mul3A_201 = arith.muli %add3A_199, %mul3A_200 : i32
        %add3A_202 = arith.addi %mul3A_0, %mul3A_201 : i32
        %dma_start3A_203 = arith.constant 0 : i32
        %dma_start3A_204 = arith.constant 0 : i32
        %dma_start3A_205 = tpu.memref_slice %arg11[%sub3A_102, %dma_start3A_203, %dma_start3A_204] : memref<2x80x128xf32, #tpu.memory_space<vmem>> -> memref<1x80x128xf32, #tpu.memory_space<vmem>>
        %dma_start3A_206 = tpu.memref_squeeze %dma_start3A_205 : memref<1x80x128xf32, #tpu.memory_space<vmem>> -> memref<80x128xf32, #tpu.memory_space<vmem>>
        %dma_start3A_207 = arith.constant 0 : i32
        %dma_start3A_208 = tpu.memref_slice %arg9[%and3A_108, %dma_start3A_207] : memref<4x80xi32, #tpu.memory_space<vmem>> -> memref<1x80xi32, #tpu.memory_space<vmem>>
        %dma_start3A_209 = tpu.memref_squeeze %dma_start3A_208 : memref<1x80xi32, #tpu.memory_space<vmem>> -> memref<80xi32, #tpu.memory_space<vmem>>
        %dma_start3A_210 = arith.constant 0 : i32
        %dma_start3A_211 = arith.constant 0 : i32
        %dma_start3A_212 = tpu.memref_slice %arg4[%arg0, %dma_start3A_210, %dma_start3A_211] : memref<2x10000x128xf32, #tpu.memory_space<hbm>> -> memref<1x10000x128xf32, #tpu.memory_space<hbm>>
        %dma_start3A_213 = tpu.memref_squeeze %dma_start3A_212 : memref<1x10000x128xf32, #tpu.memory_space<hbm>> -> memref<10000x128xf32, #tpu.memory_space<hbm>>
        %dma_start3A_214 = arith.constant 0 : i32
        %dma_start3A_215 = arith.constant 0 : i32
        %dma_start3A_216 = tpu.memref_slice %dma_start3A_213[%dma_start3A_214, %dma_start3A_215] : memref<10000x128xf32, #tpu.memory_space<hbm>> -> memref<10000x128xf32, #tpu.memory_space<hbm>>
        tpu.enqueue_indirect_dma source(%dma_start3A_216 : memref<10000x128xf32, #tpu.memory_space<hbm>>) target(%dma_start3A_206 : memref<80x128xf32, #tpu.memory_space<vmem>>) offsets(%dma_start3A_209 : memref<80xi32, #tpu.memory_space<vmem>>) semaphore(%arg16 : memref<!tpu.dma_semaphore, #tpu.memory_space<semaphore_mem>>)
        %dma_start3A_217 = arith.constant 0 : i32
        %dma_start3A_218 = arith.constant 0 : i32
        %dma_start3A_219 = tpu.memref_slice %arg12[%sub3A_102, %dma_start3A_217, %dma_start3A_218] : memref<2x80x128xf32, #tpu.memory_space<vmem>> -> memref<1x80x128xf32, #tpu.memory_space<vmem>>
        %dma_start3A_220 = tpu.memref_squeeze %dma_start3A_219 : memref<1x80x128xf32, #tpu.memory_space<vmem>> -> memref<80x128xf32, #tpu.memory_space<vmem>>
        %dma_start3A_221 = arith.constant 0 : i32
        %dma_start3A_222 = tpu.memref_slice %arg10[%and3A_108, %dma_start3A_221] : memref<4x80xi32, #tpu.memory_space<vmem>> -> memref<1x80xi32, #tpu.memory_space<vmem>>
        %dma_start3A_223 = tpu.memref_squeeze %dma_start3A_222 : memref<1x80xi32, #tpu.memory_space<vmem>> -> memref<80xi32, #tpu.memory_space<vmem>>
        %dma_start3A_224 = arith.constant 0 : i32
        %dma_start3A_225 = arith.constant 0 : i32
        %dma_start3A_226 = tpu.memref_slice %arg5[%arg0, %dma_start3A_224, %dma_start3A_225] : memref<2x10000x128xf32, #tpu.memory_space<hbm>> -> memref<1x10000x128xf32, #tpu.memory_space<hbm>>
        %dma_start3A_227 = tpu.memref_squeeze %dma_start3A_226 : memref<1x10000x128xf32, #tpu.memory_space<hbm>> -> memref<10000x128xf32, #tpu.memory_space<hbm>>
        %dma_start3A_228 = arith.constant 0 : i32
        %dma_start3A_229 = arith.constant 0 : i32
        %dma_start3A_230 = tpu.memref_slice %dma_start3A_227[%dma_start3A_228, %dma_start3A_229] : memref<10000x128xf32, #tpu.memory_space<hbm>> -> memref<10000x128xf32, #tpu.memory_space<hbm>>
        tpu.enqueue_indirect_dma source(%dma_start3A_230 : memref<10000x128xf32, #tpu.memory_space<hbm>>) target(%dma_start3A_220 : memref<80x128xf32, #tpu.memory_space<vmem>>) offsets(%dma_start3A_223 : memref<80xi32, #tpu.memory_space<vmem>>) semaphore(%arg17 : memref<!tpu.dma_semaphore, #tpu.memory_space<semaphore_mem>>)
        %dma_start3A_231 = arith.constant 0 : i32
        %dma_start3A_232 = arith.constant 0 : i32
        %dma_start3A_233 = tpu.memref_slice %arg13[%sub3A_102, %dma_start3A_231, %dma_start3A_232] : memref<2x80x128xf32, #tpu.memory_space<vmem>> -> memref<1x80x128xf32, #tpu.memory_space<vmem>>
        %dma_start3A_234 = tpu.memref_squeeze %dma_start3A_233 : memref<1x80x128xf32, #tpu.memory_space<vmem>> -> memref<80x128xf32, #tpu.memory_space<vmem>>
        %dma_start3A_235 = arith.constant 0 : i32
        %dma_start3A_236 = tpu.memref_slice %arg6[%arg0, %add3A_202, %dma_start3A_235] : memref<2x320000x128xf32, #tpu.memory_space<hbm>> -> memref<1x80x128xf32, #tpu.memory_space<hbm>>
        %dma_start3A_237 = tpu.memref_squeeze %dma_start3A_236 : memref<1x80x128xf32, #tpu.memory_space<hbm>> -> memref<80x128xf32, #tpu.memory_space<hbm>>
        %dma_start3A_238 = arith.constant 0 : i32
        %dma_start3A_239 = arith.constant 0 : i32
        %dma_start3A_240 = tpu.memref_slice %arg13[%sub3A_102, %dma_start3A_238, %dma_start3A_239] : memref<2x80x128xf32, #tpu.memory_space<vmem>> -> memref<1x80x128xf32, #tpu.memory_space<vmem>>
        %dma_start3A_241 = tpu.memref_squeeze %dma_start3A_240 : memref<1x80x128xf32, #tpu.memory_space<vmem>> -> memref<80x128xf32, #tpu.memory_space<vmem>>
        %dma_start3A_242 = arith.constant 0 : i32
        %dma_start3A_243 = tpu.memref_slice %arg6[%arg0, %add3A_202, %dma_start3A_242] : memref<2x320000x128xf32, #tpu.memory_space<hbm>> -> memref<1x80x128xf32, #tpu.memory_space<hbm>>
        %dma_start3A_244 = tpu.memref_squeeze %dma_start3A_243 : memref<1x80x128xf32, #tpu.memory_space<hbm>> -> memref<80x128xf32, #tpu.memory_space<hbm>>
        tpu.enqueue_dma source(%dma_start3A_244 : memref<80x128xf32, #tpu.memory_space<hbm>>) target(%dma_start3A_241 : memref<80x128xf32, #tpu.memory_space<vmem>>) target_semaphore(%arg18 : memref<!tpu.dma_semaphore, #tpu.memory_space<semaphore_mem>>)
      } else {
      }
      %add3A_121 = arith.constant 2 : i32
      %add3A_122 = arith.addi %scan3A_100, %add3A_121 : i32
      %lt3A_123 = arith.constant 250 : i32
      %lt3A_124 = arith.cmpi slt, %add3A_122, %lt3A_123 : i32
      %convert_element_type3A_125 = arith.extui %lt3A_124 : i1 to i32
      %cond3A_126 = arith.constant 0 : i32
      %cond3A_127 = arith.cmpi ne, %convert_element_type3A_125, %cond3A_126 : i32
      scf.if %cond3A_127 {
        %add3A_182 = arith.constant 2 : i32
        %add3A_183 = arith.addi %scan3A_100, %add3A_182 : i32
        %mul3A_184 = arith.constant 80 : i32
        %mul3A_185 = arith.muli %add3A_183, %mul3A_184 : i32
        %add3A_186 = arith.addi %mul3A_0, %mul3A_185 : i32
        %dma_start3A_187 = arith.constant 0 : i32
        %dma_start3A_188 = tpu.memref_slice %arg9[%and3A_112, %dma_start3A_187] : memref<4x80xi32, #tpu.memory_space<vmem>> -> memref<1x80xi32, #tpu.memory_space<vmem>>
        %dma_start3A_189 = tpu.memref_squeeze %dma_start3A_188 : memref<1x80xi32, #tpu.memory_space<vmem>> -> memref<80xi32, #tpu.memory_space<vmem>>
        %dma_start3A_190 = tpu.memref_slice %arg2[%add3A_186] : memref<320000xi32, #tpu.memory_space<hbm>> -> memref<80xi32, #tpu.memory_space<hbm>>
        %dma_start3A_191 = arith.constant 0 : i32
        %dma_start3A_192 = tpu.memref_slice %arg9[%and3A_112, %dma_start3A_191] : memref<4x80xi32, #tpu.memory_space<vmem>> -> memref<1x80xi32, #tpu.memory_space<vmem>>
        %dma_start3A_193 = tpu.memref_squeeze %dma_start3A_192 : memref<1x80xi32, #tpu.memory_space<vmem>> -> memref<80xi32, #tpu.memory_space<vmem>>
        %dma_start3A_194 = tpu.memref_slice %arg2[%add3A_186] : memref<320000xi32, #tpu.memory_space<hbm>> -> memref<80xi32, #tpu.memory_space<hbm>>
        tpu.enqueue_dma source(%dma_start3A_194 : memref<80xi32, #tpu.memory_space<hbm>>) target(%dma_start3A_193 : memref<80xi32, #tpu.memory_space<vmem>>) target_semaphore(%arg19 : memref<!tpu.dma_semaphore, #tpu.memory_space<semaphore_mem>>)
        %dma_start3A_195 = arith.constant 0 : i32
        %dma_start3A_196 = tpu.memref_slice %arg10[%and3A_112, %dma_start3A_195] : memref<4x80xi32, #tpu.memory_space<vmem>> -> memref<1x80xi32, #tpu.memory_space<vmem>>
        %dma_start3A_197 = tpu.memref_squeeze %dma_start3A_196 : memref<1x80xi32, #tpu.memory_space<vmem>> -> memref<80xi32, #tpu.memory_space<vmem>>
        %dma_start3A_198 = tpu.memref_slice %arg3[%add3A_186] : memref<320000xi32, #tpu.memory_space<hbm>> -> memref<80xi32, #tpu.memory_space<hbm>>
        %dma_start3A_199 = arith.constant 0 : i32
        %dma_start3A_200 = tpu.memref_slice %arg10[%and3A_112, %dma_start3A_199] : memref<4x80xi32, #tpu.memory_space<vmem>> -> memref<1x80xi32, #tpu.memory_space<vmem>>
        %dma_start3A_201 = tpu.memref_squeeze %dma_start3A_200 : memref<1x80xi32, #tpu.memory_space<vmem>> -> memref<80xi32, #tpu.memory_space<vmem>>
        %dma_start3A_202 = tpu.memref_slice %arg3[%add3A_186] : memref<320000xi32, #tpu.memory_space<hbm>> -> memref<80xi32, #tpu.memory_space<hbm>>
        tpu.enqueue_dma source(%dma_start3A_202 : memref<80xi32, #tpu.memory_space<hbm>>) target(%dma_start3A_201 : memref<80xi32, #tpu.memory_space<vmem>>) target_semaphore(%arg19 : memref<!tpu.dma_semaphore, #tpu.memory_space<semaphore_mem>>)
      } else {
      }
      %dma_wait3A_128 = arith.constant 0 : i32
      %dma_wait3A_129 = arith.constant 0 : i32
      %dma_wait3A_130 = tpu.memref_slice %arg11[%and3A_101, %dma_wait3A_128, %dma_wait3A_129] : memref<2x80x128xf32, #tpu.memory_space<vmem>> -> memref<1x80x128xf32, #tpu.memory_space<vmem>>
      %dma_wait3A_131 = tpu.memref_squeeze %dma_wait3A_130 : memref<1x80x128xf32, #tpu.memory_space<vmem>> -> memref<80x128xf32, #tpu.memory_space<vmem>>
      %dma_wait3A_132 = arith.constant 0 : i32
      %dma_wait3A_133 = tpu.memref_slice %arg9[%and3A_104, %dma_wait3A_132] : memref<4x80xi32, #tpu.memory_space<vmem>> -> memref<1x80xi32, #tpu.memory_space<vmem>>
      %dma_wait3A_134 = tpu.memref_squeeze %dma_wait3A_133 : memref<1x80xi32, #tpu.memory_space<vmem>> -> memref<80xi32, #tpu.memory_space<vmem>>
      %dma_wait3A_135 = arith.constant 0 : i32
      %dma_wait3A_136 = arith.constant 0 : i32
      %dma_wait3A_137 = tpu.memref_slice %arg4[%arg0, %dma_wait3A_135, %dma_wait3A_136] : memref<2x10000x128xf32, #tpu.memory_space<hbm>> -> memref<1x10000x128xf32, #tpu.memory_space<hbm>>
      %dma_wait3A_138 = tpu.memref_squeeze %dma_wait3A_137 : memref<1x10000x128xf32, #tpu.memory_space<hbm>> -> memref<10000x128xf32, #tpu.memory_space<hbm>>
      %dma_wait3A_139 = arith.constant 0 : i32
      %dma_wait3A_140 = arith.constant 0 : i32
      %dma_wait3A_141 = tpu.memref_slice %dma_wait3A_138[%dma_wait3A_139, %dma_wait3A_140] : memref<10000x128xf32, #tpu.memory_space<hbm>> -> memref<10000x128xf32, #tpu.memory_space<hbm>>
      tpu.wait_indirect_dma semaphore(%arg16 : memref<!tpu.dma_semaphore, #tpu.memory_space<semaphore_mem>>) src(%dma_wait3A_141 : memref<10000x128xf32, #tpu.memory_space<hbm>>) dst(%dma_wait3A_131 : memref<80x128xf32, #tpu.memory_space<vmem>>)
      %dma_wait3A_142 = arith.constant 0 : i32
      %dma_wait3A_143 = arith.constant 0 : i32
      %dma_wait3A_144 = tpu.memref_slice %arg12[%and3A_101, %dma_wait3A_142, %dma_wait3A_143] : memref<2x80x128xf32, #tpu.memory_space<vmem>> -> memref<1x80x128xf32, #tpu.memory_space<vmem>>
      %dma_wait3A_145 = tpu.memref_squeeze %dma_wait3A_144 : memref<1x80x128xf32, #tpu.memory_space<vmem>> -> memref<80x128xf32, #tpu.memory_space<vmem>>
      %dma_wait3A_146 = arith.constant 0 : i32
      %dma_wait3A_147 = tpu.memref_slice %arg10[%and3A_104, %dma_wait3A_146] : memref<4x80xi32, #tpu.memory_space<vmem>> -> memref<1x80xi32, #tpu.memory_space<vmem>>
      %dma_wait3A_148 = tpu.memref_squeeze %dma_wait3A_147 : memref<1x80xi32, #tpu.memory_space<vmem>> -> memref<80xi32, #tpu.memory_space<vmem>>
      %dma_wait3A_149 = arith.constant 0 : i32
      %dma_wait3A_150 = arith.constant 0 : i32
      %dma_wait3A_151 = tpu.memref_slice %arg5[%arg0, %dma_wait3A_149, %dma_wait3A_150] : memref<2x10000x128xf32, #tpu.memory_space<hbm>> -> memref<1x10000x128xf32, #tpu.memory_space<hbm>>
      %dma_wait3A_152 = tpu.memref_squeeze %dma_wait3A_151 : memref<1x10000x128xf32, #tpu.memory_space<hbm>> -> memref<10000x128xf32, #tpu.memory_space<hbm>>
      %dma_wait3A_153 = arith.constant 0 : i32
      %dma_wait3A_154 = arith.constant 0 : i32
      %dma_wait3A_155 = tpu.memref_slice %dma_wait3A_152[%dma_wait3A_153, %dma_wait3A_154] : memref<10000x128xf32, #tpu.memory_space<hbm>> -> memref<10000x128xf32, #tpu.memory_space<hbm>>
      tpu.wait_indirect_dma semaphore(%arg17 : memref<!tpu.dma_semaphore, #tpu.memory_space<semaphore_mem>>) src(%dma_wait3A_155 : memref<10000x128xf32, #tpu.memory_space<hbm>>) dst(%dma_wait3A_145 : memref<80x128xf32, #tpu.memory_space<vmem>>)
      %dma_wait3A_156 = arith.constant 0 : i32
      %dma_wait3A_157 = arith.constant 0 : i32
      %dma_wait3A_158 = tpu.memref_slice %arg13[%and3A_101, %dma_wait3A_156, %dma_wait3A_157] : memref<2x80x128xf32, #tpu.memory_space<vmem>> -> memref<1x80x128xf32, #tpu.memory_space<vmem>>
      %dma_wait3A_159 = tpu.memref_squeeze %dma_wait3A_158 : memref<1x80x128xf32, #tpu.memory_space<vmem>> -> memref<80x128xf32, #tpu.memory_space<vmem>>
      %dma_wait3A_160 = arith.constant 0 : i32
      %dma_wait3A_161 = tpu.memref_slice %arg6[%arg0, %mul3A_0, %dma_wait3A_160] : memref<2x320000x128xf32, #tpu.memory_space<hbm>> -> memref<1x80x128xf32, #tpu.memory_space<hbm>>
      %dma_wait3A_162 = tpu.memref_squeeze %dma_wait3A_161 : memref<1x80x128xf32, #tpu.memory_space<hbm>> -> memref<80x128xf32, #tpu.memory_space<hbm>>
      %dma_wait3A_163 = arith.constant 0 : i32
      %dma_wait3A_164 = arith.constant 0 : i32
      %dma_wait3A_165 = tpu.memref_slice %arg13[%and3A_101, %dma_wait3A_163, %dma_wait3A_164] : memref<2x80x128xf32, #tpu.memory_space<vmem>> -> memref<1x80x128xf32, #tpu.memory_space<vmem>>
      %dma_wait3A_166 = tpu.memref_squeeze %dma_wait3A_165 : memref<1x80x128xf32, #tpu.memory_space<vmem>> -> memref<80x128xf32, #tpu.memory_space<vmem>>
      %dma_wait3A_167 = arith.constant 0 : i32
      %dma_wait3A_168 = tpu.memref_slice %arg6[%arg0, %mul3A_0, %dma_wait3A_167] : memref<2x320000x128xf32, #tpu.memory_space<hbm>> -> memref<1x80x128xf32, #tpu.memory_space<hbm>>
      %dma_wait3A_169 = tpu.memref_squeeze %dma_wait3A_168 : memref<1x80x128xf32, #tpu.memory_space<hbm>> -> memref<80x128xf32, #tpu.memory_space<hbm>>
      tpu.wait_dma2 semaphore(%arg18 : memref<!tpu.dma_semaphore, #tpu.memory_space<semaphore_mem>>) src(%dma_wait3A_169 : memref<80x128xf32, #tpu.memory_space<hbm>>) dst(%dma_wait3A_166 : memref<80x128xf32, #tpu.memory_space<vmem>>)
      %parallel_loop3A = arith.constant 0 : i32
      %parallel_loop3A_170 = arith.constant 80 : i32
      %parallel_loop3A_171 = arith.constant 1 : i32
      scf.for %parallel_loop3A_182 = %parallel_loop3A to %parallel_loop3A_170 step %parallel_loop3A_171  : i32 {
        %parallel_loop3A_183 = arith.constant 0 : i32
        %parallel_loop3A_184 = arith.constant 0 : i32
        %parallel_loop3A_185 = tpu.memref_slice %arg11[%and3A_101, %parallel_loop3A_183, %parallel_loop3A_184] : memref<2x80x128xf32, #tpu.memory_space<vmem>> -> memref<1x80x128xf32, #tpu.memory_space<vmem>>
        %parallel_loop3A_186 = tpu.memref_squeeze %parallel_loop3A_185 : memref<1x80x128xf32, #tpu.memory_space<vmem>> -> memref<80x128xf32, #tpu.memory_space<vmem>>
        %parallel_loop3A_187 = arith.index_cast %parallel_loop3A_182 : i32 to index
        %parallel_loop3A_188 = arith.constant 0 : index
        %parallel_loop3A_189 = tpu.vector_load %parallel_loop3A_186[%parallel_loop3A_187, %parallel_loop3A_188] {strides = array<i32>} : memref<80x128xf32, #tpu.memory_space<vmem>>, vector<1x16xf32>,
        %parallel_loop3A_190 = vector.shape_cast %parallel_loop3A_189 : vector<1x16xf32> to vector<16xf32>
        %parallel_loop3A_191 = arith.constant 0 : i32
        %parallel_loop3A_192 = arith.constant 0 : i32
        %parallel_loop3A_193 = tpu.memref_slice %arg12[%and3A_101, %parallel_loop3A_191, %parallel_loop3A_192] : memref<2x80x128xf32, #tpu.memory_space<vmem>> -> memref<1x80x128xf32, #tpu.memory_space<vmem>>
        %parallel_loop3A_194 = tpu.memref_squeeze %parallel_loop3A_193 : memref<1x80x128xf32, #tpu.memory_space<vmem>> -> memref<80x128xf32, #tpu.memory_space<vmem>>
        %parallel_loop3A_195 = arith.index_cast %parallel_loop3A_182 : i32 to index
        %parallel_loop3A_196 = arith.constant 0 : index
        %parallel_loop3A_197 = tpu.vector_load %parallel_loop3A_194[%parallel_loop3A_195, %parallel_loop3A_196] {strides = array<i32>} : memref<80x128xf32, #tpu.memory_space<vmem>>, vector<1x16xf32>,
        %parallel_loop3A_198 = vector.shape_cast %parallel_loop3A_197 : vector<1x16xf32> to vector<16xf32>
        %parallel_loop3A_199 = arith.addf %parallel_loop3A_190, %parallel_loop3A_198 : vector<16xf32>
        %parallel_loop3A_200 = arith.constant 0 : i32
        %parallel_loop3A_201 = arith.constant 0 : i32
        %parallel_loop3A_202 = tpu.memref_slice %arg13[%and3A_101, %parallel_loop3A_200, %parallel_loop3A_201] : memref<2x80x128xf32, #tpu.memory_space<vmem>> -> memref<1x80x128xf32, #tpu.memory_space<vmem>>
        %parallel_loop3A_203 = tpu.memref_squeeze %parallel_loop3A_202 : memref<1x80x128xf32, #tpu.memory_space<vmem>> -> memref<80x128xf32, #tpu.memory_space<vmem>>
        %parallel_loop3A_204 = arith.index_cast %parallel_loop3A_182 : i32 to index
        %parallel_loop3A_205 = arith.constant 0 : index
        %parallel_loop3A_206 = tpu.vector_load %parallel_loop3A_203[%parallel_loop3A_204, %parallel_loop3A_205] {strides = array<i32>} : memref<80x128xf32, #tpu.memory_space<vmem>>, vector<1x16xf32>,
        %parallel_loop3A_207 = vector.shape_cast %parallel_loop3A_206 : vector<1x16xf32> to vector<16xf32>
        %parallel_loop3A_208 = arith.addf %parallel_loop3A_199, %parallel_loop3A_207 : vector<16xf32>
        %parallel_loop3A_209 = arith.constant 0 : i32
        %parallel_loop3A_210 = arith.constant 0 : i32
        %parallel_loop3A_211 = tpu.memref_slice %arg11[%and3A_101, %parallel_loop3A_209, %parallel_loop3A_210] : memref<2x80x128xf32, #tpu.memory_space<vmem>> -> memref<1x80x128xf32, #tpu.memory_space<vmem>>
        %parallel_loop3A_212 = tpu.memref_squeeze %parallel_loop3A_211 : memref<1x80x128xf32, #tpu.memory_space<vmem>> -> memref<80x128xf32, #tpu.memory_space<vmem>>
        %parallel_loop3A_213 = arith.index_cast %parallel_loop3A_182 : i32 to index
        %parallel_loop3A_214 = arith.constant 64 : index
        %parallel_loop3A_215 = tpu.vector_load %parallel_loop3A_212[%parallel_loop3A_213, %parallel_loop3A_214] {strides = array<i32>} : memref<80x128xf32, #tpu.memory_space<vmem>>, vector<1x16xf32>,
        %parallel_loop3A_216 = vector.shape_cast %parallel_loop3A_215 : vector<1x16xf32> to vector<16xf32>
        %parallel_loop3A_217 = arith.constant 0 : i32
        %parallel_loop3A_218 = arith.constant 0 : i32
        %parallel_loop3A_219 = tpu.memref_slice %arg12[%and3A_101, %parallel_loop3A_217, %parallel_loop3A_218] : memref<2x80x128xf32, #tpu.memory_space<vmem>> -> memref<1x80x128xf32, #tpu.memory_space<vmem>>
        %parallel_loop3A_220 = tpu.memref_squeeze %parallel_loop3A_219 : memref<1x80x128xf32, #tpu.memory_space<vmem>> -> memref<80x128xf32, #tpu.memory_space<vmem>>
        %parallel_loop3A_221 = arith.index_cast %parallel_loop3A_182 : i32 to index
        %parallel_loop3A_222 = arith.constant 64 : index
        %parallel_loop3A_223 = tpu.vector_load %parallel_loop3A_220[%parallel_loop3A_221, %parallel_loop3A_222] {strides = array<i32>} : memref<80x128xf32, #tpu.memory_space<vmem>>, vector<1x16xf32>,
        %parallel_loop3A_224 = vector.shape_cast %parallel_loop3A_223 : vector<1x16xf32> to vector<16xf32>
        %parallel_loop3A_225 = arith.addf %parallel_loop3A_216, %parallel_loop3A_224 : vector<16xf32>
        %parallel_loop3A_226 = arith.constant 0 : i32
        %parallel_loop3A_227 = arith.constant 0 : i32
        %parallel_loop3A_228 = tpu.memref_slice %arg13[%and3A_101, %parallel_loop3A_226, %parallel_loop3A_227] : memref<2x80x128xf32, #tpu.memory_space<vmem>> -> memref<1x80x128xf32, #tpu.memory_space<vmem>>
        %parallel_loop3A_229 = tpu.memref_squeeze %parallel_loop3A_228 : memref<1x80x128xf32, #tpu.memory_space<vmem>> -> memref<80x128xf32, #tpu.memory_space<vmem>>
        %parallel_loop3A_230 = arith.index_cast %parallel_loop3A_182 : i32 to index
        %parallel_loop3A_231 = arith.constant 64 : index
        %parallel_loop3A_232 = tpu.vector_load %parallel_loop3A_229[%parallel_loop3A_230, %parallel_loop3A_231] {strides = array<i32>} : memref<80x128xf32, #tpu.memory_space<vmem>>, vector<1x16xf32>,
        %parallel_loop3A_233 = vector.shape_cast %parallel_loop3A_232 : vector<1x16xf32> to vector<16xf32>
        %parallel_loop3A_234 = arith.addf %parallel_loop3A_225, %parallel_loop3A_233 : vector<16xf32>
        %parallel_loop3A_235 = math.absf %parallel_loop3A_208 : vector<16xf32>
        %parallel_loop3A_236 = arith.constant 0.000000e+00 : f32
        %parallel_loop3A_237 = vector.broadcast %parallel_loop3A_236 : f32 to vector<16xf32>
        %parallel_loop3A_238 = arith.subf %parallel_loop3A_237, %parallel_loop3A_235 : vector<16xf32>
        %parallel_loop3A_239 = math.exp %parallel_loop3A_238 : vector<16xf32>
        %parallel_loop3A_240 = arith.constant -0.104484469 : f32
        %parallel_loop3A_241 = vector.broadcast %parallel_loop3A_240 : f32 to vector<16xf32>
        %parallel_loop3A_242 = arith.mulf %parallel_loop3A_241, %parallel_loop3A_239 : vector<16xf32>
        %parallel_loop3A_243 = arith.constant 0.417937875 : f32
        %parallel_loop3A_244 = vector.broadcast %parallel_loop3A_243 : f32 to vector<16xf32>
        %parallel_loop3A_245 = arith.addf %parallel_loop3A_242, %parallel_loop3A_244 : vector<16xf32>
        %parallel_loop3A_246 = arith.mulf %parallel_loop3A_245, %parallel_loop3A_239 : vector<16xf32>
        %parallel_loop3A_247 = arith.constant -0.770572901 : f32
        %parallel_loop3A_248 = vector.broadcast %parallel_loop3A_247 : f32 to vector<16xf32>
        %parallel_loop3A_249 = arith.addf %parallel_loop3A_246, %parallel_loop3A_248 : vector<16xf32>
        %parallel_loop3A_250 = arith.mulf %parallel_loop3A_249, %parallel_loop3A_239 : vector<16xf32>
        %parallel_loop3A_251 = arith.constant 0.953420758 : f32
        %parallel_loop3A_252 = vector.broadcast %parallel_loop3A_251 : f32 to vector<16xf32>
        %parallel_loop3A_253 = arith.addf %parallel_loop3A_250, %parallel_loop3A_252 : vector<16xf32>
        %parallel_loop3A_254 = arith.mulf %parallel_loop3A_253, %parallel_loop3A_239 : vector<16xf32>
        %parallel_loop3A_255 = arith.constant -0.996275722 : f32
        %parallel_loop3A_256 = vector.broadcast %parallel_loop3A_255 : f32 to vector<16xf32>
        %parallel_loop3A_257 = arith.addf %parallel_loop3A_254, %parallel_loop3A_256 : vector<16xf32>
        %parallel_loop3A_258 = arith.mulf %parallel_loop3A_257, %parallel_loop3A_239 : vector<16xf32>
        %parallel_loop3A_259 = arith.constant 0.999948978 : f32
        %parallel_loop3A_260 = vector.broadcast %parallel_loop3A_259 : f32 to vector<16xf32>
        %parallel_loop3A_261 = arith.addf %parallel_loop3A_258, %parallel_loop3A_260 : vector<16xf32>
        %parallel_loop3A_262 = arith.constant 0.000000e+00 : f32
        %parallel_loop3A_263 = vector.broadcast %parallel_loop3A_262 : f32 to vector<16xf32>
        %parallel_loop3A_264 = arith.cmpf oge, %parallel_loop3A_208, %parallel_loop3A_263 : vector<16xf32>
        %parallel_loop3A_265 = arith.constant 1.000000e+00 : f32
        %parallel_loop3A_266 = vector.broadcast %parallel_loop3A_265 : f32 to vector<16xf32>
        %parallel_loop3A_267 = arith.subf %parallel_loop3A_266, %parallel_loop3A_261 : vector<16xf32>
        %parallel_loop3A_268 = arith.select %parallel_loop3A_264, %parallel_loop3A_261, %parallel_loop3A_267 : vector<16xi1>, vector<16xf32>
        %parallel_loop3A_269 = math.absf %parallel_loop3A_234 : vector<16xf32>
        %parallel_loop3A_270 = arith.constant 0.000000e+00 : f32
        %parallel_loop3A_271 = vector.broadcast %parallel_loop3A_270 : f32 to vector<16xf32>
        %parallel_loop3A_272 = arith.subf %parallel_loop3A_271, %parallel_loop3A_269 : vector<16xf32>
        %parallel_loop3A_273 = math.exp %parallel_loop3A_272 : vector<16xf32>
        %parallel_loop3A_274 = arith.constant 0.000000e+00 : f32
        %parallel_loop3A_275 = vector.broadcast %parallel_loop3A_274 : f32 to vector<16xf32>
        %parallel_loop3A_276 = arith.maximumf %parallel_loop3A_234, %parallel_loop3A_275 : vector<16xf32>
        %parallel_loop3A_277 = arith.constant -0.0543709323 : f32
        %parallel_loop3A_278 = vector.broadcast %parallel_loop3A_277 : f32 to vector<16xf32>
        %parallel_loop3A_279 = arith.mulf %parallel_loop3A_278, %parallel_loop3A_273 : vector<16xf32>
        %parallel_loop3A_280 = arith.constant 0.216448709 : f32
        %parallel_loop3A_281 = vector.broadcast %parallel_loop3A_280 : f32 to vector<16xf32>
        %parallel_loop3A_282 = arith.addf %parallel_loop3A_279, %parallel_loop3A_281 : vector<16xf32>
        %parallel_loop3A_283 = arith.mulf %parallel_loop3A_282, %parallel_loop3A_273 : vector<16xf32>
        %parallel_loop3A_284 = arith.constant -0.465020448 : f32
        %parallel_loop3A_285 = vector.broadcast %parallel_loop3A_284 : f32 to vector<16xf32>
        %parallel_loop3A_286 = arith.addf %parallel_loop3A_283, %parallel_loop3A_285 : vector<16xf32>
        %parallel_loop3A_287 = arith.mulf %parallel_loop3A_286, %parallel_loop3A_273 : vector<16xf32>
        %parallel_loop3A_288 = arith.constant 0.995965778 : f32
        %parallel_loop3A_289 = vector.broadcast %parallel_loop3A_288 : f32 to vector<16xf32>
        %parallel_loop3A_290 = arith.addf %parallel_loop3A_287, %parallel_loop3A_289 : vector<16xf32>
        %parallel_loop3A_291 = arith.mulf %parallel_loop3A_290, %parallel_loop3A_273 : vector<16xf32>
        %parallel_loop3A_292 = arith.constant 7.94207735E-5 : f32
        %parallel_loop3A_293 = vector.broadcast %parallel_loop3A_292 : f32 to vector<16xf32>
        %parallel_loop3A_294 = arith.addf %parallel_loop3A_291, %parallel_loop3A_293 : vector<16xf32>
        %parallel_loop3A_295 = arith.addf %parallel_loop3A_276, %parallel_loop3A_294 : vector<16xf32>
        %parallel_loop3A_296 = arith.mulf %parallel_loop3A_268, %parallel_loop3A_295 : vector<16xf32>
        %parallel_loop3A_297 = arith.constant 0 : i32
        %parallel_loop3A_298 = arith.constant 0 : i32
        %parallel_loop3A_299 = tpu.memref_slice %arg14[%and3A_101, %parallel_loop3A_297, %parallel_loop3A_298] : memref<2x80x64xf32, #tpu.memory_space<vmem>> -> memref<1x80x64xf32, #tpu.memory_space<vmem>>
        %parallel_loop3A_300 = tpu.memref_squeeze %parallel_loop3A_299 : memref<1x80x64xf32, #tpu.memory_space<vmem>> -> memref<80x64xf32, #tpu.memory_space<vmem>>
        %parallel_loop3A_301 = arith.index_cast %parallel_loop3A_182 : i32 to index
        %parallel_loop3A_302 = arith.constant 0 : index
        %parallel_loop3A_303 = tpu.vector_load %parallel_loop3A_300[%parallel_loop3A_301, %parallel_loop3A_302] {strides = array<i32>} : memref<80x64xf32, #tpu.memory_space<vmem>>, vector<1x16xf32>,
        %parallel_loop3A_304 = vector.shape_cast %parallel_loop3A_303 : vector<1x16xf32> to vector<16xf32>
        %parallel_loop3A_305 = vector.shape_cast %parallel_loop3A_296 : vector<16xf32> to vector<1x16xf32>
        tpu.vector_store %parallel_loop3A_300[%parallel_loop3A_301, %parallel_loop3A_302], %parallel_loop3A_305 {strides = array<i32>} : memref<80x64xf32, #tpu.memory_space<vmem>>, vector<1x16xf32>,
        %parallel_loop3A_306 = arith.constant 0 : i32
        %parallel_loop3A_307 = arith.constant 0 : i32
        %parallel_loop3A_308 = tpu.memref_slice %arg11[%and3A_101, %parallel_loop3A_306, %parallel_loop3A_307] : memref<2x80x128xf32, #tpu.memory_space<vmem>> -> memref<1x80x128xf32, #tpu.memory_space<vmem>>
        %parallel_loop3A_309 = tpu.memref_squeeze %parallel_loop3A_308 : memref<1x80x128xf32, #tpu.memory_space<vmem>> -> memref<80x128xf32, #tpu.memory_space<vmem>>
        %parallel_loop3A_310 = arith.index_cast %parallel_loop3A_182 : i32 to index
        %parallel_loop3A_311 = arith.constant 16 : index
        %parallel_loop3A_312 = tpu.vector_load %parallel_loop3A_309[%parallel_loop3A_310, %parallel_loop3A_311] {strides = array<i32>} : memref<80x128xf32, #tpu.memory_space<vmem>>, vector<1x16xf32>,
        %parallel_loop3A_313 = vector.shape_cast %parallel_loop3A_312 : vector<1x16xf32> to vector<16xf32>
        %parallel_loop3A_314 = arith.constant 0 : i32
        %parallel_loop3A_315 = arith.constant 0 : i32
        %parallel_loop3A_316 = tpu.memref_slice %arg12[%and3A_101, %parallel_loop3A_314, %parallel_loop3A_315] : memref<2x80x128xf32, #tpu.memory_space<vmem>> -> memref<1x80x128xf32, #tpu.memory_space<vmem>>
        %parallel_loop3A_317 = tpu.memref_squeeze %parallel_loop3A_316 : memref<1x80x128xf32, #tpu.memory_space<vmem>> -> memref<80x128xf32, #tpu.memory_space<vmem>>
        %parallel_loop3A_318 = arith.index_cast %parallel_loop3A_182 : i32 to index
        %parallel_loop3A_319 = arith.constant 16 : index
        %parallel_loop3A_320 = tpu.vector_load %parallel_loop3A_317[%parallel_loop3A_318, %parallel_loop3A_319] {strides = array<i32>} : memref<80x128xf32, #tpu.memory_space<vmem>>, vector<1x16xf32>,
        %parallel_loop3A_321 = vector.shape_cast %parallel_loop3A_320 : vector<1x16xf32> to vector<16xf32>
        %parallel_loop3A_322 = arith.addf %parallel_loop3A_313, %parallel_loop3A_321 : vector<16xf32>
        %parallel_loop3A_323 = arith.constant 0 : i32
        %parallel_loop3A_324 = arith.constant 0 : i32
        %parallel_loop3A_325 = tpu.memref_slice %arg13[%and3A_101, %parallel_loop3A_323, %parallel_loop3A_324] : memref<2x80x128xf32, #tpu.memory_space<vmem>> -> memref<1x80x128xf32, #tpu.memory_space<vmem>>
        %parallel_loop3A_326 = tpu.memref_squeeze %parallel_loop3A_325 : memref<1x80x128xf32, #tpu.memory_space<vmem>> -> memref<80x128xf32, #tpu.memory_space<vmem>>
        %parallel_loop3A_327 = arith.index_cast %parallel_loop3A_182 : i32 to index
        %parallel_loop3A_328 = arith.constant 16 : index
        %parallel_loop3A_329 = tpu.vector_load %parallel_loop3A_326[%parallel_loop3A_327, %parallel_loop3A_328] {strides = array<i32>} : memref<80x128xf32, #tpu.memory_space<vmem>>, vector<1x16xf32>,
        %parallel_loop3A_330 = vector.shape_cast %parallel_loop3A_329 : vector<1x16xf32> to vector<16xf32>
        %parallel_loop3A_331 = arith.addf %parallel_loop3A_322, %parallel_loop3A_330 : vector<16xf32>
        %parallel_loop3A_332 = arith.constant 0 : i32
        %parallel_loop3A_333 = arith.constant 0 : i32
        %parallel_loop3A_334 = tpu.memref_slice %arg11[%and3A_101, %parallel_loop3A_332, %parallel_loop3A_333] : memref<2x80x128xf32, #tpu.memory_space<vmem>> -> memref<1x80x128xf32, #tpu.memory_space<vmem>>
        %parallel_loop3A_335 = tpu.memref_squeeze %parallel_loop3A_334 : memref<1x80x128xf32, #tpu.memory_space<vmem>> -> memref<80x128xf32, #tpu.memory_space<vmem>>
        %parallel_loop3A_336 = arith.index_cast %parallel_loop3A_182 : i32 to index
        %parallel_loop3A_337 = arith.constant 80 : index
        %parallel_loop3A_338 = tpu.vector_load %parallel_loop3A_335[%parallel_loop3A_336, %parallel_loop3A_337] {strides = array<i32>} : memref<80x128xf32, #tpu.memory_space<vmem>>, vector<1x16xf32>,
        %parallel_loop3A_339 = vector.shape_cast %parallel_loop3A_338 : vector<1x16xf32> to vector<16xf32>
        %parallel_loop3A_340 = arith.constant 0 : i32
        %parallel_loop3A_341 = arith.constant 0 : i32
        %parallel_loop3A_342 = tpu.memref_slice %arg12[%and3A_101, %parallel_loop3A_340, %parallel_loop3A_341] : memref<2x80x128xf32, #tpu.memory_space<vmem>> -> memref<1x80x128xf32, #tpu.memory_space<vmem>>
        %parallel_loop3A_343 = tpu.memref_squeeze %parallel_loop3A_342 : memref<1x80x128xf32, #tpu.memory_space<vmem>> -> memref<80x128xf32, #tpu.memory_space<vmem>>
        %parallel_loop3A_344 = arith.index_cast %parallel_loop3A_182 : i32 to index
        %parallel_loop3A_345 = arith.constant 80 : index
        %parallel_loop3A_346 = tpu.vector_load %parallel_loop3A_343[%parallel_loop3A_344, %parallel_loop3A_345] {strides = array<i32>} : memref<80x128xf32, #tpu.memory_space<vmem>>, vector<1x16xf32>,
        %parallel_loop3A_347 = vector.shape_cast %parallel_loop3A_346 : vector<1x16xf32> to vector<16xf32>
        %parallel_loop3A_348 = arith.addf %parallel_loop3A_339, %parallel_loop3A_347 : vector<16xf32>
        %parallel_loop3A_349 = arith.constant 0 : i32
        %parallel_loop3A_350 = arith.constant 0 : i32
        %parallel_loop3A_351 = tpu.memref_slice %arg13[%and3A_101, %parallel_loop3A_349, %parallel_loop3A_350] : memref<2x80x128xf32, #tpu.memory_space<vmem>> -> memref<1x80x128xf32, #tpu.memory_space<vmem>>
        %parallel_loop3A_352 = tpu.memref_squeeze %parallel_loop3A_351 : memref<1x80x128xf32, #tpu.memory_space<vmem>> -> memref<80x128xf32, #tpu.memory_space<vmem>>
        %parallel_loop3A_353 = arith.index_cast %parallel_loop3A_182 : i32 to index
        %parallel_loop3A_354 = arith.constant 80 : index
        %parallel_loop3A_355 = tpu.vector_load %parallel_loop3A_352[%parallel_loop3A_353, %parallel_loop3A_354] {strides = array<i32>} : memref<80x128xf32, #tpu.memory_space<vmem>>, vector<1x16xf32>,
        %parallel_loop3A_356 = vector.shape_cast %parallel_loop3A_355 : vector<1x16xf32> to vector<16xf32>
        %parallel_loop3A_357 = arith.addf %parallel_loop3A_348, %parallel_loop3A_356 : vector<16xf32>
        %parallel_loop3A_358 = math.absf %parallel_loop3A_331 : vector<16xf32>
        %parallel_loop3A_359 = arith.constant 0.000000e+00 : f32
        %parallel_loop3A_360 = vector.broadcast %parallel_loop3A_359 : f32 to vector<16xf32>
        %parallel_loop3A_361 = arith.subf %parallel_loop3A_360, %parallel_loop3A_358 : vector<16xf32>
        %parallel_loop3A_362 = math.exp %parallel_loop3A_361 : vector<16xf32>
        %parallel_loop3A_363 = arith.constant -0.104484469 : f32
        %parallel_loop3A_364 = vector.broadcast %parallel_loop3A_363 : f32 to vector<16xf32>
        %parallel_loop3A_365 = arith.mulf %parallel_loop3A_364, %parallel_loop3A_362 : vector<16xf32>
        %parallel_loop3A_366 = arith.constant 0.417937875 : f32
        %parallel_loop3A_367 = vector.broadcast %parallel_loop3A_366 : f32 to vector<16xf32>
        %parallel_loop3A_368 = arith.addf %parallel_loop3A_365, %parallel_loop3A_367 : vector<16xf32>
        %parallel_loop3A_369 = arith.mulf %parallel_loop3A_368, %parallel_loop3A_362 : vector<16xf32>
        %parallel_loop3A_370 = arith.constant -0.770572901 : f32
        %parallel_loop3A_371 = vector.broadcast %parallel_loop3A_370 : f32 to vector<16xf32>
        %parallel_loop3A_372 = arith.addf %parallel_loop3A_369, %parallel_loop3A_371 : vector<16xf32>
        %parallel_loop3A_373 = arith.mulf %parallel_loop3A_372, %parallel_loop3A_362 : vector<16xf32>
        %parallel_loop3A_374 = arith.constant 0.953420758 : f32
        %parallel_loop3A_375 = vector.broadcast %parallel_loop3A_374 : f32 to vector<16xf32>
        %parallel_loop3A_376 = arith.addf %parallel_loop3A_373, %parallel_loop3A_375 : vector<16xf32>
        %parallel_loop3A_377 = arith.mulf %parallel_loop3A_376, %parallel_loop3A_362 : vector<16xf32>
        %parallel_loop3A_378 = arith.constant -0.996275722 : f32
        %parallel_loop3A_379 = vector.broadcast %parallel_loop3A_378 : f32 to vector<16xf32>
        %parallel_loop3A_380 = arith.addf %parallel_loop3A_377, %parallel_loop3A_379 : vector<16xf32>
        %parallel_loop3A_381 = arith.mulf %parallel_loop3A_380, %parallel_loop3A_362 : vector<16xf32>
        %parallel_loop3A_382 = arith.constant 0.999948978 : f32
        %parallel_loop3A_383 = vector.broadcast %parallel_loop3A_382 : f32 to vector<16xf32>
        %parallel_loop3A_384 = arith.addf %parallel_loop3A_381, %parallel_loop3A_383 : vector<16xf32>
        %parallel_loop3A_385 = arith.constant 0.000000e+00 : f32
        %parallel_loop3A_386 = vector.broadcast %parallel_loop3A_385 : f32 to vector<16xf32>
        %parallel_loop3A_387 = arith.cmpf oge, %parallel_loop3A_331, %parallel_loop3A_386 : vector<16xf32>
        %parallel_loop3A_388 = arith.constant 1.000000e+00 : f32
        %parallel_loop3A_389 = vector.broadcast %parallel_loop3A_388 : f32 to vector<16xf32>
        %parallel_loop3A_390 = arith.subf %parallel_loop3A_389, %parallel_loop3A_384 : vector<16xf32>
        %parallel_loop3A_391 = arith.select %parallel_loop3A_387, %parallel_loop3A_384, %parallel_loop3A_390 : vector<16xi1>, vector<16xf32>
        %parallel_loop3A_392 = math.absf %parallel_loop3A_357 : vector<16xf32>
        %parallel_loop3A_393 = arith.constant 0.000000e+00 : f32
        %parallel_loop3A_394 = vector.broadcast %parallel_loop3A_393 : f32 to vector<16xf32>
        %parallel_loop3A_395 = arith.subf %parallel_loop3A_394, %parallel_loop3A_392 : vector<16xf32>
        %parallel_loop3A_396 = math.exp %parallel_loop3A_395 : vector<16xf32>
        %parallel_loop3A_397 = arith.constant 0.000000e+00 : f32
        %parallel_loop3A_398 = vector.broadcast %parallel_loop3A_397 : f32 to vector<16xf32>
        %parallel_loop3A_399 = arith.maximumf %parallel_loop3A_357, %parallel_loop3A_398 : vector<16xf32>
        %parallel_loop3A_400 = arith.constant -0.0543709323 : f32
        %parallel_loop3A_401 = vector.broadcast %parallel_loop3A_400 : f32 to vector<16xf32>
        %parallel_loop3A_402 = arith.mulf %parallel_loop3A_401, %parallel_loop3A_396 : vector<16xf32>
        %parallel_loop3A_403 = arith.constant 0.216448709 : f32
        %parallel_loop3A_404 = vector.broadcast %parallel_loop3A_403 : f32 to vector<16xf32>
        %parallel_loop3A_405 = arith.addf %parallel_loop3A_402, %parallel_loop3A_404 : vector<16xf32>
        %parallel_loop3A_406 = arith.mulf %parallel_loop3A_405, %parallel_loop3A_396 : vector<16xf32>
        %parallel_loop3A_407 = arith.constant -0.465020448 : f32
        %parallel_loop3A_408 = vector.broadcast %parallel_loop3A_407 : f32 to vector<16xf32>
        %parallel_loop3A_409 = arith.addf %parallel_loop3A_406, %parallel_loop3A_408 : vector<16xf32>
        %parallel_loop3A_410 = arith.mulf %parallel_loop3A_409, %parallel_loop3A_396 : vector<16xf32>
        %parallel_loop3A_411 = arith.constant 0.995965778 : f32
        %parallel_loop3A_412 = vector.broadcast %parallel_loop3A_411 : f32 to vector<16xf32>
        %parallel_loop3A_413 = arith.addf %parallel_loop3A_410, %parallel_loop3A_412 : vector<16xf32>
        %parallel_loop3A_414 = arith.mulf %parallel_loop3A_413, %parallel_loop3A_396 : vector<16xf32>
        %parallel_loop3A_415 = arith.constant 7.94207735E-5 : f32
        %parallel_loop3A_416 = vector.broadcast %parallel_loop3A_415 : f32 to vector<16xf32>
        %parallel_loop3A_417 = arith.addf %parallel_loop3A_414, %parallel_loop3A_416 : vector<16xf32>
        %parallel_loop3A_418 = arith.addf %parallel_loop3A_399, %parallel_loop3A_417 : vector<16xf32>
        %parallel_loop3A_419 = arith.mulf %parallel_loop3A_391, %parallel_loop3A_418 : vector<16xf32>
        %parallel_loop3A_420 = arith.constant 0 : i32
        %parallel_loop3A_421 = arith.constant 0 : i32
        %parallel_loop3A_422 = tpu.memref_slice %arg14[%and3A_101, %parallel_loop3A_420, %parallel_loop3A_421] : memref<2x80x64xf32, #tpu.memory_space<vmem>> -> memref<1x80x64xf32, #tpu.memory_space<vmem>>
        %parallel_loop3A_423 = tpu.memref_squeeze %parallel_loop3A_422 : memref<1x80x64xf32, #tpu.memory_space<vmem>> -> memref<80x64xf32, #tpu.memory_space<vmem>>
        %parallel_loop3A_424 = arith.index_cast %parallel_loop3A_182 : i32 to index
        %parallel_loop3A_425 = arith.constant 16 : index
        %parallel_loop3A_426 = tpu.vector_load %parallel_loop3A_423[%parallel_loop3A_424, %parallel_loop3A_425] {strides = array<i32>} : memref<80x64xf32, #tpu.memory_space<vmem>>, vector<1x16xf32>,
        %parallel_loop3A_427 = vector.shape_cast %parallel_loop3A_426 : vector<1x16xf32> to vector<16xf32>
        %parallel_loop3A_428 = vector.shape_cast %parallel_loop3A_419 : vector<16xf32> to vector<1x16xf32>
        tpu.vector_store %parallel_loop3A_423[%parallel_loop3A_424, %parallel_loop3A_425], %parallel_loop3A_428 {strides = array<i32>} : memref<80x64xf32, #tpu.memory_space<vmem>>, vector<1x16xf32>,
        %parallel_loop3A_429 = arith.constant 0 : i32
        %parallel_loop3A_430 = arith.constant 0 : i32
        %parallel_loop3A_431 = tpu.memref_slice %arg11[%and3A_101, %parallel_loop3A_429, %parallel_loop3A_430] : memref<2x80x128xf32, #tpu.memory_space<vmem>> -> memref<1x80x128xf32, #tpu.memory_space<vmem>>
        %parallel_loop3A_432 = tpu.memref_squeeze %parallel_loop3A_431 : memref<1x80x128xf32, #tpu.memory_space<vmem>> -> memref<80x128xf32, #tpu.memory_space<vmem>>
        %parallel_loop3A_433 = arith.index_cast %parallel_loop3A_182 : i32 to index
        %parallel_loop3A_434 = arith.constant 32 : index
        %parallel_loop3A_435 = tpu.vector_load %parallel_loop3A_432[%parallel_loop3A_433, %parallel_loop3A_434] {strides = array<i32>} : memref<80x128xf32, #tpu.memory_space<vmem>>, vector<1x16xf32>,
        %parallel_loop3A_436 = vector.shape_cast %parallel_loop3A_435 : vector<1x16xf32> to vector<16xf32>
        %parallel_loop3A_437 = arith.constant 0 : i32
        %parallel_loop3A_438 = arith.constant 0 : i32
        %parallel_loop3A_439 = tpu.memref_slice %arg12[%and3A_101, %parallel_loop3A_437, %parallel_loop3A_438] : memref<2x80x128xf32, #tpu.memory_space<vmem>> -> memref<1x80x128xf32, #tpu.memory_space<vmem>>
        %parallel_loop3A_440 = tpu.memref_squeeze %parallel_loop3A_439 : memref<1x80x128xf32, #tpu.memory_space<vmem>> -> memref<80x128xf32, #tpu.memory_space<vmem>>
        %parallel_loop3A_441 = arith.index_cast %parallel_loop3A_182 : i32 to index
        %parallel_loop3A_442 = arith.constant 32 : index
        %parallel_loop3A_443 = tpu.vector_load %parallel_loop3A_440[%parallel_loop3A_441, %parallel_loop3A_442] {strides = array<i32>} : memref<80x128xf32, #tpu.memory_space<vmem>>, vector<1x16xf32>,
        %parallel_loop3A_444 = vector.shape_cast %parallel_loop3A_443 : vector<1x16xf32> to vector<16xf32>
        %parallel_loop3A_445 = arith.addf %parallel_loop3A_436, %parallel_loop3A_444 : vector<16xf32>
        %parallel_loop3A_446 = arith.constant 0 : i32
        %parallel_loop3A_447 = arith.constant 0 : i32
        %parallel_loop3A_448 = tpu.memref_slice %arg13[%and3A_101, %parallel_loop3A_446, %parallel_loop3A_447] : memref<2x80x128xf32, #tpu.memory_space<vmem>> -> memref<1x80x128xf32, #tpu.memory_space<vmem>>
        %parallel_loop3A_449 = tpu.memref_squeeze %parallel_loop3A_448 : memref<1x80x128xf32, #tpu.memory_space<vmem>> -> memref<80x128xf32, #tpu.memory_space<vmem>>
        %parallel_loop3A_450 = arith.index_cast %parallel_loop3A_182 : i32 to index
        %parallel_loop3A_451 = arith.constant 32 : index
        %parallel_loop3A_452 = tpu.vector_load %parallel_loop3A_449[%parallel_loop3A_450, %parallel_loop3A_451] {strides = array<i32>} : memref<80x128xf32, #tpu.memory_space<vmem>>, vector<1x16xf32>,
        %parallel_loop3A_453 = vector.shape_cast %parallel_loop3A_452 : vector<1x16xf32> to vector<16xf32>
        %parallel_loop3A_454 = arith.addf %parallel_loop3A_445, %parallel_loop3A_453 : vector<16xf32>
        %parallel_loop3A_455 = arith.constant 0 : i32
        %parallel_loop3A_456 = arith.constant 0 : i32
        %parallel_loop3A_457 = tpu.memref_slice %arg11[%and3A_101, %parallel_loop3A_455, %parallel_loop3A_456] : memref<2x80x128xf32, #tpu.memory_space<vmem>> -> memref<1x80x128xf32, #tpu.memory_space<vmem>>
        %parallel_loop3A_458 = tpu.memref_squeeze %parallel_loop3A_457 : memref<1x80x128xf32, #tpu.memory_space<vmem>> -> memref<80x128xf32, #tpu.memory_space<vmem>>
        %parallel_loop3A_459 = arith.index_cast %parallel_loop3A_182 : i32 to index
        %parallel_loop3A_460 = arith.constant 96 : index
        %parallel_loop3A_461 = tpu.vector_load %parallel_loop3A_458[%parallel_loop3A_459, %parallel_loop3A_460] {strides = array<i32>} : memref<80x128xf32, #tpu.memory_space<vmem>>, vector<1x16xf32>,
        %parallel_loop3A_462 = vector.shape_cast %parallel_loop3A_461 : vector<1x16xf32> to vector<16xf32>
        %parallel_loop3A_463 = arith.constant 0 : i32
        %parallel_loop3A_464 = arith.constant 0 : i32
        %parallel_loop3A_465 = tpu.memref_slice %arg12[%and3A_101, %parallel_loop3A_463, %parallel_loop3A_464] : memref<2x80x128xf32, #tpu.memory_space<vmem>> -> memref<1x80x128xf32, #tpu.memory_space<vmem>>
        %parallel_loop3A_466 = tpu.memref_squeeze %parallel_loop3A_465 : memref<1x80x128xf32, #tpu.memory_space<vmem>> -> memref<80x128xf32, #tpu.memory_space<vmem>>
        %parallel_loop3A_467 = arith.index_cast %parallel_loop3A_182 : i32 to index
        %parallel_loop3A_468 = arith.constant 96 : index
        %parallel_loop3A_469 = tpu.vector_load %parallel_loop3A_466[%parallel_loop3A_467, %parallel_loop3A_468] {strides = array<i32>} : memref<80x128xf32, #tpu.memory_space<vmem>>, vector<1x16xf32>,
        %parallel_loop3A_470 = vector.shape_cast %parallel_loop3A_469 : vector<1x16xf32> to vector<16xf32>
        %parallel_loop3A_471 = arith.addf %parallel_loop3A_462, %parallel_loop3A_470 : vector<16xf32>
        %parallel_loop3A_472 = arith.constant 0 : i32
        %parallel_loop3A_473 = arith.constant 0 : i32
        %parallel_loop3A_474 = tpu.memref_slice %arg13[%and3A_101, %parallel_loop3A_472, %parallel_loop3A_473] : memref<2x80x128xf32, #tpu.memory_space<vmem>> -> memref<1x80x128xf32, #tpu.memory_space<vmem>>
        %parallel_loop3A_475 = tpu.memref_squeeze %parallel_loop3A_474 : memref<1x80x128xf32, #tpu.memory_space<vmem>> -> memref<80x128xf32, #tpu.memory_space<vmem>>
        %parallel_loop3A_476 = arith.index_cast %parallel_loop3A_182 : i32 to index
        %parallel_loop3A_477 = arith.constant 96 : index
        %parallel_loop3A_478 = tpu.vector_load %parallel_loop3A_475[%parallel_loop3A_476, %parallel_loop3A_477] {strides = array<i32>} : memref<80x128xf32, #tpu.memory_space<vmem>>, vector<1x16xf32>,
        %parallel_loop3A_479 = vector.shape_cast %parallel_loop3A_478 : vector<1x16xf32> to vector<16xf32>
        %parallel_loop3A_480 = arith.addf %parallel_loop3A_471, %parallel_loop3A_479 : vector<16xf32>
        %parallel_loop3A_481 = math.absf %parallel_loop3A_454 : vector<16xf32>
        %parallel_loop3A_482 = arith.constant 0.000000e+00 : f32
        %parallel_loop3A_483 = vector.broadcast %parallel_loop3A_482 : f32 to vector<16xf32>
        %parallel_loop3A_484 = arith.subf %parallel_loop3A_483, %parallel_loop3A_481 : vector<16xf32>
        %parallel_loop3A_485 = math.exp %parallel_loop3A_484 : vector<16xf32>
        %parallel_loop3A_486 = arith.constant -0.104484469 : f32
        %parallel_loop3A_487 = vector.broadcast %parallel_loop3A_486 : f32 to vector<16xf32>
        %parallel_loop3A_488 = arith.mulf %parallel_loop3A_487, %parallel_loop3A_485 : vector<16xf32>
        %parallel_loop3A_489 = arith.constant 0.417937875 : f32
        %parallel_loop3A_490 = vector.broadcast %parallel_loop3A_489 : f32 to vector<16xf32>
        %parallel_loop3A_491 = arith.addf %parallel_loop3A_488, %parallel_loop3A_490 : vector<16xf32>
        %parallel_loop3A_492 = arith.mulf %parallel_loop3A_491, %parallel_loop3A_485 : vector<16xf32>
        %parallel_loop3A_493 = arith.constant -0.770572901 : f32
        %parallel_loop3A_494 = vector.broadcast %parallel_loop3A_493 : f32 to vector<16xf32>
        %parallel_loop3A_495 = arith.addf %parallel_loop3A_492, %parallel_loop3A_494 : vector<16xf32>
        %parallel_loop3A_496 = arith.mulf %parallel_loop3A_495, %parallel_loop3A_485 : vector<16xf32>
        %parallel_loop3A_497 = arith.constant 0.953420758 : f32
        %parallel_loop3A_498 = vector.broadcast %parallel_loop3A_497 : f32 to vector<16xf32>
        %parallel_loop3A_499 = arith.addf %parallel_loop3A_496, %parallel_loop3A_498 : vector<16xf32>
        %parallel_loop3A_500 = arith.mulf %parallel_loop3A_499, %parallel_loop3A_485 : vector<16xf32>
        %parallel_loop3A_501 = arith.constant -0.996275722 : f32
        %parallel_loop3A_502 = vector.broadcast %parallel_loop3A_501 : f32 to vector<16xf32>
        %parallel_loop3A_503 = arith.addf %parallel_loop3A_500, %parallel_loop3A_502 : vector<16xf32>
        %parallel_loop3A_504 = arith.mulf %parallel_loop3A_503, %parallel_loop3A_485 : vector<16xf32>
        %parallel_loop3A_505 = arith.constant 0.999948978 : f32
        %parallel_loop3A_506 = vector.broadcast %parallel_loop3A_505 : f32 to vector<16xf32>
        %parallel_loop3A_507 = arith.addf %parallel_loop3A_504, %parallel_loop3A_506 : vector<16xf32>
        %parallel_loop3A_508 = arith.constant 0.000000e+00 : f32
        %parallel_loop3A_509 = vector.broadcast %parallel_loop3A_508 : f32 to vector<16xf32>
        %parallel_loop3A_510 = arith.cmpf oge, %parallel_loop3A_454, %parallel_loop3A_509 : vector<16xf32>
        %parallel_loop3A_511 = arith.constant 1.000000e+00 : f32
        %parallel_loop3A_512 = vector.broadcast %parallel_loop3A_511 : f32 to vector<16xf32>
        %parallel_loop3A_513 = arith.subf %parallel_loop3A_512, %parallel_loop3A_507 : vector<16xf32>
        %parallel_loop3A_514 = arith.select %parallel_loop3A_510, %parallel_loop3A_507, %parallel_loop3A_513 : vector<16xi1>, vector<16xf32>
        %parallel_loop3A_515 = math.absf %parallel_loop3A_480 : vector<16xf32>
        %parallel_loop3A_516 = arith.constant 0.000000e+00 : f32
        %parallel_loop3A_517 = vector.broadcast %parallel_loop3A_516 : f32 to vector<16xf32>
        %parallel_loop3A_518 = arith.subf %parallel_loop3A_517, %parallel_loop3A_515 : vector<16xf32>
        %parallel_loop3A_519 = math.exp %parallel_loop3A_518 : vector<16xf32>
        %parallel_loop3A_520 = arith.constant 0.000000e+00 : f32
        %parallel_loop3A_521 = vector.broadcast %parallel_loop3A_520 : f32 to vector<16xf32>
        %parallel_loop3A_522 = arith.maximumf %parallel_loop3A_480, %parallel_loop3A_521 : vector<16xf32>
        %parallel_loop3A_523 = arith.constant -0.0543709323 : f32
        %parallel_loop3A_524 = vector.broadcast %parallel_loop3A_523 : f32 to vector<16xf32>
        %parallel_loop3A_525 = arith.mulf %parallel_loop3A_524, %parallel_loop3A_519 : vector<16xf32>
        %parallel_loop3A_526 = arith.constant 0.216448709 : f32
        %parallel_loop3A_527 = vector.broadcast %parallel_loop3A_526 : f32 to vector<16xf32>
        %parallel_loop3A_528 = arith.addf %parallel_loop3A_525, %parallel_loop3A_527 : vector<16xf32>
        %parallel_loop3A_529 = arith.mulf %parallel_loop3A_528, %parallel_loop3A_519 : vector<16xf32>
        %parallel_loop3A_530 = arith.constant -0.465020448 : f32
        %parallel_loop3A_531 = vector.broadcast %parallel_loop3A_530 : f32 to vector<16xf32>
        %parallel_loop3A_532 = arith.addf %parallel_loop3A_529, %parallel_loop3A_531 : vector<16xf32>
        %parallel_loop3A_533 = arith.mulf %parallel_loop3A_532, %parallel_loop3A_519 : vector<16xf32>
        %parallel_loop3A_534 = arith.constant 0.995965778 : f32
        %parallel_loop3A_535 = vector.broadcast %parallel_loop3A_534 : f32 to vector<16xf32>
        %parallel_loop3A_536 = arith.addf %parallel_loop3A_533, %parallel_loop3A_535 : vector<16xf32>
        %parallel_loop3A_537 = arith.mulf %parallel_loop3A_536, %parallel_loop3A_519 : vector<16xf32>
        %parallel_loop3A_538 = arith.constant 7.94207735E-5 : f32
        %parallel_loop3A_539 = vector.broadcast %parallel_loop3A_538 : f32 to vector<16xf32>
        %parallel_loop3A_540 = arith.addf %parallel_loop3A_537, %parallel_loop3A_539 : vector<16xf32>
        %parallel_loop3A_541 = arith.addf %parallel_loop3A_522, %parallel_loop3A_540 : vector<16xf32>
        %parallel_loop3A_542 = arith.mulf %parallel_loop3A_514, %parallel_loop3A_541 : vector<16xf32>
        %parallel_loop3A_543 = arith.constant 0 : i32
        %parallel_loop3A_544 = arith.constant 0 : i32
        %parallel_loop3A_545 = tpu.memref_slice %arg14[%and3A_101, %parallel_loop3A_543, %parallel_loop3A_544] : memref<2x80x64xf32, #tpu.memory_space<vmem>> -> memref<1x80x64xf32, #tpu.memory_space<vmem>>
        %parallel_loop3A_546 = tpu.memref_squeeze %parallel_loop3A_545 : memref<1x80x64xf32, #tpu.memory_space<vmem>> -> memref<80x64xf32, #tpu.memory_space<vmem>>
        %parallel_loop3A_547 = arith.index_cast %parallel_loop3A_182 : i32 to index
        %parallel_loop3A_548 = arith.constant 32 : index
        %parallel_loop3A_549 = tpu.vector_load %parallel_loop3A_546[%parallel_loop3A_547, %parallel_loop3A_548] {strides = array<i32>} : memref<80x64xf32, #tpu.memory_space<vmem>>, vector<1x16xf32>,
        %parallel_loop3A_550 = vector.shape_cast %parallel_loop3A_549 : vector<1x16xf32> to vector<16xf32>
        %parallel_loop3A_551 = vector.shape_cast %parallel_loop3A_542 : vector<16xf32> to vector<1x16xf32>
        tpu.vector_store %parallel_loop3A_546[%parallel_loop3A_547, %parallel_loop3A_548], %parallel_loop3A_551 {strides = array<i32>} : memref<80x64xf32, #tpu.memory_space<vmem>>, vector<1x16xf32>,
        %parallel_loop3A_552 = arith.constant 0 : i32
        %parallel_loop3A_553 = arith.constant 0 : i32
        %parallel_loop3A_554 = tpu.memref_slice %arg11[%and3A_101, %parallel_loop3A_552, %parallel_loop3A_553] : memref<2x80x128xf32, #tpu.memory_space<vmem>> -> memref<1x80x128xf32, #tpu.memory_space<vmem>>
        %parallel_loop3A_555 = tpu.memref_squeeze %parallel_loop3A_554 : memref<1x80x128xf32, #tpu.memory_space<vmem>> -> memref<80x128xf32, #tpu.memory_space<vmem>>
        %parallel_loop3A_556 = arith.index_cast %parallel_loop3A_182 : i32 to index
        %parallel_loop3A_557 = arith.constant 48 : index
        %parallel_loop3A_558 = tpu.vector_load %parallel_loop3A_555[%parallel_loop3A_556, %parallel_loop3A_557] {strides = array<i32>} : memref<80x128xf32, #tpu.memory_space<vmem>>, vector<1x16xf32>,
        %parallel_loop3A_559 = vector.shape_cast %parallel_loop3A_558 : vector<1x16xf32> to vector<16xf32>
        %parallel_loop3A_560 = arith.constant 0 : i32
        %parallel_loop3A_561 = arith.constant 0 : i32
        %parallel_loop3A_562 = tpu.memref_slice %arg12[%and3A_101, %parallel_loop3A_560, %parallel_loop3A_561] : memref<2x80x128xf32, #tpu.memory_space<vmem>> -> memref<1x80x128xf32, #tpu.memory_space<vmem>>
        %parallel_loop3A_563 = tpu.memref_squeeze %parallel_loop3A_562 : memref<1x80x128xf32, #tpu.memory_space<vmem>> -> memref<80x128xf32, #tpu.memory_space<vmem>>
        %parallel_loop3A_564 = arith.index_cast %parallel_loop3A_182 : i32 to index
        %parallel_loop3A_565 = arith.constant 48 : index
        %parallel_loop3A_566 = tpu.vector_load %parallel_loop3A_563[%parallel_loop3A_564, %parallel_loop3A_565] {strides = array<i32>} : memref<80x128xf32, #tpu.memory_space<vmem>>, vector<1x16xf32>,
        %parallel_loop3A_567 = vector.shape_cast %parallel_loop3A_566 : vector<1x16xf32> to vector<16xf32>
        %parallel_loop3A_568 = arith.addf %parallel_loop3A_559, %parallel_loop3A_567 : vector<16xf32>
        %parallel_loop3A_569 = arith.constant 0 : i32
        %parallel_loop3A_570 = arith.constant 0 : i32
        %parallel_loop3A_571 = tpu.memref_slice %arg13[%and3A_101, %parallel_loop3A_569, %parallel_loop3A_570] : memref<2x80x128xf32, #tpu.memory_space<vmem>> -> memref<1x80x128xf32, #tpu.memory_space<vmem>>
        %parallel_loop3A_572 = tpu.memref_squeeze %parallel_loop3A_571 : memref<1x80x128xf32, #tpu.memory_space<vmem>> -> memref<80x128xf32, #tpu.memory_space<vmem>>
        %parallel_loop3A_573 = arith.index_cast %parallel_loop3A_182 : i32 to index
        %parallel_loop3A_574 = arith.constant 48 : index
        %parallel_loop3A_575 = tpu.vector_load %parallel_loop3A_572[%parallel_loop3A_573, %parallel_loop3A_574] {strides = array<i32>} : memref<80x128xf32, #tpu.memory_space<vmem>>, vector<1x16xf32>,
        %parallel_loop3A_576 = vector.shape_cast %parallel_loop3A_575 : vector<1x16xf32> to vector<16xf32>
        %parallel_loop3A_577 = arith.addf %parallel_loop3A_568, %parallel_loop3A_576 : vector<16xf32>
        %parallel_loop3A_578 = arith.constant 0 : i32
        %parallel_loop3A_579 = arith.constant 0 : i32
        %parallel_loop3A_580 = tpu.memref_slice %arg11[%and3A_101, %parallel_loop3A_578, %parallel_loop3A_579] : memref<2x80x128xf32, #tpu.memory_space<vmem>> -> memref<1x80x128xf32, #tpu.memory_space<vmem>>
        %parallel_loop3A_581 = tpu.memref_squeeze %parallel_loop3A_580 : memref<1x80x128xf32, #tpu.memory_space<vmem>> -> memref<80x128xf32, #tpu.memory_space<vmem>>
        %parallel_loop3A_582 = arith.index_cast %parallel_loop3A_182 : i32 to index
        %parallel_loop3A_583 = arith.constant 112 : index
        %parallel_loop3A_584 = tpu.vector_load %parallel_loop3A_581[%parallel_loop3A_582, %parallel_loop3A_583] {strides = array<i32>} : memref<80x128xf32, #tpu.memory_space<vmem>>, vector<1x16xf32>,
        %parallel_loop3A_585 = vector.shape_cast %parallel_loop3A_584 : vector<1x16xf32> to vector<16xf32>
        %parallel_loop3A_586 = arith.constant 0 : i32
        %parallel_loop3A_587 = arith.constant 0 : i32
        %parallel_loop3A_588 = tpu.memref_slice %arg12[%and3A_101, %parallel_loop3A_586, %parallel_loop3A_587] : memref<2x80x128xf32, #tpu.memory_space<vmem>> -> memref<1x80x128xf32, #tpu.memory_space<vmem>>
        %parallel_loop3A_589 = tpu.memref_squeeze %parallel_loop3A_588 : memref<1x80x128xf32, #tpu.memory_space<vmem>> -> memref<80x128xf32, #tpu.memory_space<vmem>>
        %parallel_loop3A_590 = arith.index_cast %parallel_loop3A_182 : i32 to index
        %parallel_loop3A_591 = arith.constant 112 : index
        %parallel_loop3A_592 = tpu.vector_load %parallel_loop3A_589[%parallel_loop3A_590, %parallel_loop3A_591] {strides = array<i32>} : memref<80x128xf32, #tpu.memory_space<vmem>>, vector<1x16xf32>,
        %parallel_loop3A_593 = vector.shape_cast %parallel_loop3A_592 : vector<1x16xf32> to vector<16xf32>
        %parallel_loop3A_594 = arith.addf %parallel_loop3A_585, %parallel_loop3A_593 : vector<16xf32>
        %parallel_loop3A_595 = arith.constant 0 : i32
        %parallel_loop3A_596 = arith.constant 0 : i32
        %parallel_loop3A_597 = tpu.memref_slice %arg13[%and3A_101, %parallel_loop3A_595, %parallel_loop3A_596] : memref<2x80x128xf32, #tpu.memory_space<vmem>> -> memref<1x80x128xf32, #tpu.memory_space<vmem>>
        %parallel_loop3A_598 = tpu.memref_squeeze %parallel_loop3A_597 : memref<1x80x128xf32, #tpu.memory_space<vmem>> -> memref<80x128xf32, #tpu.memory_space<vmem>>
        %parallel_loop3A_599 = arith.index_cast %parallel_loop3A_182 : i32 to index
        %parallel_loop3A_600 = arith.constant 112 : index
        %parallel_loop3A_601 = tpu.vector_load %parallel_loop3A_598[%parallel_loop3A_599, %parallel_loop3A_600] {strides = array<i32>} : memref<80x128xf32, #tpu.memory_space<vmem>>, vector<1x16xf32>,
        %parallel_loop3A_602 = vector.shape_cast %parallel_loop3A_601 : vector<1x16xf32> to vector<16xf32>
        %parallel_loop3A_603 = arith.addf %parallel_loop3A_594, %parallel_loop3A_602 : vector<16xf32>
        %parallel_loop3A_604 = math.absf %parallel_loop3A_577 : vector<16xf32>
        %parallel_loop3A_605 = arith.constant 0.000000e+00 : f32
        %parallel_loop3A_606 = vector.broadcast %parallel_loop3A_605 : f32 to vector<16xf32>
        %parallel_loop3A_607 = arith.subf %parallel_loop3A_606, %parallel_loop3A_604 : vector<16xf32>
        %parallel_loop3A_608 = math.exp %parallel_loop3A_607 : vector<16xf32>
        %parallel_loop3A_609 = arith.constant -0.104484469 : f32
        %parallel_loop3A_610 = vector.broadcast %parallel_loop3A_609 : f32 to vector<16xf32>
        %parallel_loop3A_611 = arith.mulf %parallel_loop3A_610, %parallel_loop3A_608 : vector<16xf32>
        %parallel_loop3A_612 = arith.constant 0.417937875 : f32
        %parallel_loop3A_613 = vector.broadcast %parallel_loop3A_612 : f32 to vector<16xf32>
        %parallel_loop3A_614 = arith.addf %parallel_loop3A_611, %parallel_loop3A_613 : vector<16xf32>
        %parallel_loop3A_615 = arith.mulf %parallel_loop3A_614, %parallel_loop3A_608 : vector<16xf32>
        %parallel_loop3A_616 = arith.constant -0.770572901 : f32
        %parallel_loop3A_617 = vector.broadcast %parallel_loop3A_616 : f32 to vector<16xf32>
        %parallel_loop3A_618 = arith.addf %parallel_loop3A_615, %parallel_loop3A_617 : vector<16xf32>
        %parallel_loop3A_619 = arith.mulf %parallel_loop3A_618, %parallel_loop3A_608 : vector<16xf32>
        %parallel_loop3A_620 = arith.constant 0.953420758 : f32
        %parallel_loop3A_621 = vector.broadcast %parallel_loop3A_620 : f32 to vector<16xf32>
        %parallel_loop3A_622 = arith.addf %parallel_loop3A_619, %parallel_loop3A_621 : vector<16xf32>
        %parallel_loop3A_623 = arith.mulf %parallel_loop3A_622, %parallel_loop3A_608 : vector<16xf32>
        %parallel_loop3A_624 = arith.constant -0.996275722 : f32
        %parallel_loop3A_625 = vector.broadcast %parallel_loop3A_624 : f32 to vector<16xf32>
        %parallel_loop3A_626 = arith.addf %parallel_loop3A_623, %parallel_loop3A_625 : vector<16xf32>
        %parallel_loop3A_627 = arith.mulf %parallel_loop3A_626, %parallel_loop3A_608 : vector<16xf32>
        %parallel_loop3A_628 = arith.constant 0.999948978 : f32
        %parallel_loop3A_629 = vector.broadcast %parallel_loop3A_628 : f32 to vector<16xf32>
        %parallel_loop3A_630 = arith.addf %parallel_loop3A_627, %parallel_loop3A_629 : vector<16xf32>
        %parallel_loop3A_631 = arith.constant 0.000000e+00 : f32
        %parallel_loop3A_632 = vector.broadcast %parallel_loop3A_631 : f32 to vector<16xf32>
        %parallel_loop3A_633 = arith.cmpf oge, %parallel_loop3A_577, %parallel_loop3A_632 : vector<16xf32>
        %parallel_loop3A_634 = arith.constant 1.000000e+00 : f32
        %parallel_loop3A_635 = vector.broadcast %parallel_loop3A_634 : f32 to vector<16xf32>
        %parallel_loop3A_636 = arith.subf %parallel_loop3A_635, %parallel_loop3A_630 : vector<16xf32>
        %parallel_loop3A_637 = arith.select %parallel_loop3A_633, %parallel_loop3A_630, %parallel_loop3A_636 : vector<16xi1>, vector<16xf32>
        %parallel_loop3A_638 = math.absf %parallel_loop3A_603 : vector<16xf32>
        %parallel_loop3A_639 = arith.constant 0.000000e+00 : f32
        %parallel_loop3A_640 = vector.broadcast %parallel_loop3A_639 : f32 to vector<16xf32>
        %parallel_loop3A_641 = arith.subf %parallel_loop3A_640, %parallel_loop3A_638 : vector<16xf32>
        %parallel_loop3A_642 = math.exp %parallel_loop3A_641 : vector<16xf32>
        %parallel_loop3A_643 = arith.constant 0.000000e+00 : f32
        %parallel_loop3A_644 = vector.broadcast %parallel_loop3A_643 : f32 to vector<16xf32>
        %parallel_loop3A_645 = arith.maximumf %parallel_loop3A_603, %parallel_loop3A_644 : vector<16xf32>
        %parallel_loop3A_646 = arith.constant -0.0543709323 : f32
        %parallel_loop3A_647 = vector.broadcast %parallel_loop3A_646 : f32 to vector<16xf32>
        %parallel_loop3A_648 = arith.mulf %parallel_loop3A_647, %parallel_loop3A_642 : vector<16xf32>
        %parallel_loop3A_649 = arith.constant 0.216448709 : f32
        %parallel_loop3A_650 = vector.broadcast %parallel_loop3A_649 : f32 to vector<16xf32>
        %parallel_loop3A_651 = arith.addf %parallel_loop3A_648, %parallel_loop3A_650 : vector<16xf32>
        %parallel_loop3A_652 = arith.mulf %parallel_loop3A_651, %parallel_loop3A_642 : vector<16xf32>
        %parallel_loop3A_653 = arith.constant -0.465020448 : f32
        %parallel_loop3A_654 = vector.broadcast %parallel_loop3A_653 : f32 to vector<16xf32>
        %parallel_loop3A_655 = arith.addf %parallel_loop3A_652, %parallel_loop3A_654 : vector<16xf32>
        %parallel_loop3A_656 = arith.mulf %parallel_loop3A_655, %parallel_loop3A_642 : vector<16xf32>
        %parallel_loop3A_657 = arith.constant 0.995965778 : f32
        %parallel_loop3A_658 = vector.broadcast %parallel_loop3A_657 : f32 to vector<16xf32>
        %parallel_loop3A_659 = arith.addf %parallel_loop3A_656, %parallel_loop3A_658 : vector<16xf32>
        %parallel_loop3A_660 = arith.mulf %parallel_loop3A_659, %parallel_loop3A_642 : vector<16xf32>
        %parallel_loop3A_661 = arith.constant 7.94207735E-5 : f32
        %parallel_loop3A_662 = vector.broadcast %parallel_loop3A_661 : f32 to vector<16xf32>
        %parallel_loop3A_663 = arith.addf %parallel_loop3A_660, %parallel_loop3A_662 : vector<16xf32>
        %parallel_loop3A_664 = arith.addf %parallel_loop3A_645, %parallel_loop3A_663 : vector<16xf32>
        %parallel_loop3A_665 = arith.mulf %parallel_loop3A_637, %parallel_loop3A_664 : vector<16xf32>
        %parallel_loop3A_666 = arith.constant 0 : i32
        %parallel_loop3A_667 = arith.constant 0 : i32
        %parallel_loop3A_668 = tpu.memref_slice %arg14[%and3A_101, %parallel_loop3A_666, %parallel_loop3A_667] : memref<2x80x64xf32, #tpu.memory_space<vmem>> -> memref<1x80x64xf32, #tpu.memory_space<vmem>>
        %parallel_loop3A_669 = tpu.memref_squeeze %parallel_loop3A_668 : memref<1x80x64xf32, #tpu.memory_space<vmem>> -> memref<80x64xf32, #tpu.memory_space<vmem>>
        %parallel_loop3A_670 = arith.index_cast %parallel_loop3A_182 : i32 to index
        %parallel_loop3A_671 = arith.constant 48 : index
        %parallel_loop3A_672 = tpu.vector_load %parallel_loop3A_669[%parallel_loop3A_670, %parallel_loop3A_671] {strides = array<i32>} : memref<80x64xf32, #tpu.memory_space<vmem>>, vector<1x16xf32>,
        %parallel_loop3A_673 = vector.shape_cast %parallel_loop3A_672 : vector<1x16xf32> to vector<16xf32>
        %parallel_loop3A_674 = vector.shape_cast %parallel_loop3A_665 : vector<16xf32> to vector<1x16xf32>
        tpu.vector_store %parallel_loop3A_669[%parallel_loop3A_670, %parallel_loop3A_671], %parallel_loop3A_674 {strides = array<i32>} : memref<80x64xf32, #tpu.memory_space<vmem>>, vector<1x16xf32>,
      } {sc.loop_unroll_factor = 8 : i64, sc.parallel_access}
      %dma_start3A_172 = arith.constant 0 : i32
      %dma_start3A_173 = arith.constant 0 : i32
      %dma_start3A_174 = tpu.memref_slice %arg14[%and3A_101, %dma_start3A_172, %dma_start3A_173] : memref<2x80x64xf32, #tpu.memory_space<vmem>> -> memref<1x80x64xf32, #tpu.memory_space<vmem>>
      %dma_start3A_175 = tpu.memref_squeeze %dma_start3A_174 : memref<1x80x64xf32, #tpu.memory_space<vmem>> -> memref<80x64xf32, #tpu.memory_space<vmem>>
      %dma_start3A_176 = arith.constant 0 : i32
      %dma_start3A_177 = tpu.memref_slice %arg9[%and3A_104, %dma_start3A_176] : memref<4x80xi32, #tpu.memory_space<vmem>> -> memref<1x80xi32, #tpu.memory_space<vmem>>
      %dma_start3A_178 = tpu.memref_squeeze %dma_start3A_177 : memref<1x80xi32, #tpu.memory_space<vmem>> -> memref<80xi32, #tpu.memory_space<vmem>>
      %dma_start3A_179 = arith.constant 0 : i32
      %dma_start3A_180 = arith.constant 0 : i32
      %dma_start3A_181 = tpu.memref_slice %arg15[%dma_start3A_179, %dma_start3A_180] : memref<10240x64xf32, #tpu.memory_space<vmem_shared>> -> memref<10240x64xf32, #tpu.memory_space<vmem_shared>>
      tpu.enqueue_indirect_dma source(%dma_start3A_175 : memref<80x64xf32, #tpu.memory_space<vmem>>) target(%dma_start3A_181 : memref<10240x64xf32, #tpu.memory_space<vmem_shared>>) offsets(%dma_start3A_178 : memref<80xi32, #tpu.memory_space<vmem>>) semaphore(%arg20 : memref<!tpu.dma_semaphore, #tpu.memory_space<semaphore_mem>>) {add = true}
    }
    %scan3A_75 = arith.constant 250 : i32
    %dma_wait3A = arith.constant 0 : i32
    %dma_wait3A_76 = arith.constant 0 : i32
    %dma_wait3A_77 = arith.constant 0 : i32
    %dma_wait3A_78 = arith.constant 0 : i32
    %dma_wait3A_79 = tpu.memref_slice %arg14[%dma_wait3A, %dma_wait3A_77, %dma_wait3A_78] : memref<2x80x64xf32, #tpu.memory_space<vmem>> -> memref<1x80x64xf32, #tpu.memory_space<vmem>>
    %dma_wait3A_80 = tpu.memref_squeeze %dma_wait3A_79 : memref<1x80x64xf32, #tpu.memory_space<vmem>> -> memref<80x64xf32, #tpu.memory_space<vmem>>
    %dma_wait3A_81 = arith.constant 0 : i32
    %dma_wait3A_82 = tpu.memref_slice %arg9[%dma_wait3A_76, %dma_wait3A_81] : memref<4x80xi32, #tpu.memory_space<vmem>> -> memref<1x80xi32, #tpu.memory_space<vmem>>
    %dma_wait3A_83 = tpu.memref_squeeze %dma_wait3A_82 : memref<1x80xi32, #tpu.memory_space<vmem>> -> memref<80xi32, #tpu.memory_space<vmem>>
    %dma_wait3A_84 = arith.constant 0 : i32
    %dma_wait3A_85 = arith.constant 0 : i32
    %dma_wait3A_86 = tpu.memref_slice %arg15[%dma_wait3A_84, %dma_wait3A_85] : memref<10240x64xf32, #tpu.memory_space<vmem_shared>> -> memref<10240x64xf32, #tpu.memory_space<vmem_shared>>
    tpu.wait_indirect_dma semaphore(%arg20 : memref<!tpu.dma_semaphore, #tpu.memory_space<semaphore_mem>>) src(%dma_wait3A_80 : memref<80x64xf32, #tpu.memory_space<vmem>>) dst(%dma_wait3A_86 : memref<10240x64xf32, #tpu.memory_space<vmem_shared>>)
    %dma_wait3A_87 = arith.constant 1 : i32
    %dma_wait3A_88 = arith.constant 1 : i32
    %dma_wait3A_89 = arith.constant 0 : i32
    %dma_wait3A_90 = arith.constant 0 : i32
    %dma_wait3A_91 = tpu.memref_slice %arg14[%dma_wait3A_87, %dma_wait3A_89, %dma_wait3A_90] : memref<2x80x64xf32, #tpu.memory_space<vmem>> -> memref<1x80x64xf32, #tpu.memory_space<vmem>>
    %dma_wait3A_92 = tpu.memref_squeeze %dma_wait3A_91 : memref<1x80x64xf32, #tpu.memory_space<vmem>> -> memref<80x64xf32, #tpu.memory_space<vmem>>
    %dma_wait3A_93 = arith.constant 0 : i32
    %dma_wait3A_94 = tpu.memref_slice %arg9[%dma_wait3A_88, %dma_wait3A_93] : memref<4x80xi32, #tpu.memory_space<vmem>> -> memref<1x80xi32, #tpu.memory_space<vmem>>
    %dma_wait3A_95 = tpu.memref_squeeze %dma_wait3A_94 : memref<1x80xi32, #tpu.memory_space<vmem>> -> memref<80xi32, #tpu.memory_space<vmem>>
    %dma_wait3A_96 = arith.constant 0 : i32
    %dma_wait3A_97 = arith.constant 0 : i32
    %dma_wait3A_98 = tpu.memref_slice %arg15[%dma_wait3A_96, %dma_wait3A_97] : memref<10240x64xf32, #tpu.memory_space<vmem_shared>> -> memref<10240x64xf32, #tpu.memory_space<vmem_shared>>
    tpu.wait_indirect_dma semaphore(%arg20 : memref<!tpu.dma_semaphore, #tpu.memory_space<semaphore_mem>>) src(%dma_wait3A_92 : memref<80x64xf32, #tpu.memory_space<vmem>>) dst(%dma_wait3A_98 : memref<10240x64xf32, #tpu.memory_space<vmem_shared>>)
    %barrier3A_99 = arith.constant 0 : index
    tpu.barrier barrier_id(%barrier3A_99)
    "tpu.region"() ({
      %run_scoped3A_100 = tpu.sem_alloc : memref<!tpu.dma_semaphore, #tpu.memory_space<semaphore_mem>>
      %dma_start3A_101 = arith.constant 0 : i32
      %dma_start3A_102 = tpu.memref_slice %arg8[%arg0, %mul3A_2, %dma_start3A_101] : memref<2x10240x64xf32, #tpu.memory_space<hbm>> -> memref<1x640x64xf32, #tpu.memory_space<hbm>>
      %dma_start3A_103 = tpu.memref_squeeze %dma_start3A_102 : memref<1x640x64xf32, #tpu.memory_space<hbm>> -> memref<640x64xf32, #tpu.memory_space<hbm>>
      %dma_start3A_104 = arith.constant 0 : i32
      %dma_start3A_105 = tpu.memref_slice %arg15[%mul3A_2, %dma_start3A_104] : memref<10240x64xf32, #tpu.memory_space<vmem_shared>> -> memref<640x64xf32, #tpu.memory_space<vmem_shared>>
      tpu.enqueue_dma source(%dma_start3A_105 : memref<640x64xf32, #tpu.memory_space<vmem_shared>>) target(%dma_start3A_103 : memref<640x64xf32, #tpu.memory_space<hbm>>) target_semaphore(%run_scoped3A_100 : memref<!tpu.dma_semaphore, #tpu.memory_space<semaphore_mem>>)
      %dma_wait3A_106 = arith.constant 0 : i32
      %dma_wait3A_107 = tpu.memref_slice %arg8[%arg0, %mul3A_2, %dma_wait3A_106] : memref<2x10240x64xf32, #tpu.memory_space<hbm>> -> memref<1x640x64xf32, #tpu.memory_space<hbm>>
      %dma_wait3A_108 = tpu.memref_squeeze %dma_wait3A_107 : memref<1x640x64xf32, #tpu.memory_space<hbm>> -> memref<640x64xf32, #tpu.memory_space<hbm>>
      %dma_wait3A_109 = arith.constant 0 : i32
      %dma_wait3A_110 = tpu.memref_slice %arg15[%mul3A_2, %dma_wait3A_109] : memref<10240x64xf32, #tpu.memory_space<vmem_shared>> -> memref<640x64xf32, #tpu.memory_space<vmem_shared>>
      tpu.wait_dma2 semaphore(%run_scoped3A_100 : memref<!tpu.dma_semaphore, #tpu.memory_space<semaphore_mem>>) src(%dma_wait3A_110 : memref<640x64xf32, #tpu.memory_space<vmem_shared>>) dst(%dma_wait3A_108 : memref<640x64xf32, #tpu.memory_space<hbm>>)
      tpu.yield
    }) : () -> ()
    return
  }
}

module attributes {stable_mosaic.version = 14 : i64} {
  func.func @_edge_mm_body(%arg0: i32, %arg1: memref<4000x16xf32, #tpu.memory_space<vmem>>, %arg2: memref<16x128xf32, #tpu.memory_space<vmem>>, %arg3: memref<1x128xf32, #tpu.memory_space<vmem>>, %arg4: memref<16x128xf32, #tpu.memory_space<vmem>>, %arg5: memref<1x128xf32, #tpu.memory_space<vmem>>, %arg6: memref<16x128xf32, #tpu.memory_space<vmem>>, %arg7: memref<1x128xf32, #tpu.memory_space<vmem>>, %arg8: memref<16x128xf32, #tpu.memory_space<vmem>>, %arg9: memref<1x128xf32, #tpu.memory_space<vmem>>, %arg10: memref<2x4000x128xf32, #tpu.memory_space<vmem>>, %arg11: memref<2x4000x128xf32, #tpu.memory_space<vmem>>) attributes {dimension_semantics = [#tpu.dimension_semantics<arbitrary>], iteration_bounds = array<i64: 80>, scalar_prefetch = 0 : i64, scratch_operands = 0 : i64, tpu.core_type = #tpu.core_type<tc>, window_params = [{transform_indices = @transform_0, window_bounds = array<i64: 4000, 16>}, {pipeline_mode = #tpu.pipeline_mode<synchronous>, transform_indices = @transform_1, window_bounds = array<i64: 16, 128>}, {pipeline_mode = #tpu.pipeline_mode<synchronous>, transform_indices = @transform_2, window_bounds = array<i64: 1, 128>}, {pipeline_mode = #tpu.pipeline_mode<synchronous>, transform_indices = @transform_3, window_bounds = array<i64: 16, 128>}, {pipeline_mode = #tpu.pipeline_mode<synchronous>, transform_indices = @transform_4, window_bounds = array<i64: 1, 128>}, {pipeline_mode = #tpu.pipeline_mode<synchronous>, transform_indices = @transform_5, window_bounds = array<i64: 16, 128>}, {pipeline_mode = #tpu.pipeline_mode<synchronous>, transform_indices = @transform_6, window_bounds = array<i64: 1, 128>}, {pipeline_mode = #tpu.pipeline_mode<synchronous>, transform_indices = @transform_7, window_bounds = array<i64: 16, 128>}, {pipeline_mode = #tpu.pipeline_mode<synchronous>, transform_indices = @transform_8, window_bounds = array<i64: 1, 128>}, {transform_indices = @transform_9, window_bounds = array<i64: 2, 4000, 128>}, {transform_indices = @transform_10, window_bounds = array<i64: 2, 4000, 128>}]} {
    %get3A = arith.constant 0 : index
    %get3A_0 = arith.constant 0 : index
    %get3A_1 = vector.load %arg1[%get3A, %get3A_0] : memref<4000x16xf32, #tpu.memory_space<vmem>>, vector<4000x16xf32>
    %get3A_2 = arith.constant 0 : index
    %get3A_3 = arith.constant 0 : index
    %get3A_4 = vector.load %arg2[%get3A_2, %get3A_3] : memref<16x128xf32, #tpu.memory_space<vmem>>, vector<16x128xf32>
    %dot_general3A = arith.constant dense<0.000000e+00> : vector<4000x128xf32>
    %dot_general3A_5 = tpu.matmul %get3A_1, %get3A_4, %dot_general3A {dimension_numbers = #tpu.dot_dimension_numbers<[1], [0], [0], [1], [0, 0, 1, 1], [], []>, transpose_lhs_hint = false} : vector<4000x16xf32>, vector<16x128xf32>, vector<4000x128xf32> -> vector<4000x128xf32>
    %get3A_6 = arith.constant 0 : index
    %get3A_7 = arith.constant 0 : index
    %get3A_8 = vector.load %arg3[%get3A_6, %get3A_7] : memref<1x128xf32, #tpu.memory_space<vmem>>, vector<1x128xf32>
    %add3A = vector.broadcast %get3A_8 : vector<1x128xf32> to vector<4000x128xf32>
    %add3A_9 = arith.addf %dot_general3A_5, %add3A : vector<4000x128xf32>
    %swap3A = arith.constant 0 : index
    %swap3A_10 = arith.constant 0 : index
    %swap3A_11 = arith.constant 0 : index
    %swap3A_12 = vector.load %arg10[%swap3A, %swap3A_10, %swap3A_11] : memref<2x4000x128xf32, #tpu.memory_space<vmem>>, vector<1x4000x128xf32>
    %swap3A_13 = vector.shape_cast %swap3A_12 : vector<1x4000x128xf32> to vector<4000x128xf32>
    %swap3A_14 = vector.shape_cast %add3A_9 : vector<4000x128xf32> to vector<1x4000x128xf32>
    tpu.vector_store %arg10[%swap3A, %swap3A_10, %swap3A_11], %swap3A_14 {strides = array<i32>} : memref<2x4000x128xf32, #tpu.memory_space<vmem>>, vector<1x4000x128xf32>,
    %get3A_15 = arith.constant 0 : index
    %get3A_16 = arith.constant 0 : index
    %get3A_17 = vector.load %arg4[%get3A_15, %get3A_16] : memref<16x128xf32, #tpu.memory_space<vmem>>, vector<16x128xf32>
    %dot_general3A_18 = arith.constant dense<0.000000e+00> : vector<4000x128xf32>
    %dot_general3A_19 = tpu.matmul %get3A_1, %get3A_17, %dot_general3A_18 {dimension_numbers = #tpu.dot_dimension_numbers<[1], [0], [0], [1], [0, 0, 1, 1], [], []>, transpose_lhs_hint = false} : vector<4000x16xf32>, vector<16x128xf32>, vector<4000x128xf32> -> vector<4000x128xf32>
    %get3A_20 = arith.constant 0 : index
    %get3A_21 = arith.constant 0 : index
    %get3A_22 = vector.load %arg5[%get3A_20, %get3A_21] : memref<1x128xf32, #tpu.memory_space<vmem>>, vector<1x128xf32>
    %add3A_23 = vector.broadcast %get3A_22 : vector<1x128xf32> to vector<4000x128xf32>
    %add3A_24 = arith.addf %dot_general3A_19, %add3A_23 : vector<4000x128xf32>
    %swap3A_25 = arith.constant 1 : index
    %swap3A_26 = arith.constant 0 : index
    %swap3A_27 = arith.constant 0 : index
    %swap3A_28 = vector.load %arg10[%swap3A_25, %swap3A_26, %swap3A_27] : memref<2x4000x128xf32, #tpu.memory_space<vmem>>, vector<1x4000x128xf32>
    %swap3A_29 = vector.shape_cast %swap3A_28 : vector<1x4000x128xf32> to vector<4000x128xf32>
    %swap3A_30 = vector.shape_cast %add3A_24 : vector<4000x128xf32> to vector<1x4000x128xf32>
    tpu.vector_store %arg10[%swap3A_25, %swap3A_26, %swap3A_27], %swap3A_30 {strides = array<i32>} : memref<2x4000x128xf32, #tpu.memory_space<vmem>>, vector<1x4000x128xf32>,
    %get3A_31 = arith.constant 0 : index
    %get3A_32 = arith.constant 0 : index
    %get3A_33 = vector.load %arg6[%get3A_31, %get3A_32] : memref<16x128xf32, #tpu.memory_space<vmem>>, vector<16x128xf32>
    %dot_general3A_34 = arith.constant dense<0.000000e+00> : vector<4000x128xf32>
    %dot_general3A_35 = tpu.matmul %get3A_1, %get3A_33, %dot_general3A_34 {dimension_numbers = #tpu.dot_dimension_numbers<[1], [0], [0], [1], [0, 0, 1, 1], [], []>, transpose_lhs_hint = false} : vector<4000x16xf32>, vector<16x128xf32>, vector<4000x128xf32> -> vector<4000x128xf32>
    %get3A_36 = arith.constant 0 : index
    %get3A_37 = arith.constant 0 : index
    %get3A_38 = vector.load %arg7[%get3A_36, %get3A_37] : memref<1x128xf32, #tpu.memory_space<vmem>>, vector<1x128xf32>
    %add3A_39 = vector.broadcast %get3A_38 : vector<1x128xf32> to vector<4000x128xf32>
    %add3A_40 = arith.addf %dot_general3A_35, %add3A_39 : vector<4000x128xf32>
    %swap3A_41 = arith.constant 0 : index
    %swap3A_42 = arith.constant 0 : index
    %swap3A_43 = arith.constant 0 : index
    %swap3A_44 = vector.load %arg11[%swap3A_41, %swap3A_42, %swap3A_43] : memref<2x4000x128xf32, #tpu.memory_space<vmem>>, vector<1x4000x128xf32>
    %swap3A_45 = vector.shape_cast %swap3A_44 : vector<1x4000x128xf32> to vector<4000x128xf32>
    %swap3A_46 = vector.shape_cast %add3A_40 : vector<4000x128xf32> to vector<1x4000x128xf32>
    tpu.vector_store %arg11[%swap3A_41, %swap3A_42, %swap3A_43], %swap3A_46 {strides = array<i32>} : memref<2x4000x128xf32, #tpu.memory_space<vmem>>, vector<1x4000x128xf32>,
    %get3A_47 = arith.constant 0 : index
    %get3A_48 = arith.constant 0 : index
    %get3A_49 = vector.load %arg8[%get3A_47, %get3A_48] : memref<16x128xf32, #tpu.memory_space<vmem>>, vector<16x128xf32>
    %dot_general3A_50 = arith.constant dense<0.000000e+00> : vector<4000x128xf32>
    %dot_general3A_51 = tpu.matmul %get3A_1, %get3A_49, %dot_general3A_50 {dimension_numbers = #tpu.dot_dimension_numbers<[1], [0], [0], [1], [0, 0, 1, 1], [], []>, transpose_lhs_hint = false} : vector<4000x16xf32>, vector<16x128xf32>, vector<4000x128xf32> -> vector<4000x128xf32>
    %get3A_52 = arith.constant 0 : index
    %get3A_53 = arith.constant 0 : index
    %get3A_54 = vector.load %arg9[%get3A_52, %get3A_53] : memref<1x128xf32, #tpu.memory_space<vmem>>, vector<1x128xf32>
    %add3A_55 = vector.broadcast %get3A_54 : vector<1x128xf32> to vector<4000x128xf32>
    %add3A_56 = arith.addf %dot_general3A_51, %add3A_55 : vector<4000x128xf32>
    %swap3A_57 = arith.constant 1 : index
    %swap3A_58 = arith.constant 0 : index
    %swap3A_59 = arith.constant 0 : index
    %swap3A_60 = vector.load %arg11[%swap3A_57, %swap3A_58, %swap3A_59] : memref<2x4000x128xf32, #tpu.memory_space<vmem>>, vector<1x4000x128xf32>
    %swap3A_61 = vector.shape_cast %swap3A_60 : vector<1x4000x128xf32> to vector<4000x128xf32>
    %swap3A_62 = vector.shape_cast %add3A_56 : vector<4000x128xf32> to vector<1x4000x128xf32>
    tpu.vector_store %arg11[%swap3A_57, %swap3A_58, %swap3A_59], %swap3A_62 {strides = array<i32>} : memref<2x4000x128xf32, #tpu.memory_space<vmem>>, vector<1x4000x128xf32>,
    return
  }
  func.func @transform_0(%arg0: i32) -> (i32, i32) {
    %c0_i32 = arith.constant 0 : i32
    %c0_i32_0 = arith.constant 0 : i32
    return %arg0, %c0_i32 : i32, i32
  }
  func.func @transform_1(%arg0: i32) -> (i32, i32) {
    %c0_i32 = arith.constant 0 : i32
    %c0_i32_0 = arith.constant 0 : i32
    %c0_i32_1 = arith.constant 0 : i32
    return %c0_i32, %c0_i32_0 : i32, i32
  }
  func.func @transform_2(%arg0: i32) -> (i32, i32) {
    %c0_i32 = arith.constant 0 : i32
    %c0_i32_0 = arith.constant 0 : i32
    %c0_i32_1 = arith.constant 0 : i32
    return %c0_i32, %c0_i32_0 : i32, i32
  }
  func.func @transform_3(%arg0: i32) -> (i32, i32) {
    %c0_i32 = arith.constant 0 : i32
    %c0_i32_0 = arith.constant 0 : i32
    %c0_i32_1 = arith.constant 0 : i32
    return %c0_i32, %c0_i32_0 : i32, i32
  }
  func.func @transform_4(%arg0: i32) -> (i32, i32) {
    %c0_i32 = arith.constant 0 : i32
    %c0_i32_0 = arith.constant 0 : i32
    %c0_i32_1 = arith.constant 0 : i32
    return %c0_i32, %c0_i32_0 : i32, i32
  }
  func.func @transform_5(%arg0: i32) -> (i32, i32) {
    %c0_i32 = arith.constant 0 : i32
    %c0_i32_0 = arith.constant 0 : i32
    %c0_i32_1 = arith.constant 0 : i32
    return %c0_i32, %c0_i32_0 : i32, i32
  }
  func.func @transform_6(%arg0: i32) -> (i32, i32) {
    %c0_i32 = arith.constant 0 : i32
    %c0_i32_0 = arith.constant 0 : i32
    %c0_i32_1 = arith.constant 0 : i32
    return %c0_i32, %c0_i32_0 : i32, i32
  }
  func.func @transform_7(%arg0: i32) -> (i32, i32) {
    %c0_i32 = arith.constant 0 : i32
    %c0_i32_0 = arith.constant 0 : i32
    %c0_i32_1 = arith.constant 0 : i32
    return %c0_i32, %c0_i32_0 : i32, i32
  }
  func.func @transform_8(%arg0: i32) -> (i32, i32) {
    %c0_i32 = arith.constant 0 : i32
    %c0_i32_0 = arith.constant 0 : i32
    %c0_i32_1 = arith.constant 0 : i32
    return %c0_i32, %c0_i32_0 : i32, i32
  }
  func.func @transform_9(%arg0: i32) -> (i32, i32, i32) {
    %c0_i32 = arith.constant 0 : i32
    %c0_i32_0 = arith.constant 0 : i32
    %c0_i32_1 = arith.constant 0 : i32
    return %c0_i32, %arg0, %c0_i32_0 : i32, i32, i32
  }
  func.func @transform_10(%arg0: i32) -> (i32, i32, i32) {
    %c0_i32 = arith.constant 0 : i32
    %c0_i32_0 = arith.constant 0 : i32
    %c0_i32_1 = arith.constant 0 : i32
    return %c0_i32, %arg0, %c0_i32_0 : i32, i32, i32
  }
}

module attributes {stable_mosaic.version = 14 : i64} {
  func.func @_table_mm_body(%arg0: i32, %arg1: memref<2000x128xf32, #tpu.memory_space<vmem>>, %arg2: memref<128x128xf32, #tpu.memory_space<vmem>>, %arg3: memref<128x128xf32, #tpu.memory_space<vmem>>, %arg4: memref<128x128xf32, #tpu.memory_space<vmem>>, %arg5: memref<128x128xf32, #tpu.memory_space<vmem>>, %arg6: memref<2x2000x128xf32, #tpu.memory_space<vmem>>, %arg7: memref<2x2000x128xf32, #tpu.memory_space<vmem>>) attributes {dimension_semantics = [#tpu.dimension_semantics<arbitrary>], iteration_bounds = array<i64: 5>, scalar_prefetch = 0 : i64, scratch_operands = 0 : i64, tpu.core_type = #tpu.core_type<tc>, window_params = [{transform_indices = @transform_0, window_bounds = array<i64: 2000, 128>}, {pipeline_mode = #tpu.pipeline_mode<synchronous>, transform_indices = @transform_1, window_bounds = array<i64: 128, 128>}, {pipeline_mode = #tpu.pipeline_mode<synchronous>, transform_indices = @transform_2, window_bounds = array<i64: 128, 128>}, {pipeline_mode = #tpu.pipeline_mode<synchronous>, transform_indices = @transform_3, window_bounds = array<i64: 128, 128>}, {pipeline_mode = #tpu.pipeline_mode<synchronous>, transform_indices = @transform_4, window_bounds = array<i64: 128, 128>}, {transform_indices = @transform_5, window_bounds = array<i64: 2, 2000, 128>}, {transform_indices = @transform_6, window_bounds = array<i64: 2, 2000, 128>}]} {
    %get3A = arith.constant 0 : index
    %get3A_0 = arith.constant 0 : index
    %get3A_1 = vector.load %arg1[%get3A, %get3A_0] : memref<2000x128xf32, #tpu.memory_space<vmem>>, vector<2000x128xf32>
    %get3A_2 = arith.constant 0 : index
    %get3A_3 = arith.constant 0 : index
    %get3A_4 = vector.load %arg2[%get3A_2, %get3A_3] : memref<128x128xf32, #tpu.memory_space<vmem>>, vector<128x128xf32>
    %dot_general3A = arith.constant dense<0.000000e+00> : vector<2000x128xf32>
    %dot_general3A_5 = tpu.matmul %get3A_1, %get3A_4, %dot_general3A {dimension_numbers = #tpu.dot_dimension_numbers<[1], [0], [0], [1], [0, 0, 1, 1], [], []>, transpose_lhs_hint = false} : vector<2000x128xf32>, vector<128x128xf32>, vector<2000x128xf32> -> vector<2000x128xf32>
    %swap3A = arith.constant 0 : index
    %swap3A_6 = arith.constant 0 : index
    %swap3A_7 = arith.constant 0 : index
    %swap3A_8 = vector.load %arg6[%swap3A, %swap3A_6, %swap3A_7] : memref<2x2000x128xf32, #tpu.memory_space<vmem>>, vector<1x2000x128xf32>
    %swap3A_9 = vector.shape_cast %swap3A_8 : vector<1x2000x128xf32> to vector<2000x128xf32>
    %swap3A_10 = vector.shape_cast %dot_general3A_5 : vector<2000x128xf32> to vector<1x2000x128xf32>
    tpu.vector_store %arg6[%swap3A, %swap3A_6, %swap3A_7], %swap3A_10 {strides = array<i32>} : memref<2x2000x128xf32, #tpu.memory_space<vmem>>, vector<1x2000x128xf32>,
    %get3A_11 = arith.constant 0 : index
    %get3A_12 = arith.constant 0 : index
    %get3A_13 = vector.load %arg3[%get3A_11, %get3A_12] : memref<128x128xf32, #tpu.memory_space<vmem>>, vector<128x128xf32>
    %dot_general3A_14 = arith.constant dense<0.000000e+00> : vector<2000x128xf32>
    %dot_general3A_15 = tpu.matmul %get3A_1, %get3A_13, %dot_general3A_14 {dimension_numbers = #tpu.dot_dimension_numbers<[1], [0], [0], [1], [0, 0, 1, 1], [], []>, transpose_lhs_hint = false} : vector<2000x128xf32>, vector<128x128xf32>, vector<2000x128xf32> -> vector<2000x128xf32>
    %swap3A_16 = arith.constant 1 : index
    %swap3A_17 = arith.constant 0 : index
    %swap3A_18 = arith.constant 0 : index
    %swap3A_19 = vector.load %arg6[%swap3A_16, %swap3A_17, %swap3A_18] : memref<2x2000x128xf32, #tpu.memory_space<vmem>>, vector<1x2000x128xf32>
    %swap3A_20 = vector.shape_cast %swap3A_19 : vector<1x2000x128xf32> to vector<2000x128xf32>
    %swap3A_21 = vector.shape_cast %dot_general3A_15 : vector<2000x128xf32> to vector<1x2000x128xf32>
    tpu.vector_store %arg6[%swap3A_16, %swap3A_17, %swap3A_18], %swap3A_21 {strides = array<i32>} : memref<2x2000x128xf32, #tpu.memory_space<vmem>>, vector<1x2000x128xf32>,
    %get3A_22 = arith.constant 0 : index
    %get3A_23 = arith.constant 0 : index
    %get3A_24 = vector.load %arg4[%get3A_22, %get3A_23] : memref<128x128xf32, #tpu.memory_space<vmem>>, vector<128x128xf32>
    %dot_general3A_25 = arith.constant dense<0.000000e+00> : vector<2000x128xf32>
    %dot_general3A_26 = tpu.matmul %get3A_1, %get3A_24, %dot_general3A_25 {dimension_numbers = #tpu.dot_dimension_numbers<[1], [0], [0], [1], [0, 0, 1, 1], [], []>, transpose_lhs_hint = false} : vector<2000x128xf32>, vector<128x128xf32>, vector<2000x128xf32> -> vector<2000x128xf32>
    %swap3A_27 = arith.constant 0 : index
    %swap3A_28 = arith.constant 0 : index
    %swap3A_29 = arith.constant 0 : index
    %swap3A_30 = vector.load %arg7[%swap3A_27, %swap3A_28, %swap3A_29] : memref<2x2000x128xf32, #tpu.memory_space<vmem>>, vector<1x2000x128xf32>
    %swap3A_31 = vector.shape_cast %swap3A_30 : vector<1x2000x128xf32> to vector<2000x128xf32>
    %swap3A_32 = vector.shape_cast %dot_general3A_26 : vector<2000x128xf32> to vector<1x2000x128xf32>
    tpu.vector_store %arg7[%swap3A_27, %swap3A_28, %swap3A_29], %swap3A_32 {strides = array<i32>} : memref<2x2000x128xf32, #tpu.memory_space<vmem>>, vector<1x2000x128xf32>,
    %get3A_33 = arith.constant 0 : index
    %get3A_34 = arith.constant 0 : index
    %get3A_35 = vector.load %arg5[%get3A_33, %get3A_34] : memref<128x128xf32, #tpu.memory_space<vmem>>, vector<128x128xf32>
    %dot_general3A_36 = arith.constant dense<0.000000e+00> : vector<2000x128xf32>
    %dot_general3A_37 = tpu.matmul %get3A_1, %get3A_35, %dot_general3A_36 {dimension_numbers = #tpu.dot_dimension_numbers<[1], [0], [0], [1], [0, 0, 1, 1], [], []>, transpose_lhs_hint = false} : vector<2000x128xf32>, vector<128x128xf32>, vector<2000x128xf32> -> vector<2000x128xf32>
    %swap3A_38 = arith.constant 1 : index
    %swap3A_39 = arith.constant 0 : index
    %swap3A_40 = arith.constant 0 : index
    %swap3A_41 = vector.load %arg7[%swap3A_38, %swap3A_39, %swap3A_40] : memref<2x2000x128xf32, #tpu.memory_space<vmem>>, vector<1x2000x128xf32>
    %swap3A_42 = vector.shape_cast %swap3A_41 : vector<1x2000x128xf32> to vector<2000x128xf32>
    %swap3A_43 = vector.shape_cast %dot_general3A_37 : vector<2000x128xf32> to vector<1x2000x128xf32>
    tpu.vector_store %arg7[%swap3A_38, %swap3A_39, %swap3A_40], %swap3A_43 {strides = array<i32>} : memref<2x2000x128xf32, #tpu.memory_space<vmem>>, vector<1x2000x128xf32>,
    return
  }
  func.func @transform_0(%arg0: i32) -> (i32, i32) {
    %c0_i32 = arith.constant 0 : i32
    %c0_i32_0 = arith.constant 0 : i32
    return %arg0, %c0_i32 : i32, i32
  }
  func.func @transform_1(%arg0: i32) -> (i32, i32) {
    %c0_i32 = arith.constant 0 : i32
    %c0_i32_0 = arith.constant 0 : i32
    %c0_i32_1 = arith.constant 0 : i32
    return %c0_i32, %c0_i32_0 : i32, i32
  }
  func.func @transform_2(%arg0: i32) -> (i32, i32) {
    %c0_i32 = arith.constant 0 : i32
    %c0_i32_0 = arith.constant 0 : i32
    %c0_i32_1 = arith.constant 0 : i32
    return %c0_i32, %c0_i32_0 : i32, i32
  }
  func.func @transform_3(%arg0: i32) -> (i32, i32) {
    %c0_i32 = arith.constant 0 : i32
    %c0_i32_0 = arith.constant 0 : i32
    %c0_i32_1 = arith.constant 0 : i32
    return %c0_i32, %c0_i32_0 : i32, i32
  }
  func.func @transform_4(%arg0: i32) -> (i32, i32) {
    %c0_i32 = arith.constant 0 : i32
    %c0_i32_0 = arith.constant 0 : i32
    %c0_i32_1 = arith.constant 0 : i32
    return %c0_i32, %c0_i32_0 : i32, i32
  }
  func.func @transform_5(%arg0: i32) -> (i32, i32, i32) {
    %c0_i32 = arith.constant 0 : i32
    %c0_i32_0 = arith.constant 0 : i32
    %c0_i32_1 = arith.constant 0 : i32
    return %c0_i32, %arg0, %c0_i32_0 : i32, i32, i32
  }
  func.func @transform_6(%arg0: i32) -> (i32, i32, i32) {
    %c0_i32 = arith.constant 0 : i32
    %c0_i32_0 = arith.constant 0 : i32
    %c0_i32_1 = arith.constant 0 : i32
    return %c0_i32, %arg0, %c0_i32_0 : i32, i32, i32
  }
}

module attributes {stable_mosaic.version = 14 : i64} {
  func.func @_bn_tables_body(%arg0: memref<10000x128xf32, #tpu.memory_space<vmem>>, %arg1: memref<10000x128xf32, #tpu.memory_space<vmem>>, %arg2: memref<1x128xf32, #tpu.memory_space<vmem>>, %arg3: memref<1x128xf32, #tpu.memory_space<vmem>>, %arg4: memref<128x128xf32, #tpu.memory_space<vmem>>, %arg5: memref<128x128xf32, #tpu.memory_space<vmem>>, %arg6: memref<128x128xf32, #tpu.memory_space<vmem>>, %arg7: memref<128x128xf32, #tpu.memory_space<vmem>>, %arg8: memref<10000x128xf32, #tpu.memory_space<vmem>>, %arg9: memref<2x10000x128xf32, #tpu.memory_space<vmem>>, %arg10: memref<2x10000x128xf32, #tpu.memory_space<vmem>>) attributes {dimension_semantics = [], scalar_prefetch = 0 : i64, scratch_operands = 0 : i64, tpu.core_type = #tpu.core_type<tc>} {
    %get3A = arith.constant 0 : index
    %get3A_0 = arith.constant 0 : index
    %get3A_1 = vector.load %arg0[%get3A, %get3A_0] : memref<10000x128xf32, #tpu.memory_space<vmem>>, vector<10000x128xf32>
    %get3A_2 = arith.constant 0 : index
    %get3A_3 = arith.constant 0 : index
    %get3A_4 = vector.load %arg1[%get3A_2, %get3A_3] : memref<10000x128xf32, #tpu.memory_space<vmem>>, vector<10000x128xf32>
    %add3A = arith.addf %get3A_1, %get3A_4 : vector<10000x128xf32>
    %reduce_sum3A = arith.constant dense<0.000000e+00> : vector<128xf32>
    %reduce_sum3A_5 = vector.multi_reduction <add>, %add3A, %reduce_sum3A [0] : vector<10000x128xf32> to vector<128xf32>
    %broadcast_in_dim3A = vector.shape_cast %reduce_sum3A_5 : vector<128xf32> to vector<1x128xf32>
    %div3A = arith.constant 1.000000e+04 : f32
    %div3A_6 = vector.broadcast %div3A : f32 to vector<1x128xf32>
    %div3A_7 = arith.divf %broadcast_in_dim3A, %div3A_6 : vector<1x128xf32>
    %sub3A = vector.broadcast %div3A_7 : vector<1x128xf32> to vector<10000x128xf32>
    %sub3A_8 = arith.subf %add3A, %sub3A : vector<10000x128xf32>
    %mul3A = arith.mulf %sub3A_8, %sub3A_8 : vector<10000x128xf32>
    %reduce_sum3A_9 = arith.constant dense<0.000000e+00> : vector<128xf32>
    %reduce_sum3A_10 = vector.multi_reduction <add>, %mul3A, %reduce_sum3A_9 [0] : vector<10000x128xf32> to vector<128xf32>
    %broadcast_in_dim3A_11 = vector.shape_cast %reduce_sum3A_10 : vector<128xf32> to vector<1x128xf32>
    %div3A_12 = arith.constant 1.000000e+04 : f32
    %div3A_13 = vector.broadcast %div3A_12 : f32 to vector<1x128xf32>
    %div3A_14 = arith.divf %broadcast_in_dim3A_11, %div3A_13 : vector<1x128xf32>
    %add3A_15 = arith.constant 9.99999974E-6 : f32
    %add3A_16 = vector.broadcast %add3A_15 : f32 to vector<1x128xf32>
    %add3A_17 = arith.addf %div3A_14, %add3A_16 : vector<1x128xf32>
    %rsqrt3A = math.rsqrt %add3A_17 : vector<1x128xf32>
    %mul3A_18 = vector.broadcast %rsqrt3A : vector<1x128xf32> to vector<10000x128xf32>
    %mul3A_19 = arith.mulf %sub3A_8, %mul3A_18 : vector<10000x128xf32>
    %get3A_20 = arith.constant 0 : index
    %get3A_21 = arith.constant 0 : index
    %get3A_22 = vector.load %arg2[%get3A_20, %get3A_21] : memref<1x128xf32, #tpu.memory_space<vmem>>, vector<1x128xf32>
    %mul3A_23 = vector.broadcast %get3A_22 : vector<1x128xf32> to vector<10000x128xf32>
    %mul3A_24 = arith.mulf %mul3A_19, %mul3A_23 : vector<10000x128xf32>
    %get3A_25 = arith.constant 0 : index
    %get3A_26 = arith.constant 0 : index
    %get3A_27 = vector.load %arg3[%get3A_25, %get3A_26] : memref<1x128xf32, #tpu.memory_space<vmem>>, vector<1x128xf32>
    %add3A_28 = vector.broadcast %get3A_27 : vector<1x128xf32> to vector<10000x128xf32>
    %add3A_29 = arith.addf %mul3A_24, %add3A_28 : vector<10000x128xf32>
    %swap3A = arith.constant 0 : index
    %swap3A_30 = arith.constant 0 : index
    %swap3A_31 = vector.load %arg8[%swap3A, %swap3A_30] : memref<10000x128xf32, #tpu.memory_space<vmem>>, vector<10000x128xf32>
    tpu.vector_store %arg8[%swap3A, %swap3A_30], %add3A_29 {strides = array<i32>} : memref<10000x128xf32, #tpu.memory_space<vmem>>, vector<10000x128xf32>,
    %get3A_32 = arith.constant 0 : index
    %get3A_33 = arith.constant 0 : index
    %get3A_34 = vector.load %arg4[%get3A_32, %get3A_33] : memref<128x128xf32, #tpu.memory_space<vmem>>, vector<128x128xf32>
    %dot_general3A = arith.constant dense<0.000000e+00> : vector<10000x128xf32>
    %dot_general3A_35 = tpu.matmul %add3A_29, %get3A_34, %dot_general3A {dimension_numbers = #tpu.dot_dimension_numbers<[1], [0], [0], [1], [0, 0, 1, 1], [], []>, transpose_lhs_hint = false} : vector<10000x128xf32>, vector<128x128xf32>, vector<10000x128xf32> -> vector<10000x128xf32>
    %swap3A_36 = arith.constant 0 : index
    %swap3A_37 = arith.constant 0 : index
    %swap3A_38 = arith.constant 0 : index
    %swap3A_39 = vector.load %arg9[%swap3A_36, %swap3A_37, %swap3A_38] : memref<2x10000x128xf32, #tpu.memory_space<vmem>>, vector<1x10000x128xf32>
    %swap3A_40 = vector.shape_cast %swap3A_39 : vector<1x10000x128xf32> to vector<10000x128xf32>
    %swap3A_41 = vector.shape_cast %dot_general3A_35 : vector<10000x128xf32> to vector<1x10000x128xf32>
    tpu.vector_store %arg9[%swap3A_36, %swap3A_37, %swap3A_38], %swap3A_41 {strides = array<i32>} : memref<2x10000x128xf32, #tpu.memory_space<vmem>>, vector<1x10000x128xf32>,
    %get3A_42 = arith.constant 0 : index
    %get3A_43 = arith.constant 0 : index
    %get3A_44 = vector.load %arg5[%get3A_42, %get3A_43] : memref<128x128xf32, #tpu.memory_space<vmem>>, vector<128x128xf32>
    %dot_general3A_45 = arith.constant dense<0.000000e+00> : vector<10000x128xf32>
    %dot_general3A_46 = tpu.matmul %add3A_29, %get3A_44, %dot_general3A_45 {dimension_numbers = #tpu.dot_dimension_numbers<[1], [0], [0], [1], [0, 0, 1, 1], [], []>, transpose_lhs_hint = false} : vector<10000x128xf32>, vector<128x128xf32>, vector<10000x128xf32> -> vector<10000x128xf32>
    %swap3A_47 = arith.constant 1 : index
    %swap3A_48 = arith.constant 0 : index
    %swap3A_49 = arith.constant 0 : index
    %swap3A_50 = vector.load %arg9[%swap3A_47, %swap3A_48, %swap3A_49] : memref<2x10000x128xf32, #tpu.memory_space<vmem>>, vector<1x10000x128xf32>
    %swap3A_51 = vector.shape_cast %swap3A_50 : vector<1x10000x128xf32> to vector<10000x128xf32>
    %swap3A_52 = vector.shape_cast %dot_general3A_46 : vector<10000x128xf32> to vector<1x10000x128xf32>
    tpu.vector_store %arg9[%swap3A_47, %swap3A_48, %swap3A_49], %swap3A_52 {strides = array<i32>} : memref<2x10000x128xf32, #tpu.memory_space<vmem>>, vector<1x10000x128xf32>,
    %get3A_53 = arith.constant 0 : index
    %get3A_54 = arith.constant 0 : index
    %get3A_55 = vector.load %arg6[%get3A_53, %get3A_54] : memref<128x128xf32, #tpu.memory_space<vmem>>, vector<128x128xf32>
    %dot_general3A_56 = arith.constant dense<0.000000e+00> : vector<10000x128xf32>
    %dot_general3A_57 = tpu.matmul %add3A_29, %get3A_55, %dot_general3A_56 {dimension_numbers = #tpu.dot_dimension_numbers<[1], [0], [0], [1], [0, 0, 1, 1], [], []>, transpose_lhs_hint = false} : vector<10000x128xf32>, vector<128x128xf32>, vector<10000x128xf32> -> vector<10000x128xf32>
    %swap3A_58 = arith.constant 0 : index
    %swap3A_59 = arith.constant 0 : index
    %swap3A_60 = arith.constant 0 : index
    %swap3A_61 = vector.load %arg10[%swap3A_58, %swap3A_59, %swap3A_60] : memref<2x10000x128xf32, #tpu.memory_space<vmem>>, vector<1x10000x128xf32>
    %swap3A_62 = vector.shape_cast %swap3A_61 : vector<1x10000x128xf32> to vector<10000x128xf32>
    %swap3A_63 = vector.shape_cast %dot_general3A_57 : vector<10000x128xf32> to vector<1x10000x128xf32>
    tpu.vector_store %arg10[%swap3A_58, %swap3A_59, %swap3A_60], %swap3A_63 {strides = array<i32>} : memref<2x10000x128xf32, #tpu.memory_space<vmem>>, vector<1x10000x128xf32>,
    %get3A_64 = arith.constant 0 : index
    %get3A_65 = arith.constant 0 : index
    %get3A_66 = vector.load %arg7[%get3A_64, %get3A_65] : memref<128x128xf32, #tpu.memory_space<vmem>>, vector<128x128xf32>
    %dot_general3A_67 = arith.constant dense<0.000000e+00> : vector<10000x128xf32>
    %dot_general3A_68 = tpu.matmul %add3A_29, %get3A_66, %dot_general3A_67 {dimension_numbers = #tpu.dot_dimension_numbers<[1], [0], [0], [1], [0, 0, 1, 1], [], []>, transpose_lhs_hint = false} : vector<10000x128xf32>, vector<128x128xf32>, vector<10000x128xf32> -> vector<10000x128xf32>
    %swap3A_69 = arith.constant 1 : index
    %swap3A_70 = arith.constant 0 : index
    %swap3A_71 = arith.constant 0 : index
    %swap3A_72 = vector.load %arg10[%swap3A_69, %swap3A_70, %swap3A_71] : memref<2x10000x128xf32, #tpu.memory_space<vmem>>, vector<1x10000x128xf32>
    %swap3A_73 = vector.shape_cast %swap3A_72 : vector<1x10000x128xf32> to vector<10000x128xf32>
    %swap3A_74 = vector.shape_cast %dot_general3A_68 : vector<10000x128xf32> to vector<1x10000x128xf32>
    tpu.vector_store %arg10[%swap3A_69, %swap3A_70, %swap3A_71], %swap3A_74 {strides = array<i32>} : memref<2x10000x128xf32, #tpu.memory_space<vmem>>, vector<1x10000x128xf32>,
    return
  }
}

module attributes {stable_mosaic.version = 14 : i64} {
  func.func @_final_body(%arg0: memref<10000x128xf32, #tpu.memory_space<vmem>>, %arg1: memref<10000x128xf32, #tpu.memory_space<vmem>>, %arg2: memref<1x128xf32, #tpu.memory_space<vmem>>, %arg3: memref<1x128xf32, #tpu.memory_space<vmem>>, %arg4: memref<1x10000xi32, #tpu.memory_space<vmem>>, %arg5: memref<128x16xf32, #tpu.memory_space<vmem>>, %arg6: memref<1x16xf32, #tpu.memory_space<vmem>>, %arg7: memref<64x16xf32, #tpu.memory_space<vmem>>) attributes {dimension_semantics = [], scalar_prefetch = 0 : i64, scratch_operands = 0 : i64, tpu.core_type = #tpu.core_type<tc>} {
    %get3A = arith.constant 0 : index
    %get3A_0 = arith.constant 0 : index
    %get3A_1 = vector.load %arg0[%get3A, %get3A_0] : memref<10000x128xf32, #tpu.memory_space<vmem>>, vector<10000x128xf32>
    %get3A_2 = arith.constant 0 : index
    %get3A_3 = arith.constant 0 : index
    %get3A_4 = vector.load %arg1[%get3A_2, %get3A_3] : memref<10000x128xf32, #tpu.memory_space<vmem>>, vector<10000x128xf32>
    %add3A = arith.addf %get3A_1, %get3A_4 : vector<10000x128xf32>
    %reduce_sum3A = arith.constant dense<0.000000e+00> : vector<128xf32>
    %reduce_sum3A_5 = vector.multi_reduction <add>, %add3A, %reduce_sum3A [0] : vector<10000x128xf32> to vector<128xf32>
    %broadcast_in_dim3A = vector.shape_cast %reduce_sum3A_5 : vector<128xf32> to vector<1x128xf32>
    %div3A = arith.constant 1.000000e+04 : f32
    %div3A_6 = vector.broadcast %div3A : f32 to vector<1x128xf32>
    %div3A_7 = arith.divf %broadcast_in_dim3A, %div3A_6 : vector<1x128xf32>
    %sub3A = vector.broadcast %div3A_7 : vector<1x128xf32> to vector<10000x128xf32>
    %sub3A_8 = arith.subf %add3A, %sub3A : vector<10000x128xf32>
    %mul3A = arith.mulf %sub3A_8, %sub3A_8 : vector<10000x128xf32>
    %reduce_sum3A_9 = arith.constant dense<0.000000e+00> : vector<128xf32>
    %reduce_sum3A_10 = vector.multi_reduction <add>, %mul3A, %reduce_sum3A_9 [0] : vector<10000x128xf32> to vector<128xf32>
    %broadcast_in_dim3A_11 = vector.shape_cast %reduce_sum3A_10 : vector<128xf32> to vector<1x128xf32>
    %div3A_12 = arith.constant 1.000000e+04 : f32
    %div3A_13 = vector.broadcast %div3A_12 : f32 to vector<1x128xf32>
    %div3A_14 = arith.divf %broadcast_in_dim3A_11, %div3A_13 : vector<1x128xf32>
    %add3A_15 = arith.constant 9.99999974E-6 : f32
    %add3A_16 = vector.broadcast %add3A_15 : f32 to vector<1x128xf32>
    %add3A_17 = arith.addf %div3A_14, %add3A_16 : vector<1x128xf32>
    %rsqrt3A = math.rsqrt %add3A_17 : vector<1x128xf32>
    %mul3A_18 = vector.broadcast %rsqrt3A : vector<1x128xf32> to vector<10000x128xf32>
    %mul3A_19 = arith.mulf %sub3A_8, %mul3A_18 : vector<10000x128xf32>
    %get3A_20 = arith.constant 0 : index
    %get3A_21 = arith.constant 0 : index
    %get3A_22 = vector.load %arg2[%get3A_20, %get3A_21] : memref<1x128xf32, #tpu.memory_space<vmem>>, vector<1x128xf32>
    %mul3A_23 = vector.broadcast %get3A_22 : vector<1x128xf32> to vector<10000x128xf32>
    %mul3A_24 = arith.mulf %mul3A_19, %mul3A_23 : vector<10000x128xf32>
    %get3A_25 = arith.constant 0 : index
    %get3A_26 = arith.constant 0 : index
    %get3A_27 = vector.load %arg3[%get3A_25, %get3A_26] : memref<1x128xf32, #tpu.memory_space<vmem>>, vector<1x128xf32>
    %add3A_28 = vector.broadcast %get3A_27 : vector<1x128xf32> to vector<10000x128xf32>
    %add3A_29 = arith.addf %mul3A_24, %add3A_28 : vector<10000x128xf32>
    %iota3A = tpu.iota {dimensions = array<i32: 0>} : vector<64x10000xi32>
    %get3A_30 = arith.constant 0 : index
    %get3A_31 = arith.constant 0 : index
    %get3A_32 = vector.load %arg4[%get3A_30, %get3A_31] : memref<1x10000xi32, #tpu.memory_space<vmem>>, vector<1x10000xi32>
    %eq3A = vector.broadcast %get3A_32 : vector<1x10000xi32> to vector<64x10000xi32>
    %eq3A_33 = arith.cmpi eq, %eq3A, %iota3A : vector<64x10000xi32>
    %convert_element_type3A = arith.extui %eq3A_33 : vector<64x10000xi1> to vector<64x10000xi32>
    %convert_element_type3A_34 = arith.sitofp %convert_element_type3A : vector<64x10000xi32> to vector<64x10000xf32>
    %dot_general3A = arith.constant dense<0.000000e+00> : vector<64x128xf32>
    %dot_general3A_35 = tpu.matmul %convert_element_type3A_34, %add3A_29, %dot_general3A {dimension_numbers = #tpu.dot_dimension_numbers<[1], [0], [0], [1], [0, 0, 1, 1], [], []>, transpose_lhs_hint = false} : vector<64x10000xf32>, vector<10000x128xf32>, vector<64x128xf32> -> vector<64x128xf32>
    %reduce_sum3A_36 = arith.constant dense<0.000000e+00> : vector<64xf32>
    %reduce_sum3A_37 = vector.multi_reduction <add>, %convert_element_type3A_34, %reduce_sum3A_36 [1] : vector<64x10000xf32> to vector<64xf32>
    %broadcast_in_dim3A_38 = vector.shape_cast %reduce_sum3A_37 : vector<64xf32> to vector<64x1xf32>
    %max3A = arith.constant 1.000000e+00 : f32
    %max3A_39 = vector.broadcast %max3A : f32 to vector<64x1xf32>
    %max3A_40 = arith.maximumf %broadcast_in_dim3A_38, %max3A_39 : vector<64x1xf32>
    %div3A_41 = vector.broadcast %max3A_40 : vector<64x1xf32> to vector<64x128xf32>
    %div3A_42 = arith.divf %dot_general3A_35, %div3A_41 : vector<64x128xf32>
    %get3A_43 = arith.constant 0 : index
    %get3A_44 = arith.constant 0 : index
    %get3A_45 = vector.load %arg5[%get3A_43, %get3A_44] : memref<128x16xf32, #tpu.memory_space<vmem>>, vector<128x16xf32>
    %dot_general3A_46 = arith.constant dense<0.000000e+00> : vector<64x16xf32>
    %dot_general3A_47 = tpu.matmul %div3A_42, %get3A_45, %dot_general3A_46 {dimension_numbers = #tpu.dot_dimension_numbers<[1], [0], [0], [1], [0, 0, 1, 1], [], []>, transpose_lhs_hint = false} : vector<64x128xf32>, vector<128x16xf32>, vector<64x16xf32> -> vector<64x16xf32>
    %get3A_48 = arith.constant 0 : index
    %get3A_49 = arith.constant 0 : index
    %get3A_50 = vector.load %arg6[%get3A_48, %get3A_49] : memref<1x16xf32, #tpu.memory_space<vmem>>, vector<1x16xf32>
    %add3A_51 = vector.broadcast %get3A_50 : vector<1x16xf32> to vector<64x16xf32>
    %add3A_52 = arith.addf %dot_general3A_47, %add3A_51 : vector<64x16xf32>
    %swap3A = arith.constant 0 : index
    %swap3A_53 = arith.constant 0 : index
    %swap3A_54 = vector.load %arg7[%swap3A, %swap3A_53] : memref<64x16xf32, #tpu.memory_space<vmem>>, vector<64x16xf32>
    tpu.vector_store %arg7[%swap3A, %swap3A_53], %add3A_52 {strides = array<i32>} : memref<64x16xf32, #tpu.memory_space<vmem>>, vector<64x16xf32>,
    return
  }
}

</mosaic_0001>

<sc_bundles>
// kernel: kernel.11.cloned.1.call-start
scs
__scs_entry_jumppad:
0x0: {  	(pc) =	sbr.rel $0x88, $3  }
0x1: {  	(tag) =	ssettag $0x0;
	lr =	simm.s32 $0x1  }
0x2: {  	[smem:$0x3F8F] =	sst lr;
	_ =	strace $0xD0000000  }
0x3: {  	_ = 	snop  }
0x4: {  	_ = 	snop  }
0x5: {  	_ = 	snop  }
0x6: {  	_ = 	snop  }
0x7: {  	_ = 	snop  }
__scs_overlays_trampoline_lowered:
0x8: {  	[smem:$0x3F9E] =	sst s0  }
0x9: {  	[smem:$0x3F9F] =	sst s1  }
0xa: {  	[smem:$0x3FA0] =	sst s2  }
0xb: {  	[smem:$0x3FA1] =	sst s3  }
0xc: {  	[smem:$0x3FA2] =	sst s4  }
0xd: {  	[smem:$0x3FA3] =	sst s5  }
0xe: {  	[smem:$0x3FA4] =	sst s6  }
0xf: {  	[smem:$0x3FA5] =	sst s7  }
0x10: {  	[smem:$0x3FA6] =	sst s8  }
0x11: {  	[smem:$0x3FA7] =	sst s9;
	s0 =	simm.s32 @!p0 $0x0  }
0x12: {  	s1 =	sld [smem:$0x3F8D];
	s0 =	simm.s32 @p0 $0x1  }
0x13: {  	[smem:$0x3FA8] =	sst s0;
	s0 =	simm.s32 @!p1 $0x0  }
0x14: {  	s2 =	sld [smem:$0x3F8C];
	s0 =	simm.s32 @p1 $0x1  }
0x15: {  	[smem:$0x3FA9] =	sst s0;
	s0 =	simm.s32 @!p2 $0x0  }
0x16: {  	s3 =	sld [smem:$0x3FDB];
	s0 =	simm.s32 @p2 $0x1  }
0x17: {  	s4 =	simm.s32 $0x1BF5;
	[smem:$0x3FAB] =	sst s0  }
0x18: {  	s0 =	sld [smem:$0x3F8E];
	_ =	swait.ge [sflag:s4], $0x0  }
0x19: {  	s7 =	sld [smem:$0x3F8F]  }
0x1a: {  	s8 =	sadd.s32 $0xFFFFE003, lr  }
0x1b: {  	s9 =	sadd.s32 $0xFFFFFEF7, lr;
	s5 =	simm.s32 $0xFFFFFFFF;
	p2 =	slt.u32 s8, $0xFFFFF086  }
0x1c: {  	p1 =	slt.u32 s9, $0xF7A;
	s5 =	simm.s32 @!p2 $0x0  }
0x1d: {  	s5 =	simm.s32 @p1 $0x1;
	p0 =	seq.s32 s7, s2  }
0x1e: {  	s7 =	smul.u32 @!p0 $0xF7A, s2;
	p2 =	seq.s32 @!p0 s5, $0x0  }
0x1f: {  	s9 =	smul.u32 $0xF7A, s1;
	s8 =	simm.s32 @!p0 $0x1BF5;
	p2 =	por !p2, p0  }
0x20: {  	[sflag:s8] =	ssyncset.s32 @!p0 $0xFFFFF086;
	s6 =	sadd.s32 @!p0 s3, s7;
	s7 =	simm.s32 @!p0 $0x108  }
0x21: {  	s3 =	sadd.s32 s3, s9;
	s6 =	sadd.s32 @!p0 $0x88, s6;
	s7 =	simm.s32 @p2 $0x1082  }
0x22: {  	[simem:s7], [sflag:s8] =	dma.local @!p0 [hbm:s6], $0xF7A  }
0x23: {  	s9 =	sor.u32 $0xD0000000, s2;
	s6 =	simm.s32 $0x108;
	_ =	swait.ge @!p0 [sflag:s8], $0x0  }
0x24: {  	s3 =	sadd.s32 $0x88, s3;
	s6 =	simm.s32 @!p1 $0x1082;
	[sflag:s4] =	ssyncset.s32 $0xFFFFF086  }
0x25: {  	[simem:s6], [sflag:s4] =	dma.local [hbm:s3], $0xF7A  }
0x26: {  	[smem:$0x3F8F] =	sst s1;
	(tag) =	ssettag s2;
	_ =	strace s9  }
0x27: {  	s1 =	sld [smem:$0x3F9F]  }
0x28: {  	s2 =	sld [smem:$0x3FA0]  }
0x29: {  	s4 =	sld [smem:$0x3FA2]  }
0x2a: {  	p0 =	seq.s32 s5, $0x0;
	s5 =	sld [smem:$0x3FA3]  }
0x2b: {  	s6 =	sld [smem:$0x3FA4]  }
0x2c: {  	s7 =	sld [smem:$0x3FA5]  }
0x2d: {  	s3 =	simm.s32 $0x108;
	s8 =	sld [smem:$0x3FA6]  }
0x2e: {  	s3 =	simm.s32 @!p0 $0x1082;
	s9 =	sld [smem:$0x3FA7]  }
0x2f: {  	lr =	sadd.s32 s0, s3;
	s0 =	sld [smem:$0x3F9E]  }
0x30: {  	s3 =	sld [smem:$0x3FA1]  }
0x31: {  	[smem:$0x3FAA] =	sst s10  }
0x32: {  	s10 =	sld [smem:$0x3FA8];
	_ =	sdelay $0x3  }
0x33: {  	p0 =	seq.s32 s10, $0x1;
	s10 =	sld [smem:$0x3FAA];
	_ =	sdelay $0x3  }
0x34: {  	[smem:$0x3FAA] =	sst s10  }
0x35: {  	s10 =	sld [smem:$0x3FA9];
	_ =	sdelay $0x3  }
0x36: {  	p1 =	seq.s32 s10, $0x1;
	s10 =	sld [smem:$0x3FAA];
	_ =	sdelay $0x3  }
0x37: {  	[smem:$0x3FAA] =	sst s10  }
0x38: {  	s10 =	sld [smem:$0x3FAB]  }
0x39: {  	_ = 	snop;
	(pc) =	sbr.ind lr, $3  }
0x3a: {  	_ = 	snop  }
0x3b: {  	_ = 	snop  }
0x3c: {  	p2 =	seq.s32 s10, $0x1;
	s10 =	sld [smem:$0x3FAA]  }
0x3d: {  	_ =	shalt  }
0x3e: {  	_ =	shalt  }
0x3f: {  	_ =	shalt  }
0x40: {  	_ =	shalt  }
0x41: {  	_ =	shalt  }
0x42: {  	_ =	shalt  }
0x43: {  	_ =	shalt  }
0x44: {  	_ =	shalt  }
0x45: {  	_ =	shalt  }
0x46: {  	_ =	shalt  }
0x47: {  	_ =	shalt  }
0x48: {  	_ =	shalt  }
0x49: {  	_ =	shalt  }
0x4a: {  	_ =	shalt  }
0x4b: {  	_ =	shalt  }
0x4c: {  	_ =	shalt  }
0x4d: {  	_ =	shalt  }
0x4e: {  	_ =	shalt  }
0x4f: {  	_ =	shalt  }
0x50: {  	_ =	shalt  }
0x51: {  	_ =	shalt  }
0x52: {  	_ =	shalt  }
0x53: {  	_ =	shalt  }
0x54: {  	_ =	shalt  }
0x55: {  	_ =	shalt  }
0x56: {  	_ =	shalt  }
0x57: {  	_ =	shalt  }
0x58: {  	_ =	shalt  }
0x59: {  	_ =	shalt  }
0x5a: {  	_ =	shalt  }
0x5b: {  	_ =	shalt  }
0x5c: {  	_ =	shalt  }
0x5d: {  	_ =	shalt  }
0x5e: {  	_ =	shalt  }
0x5f: {  	_ =	shalt  }
0x60: {  	_ =	shalt  }
0x61: {  	_ =	shalt  }
0x62: {  	_ =	shalt  }
0x63: {  	_ =	shalt  }
0x64: {  	_ =	shalt  }
0x65: {  	_ =	shalt  }
0x66: {  	_ =	shalt  }
0x67: {  	_ =	shalt  }
0x68: {  	_ =	shalt  }
0x69: {  	_ =	shalt  }
0x6a: {  	_ =	shalt  }
0x6b: {  	_ =	shalt  }
0x6c: {  	_ =	shalt  }
0x6d: {  	_ =	shalt  }
0x6e: {  	_ =	shalt  }
0x6f: {  	_ =	shalt  }
0x70: {  	_ =	shalt  }
0x71: {  	_ =	shalt  }
0x72: {  	_ =	shalt  }
0x73: {  	_ =	shalt  }
0x74: {  	_ =	shalt  }
0x75: {  	_ =	shalt  }
0x76: {  	_ =	shalt  }
0x77: {  	_ =	shalt  }
0x78: {  	_ =	shalt  }
0x79: {  	_ =	shalt  }
0x7a: {  	_ =	shalt  }
0x7b: {  	_ =	shalt  }
0x7c: {  	_ =	shalt  }
0x7d: {  	_ =	shalt  }
0x7e: {  	_ =	shalt  }
0x7f: {  	_ =	shalt  }
0x80: {  	_ =	shalt  }
0x81: {  	_ =	shalt  }
0x82: {  	_ =	shalt  }
0x83: {  	_ =	shalt  }
0x84: {  	_ =	shalt  }
0x85: {  	_ =	shalt  }
0x86: {  	_ =	shalt  }
0x87: {  	_ =	shalt  }
.Lfunc_end0:
.L_simem_size_0:
called_computation.1_lowered:
.L_overlay_start_0:
0x88: {  	s2 =	sld [smem:$0x3FD9]  }
0x89: {  	s3 =	sld [smem:$0x3FFE];
	_ =	sdelay $0x1  }
0x8a: {  	s1 =	srdreg.scid  }
0x8b: {  	s0 =	sand.u32 $0x1, s1  }
0x8c: {  	s16 =	sshll.u32 s0, $0xA;
	s2 =	sadd.s32 s3, s2  }
0x8d: {  	s2 =	sadd.s32 s2, s16  }
0x8e: {  	[smem:$0x3FB6] =	sst s2  }
0x8f: {  	_ = 	snop  }
0x90: {  	(tm) =	ssettm $0x1  }
0x91: {  	s17 =	sld [smem:$0x3FFB];
	_ =	sdelay $0x3  }
0x92: {  	_ =	strace s17  }
0x93: {  	s2 =	sld [smem:$0x3FFC];
	_ =	sdelay $0x3  }
0x94: {  	_ =	strace s2  }
0x95: {  	s2 =	sld [smem:$0x3FFD];
	_ =	sdelay $0x3  }
0x96: {  	_ =	strace s2  }
0x97: {  	_ =	strace $0x8FFFFFFF  }
0x98: {  	s18 =	sld [smem:$0x3FDB];
	_ =	sdelay $0x1  }
0x99: {  	s19 =	simm.s32 $_scs_section_size  }
0x9a: {  	s4 =	simm.s32 $_size__tile_overlayer_lowered;
	s5 =	simm.s32 $_tile_overlayer_lowered  }
0x9b: {  	s22 =	simm.s32 $0x1BFF;
	s21 =	sshll.u32 s5, $0x1;
	s2 =	sadd.s32 s19, s18  }
0x9c: {  	s6 =	simm.s32 $0x0;
	s20 =	sshll.u32 s4, $0x1;
	s4 =	sadd.s32 s21, s2  }
0x9d: {  	[timem:s6], [sflag:s22] =	dma.local [hbm:s4], s20  }
0x9e: {  	_ =	swait.ge [sflag:s22], s20  }
0x9f: {  	s3 =	ssub.s32 $0x0, s20;
	[sflag:s22] =	ssyncset.done $0x0  }
0xa0: {  	[sflag:s22] =	ssyncadd.s32 s3;
	_ =	sdelay $0x1  }
0xa1: {  	s23 =	simm.s32 $0x1B8B  }
0xa2: {  	_ =	swait.ge [sflag:s23], $0x1  }
0xa3: {  	[sflag:s23] =	ssyncset.done $0x0  }
0xa4: {  	s25 =	simm.s32 $0x1B8E;
	s24 =	sld [smem:$0x3FFE];
	[sflag:s23] =	ssyncadd.s32 $0xFFFFFFFF  }
0xa5: {  	s26 =	simm.s32 $execute0_lowered;
	[smem:$0x3FD2] =	sst s25  }
0xa6: {  	s4 =	sshll.u32 s26, $0x1;
	_ =	strace $0x80000049;
	[dreg:$0x1] =	wrdreg $0xFFFFFFFF  }
0xa7: {  	s28 =	simm.s32 $_size_execute0_lowered;
	s2 =	sadd.s32 s2, s4;
	[dreg:$0x0] =	wrdreg $0x0  }
0xa8: {  	s4 =	sshll.u32 s28, $0x1;
	[dreg:$0x2] =	wrdreg s2  }
0xa9: {  	[dreg:$0x3] =	wrdreg s4  }
0xaa: {  	[dreg:$0x4] =	wrdreg $0xC0  }
0xab: {  	_ =	task [dreg:s6], $0x5FFFF  }
0xac: {  	[dreg:$0x1] =	wrdreg $0xFFFFFFFF  }
0xad: {  	[dreg:$0x0] =	wrdreg $0x60  }
0xae: {  	[dreg:$0x2] =	wrdreg s24  }
0xaf: {  	[dreg:$0x3] =	wrdreg $0x11A800  }
0xb0: {  	[dreg:$0x4] =	wrdreg $0x9  }
0xb1: {  	_ =	task.clear_ibuf [dreg:s6], $0x5FFFF;
	_ =	strace $0x90000049  }
0xb2: {  	s29 =	simm.s32 $0x9;
	_ =	strace $0x8000004B  }
0xb3: {  	_ =	swait.ge [sflag:s29], $0x1  }
0xb4: {  	[sflag:s29] =	ssyncadd.s32 $0xFFFFFFFF  }
0xb5: {  	_ =	strace $0x9000004B  }
0xb6: {  	_ =	sfence  }
0xb7: {  	s30 =	sld [smem:$0x0];
	_ =	sdelay $0x2  }
0xb8: {  	s31 =	sshll.u32 s1, $0xD;
	s1 =	sshrl.u32 s1, $0x2  }
0xb9: {  	s3 =	sand.u32 $0x4000, s31;
	s1 =	sadd.s32 s1, s30  }
0xba: {  	s0 =	sor.u32 s3, s0;
	s1 =	sshll.u32 s1, $0x11  }
0xbb: {  	s0 =	sor.u32 s1, s0  }
0xbc: {  	s0 =	sadd.s32 $0x8F2B, s0  }
0xbd: {  	[sflag:s0] =	ssyncadd.remote.s32 $0x1  }
0xbe: {  	_ =	sfence.sel $0xFFFF  }
0xbf: {  	[dreg:$0x0] =	wrdreg $0xFFFFFFFF;
	(pc) =	sbr.abs _section_cstart, $3  }
0xc0: {  	[dreg:$0x1] =	wrdreg $0xFFFFFFFF  }
0xc1: {  	_ =	task.clear_ibuf [dreg:s6], $0x2FFFF;
	_ =	strace $0x9FFFFFFF  }
0xc2: {  	(tm) =	ssettm $0x7FFFFFFF  }
0xc3: {  	_ =	shalt  }
tec
execute0_lowered:
.L_overlay_start_1:
0x0: {  	(tag) =	ssettag $0x1  }
0x1: {  	s0 =	rddreg [dreg:$0x0]  }
0x2: {  	s1 =	rddreg [dreg:$0x1]  }
0x3: {  	s2 =	simm.s32 $0x0;
	s3 =	srdreg.scid;
	s14 =	stileid.u32  }
0x4: {  	s29 =	simm.s32 $0x1;
	s30 =	simm.s32 $0x2;
	s31 =	simm.s32 $0x3  }
0x5: {  	[smem:$0x7FF] =	sst s2;
	s9 =	smul.u32 $0xA000, s14;
	s4 =	sadd.s32 $0x4F1A00, s0  }
0x6: {  	s3 =	sand.u32 $0x1, s3;
	s5 =	sadd.s32 $0x4E7C00, s0;
	s19 =	smul.u32 $0x271000, s14  }
0x7: {  	s20 =	sshll.u32 s14, $0x6;
	s6 =	smul.u32 $0x27100, s3;
	_ =	strace $0x8000004A  }
0x8: {  	s7 =	smul.u32 $0xA0000, s3;
	s12 =	ssub.s32 $0x2, s3;
	s16 =	sor.u32 $0x1C06, s20  }
0x9: {  	s8 =	sshrl.u32 s9, $0x3;
	s13 =	sshrl.u32 s12, $0x1;
	[dreg:$0x4] =	wrdreg s16  }
0xa: {  	s10 =	sadd.s32 s6, s0;
	s6 =	sadd.s32 $0xF5BC00, s0;
	s11 =	sadd.s32 s8, s0  }
0xb: {  	s7 =	sadd.s32 s9, s7;
	s8 =	smul.u32 $0x2710000, s3;
	s18 =	ssub.s32 s12, s13  }
0xc: {  	s9 =	sadd.s32 s9, s1;
	s3 =	simm.s32 $0x4;
	s17 =	sshrl.u32 s7, $0x3  }
0xd: {  	s7 =	smul.u32 $0x4E20, s14;
	s11 =	sadd.s32 $0x5C00, s11;
	s13 =	sadd.s32 $0x19C00, s10  }
0xe: {  	s28 =	smax.u32 s18, $0x1;
	s0 =	sadd.s32 s17, s0;
	[dreg:$0x3] =	wrdreg s11  }
0xf: {  	[dreg:$0xb] =	wrdreg s28;
	s15 =	sshrl.u32 s7, $0x3;
	s0 =	sadd.s32 $0xDD200, s0  }
0x10: {  	s22 =	sadd.s32 s19, s8;
	s21 =	sadd.s32 s4, s15;
	[dreg:$0xa] =	wrdreg s0  }
0x11: {  	s11 =	sshrl.u32 s22, $0x3;
	s23 =	sadd.s32 s5, s15;
	[dreg:$0x5] =	wrdreg s21  }
0x12: {  	s24 =	sadd.s32 s6, s11;
	s25 =	sadd.s32 $0xA, s15;
	[dreg:$0x6] =	wrdreg s23  }
0x13: {  	s14 =	sadd.s32 $0x67E00, s10;
	[dreg:$0x7] =	wrdreg s24;
	s26 =	sadd.s32 s4, s25  }
0x14: {  	s0 =	simm.s32 $0x5;
	s10 =	sadd.s32 s5, s25;
	[dreg:$0x8] =	wrdreg s26  }
0x15: {  	s21 =	simm.s32 $0x6;
	[dreg:$0x9] =	wrdreg s10;
	s10 =	sshrl.u32 s9, $0x3  }
0x16: {  	s23 =	simm.s32 $0x50;
	s24 =	simm.s32 $0x0;
	[dreg:$0xc] =	wrdreg s10  }
.LBB2_1:
0x17: {  	s9 =	rddreg [dreg:$0x3]  }
0x18: {  	[spmem:s10], [sflag:s16] =	dma.local [hbm:s9], $0x1400  }
0x19: {  	_ =	swait.ge [sflag:s21], $0x1400  }
0x1a: {  	[sflag:s21] =	ssyncset.done $0x0  }
0x1b: {  	[sflag:s21] =	ssyncadd.s32 $0xFFFFEC00  }
0x1c: {  	[bflag:$0x0] =	sbarrier.arrive $0xFFFF  }
0x1d: {  	s15 =	rddreg [dreg:$0x5]  }
0x1e: {  	[tilespmem:s2], [sflag:$0x6] =	stream.linear.gather [hbm4b:s15+s2], $0x50, $0x38;
	[tilespmem:$0x1BA80] =	vst v63  }
0x1f: {  	_ =	swait.ge [sflag:s21], $0x50  }
0x20: {  	[sflag:s21] =	ssyncset.done $0x0  }
0x21: {  	s17 =	simm.s32 $0x140;
	s16 =	rddreg [dreg:$0x6];
	[sflag:s21] =	ssyncadd.s32 $0xFFFFFFB0  }
0x22: {  	[tilespmem:s17], [sflag:$0x6] =	stream.linear.gather [hbm4b:s16+s2], $0x50, $0x38;
	[tilespmem:$0x1BA80] =	vst v63  }
0x23: {  	_ =	swait.ge [sflag:s21], $0x50  }
0x24: {  	[sflag:s21] =	ssyncset.done $0x0  }
0x25: {  	s18 =	simm.s32 $0x280;
	[sflag:s21] =	ssyncadd.s32 $0xFFFFFFB0  }
0x26: {  	[tilespmem:s18], [sflag:$0x1] =	stream.indirect.gather [hbm4b:s13+s23], $0x80, s2, s23, $0xb8;
	[tilespmem:$0x1BA80] =	vst v63  }
0x27: {  	s19 =	simm.s32 $0x5280  }
0x28: {  	[tilespmem:s19], [sflag:$0x2] =	stream.indirect.gather [hbm4b:s14+s23], $0x80, s17, s23, $0xb8;
	[tilespmem:$0x1BA80] =	vst v63  }
0x29: {  	s22 =	simm.s32 $0xA280;
	s20 =	rddreg [dreg:$0x7]  }
0x2a: {  	[tilespmem:s22], [sflag:$0x3] =	stream.linear.gather [hbm4b:s20+s2], $0x2800, $0x38;
	[tilespmem:$0x1BA80] =	vst v63  }
0x2b: {  	s25 =	rddreg [dreg:$0x8]  }
0x2c: {  	[tilespmem:s23], [sflag:$0x4] =	stream.linear.gather [hbm4b:s25+s2], $0x50, $0x38;
	[tilespmem:$0x1BA80] =	vst v63  }
0x2d: {  	s28 =	simm.s32 $0x190;
	s9 =	simm.s32 $0x0;
	s26 =	rddreg [dreg:$0x9]  }
0x2e: {  	[tilespmem:s28], [sflag:$0x4] =	stream.linear.gather [hbm4b:s26+s2], $0x50, $0x38;
	[tilespmem:$0x1BA80] =	vst v63  }
.LBB2_2:
0x2f: {  	p0 =	slt.u32 s9, $0x2  }
0x30: {  	p1 =	seq.s32 @!p0 s9, $0xF9  }
0x31: {  	p1 =	por p0, !p1  }
.Ltmp0:
0x32: {  	_ = 	snop;
	(pc) =	sbr.rel @!p1 .LBB2_4-.Ltmp0, $4  }
0x33: {  	s11 =	simm.s32 @!p0 $0x5  }
0x34: {  	_ =	swait.ge @!p0 [sflag:s11], $0x1400  }
0x35: {  	[sflag:s11] =	ssyncset.done @!p0 $0x0  }
0x36: {  	s10 =	sand.u32 $0x1, s9;
	s25 =	sadd.s32 $0x1, s9;
	[sflag:s11] =	ssyncadd.s32 @!p0 $0xFFFFEC00  }
0x37: {  	_ =	swait.ge [sflag:s3], $0x50  }
0x38: {  	[sflag:s3] =	ssyncset.done $0x0  }
0x39: {  	s11 =	sxor.u32 $0x1, s10;
	[sflag:s3] =	ssyncadd.s32 $0xFFFFFFB0  }
0x3a: {  	s12 =	sand.u32 $0x3, s25;
	s11 =	smul.u32 $0x2800, s11;
	_ =	swait.ge [sflag:s3], $0x50  }
0x3b: {  	s12 =	smul.u32 $0x50, s12;
	[sflag:s3] =	ssyncset.done $0x0  }
0x3c: {  	s16 =	smul.u32 $0x50, s25;
	s15 =	sor.u32 $0x280, s11;
	[sflag:s3] =	ssyncadd.s32 $0xFFFFFFB0  }
0x3d: {  	[tilespmem:s15], [sflag:$0x1] =	stream.indirect.gather [hbm4b:s13+s23], $0x80, s12, s23, $0xb8;
	[tilespmem:$0x1BA80] =	vst v63  }
0x3e: {  	s28 =	sadd.s32 s7, s16;
	s26 =	sadd.s32 $0x5280, s11;
	s12 =	sadd.s32 $0x140, s12  }
0x3f: {  	[tilespmem:s26], [sflag:$0x2] =	stream.indirect.gather [hbm4b:s14+s23], $0x80, s12, s23, $0xb8;
	[tilespmem:$0x1BA80] =	vst v63  }
0x40: {  	s12 =	sshll.u32 s28, $0x7  }
0x41: {  	s12 =	sadd.s32 s8, s12  }
0x42: {  	p0 =	sgt.u32 s9, $0xF7;
	s15 =	sadd.s32 $0x2, s9;
	s12 =	sshrl.u32 s12, $0x3  }
0x43: {  	s11 =	sadd.s32 $0xA280, s11;
	s16 =	smul.u32 @!p0 $0x50, s15;
	s12 =	sadd.s32 s6, s12  }
0x44: {  	[tilespmem:s11], [sflag:$0x3] =	stream.linear.gather [hbm4b:s12+s2], $0x2800, $0x38;
	[tilespmem:$0x1BA80] =	vst v63  }
0x45: {  	s11 =	sand.u32 $0x3, s15;
	s12 =	sadd.s32 @!p0 s7, s16  }
0x46: {  	s11 =	smul.u32 @!p0 $0x50, s11;
	s12 =	sshrl.u32 @!p0 s12, $0x3  }
0x47: {  	s16 =	simm.s32 @!p0 $0x0;
	s15 =	sadd.s32 @!p0 s4, s12  }
0x48: {  	[tilespmem:s11], [sflag:$0x4] =	stream.linear.gather @!p0 [hbm4b:s15+s16], $0x50, $0x38;
	[tilespmem:$0x1BA80] =	vst v63  }
0x49: {  	s12 =	sadd.s32 @!p0 s5, s12;
	s11 =	sadd.s32 @!p0 $0x140, s11  }
0x4a: {  	[tilespmem:s11], [sflag:$0x4] =	stream.linear.gather @!p0 [hbm4b:s12+s16], $0x50, $0x38;
	[tilespmem:$0x1BA80] =	vst v63  }
.LBB2_4:
0x4b: {  	_ =	swait.ge [sflag:s29], $0x2800  }
0x4c: {  	[sflag:s29] =	ssyncset.done $0x0  }
0x4d: {  	s11 =	smul.u32 $0x2800, s10;
	[sflag:s29] =	ssyncadd.s32 $0xFFFFD800  }
0x4e: {  	_ =	swait.ge [sflag:s30], $0x2800  }
0x4f: {  	s26 =	smul.u32 $0x5000, s10;
	s12 =	sor.u32 $0x280, s11;
	[sflag:s30] =	ssyncset.done $0x0  }
0x50: {  	s15 =	sadd.s32 $0x5280, s11;
	v0 =	vmov s12;
	[sflag:s30] =	ssyncadd.s32 $0xFFFFD800  }
0x51: {  	s10 =	sshrl.u32 s26, $0x2;
	v1 =	vmov s15;
	_ =	swait.ge [sflag:s31], $0x2800  }
0x52: {  	s11 =	sadd.s32 $0xA280, s11;
	s26 =	sadd.s32 $0xF280, s10;
	[sflag:s31] =	ssyncset.done $0x0  }
0x53: {  	s28 =	sand.u32 $0x3, s9;
	s22 =	simm.s32 $0x0;
	v2 =	vmov s11;
	v3 =	vmov s26;
	[sflag:s31] =	ssyncadd.s32 $0xFFFFD800  }
.LBB2_5:
0x54: {  	s10 =	sshll.u32 s22, $0x7  }
0x55: {  	v4 =	vld.idx.msk [tilespmem:v0+s10+$0x0 ss:$0x1], $0xffff  }
0x56: {  	v5 =	vld.idx.msk [tilespmem:v1+s10+$0x0 ss:$0x1], $0xffff;
	_ =	sdelay $0x1  }
0x57: {  	v6 =	vld.idx.msk [tilespmem:v2+s10+$0x0 ss:$0x1], $0xffff  }
0x58: {  	s9 =	sor.u32 $0x40, s10  }
0x59: {  	v7 =	vld.idx.msk [tilespmem:v0+s9+$0x0 ss:$0x1], $0xffff  }
0x5a: {  	v4 =	vadd.f32 v5, v4;
	v5 =	vld.idx.msk [tilespmem:v1+s9+$0x0 ss:$0x1], $0xffff;
	_ =	sdelay $0x1  }
0x5b: {  	v59 =	vld.idx.msk [tilespmem:v2+s9+$0x0 ss:$0x1], $0xffff;
	v4 =	vadd.f32 v6, v4;
	_ =	sdelay $0x1  }
0x5c: {  	v8 =	vand.u32 $0x7FFFFFFF, v4  }
0x5d: {  	v5 =	vadd.f32 v5, v7;
	v60 =	vsub.f32 $0.0e+00, v8;
	_ =	sdelay $0x1  }
0x5e: {  	v5 =	vadd.f32 v59, v5;
	v61 =	vmul.f32 $1.442695020e+00, v60;
	_ =	sdelay $0x1  }
0x5f: {  	(erf) = vpow2.f32 v61;
	v62 =	vand.u32 $0x7FFFFFFF, v5  }
0x60: {  	v6 =	vsub.f32 $0.0e+00, v62;
	_ =	sdelay $0x1  }
0x61: {  	v6 =	vmul.f32 $1.442695020e+00, v6;
	_ =	sdelay $0x1  }
0x62: {  	(erf) = vpow2.f32 v6;
	_ =	sdelay $0x3  }
0x63: {  	v63 =	vpop (erf)  }
0x64: {  	v11 =	vmul.f32 $1.044844690e-01, v63;
	_ =	sdelay $0x1  }
0x65: {  	v7 =	vsub.f32 $4.179378750e-01, v11;
	_ =	sdelay $0x1  }
0x66: {  	v7 =	vmul.f32 v7, v63;
	v12 =	vpop (erf)  }
0x67: {  	v9 =	vmul.f32 $5.437093230e-02, v12  }
0x68: {  	v7 =	vadd.f32 $-7.705729010e-01, v7  }
0x69: {  	v9 =	vsub.f32 $2.164487090e-01, v9  }
0x6a: {  	v7 =	vmul.f32 v7, v63  }
0x6b: {  	v9 =	vmul.f32 v9, v12  }
0x6c: {  	v7 =	vadd.f32 $9.534207580e-01, v7  }
0x6d: {  	v9 =	vadd.f32 $-4.650204480e-01, v9  }
0x6e: {  	v7 =	vmul.f32 v7, v63  }
0x6f: {  	v9 =	vmul.f32 v9, v12  }
0x70: {  	v7 =	vadd.f32 $-9.962757220e-01, v7  }
0x71: {  	v9 =	vadd.f32 $9.959657780e-01, v9  }
0x72: {  	v6 =	vmul.f32 v7, v63  }
0x73: {  	v13 =	vmul.f32 v9, v12  }
0x74: {  	v6 =	vadd.f32 $9.999489780e-01, v6  }
0x75: {  	v7 =	vadd.f32 $7.942077350e-05, v13  }
0x76: {  	v5 =	vmax.f32 v5, $0.0e+00;
	v14 =	vsub.f32 $1.000000000e+00, v6  }
0x77: {  	vm0 =	vge.f32 v4, $0.0e+00;
	v4 =	vadd.f32 v7, v5  }
0x78: {  	v5 =	vsel vm0, v6, v14  }
0x79: {  	s18 =	sshll.u32 s22, $0x6;
	v4 =	vmul.f32 v4, v5  }
0x7a: {  	s9 =	sand.u32 $0x3FFFFFC0, s18  }
0x7b: {  	s11 =	sor.u32 $0x10, s10;
	[tilespmem:v3+s9+$0x0 ss:$0x1] =	vst.idx.msk $0xffff, v4  }
0x7c: {  	v4 =	vld.idx.msk [tilespmem:v0+s11+$0x0 ss:$0x1], $0xffff  }
0x7d: {  	v5 =	vld.idx.msk [tilespmem:v1+s11+$0x0 ss:$0x1], $0xffff;
	_ =	sdelay $0x1  }
0x7e: {  	v15 =	vld.idx.msk [tilespmem:v2+s11+$0x0 ss:$0x1], $0xffff  }
0x7f: {  	s19 =	sor.u32 $0x50, s10  }
0x80: {  	v16 =	vld.idx.msk [tilespmem:v0+s19+$0x0 ss:$0x1], $0xffff  }
0x81: {  	v4 =	vadd.f32 v5, v4;
	v5 =	vld.idx.msk [tilespmem:v1+s19+$0x0 ss:$0x1], $0xffff;
	_ =	sdelay $0x1  }
0x82: {  	v17 =	vld.idx.msk [tilespmem:v2+s19+$0x0 ss:$0x1], $0xffff;
	v4 =	vadd.f32 v15, v4;
	_ =	sdelay $0x1  }
0x83: {  	v18 =	vand.u32 $0x7FFFFFFF, v4  }
0x84: {  	v5 =	vadd.f32 v5, v16;
	v19 =	vsub.f32 $0.0e+00, v18;
	_ =	sdelay $0x1  }
0x85: {  	v5 =	vadd.f32 v17, v5;
	v20 =	vmul.f32 $1.442695020e+00, v19;
	_ =	sdelay $0x1  }
0x86: {  	(erf) = vpow2.f32 v20;
	v21 =	vand.u32 $0x7FFFFFFF, v5  }
0x87: {  	v6 =	vsub.f32 $0.0e+00, v21;
	_ =	sdelay $0x1  }
0x88: {  	v6 =	vmul.f32 $1.442695020e+00, v6;
	_ =	sdelay $0x1  }
0x89: {  	(erf) = vpow2.f32 v6;
	_ =	sdelay $0x3  }
0x8a: {  	v22 =	vpop (erf)  }
0x8b: {  	v23 =	vmul.f32 $1.044844690e-01, v22;
	_ =	sdelay $0x1  }
0x8c: {  	v7 =	vsub.f32 $4.179378750e-01, v23;
	_ =	sdelay $0x1  }
0x8d: {  	v7 =	vmul.f32 v7, v22;
	v24 =	vpop (erf)  }
0x8e: {  	v25 =	vmul.f32 $5.437093230e-02, v24  }
0x8f: {  	v7 =	vadd.f32 $-7.705729010e-01, v7  }
0x90: {  	v9 =	vsub.f32 $2.164487090e-01, v25  }
0x91: {  	v7 =	vmul.f32 v7, v22  }
0x92: {  	v9 =	vmul.f32 v9, v24  }
0x93: {  	v7 =	vadd.f32 $9.534207580e-01, v7  }
0x94: {  	v9 =	vadd.f32 $-4.650204480e-01, v9  }
0x95: {  	v7 =	vmul.f32 v7, v22  }
0x96: {  	v9 =	vmul.f32 v9, v24  }
0x97: {  	v7 =	vadd.f32 $-9.962757220e-01, v7  }
0x98: {  	v9 =	vadd.f32 $9.959657780e-01, v9  }
0x99: {  	v6 =	vmul.f32 v7, v22  }
0x9a: {  	v26 =	vmul.f32 v9, v24  }
0x9b: {  	v6 =	vadd.f32 $9.999489780e-01, v6  }
0x9c: {  	v7 =	vadd.f32 $7.942077350e-05, v26  }
0x9d: {  	v5 =	vmax.f32 v5, $0.0e+00;
	v27 =	vsub.f32 $1.000000000e+00, v6  }
0x9e: {  	vm9 =	vge.f32 v4, $0.0e+00;
	v4 =	vadd.f32 v7, v5  }
0x9f: {  	v5 =	vsel vm9, v6, v27  }
0xa0: {  	v4 =	vmul.f32 v4, v5;
	_ =	sdelay $0x1  }
0xa1: {  	s20 =	sor.u32 $0x20, s10;
	[tilespmem:v3+s9+$0x10 ss:$0x1] =	vst.idx.msk $0xffff, v4  }
0xa2: {  	v4 =	vld.idx.msk [tilespmem:v0+s20+$0x0 ss:$0x1], $0xffff  }
0xa3: {  	v5 =	vld.idx.msk [tilespmem:v1+s20+$0x0 ss:$0x1], $0xffff;
	_ =	sdelay $0x1  }
0xa4: {  	v28 =	vld.idx.msk [tilespmem:v2+s20+$0x0 ss:$0x1], $0xffff  }
0xa5: {  	s12 =	sor.u32 $0x60, s10  }
0xa6: {  	v29 =	vld.idx.msk [tilespmem:v0+s12+$0x0 ss:$0x1], $0xffff  }
0xa7: {  	v4 =	vadd.f32 v5, v4;
	v5 =	vld.idx.msk [tilespmem:v1+s12+$0x0 ss:$0x1], $0xffff;
	_ =	sdelay $0x1  }
0xa8: {  	v30 =	vld.idx.msk [tilespmem:v2+s12+$0x0 ss:$0x1], $0xffff;
	v4 =	vadd.f32 v28, v4;
	_ =	sdelay $0x1  }
0xa9: {  	v31 =	vand.u32 $0x7FFFFFFF, v4  }
0xaa: {  	v5 =	vadd.f32 v5, v29;
	v32 =	vsub.f32 $0.0e+00, v31;
	_ =	sdelay $0x1  }
0xab: {  	v5 =	vadd.f32 v30, v5;
	v33 =	vmul.f32 $1.442695020e+00, v32;
	_ =	sdelay $0x1  }
0xac: {  	(erf) = vpow2.f32 v33;
	v34 =	vand.u32 $0x7FFFFFFF, v5  }
0xad: {  	v6 =	vsub.f32 $0.0e+00, v34;
	_ =	sdelay $0x1  }
0xae: {  	v6 =	vmul.f32 $1.442695020e+00, v6;
	_ =	sdelay $0x1  }
0xaf: {  	(erf) = vpow2.f32 v6;
	_ =	sdelay $0x3  }
0xb0: {  	v35 =	vpop (erf)  }
0xb1: {  	v36 =	vmul.f32 $1.044844690e-01, v35;
	_ =	sdelay $0x1  }
0xb2: {  	v7 =	vsub.f32 $4.179378750e-01, v36;
	_ =	sdelay $0x1  }
0xb3: {  	v7 =	vmul.f32 v7, v35;
	v37 =	vpop (erf)  }
0xb4: {  	v38 =	vmul.f32 $5.437093230e-02, v37  }
0xb5: {  	v7 =	vadd.f32 $-7.705729010e-01, v7  }
0xb6: {  	v9 =	vsub.f32 $2.164487090e-01, v38  }
0xb7: {  	v7 =	vmul.f32 v7, v35  }
0xb8: {  	v9 =	vmul.f32 v9, v37  }
0xb9: {  	v7 =	vadd.f32 $9.534207580e-01, v7  }
0xba: {  	v9 =	vadd.f32 $-4.650204480e-01, v9  }
0xbb: {  	v7 =	vmul.f32 v7, v35  }
0xbc: {  	v9 =	vmul.f32 v9, v37  }
0xbd: {  	v7 =	vadd.f32 $-9.962757220e-01, v7  }
0xbe: {  	v9 =	vadd.f32 $9.959657780e-01, v9  }
0xbf: {  	v6 =	vmul.f32 v7, v35  }
0xc0: {  	v39 =	vmul.f32 v9, v37  }
0xc1: {  	v6 =	vadd.f32 $9.999489780e-01, v6  }
0xc2: {  	v7 =	vadd.f32 $7.942077350e-05, v39  }
0xc3: {  	v5 =	vmax.f32 v5, $0.0e+00;
	v40 =	vsub.f32 $1.000000000e+00, v6  }
0xc4: {  	vm10 =	vge.f32 v4, $0.0e+00;
	v4 =	vadd.f32 v7, v5  }
0xc5: {  	s16 =	sor.u32 $0x1, s22;
	v5 =	vsel vm10, v6, v40  }
0xc6: {  	s15 =	sor.u32 $0x30, s10;
	s12 =	sor.u32 $0x70, s10;
	s10 =	sshll.u32 s16, $0x7;
	v4 =	vmul.f32 v4, v5  }
0xc7: {  	v44 =	vld.idx.msk [tilespmem:v0+s10+$0x0 ss:$0x1], $0xffff  }
0xc8: {  	v10 =	vld.idx.msk [tilespmem:v1+s10+$0x0 ss:$0x1], $0xffff;
	[tilespmem:v3+s9+$0x20 ss:$0x1] =	vst.idx.msk $0xffff, v4  }
0xc9: {  	v4 =	vld.idx.msk [tilespmem:v0+s15+$0x0 ss:$0x1], $0xffff  }
0xca: {  	v5 =	vld.idx.msk [tilespmem:v1+s15+$0x0 ss:$0x1], $0xffff  }
0xcb: {  	v42 =	vld.idx.msk [tilespmem:v0+s12+$0x0 ss:$0x1], $0xffff  }
0xcc: {  	v43 =	vld.idx.msk [tilespmem:v1+s12+$0x0 ss:$0x1], $0xffff  }
0xcd: {  	v41 =	vld.idx.msk [tilespmem:v2+s15+$0x0 ss:$0x1], $0xffff  }
0xce: {  	v11 =	vld.idx.msk [tilespmem:v2+s12+$0x0 ss:$0x1], $0xffff  }
0xcf: {  	v12 =	vld.idx.msk [tilespmem:v2+s10+$0x0 ss:$0x1], $0xffff  }
0xd0: {  	s17 =	sor.u32 $0x40, s10;
	v4 =	vadd.f32 v5, v4  }
0xd1: {  	v45 =	vld.idx.msk [tilespmem:v0+s17+$0x0 ss:$0x1], $0xffff;
	v7 =	vadd.f32 v43, v42  }
0xd2: {  	v47 =	vld.idx.msk [tilespmem:v1+s17+$0x0 ss:$0x1], $0xffff;
	v46 =	vadd.f32 v10, v44;
	v5 =	vadd.f32 v41, v4  }
0xd3: {  	v4 =	vadd.f32 v11, v7  }
0xd4: {  	v49 =	vld.idx.msk [tilespmem:v2+s17+$0x0 ss:$0x1], $0xffff;
	v10 =	vadd.f32 v12, v46;
	v48 =	vand.u32 $0x7FFFFFFF, v5  }
0xd5: {  	v11 =	vand.u32 $0x7FFFFFFF, v4;
	v7 =	vsub.f32 $0.0e+00, v48  }
0xd6: {  	v12 =	vand.u32 $0x7FFFFFFF, v10;
	v11 =	vsub.f32 $0.0e+00, v11  }
0xd7: {  	v8 =	vadd.f32 v47, v45;
	v50 =	vsub.f32 $0.0e+00, v12;
	v7 =	vmul.f32 $1.442695020e+00, v7  }
0xd8: {  	v11 =	vmul.f32 $1.442695020e+00, v11  }
0xd9: {  	v8 =	vadd.f32 v49, v8;
	v51 =	vmul.f32 $1.442695020e+00, v50;
	(erf) = vpow2.f32 v7  }
0xda: {  	(erf) = vpow2.f32 v11  }
0xdb: {  	v52 =	vand.u32 $0x7FFFFFFF, v8;
	(erf) = vpow2.f32 v51  }
0xdc: {  	v6 =	vsub.f32 $0.0e+00, v52;
	_ =	sdelay $0x1  }
0xdd: {  	v6 =	vmul.f32 $1.442695020e+00, v6;
	_ =	sdelay $0x1  }
0xde: {  	(erf) = vpow2.f32 v6;
	_ =	sdelay $0x1  }
0xdf: {  	v7 =	vpop (erf)  }
0xe0: {  	v6 =	vpop (erf)  }
0xe1: {  	v53 =	vpop (erf)  }
0xe2: {  	v54 =	vmul.f32 $1.044844690e-01, v53;
	_ =	sdelay $0x1  }
0xe3: {  	v11 =	vsub.f32 $4.179378750e-01, v54;
	_ =	sdelay $0x1  }
0xe4: {  	v55 =	vpop (erf);
	v11 =	vmul.f32 v11, v53  }
0xe5: {  	v13 =	vmul.f32 $5.437093230e-02, v55  }
0xe6: {  	v11 =	vadd.f32 $-7.705729010e-01, v11  }
0xe7: {  	v13 =	vsub.f32 $2.164487090e-01, v13  }
0xe8: {  	v11 =	vmul.f32 v11, v53  }
0xe9: {  	v13 =	vmul.f32 v13, v55  }
0xea: {  	v11 =	vadd.f32 $9.534207580e-01, v11  }
0xeb: {  	v13 =	vadd.f32 $-4.650204480e-01, v13  }
0xec: {  	v11 =	vmul.f32 v11, v53  }
0xed: {  	v13 =	vmul.f32 v13, v55  }
0xee: {  	v11 =	vadd.f32 $-9.962757220e-01, v11  }
0xef: {  	v13 =	vadd.f32 $9.959657780e-01, v13  }
0xf0: {  	v9 =	vmul.f32 v11, v53  }
0xf1: {  	v56 =	vmul.f32 v13, v55  }
0xf2: {  	v9 =	vadd.f32 $9.999489780e-01, v9  }
0xf3: {  	v11 =	vadd.f32 $7.942077350e-05, v56  }
0xf4: {  	v8 =	vmax.f32 v8, $0.0e+00;
	v57 =	vsub.f32 $1.000000000e+00, v9  }
0xf5: {  	vm11 =	vge.f32 v10, $0.0e+00;
	v8 =	vadd.f32 v11, v8  }
0xf6: {  	v9 =	vsel vm11, v9, v57  }
0xf7: {  	s11 =	sshll.u32 s16, $0x6;
	v8 =	vmul.f32 v8, v9  }
0xf8: {  	s11 =	sand.u32 $0x3FFFFFC0, s11  }
0xf9: {  	s18 =	sor.u32 $0x10, s10;
	[tilespmem:v3+s11+$0x0 ss:$0x1] =	vst.idx.msk $0xffff, v8  }
0xfa: {  	v8 =	vld.idx.msk [tilespmem:v0+s18+$0x0 ss:$0x1], $0xffff  }
0xfb: {  	v58 =	vld.idx.msk [tilespmem:v1+s18+$0x0 ss:$0x1], $0xffff;
	_ =	sdelay $0x1  }
0xfc: {  	v59 =	vld.idx.msk [tilespmem:v2+s18+$0x0 ss:$0x1], $0xffff  }
0xfd: {  	s19 =	sor.u32 $0x50, s10  }
0xfe: {  	v60 =	vld.idx.msk [tilespmem:v0+s19+$0x0 ss:$0x1], $0xffff  }
0xff: {  	v61 =	vld.idx.msk [tilespmem:v1+s19+$0x0 ss:$0x1], $0xffff;
	v8 =	vadd.f32 v58, v8;
	_ =	sdelay $0x1  }
0x100: {  	v62 =	vld.idx.msk [tilespmem:v2+s19+$0x0 ss:$0x1], $0xffff;
	v8 =	vadd.f32 v59, v8;
	_ =	sdelay $0x1  }
0x101: {  	v63 =	vand.u32 $0x7FFFFFFF, v8  }
0x102: {  	v9 =	vadd.f32 v61, v60;
	v14 =	vsub.f32 $0.0e+00, v63;
	_ =	sdelay $0x1  }
0x103: {  	v9 =	vadd.f32 v62, v9;
	v15 =	vmul.f32 $1.442695020e+00, v14;
	_ =	sdelay $0x1  }
0x104: {  	v16 =	vand.u32 $0x7FFFFFFF, v9;
	(erf) = vpow2.f32 v15  }
0x105: {  	v10 =	vsub.f32 $0.0e+00, v16;
	_ =	sdelay $0x1  }
0x106: {  	v10 =	vmul.f32 $1.442695020e+00, v10;
	_ =	sdelay $0x1  }
0x107: {  	(erf) = vpow2.f32 v10;
	_ =	sdelay $0x3  }
0x108: {  	v17 =	vpop (erf)  }
0x109: {  	v18 =	vmul.f32 $1.044844690e-01, v17;
	_ =	sdelay $0x1  }
0x10a: {  	v11 =	vsub.f32 $4.179378750e-01, v18;
	_ =	sdelay $0x1  }
0x10b: {  	v19 =	vpop (erf);
	v11 =	vmul.f32 v11, v17  }
0x10c: {  	v20 =	vmul.f32 $5.437093230e-02, v19  }
0x10d: {  	v11 =	vadd.f32 $-7.705729010e-01, v11  }
0x10e: {  	v13 =	vsub.f32 $2.164487090e-01, v20  }
0x10f: {  	v11 =	vmul.f32 v11, v17  }
0x110: {  	v13 =	vmul.f32 v13, v19  }
0x111: {  	v11 =	vadd.f32 $9.534207580e-01, v11  }
0x112: {  	v13 =	vadd.f32 $-4.650204480e-01, v13  }
0x113: {  	v11 =	vmul.f32 v11, v17  }
0x114: {  	v13 =	vmul.f32 v13, v19  }
0x115: {  	v11 =	vadd.f32 $-9.962757220e-01, v11  }
0x116: {  	v13 =	vadd.f32 $9.959657780e-01, v13  }
0x117: {  	v10 =	vmul.f32 v11, v17  }
0x118: {  	v21 =	vmul.f32 v13, v19  }
0x119: {  	v10 =	vadd.f32 $9.999489780e-01, v10  }
0x11a: {  	v11 =	vadd.f32 $7.942077350e-05, v21  }
0x11b: {  	v9 =	vmax.f32 v9, $0.0e+00;
	v22 =	vsub.f32 $1.000000000e+00, v10  }
0x11c: {  	vm12 =	vge.f32 v8, $0.0e+00;
	v23 =	vadd.f32 v11, v9  }
0x11d: {  	v24 =	vsel vm12, v10, v22  }
0x11e: {  	v8 =	vmul.f32 v23, v24;
	_ =	sdelay $0x1  }
0x11f: {  	s20 =	sor.u32 $0x20, s10;
	[tilespmem:v3+s11+$0x10 ss:$0x1] =	vst.idx.msk $0xffff, v8  }
0x120: {  	v8 =	vld.idx.msk [tilespmem:v0+s20+$0x0 ss:$0x1], $0xffff  }
0x121: {  	v25 =	vld.idx.msk [tilespmem:v1+s20+$0x0 ss:$0x1], $0xffff;
	_ =	sdelay $0x1  }
0x122: {  	v26 =	vld.idx.msk [tilespmem:v2+s20+$0x0 ss:$0x1], $0xffff  }
0x123: {  	s15 =	sor.u32 $0x60, s10  }
0x124: {  	v27 =	vld.idx.msk [tilespmem:v0+s15+$0x0 ss:$0x1], $0xffff  }
0x125: {  	v28 =	vld.idx.msk [tilespmem:v1+s15+$0x0 ss:$0x1], $0xffff;
	v8 =	vadd.f32 v25, v8;
	_ =	sdelay $0x1  }
0x126: {  	v29 =	vld.idx.msk [tilespmem:v2+s15+$0x0 ss:$0x1], $0xffff;
	v8 =	vadd.f32 v26, v8;
	_ =	sdelay $0x1  }
0x127: {  	v30 =	vand.u32 $0x7FFFFFFF, v8  }
0x128: {  	v9 =	vadd.f32 v28, v27;
	v31 =	vsub.f32 $0.0e+00, v30;
	_ =	sdelay $0x1  }
0x129: {  	v9 =	vadd.f32 v29, v9;
	v32 =	vmul.f32 $1.442695020e+00, v31;
	_ =	sdelay $0x1  }
0x12a: {  	v33 =	vand.u32 $0x7FFFFFFF, v9;
	(erf) = vpow2.f32 v32  }
0x12b: {  	v10 =	vsub.f32 $0.0e+00, v33;
	_ =	sdelay $0x1  }
0x12c: {  	v10 =	vmul.f32 $1.442695020e+00, v10;
	_ =	sdelay $0x1  }
0x12d: {  	(erf) = vpow2.f32 v10;
	_ =	sdelay $0x3  }
0x12e: {  	v34 =	vpop (erf)  }
0x12f: {  	v35 =	vmul.f32 $1.044844690e-01, v34;
	_ =	sdelay $0x1  }
0x130: {  	v11 =	vsub.f32 $4.179378750e-01, v35;
	_ =	sdelay $0x1  }
0x131: {  	v36 =	vpop (erf);
	v11 =	vmul.f32 v11, v34  }
0x132: {  	v37 =	vmul.f32 $5.437093230e-02, v36  }
0x133: {  	v11 =	vadd.f32 $-7.705729010e-01, v11  }
0x134: {  	v13 =	vsub.f32 $2.164487090e-01, v37  }
0x135: {  	v11 =	vmul.f32 v11, v34  }
0x136: {  	v13 =	vmul.f32 v13, v36  }
0x137: {  	v11 =	vadd.f32 $9.534207580e-01, v11  }
0x138: {  	v13 =	vadd.f32 $-4.650204480e-01, v13  }
0x139: {  	v11 =	vmul.f32 v11, v34  }
0x13a: {  	v13 =	vmul.f32 v13, v36  }
0x13b: {  	v11 =	vadd.f32 $-9.962757220e-01, v11  }
0x13c: {  	v13 =	vadd.f32 $9.959657780e-01, v13  }
0x13d: {  	v10 =	vmul.f32 v11, v34  }
0x13e: {  	v38 =	vmul.f32 v13, v36  }
0x13f: {  	v10 =	vadd.f32 $9.999489780e-01, v10  }
0x140: {  	v11 =	vadd.f32 $7.942077350e-05, v38  }
0x141: {  	v9 =	vmax.f32 v9, $0.0e+00;
	v39 =	vsub.f32 $1.000000000e+00, v10  }
0x142: {  	vm13 =	vge.f32 v8, $0.0e+00;
	v40 =	vadd.f32 v11, v9  }
0x143: {  	s17 =	sor.u32 $0x2, s22;
	v41 =	vsel vm13, v10, v39  }
0x144: {  	s16 =	sor.u32 $0x30, s10;
	s15 =	sor.u32 $0x70, s10;
	s10 =	sshll.u32 s17, $0x7;
	v8 =	vmul.f32 v40, v41  }
0x145: {  	v46 =	vld.idx.msk [tilespmem:v0+s10+$0x0 ss:$0x1], $0xffff  }
0x146: {  	v14 =	vld.idx.msk [tilespmem:v1+s10+$0x0 ss:$0x1], $0xffff;
	[tilespmem:v3+s11+$0x20 ss:$0x1] =	vst.idx.msk $0xffff, v8  }
0x147: {  	v8 =	vld.idx.msk [tilespmem:v0+s16+$0x0 ss:$0x1], $0xffff  }
0x148: {  	v42 =	vld.idx.msk [tilespmem:v1+s16+$0x0 ss:$0x1], $0xffff  }
0x149: {  	v44 =	vld.idx.msk [tilespmem:v0+s15+$0x0 ss:$0x1], $0xffff  }
0x14a: {  	v45 =	vld.idx.msk [tilespmem:v1+s15+$0x0 ss:$0x1], $0xffff  }
0x14b: {  	v43 =	vld.idx.msk [tilespmem:v2+s16+$0x0 ss:$0x1], $0xffff  }
0x14c: {  	v15 =	vld.idx.msk [tilespmem:v2+s15+$0x0 ss:$0x1], $0xffff  }
0x14d: {  	v16 =	vld.idx.msk [tilespmem:v2+s10+$0x0 ss:$0x1], $0xffff  }
0x14e: {  	s18 =	sor.u32 $0x40, s10;
	v8 =	vadd.f32 v42, v8  }
0x14f: {  	v47 =	vld.idx.msk [tilespmem:v0+s18+$0x0 ss:$0x1], $0xffff;
	v11 =	vadd.f32 v45, v44  }
0x150: {  	v49 =	vld.idx.msk [tilespmem:v1+s18+$0x0 ss:$0x1], $0xffff;
	v48 =	vadd.f32 v14, v46;
	v9 =	vadd.f32 v43, v8  }
0x151: {  	v8 =	vadd.f32 v15, v11  }
0x152: {  	v51 =	vld.idx.msk [tilespmem:v2+s18+$0x0 ss:$0x1], $0xffff;
	v14 =	vadd.f32 v16, v48;
	v50 =	vand.u32 $0x7FFFFFFF, v9  }
0x153: {  	v15 =	vand.u32 $0x7FFFFFFF, v8;
	v11 =	vsub.f32 $0.0e+00, v50  }
0x154: {  	v16 =	vand.u32 $0x7FFFFFFF, v14;
	v15 =	vsub.f32 $0.0e+00, v15  }
0x155: {  	v12 =	vadd.f32 v49, v47;
	v52 =	vsub.f32 $0.0e+00, v16;
	v11 =	vmul.f32 $1.442695020e+00, v11  }
0x156: {  	v15 =	vmul.f32 $1.442695020e+00, v15  }
0x157: {  	v12 =	vadd.f32 v51, v12;
	v53 =	vmul.f32 $1.442695020e+00, v52;
	(erf) = vpow2.f32 v11  }
0x158: {  	(erf) = vpow2.f32 v15  }
0x159: {  	v54 =	vand.u32 $0x7FFFFFFF, v12;
	(erf) = vpow2.f32 v53  }
0x15a: {  	v10 =	vsub.f32 $0.0e+00, v54;
	_ =	sdelay $0x1  }
0x15b: {  	v10 =	vmul.f32 $1.442695020e+00, v10;
	_ =	sdelay $0x1  }
0x15c: {  	(erf) = vpow2.f32 v10;
	_ =	sdelay $0x1  }
0x15d: {  	v11 =	vpop (erf)  }
0x15e: {  	v10 =	vpop (erf)  }
0x15f: {  	v55 =	vpop (erf)  }
0x160: {  	v56 =	vmul.f32 $1.044844690e-01, v55;
	_ =	sdelay $0x1  }
0x161: {  	v15 =	vsub.f32 $4.179378750e-01, v56;
	_ =	sdelay $0x1  }
0x162: {  	v57 =	vpop (erf);
	v15 =	vmul.f32 v15, v55  }
0x163: {  	v17 =	vmul.f32 $5.437093230e-02, v57  }
0x164: {  	v15 =	vadd.f32 $-7.705729010e-01, v15  }
0x165: {  	v17 =	vsub.f32 $2.164487090e-01, v17  }
0x166: {  	v15 =	vmul.f32 v15, v55  }
0x167: {  	v17 =	vmul.f32 v17, v57  }
0x168: {  	v15 =	vadd.f32 $9.534207580e-01, v15  }
0x169: {  	v17 =	vadd.f32 $-4.650204480e-01, v17  }
0x16a: {  	v15 =	vmul.f32 v15, v55  }
0x16b: {  	v17 =	vmul.f32 v17, v57  }
0x16c: {  	v15 =	vadd.f32 $-9.962757220e-01, v15  }
0x16d: {  	v17 =	vadd.f32 $9.959657780e-01, v17  }
0x16e: {  	v13 =	vmul.f32 v15, v55  }
0x16f: {  	v58 =	vmul.f32 v17, v57  }
0x170: {  	v13 =	vadd.f32 $9.999489780e-01, v13  }
0x171: {  	v15 =	vadd.f32 $7.942077350e-05, v58  }
0x172: {  	v12 =	vmax.f32 v12, $0.0e+00;
	v59 =	vsub.f32 $1.000000000e+00, v13  }
0x173: {  	vm14 =	vge.f32 v14, $0.0e+00;
	v12 =	vadd.f32 v15, v12  }
0x174: {  	v13 =	vsel vm14, v13, v59  }
0x175: {  	s12 =	sshll.u32 s17, $0x6;
	v12 =	vmul.f32 v12, v13  }
0x176: {  	s12 =	sand.u32 $0x3FFFFFC0, s12  }
0x177: {  	s19 =	sor.u32 $0x10, s10;
	[tilespmem:v3+s12+$0x0 ss:$0x1] =	vst.idx.msk $0xffff, v12  }
0x178: {  	v12 =	vld.idx.msk [tilespmem:v0+s19+$0x0 ss:$0x1], $0xffff  }
0x179: {  	v60 =	vld.idx.msk [tilespmem:v1+s19+$0x0 ss:$0x1], $0xffff;
	_ =	sdelay $0x1  }
0x17a: {  	v61 =	vld.idx.msk [tilespmem:v2+s19+$0x0 ss:$0x1], $0xffff  }
0x17b: {  	s20 =	sor.u32 $0x50, s10  }
0x17c: {  	v62 =	vld.idx.msk [tilespmem:v0+s20+$0x0 ss:$0x1], $0xffff  }
0x17d: {  	v63 =	vld.idx.msk [tilespmem:v1+s20+$0x0 ss:$0x1], $0xffff;
	v12 =	vadd.f32 v60, v12;
	_ =	sdelay $0x1  }
0x17e: {  	v20 =	vld.idx.msk [tilespmem:v2+s20+$0x0 ss:$0x1], $0xffff;
	v12 =	vadd.f32 v61, v12;
	_ =	sdelay $0x1  }
0x17f: {  	v21 =	vand.u32 $0x7FFFFFFF, v12  }
0x180: {  	v13 =	vadd.f32 v63, v62;
	v22 =	vsub.f32 $0.0e+00, v21;
	_ =	sdelay $0x1  }
0x181: {  	v13 =	vadd.f32 v20, v13;
	v23 =	vmul.f32 $1.442695020e+00, v22;
	_ =	sdelay $0x1  }
0x182: {  	v24 =	vand.u32 $0x7FFFFFFF, v13;
	(erf) = vpow2.f32 v23  }
0x183: {  	v14 =	vsub.f32 $0.0e+00, v24;
	_ =	sdelay $0x1  }
0x184: {  	v14 =	vmul.f32 $1.442695020e+00, v14;
	_ =	sdelay $0x1  }
0x185: {  	(erf) = vpow2.f32 v14;
	_ =	sdelay $0x3  }
0x186: {  	v25 =	vpop (erf)  }
0x187: {  	v26 =	vmul.f32 $1.044844690e-01, v25;
	_ =	sdelay $0x1  }
0x188: {  	v15 =	vsub.f32 $4.179378750e-01, v26;
	_ =	sdelay $0x1  }
0x189: {  	v27 =	vpop (erf);
	v15 =	vmul.f32 v15, v25  }
0x18a: {  	v28 =	vmul.f32 $5.437093230e-02, v27  }
0x18b: {  	v15 =	vadd.f32 $-7.705729010e-01, v15  }
0x18c: {  	v17 =	vsub.f32 $2.164487090e-01, v28  }
0x18d: {  	v15 =	vmul.f32 v15, v25  }
0x18e: {  	v17 =	vmul.f32 v17, v27  }
0x18f: {  	v15 =	vadd.f32 $9.534207580e-01, v15  }
0x190: {  	v17 =	vadd.f32 $-4.650204480e-01, v17  }
0x191: {  	v15 =	vmul.f32 v15, v25  }
0x192: {  	v17 =	vmul.f32 v17, v27  }
0x193: {  	v15 =	vadd.f32 $-9.962757220e-01, v15  }
0x194: {  	v17 =	vadd.f32 $9.959657780e-01, v17  }
0x195: {  	v14 =	vmul.f32 v15, v25  }
0x196: {  	v29 =	vmul.f32 v17, v27  }
0x197: {  	v14 =	vadd.f32 $9.999489780e-01, v14  }
0x198: {  	v15 =	vadd.f32 $7.942077350e-05, v29  }
0x199: {  	v13 =	vmax.f32 v13, $0.0e+00;
	v30 =	vsub.f32 $1.000000000e+00, v14  }
0x19a: {  	vm15 =	vge.f32 v12, $0.0e+00;
	v31 =	vadd.f32 v15, v13  }
0x19b: {  	v32 =	vsel vm15, v14, v30  }
0x19c: {  	v12 =	vmul.f32 v31, v32;
	_ =	sdelay $0x1  }
0x19d: {  	s16 =	sor.u32 $0x20, s10;
	[tilespmem:v3+s12+$0x10 ss:$0x1] =	vst.idx.msk $0xffff, v12  }
0x19e: {  	v12 =	vld.idx.msk [tilespmem:v0+s16+$0x0 ss:$0x1], $0xffff  }
0x19f: {  	v33 =	vld.idx.msk [tilespmem:v1+s16+$0x0 ss:$0x1], $0xffff;
	_ =	sdelay $0x1  }
0x1a0: {  	v34 =	vld.idx.msk [tilespmem:v2+s16+$0x0 ss:$0x1], $0xffff  }
0x1a1: {  	s17 =	sor.u32 $0x60, s10  }
0x1a2: {  	v35 =	vld.idx.msk [tilespmem:v0+s17+$0x0 ss:$0x1], $0xffff  }
0x1a3: {  	v36 =	vld.idx.msk [tilespmem:v1+s17+$0x0 ss:$0x1], $0xffff;
	v12 =	vadd.f32 v33, v12;
	_ =	sdelay $0x1  }
0x1a4: {  	v37 =	vld.idx.msk [tilespmem:v2+s17+$0x0 ss:$0x1], $0xffff;
	v12 =	vadd.f32 v34, v12;
	_ =	sdelay $0x1  }
0x1a5: {  	v38 =	vand.u32 $0x7FFFFFFF, v12  }
0x1a6: {  	v13 =	vadd.f32 v36, v35;
	v39 =	vsub.f32 $0.0e+00, v38;
	_ =	sdelay $0x1  }
0x1a7: {  	v13 =	vadd.f32 v37, v13;
	v40 =	vmul.f32 $1.442695020e+00, v39;
	_ =	sdelay $0x1  }
0x1a8: {  	v41 =	vand.u32 $0x7FFFFFFF, v13;
	(erf) = vpow2.f32 v40  }
0x1a9: {  	v14 =	vsub.f32 $0.0e+00, v41;
	_ =	sdelay $0x1  }
0x1aa: {  	v14 =	vmul.f32 $1.442695020e+00, v14;
	_ =	sdelay $0x1  }
0x1ab: {  	(erf) = vpow2.f32 v14;
	_ =	sdelay $0x3  }
0x1ac: {  	v42 =	vpop (erf)  }
0x1ad: {  	v43 =	vmul.f32 $1.044844690e-01, v42;
	_ =	sdelay $0x1  }
0x1ae: {  	v15 =	vsub.f32 $4.179378750e-01, v43;
	_ =	sdelay $0x1  }
0x1af: {  	v44 =	vpop (erf);
	v15 =	vmul.f32 v15, v42  }
0x1b0: {  	v45 =	vmul.f32 $5.437093230e-02, v44  }
0x1b1: {  	v15 =	vadd.f32 $-7.705729010e-01, v15  }
0x1b2: {  	v17 =	vsub.f32 $2.164487090e-01, v45  }
0x1b3: {  	v15 =	vmul.f32 v15, v42  }
0x1b4: {  	v17 =	vmul.f32 v17, v44  }
0x1b5: {  	v15 =	vadd.f32 $9.534207580e-01, v15  }
0x1b6: {  	v17 =	vadd.f32 $-4.650204480e-01, v17  }
0x1b7: {  	v15 =	vmul.f32 v15, v42  }
0x1b8: {  	v17 =	vmul.f32 v17, v44  }
0x1b9: {  	v15 =	vadd.f32 $-9.962757220e-01, v15  }
0x1ba: {  	v17 =	vadd.f32 $9.959657780e-01, v17  }
0x1bb: {  	v14 =	vmul.f32 v15, v42  }
0x1bc: {  	v46 =	vmul.f32 v17, v44  }
0x1bd: {  	v14 =	vadd.f32 $9.999489780e-01, v14  }
0x1be: {  	v15 =	vadd.f32 $7.942077350e-05, v46  }
0x1bf: {  	v13 =	vmax.f32 v13, $0.0e+00;
	v47 =	vsub.f32 $1.000000000e+00, v14  }
0x1c0: {  	vm4 =	vge.f32 v12, $0.0e+00;
	v48 =	vadd.f32 v15, v13  }
0x1c1: {  	s19 =	sor.u32 $0x3, s22;
	v49 =	vsel vm4, v14, v47  }
0x1c2: {  	s18 =	sor.u32 $0x30, s10;
	s16 =	sor.u32 $0x70, s10;
	s10 =	sshll.u32 s19, $0x7;
	v12 =	vmul.f32 v48, v49  }
0x1c3: {  	v54 =	vld.idx.msk [tilespmem:v0+s10+$0x0 ss:$0x1], $0xffff  }
0x1c4: {  	v18 =	vld.idx.msk [tilespmem:v1+s10+$0x0 ss:$0x1], $0xffff;
	[tilespmem:v3+s12+$0x20 ss:$0x1] =	vst.idx.msk $0xffff, v12  }
0x1c5: {  	v12 =	vld.idx.msk [tilespmem:v0+s18+$0x0 ss:$0x1], $0xffff  }
0x1c6: {  	v50 =	vld.idx.msk [tilespmem:v1+s18+$0x0 ss:$0x1], $0xffff  }
0x1c7: {  	v52 =	vld.idx.msk [tilespmem:v0+s16+$0x0 ss:$0x1], $0xffff  }
0x1c8: {  	v53 =	vld.idx.msk [tilespmem:v1+s16+$0x0 ss:$0x1], $0xffff  }
0x1c9: {  	v51 =	vld.idx.msk [tilespmem:v2+s18+$0x0 ss:$0x1], $0xffff  }
0x1ca: {  	v19 =	vld.idx.msk [tilespmem:v2+s16+$0x0 ss:$0x1], $0xffff  }
0x1cb: {  	v20 =	vld.idx.msk [tilespmem:v2+s10+$0x0 ss:$0x1], $0xffff  }
0x1cc: {  	s20 =	sor.u32 $0x40, s10;
	v12 =	vadd.f32 v50, v12  }
0x1cd: {  	v55 =	vld.idx.msk [tilespmem:v0+s20+$0x0 ss:$0x1], $0xffff;
	v15 =	vadd.f32 v53, v52  }
0x1ce: {  	v57 =	vld.idx.msk [tilespmem:v1+s20+$0x0 ss:$0x1], $0xffff;
	v56 =	vadd.f32 v18, v54;
	v13 =	vadd.f32 v51, v12  }
0x1cf: {  	v12 =	vadd.f32 v19, v15  }
0x1d0: {  	v59 =	vld.idx.msk [tilespmem:v2+s20+$0x0 ss:$0x1], $0xffff;
	v18 =	vadd.f32 v20, v56;
	v58 =	vand.u32 $0x7FFFFFFF, v13  }
0x1d1: {  	v19 =	vand.u32 $0x7FFFFFFF, v12;
	v15 =	vsub.f32 $0.0e+00, v58  }
0x1d2: {  	v20 =	vand.u32 $0x7FFFFFFF, v18;
	v19 =	vsub.f32 $0.0e+00, v19  }
0x1d3: {  	v16 =	vadd.f32 v57, v55;
	v60 =	vsub.f32 $0.0e+00, v20;
	v15 =	vmul.f32 $1.442695020e+00, v15  }
0x1d4: {  	v19 =	vmul.f32 $1.442695020e+00, v19  }
0x1d5: {  	v16 =	vadd.f32 v59, v16;
	v61 =	vmul.f32 $1.442695020e+00, v60;
	(erf) = vpow2.f32 v15  }
0x1d6: {  	(erf) = vpow2.f32 v19  }
0x1d7: {  	v62 =	vand.u32 $0x7FFFFFFF, v16;
	(erf) = vpow2.f32 v61  }
0x1d8: {  	v14 =	vsub.f32 $0.0e+00, v62;
	_ =	sdelay $0x1  }
0x1d9: {  	v14 =	vmul.f32 $1.442695020e+00, v14;
	_ =	sdelay $0x1  }
0x1da: {  	(erf) = vpow2.f32 v14;
	_ =	sdelay $0x1  }
0x1db: {  	v15 =	vpop (erf)  }
0x1dc: {  	v14 =	vpop (erf)  }
0x1dd: {  	v63 =	vpop (erf)  }
0x1de: {  	v24 =	vmul.f32 $1.044844690e-01, v63;
	_ =	sdelay $0x1  }
0x1df: {  	v19 =	vsub.f32 $4.179378750e-01, v24;
	_ =	sdelay $0x1  }
0x1e0: {  	v25 =	vpop (erf);
	v19 =	vmul.f32 v19, v63  }
0x1e1: {  	v21 =	vmul.f32 $5.437093230e-02, v25  }
0x1e2: {  	v19 =	vadd.f32 $-7.705729010e-01, v19  }
0x1e3: {  	v21 =	vsub.f32 $2.164487090e-01, v21  }
0x1e4: {  	v19 =	vmul.f32 v19, v63  }
0x1e5: {  	v21 =	vmul.f32 v21, v25  }
0x1e6: {  	v19 =	vadd.f32 $9.534207580e-01, v19  }
0x1e7: {  	v21 =	vadd.f32 $-4.650204480e-01, v21  }
0x1e8: {  	v19 =	vmul.f32 v19, v63  }
0x1e9: {  	v21 =	vmul.f32 v21, v25  }
0x1ea: {  	v19 =	vadd.f32 $-9.962757220e-01, v19  }
0x1eb: {  	v21 =	vadd.f32 $9.959657780e-01, v21  }
0x1ec: {  	v17 =	vmul.f32 v19, v63  }
0x1ed: {  	v26 =	vmul.f32 v21, v25  }
0x1ee: {  	v17 =	vadd.f32 $9.999489780e-01, v17  }
0x1ef: {  	v19 =	vadd.f32 $7.942077350e-05, v26  }
0x1f0: {  	v16 =	vmax.f32 v16, $0.0e+00;
	v27 =	vsub.f32 $1.000000000e+00, v17  }
0x1f1: {  	vm5 =	vge.f32 v18, $0.0e+00;
	v16 =	vadd.f32 v19, v16  }
0x1f2: {  	v17 =	vsel vm5, v17, v27  }
0x1f3: {  	s15 =	sshll.u32 s19, $0x6;
	v16 =	vmul.f32 v16, v17  }
0x1f4: {  	s15 =	sand.u32 $0x3FFFFFC0, s15  }
0x1f5: {  	s17 =	sor.u32 $0x10, s10;
	[tilespmem:v3+s15+$0x0 ss:$0x1] =	vst.idx.msk $0xffff, v16  }
0x1f6: {  	v16 =	vld.idx.msk [tilespmem:v0+s17+$0x0 ss:$0x1], $0xffff  }
0x1f7: {  	v28 =	vld.idx.msk [tilespmem:v1+s17+$0x0 ss:$0x1], $0xffff;
	_ =	sdelay $0x1  }
0x1f8: {  	v29 =	vld.idx.msk [tilespmem:v2+s17+$0x0 ss:$0x1], $0xffff  }
0x1f9: {  	s18 =	sor.u32 $0x50, s10  }
0x1fa: {  	v30 =	vld.idx.msk [tilespmem:v0+s18+$0x0 ss:$0x1], $0xffff  }
0x1fb: {  	v31 =	vld.idx.msk [tilespmem:v1+s18+$0x0 ss:$0x1], $0xffff;
	v16 =	vadd.f32 v28, v16;
	_ =	sdelay $0x1  }
0x1fc: {  	v32 =	vld.idx.msk [tilespmem:v2+s18+$0x0 ss:$0x1], $0xffff;
	v16 =	vadd.f32 v29, v16;
	_ =	sdelay $0x1  }
0x1fd: {  	v33 =	vand.u32 $0x7FFFFFFF, v16  }
0x1fe: {  	v17 =	vadd.f32 v31, v30;
	v34 =	vsub.f32 $0.0e+00, v33;
	_ =	sdelay $0x1  }
0x1ff: {  	v17 =	vadd.f32 v32, v17;
	v35 =	vmul.f32 $1.442695020e+00, v34;
	_ =	sdelay $0x1  }
0x200: {  	v36 =	vand.u32 $0x7FFFFFFF, v17;
	(erf) = vpow2.f32 v35  }
0x201: {  	v18 =	vsub.f32 $0.0e+00, v36;
	_ =	sdelay $0x1  }
0x202: {  	v18 =	vmul.f32 $1.442695020e+00, v18;
	_ =	sdelay $0x1  }
0x203: {  	(erf) = vpow2.f32 v18;
	_ =	sdelay $0x3  }
0x204: {  	v37 =	vpop (erf)  }
0x205: {  	v38 =	vmul.f32 $1.044844690e-01, v37;
	_ =	sdelay $0x1  }
0x206: {  	v19 =	vsub.f32 $4.179378750e-01, v38;
	_ =	sdelay $0x1  }
0x207: {  	v39 =	vpop (erf);
	v19 =	vmul.f32 v19, v37  }
0x208: {  	v40 =	vmul.f32 $5.437093230e-02, v39  }
0x209: {  	v19 =	vadd.f32 $-7.705729010e-01, v19  }
0x20a: {  	v21 =	vsub.f32 $2.164487090e-01, v40  }
0x20b: {  	v19 =	vmul.f32 v19, v37  }
0x20c: {  	v21 =	vmul.f32 v21, v39  }
0x20d: {  	v19 =	vadd.f32 $9.534207580e-01, v19  }
0x20e: {  	v21 =	vadd.f32 $-4.650204480e-01, v21  }
0x20f: {  	v19 =	vmul.f32 v19, v37  }
0x210: {  	v21 =	vmul.f32 v21, v39  }
0x211: {  	v19 =	vadd.f32 $-9.962757220e-01, v19  }
0x212: {  	v21 =	vadd.f32 $9.959657780e-01, v21  }
0x213: {  	v18 =	vmul.f32 v19, v37  }
0x214: {  	v41 =	vmul.f32 v21, v39  }
0x215: {  	v18 =	vadd.f32 $9.999489780e-01, v18  }
0x216: {  	v19 =	vadd.f32 $7.942077350e-05, v41  }
0x217: {  	v17 =	vmax.f32 v17, $0.0e+00;
	v42 =	vsub.f32 $1.000000000e+00, v18  }
0x218: {  	vm6 =	vge.f32 v16, $0.0e+00;
	v43 =	vadd.f32 v19, v17  }
0x219: {  	v44 =	vsel vm6, v18, v42  }
0x21a: {  	v16 =	vmul.f32 v43, v44;
	_ =	sdelay $0x1  }
0x21b: {  	s19 =	sor.u32 $0x20, s10;
	[tilespmem:v3+s15+$0x10 ss:$0x1] =	vst.idx.msk $0xffff, v16  }
0x21c: {  	v16 =	vld.idx.msk [tilespmem:v0+s19+$0x0 ss:$0x1], $0xffff  }
0x21d: {  	v45 =	vld.idx.msk [tilespmem:v1+s19+$0x0 ss:$0x1], $0xffff;
	_ =	sdelay $0x1  }
0x21e: {  	v46 =	vld.idx.msk [tilespmem:v2+s19+$0x0 ss:$0x1], $0xffff  }
0x21f: {  	s20 =	sor.u32 $0x60, s10  }
0x220: {  	v47 =	vld.idx.msk [tilespmem:v0+s20+$0x0 ss:$0x1], $0xffff  }
0x221: {  	v48 =	vld.idx.msk [tilespmem:v1+s20+$0x0 ss:$0x1], $0xffff;
	v16 =	vadd.f32 v45, v16;
	_ =	sdelay $0x1  }
0x222: {  	v49 =	vld.idx.msk [tilespmem:v2+s20+$0x0 ss:$0x1], $0xffff;
	v16 =	vadd.f32 v46, v16;
	_ =	sdelay $0x1  }
0x223: {  	v50 =	vand.u32 $0x7FFFFFFF, v16  }
0x224: {  	v17 =	vadd.f32 v48, v47;
	v51 =	vsub.f32 $0.0e+00, v50;
	_ =	sdelay $0x1  }
0x225: {  	v17 =	vadd.f32 v49, v17;
	v52 =	vmul.f32 $1.442695020e+00, v51;
	_ =	sdelay $0x1  }
0x226: {  	v53 =	vand.u32 $0x7FFFFFFF, v17;
	(erf) = vpow2.f32 v52  }
0x227: {  	v18 =	vsub.f32 $0.0e+00, v53;
	_ =	sdelay $0x1  }
0x228: {  	v18 =	vmul.f32 $1.442695020e+00, v18;
	_ =	sdelay $0x1  }
0x229: {  	(erf) = vpow2.f32 v18;
	_ =	sdelay $0x3  }
0x22a: {  	v54 =	vpop (erf)  }
0x22b: {  	v55 =	vmul.f32 $1.044844690e-01, v54;
	_ =	sdelay $0x1  }
0x22c: {  	v19 =	vsub.f32 $4.179378750e-01, v55;
	_ =	sdelay $0x1  }
0x22d: {  	v56 =	vpop (erf);
	v19 =	vmul.f32 v19, v54  }
0x22e: {  	v57 =	vmul.f32 $5.437093230e-02, v56  }
0x22f: {  	v19 =	vadd.f32 $-7.705729010e-01, v19  }
0x230: {  	v21 =	vsub.f32 $2.164487090e-01, v57  }
0x231: {  	v19 =	vmul.f32 v19, v54  }
0x232: {  	v21 =	vmul.f32 v21, v56  }
0x233: {  	v19 =	vadd.f32 $9.534207580e-01, v19  }
0x234: {  	v21 =	vadd.f32 $-4.650204480e-01, v21  }
0x235: {  	v19 =	vmul.f32 v19, v54  }
0x236: {  	v21 =	vmul.f32 v21, v56  }
0x237: {  	v19 =	vadd.f32 $-9.962757220e-01, v19  }
0x238: {  	v21 =	vadd.f32 $9.959657780e-01, v21  }
0x239: {  	v18 =	vmul.f32 v19, v54  }
0x23a: {  	v58 =	vmul.f32 v21, v56  }
0x23b: {  	v18 =	vadd.f32 $9.999489780e-01, v18  }
0x23c: {  	v19 =	vadd.f32 $7.942077350e-05, v58  }
0x23d: {  	v17 =	vmax.f32 v17, $0.0e+00;
	v59 =	vsub.f32 $1.000000000e+00, v18  }
0x23e: {  	vm7 =	vge.f32 v16, $0.0e+00;
	v60 =	vadd.f32 v19, v17  }
0x23f: {  	v61 =	vsel vm7, v18, v59  }
0x240: {  	v16 =	vmul.f32 v60, v61;
	_ =	sdelay $0x1  }
0x241: {  	s17 =	sor.u32 $0x30, s10;
	[tilespmem:v3+s15+$0x20 ss:$0x1] =	vst.idx.msk $0xffff, v16  }
0x242: {  	v16 =	vld.idx.msk [tilespmem:v0+s17+$0x0 ss:$0x1], $0xffff  }
0x243: {  	v62 =	vld.idx.msk [tilespmem:v1+s17+$0x0 ss:$0x1], $0xffff  }
0x244: {  	v63 =	vld.idx.msk [tilespmem:v2+s17+$0x0 ss:$0x1], $0xffff;
	s17 =	sor.u32 $0x70, s10  }
0x245: {  	s18 =	sor.u32 $0x4, s22;
	v28 =	vld.idx.msk [tilespmem:v0+s17+$0x0 ss:$0x1], $0xffff  }
0x246: {  	s10 =	sshll.u32 s18, $0x7;
	v29 =	vld.idx.msk [tilespmem:v1+s17+$0x0 ss:$0x1], $0xffff  }
0x247: {  	v30 =	vld.idx.msk [tilespmem:v0+s10+$0x0 ss:$0x1], $0xffff  }
0x248: {  	v22 =	vld.idx.msk [tilespmem:v1+s10+$0x0 ss:$0x1], $0xffff  }
0x249: {  	v23 =	vld.idx.msk [tilespmem:v2+s17+$0x0 ss:$0x1], $0xffff  }
0x24a: {  	v24 =	vld.idx.msk [tilespmem:v2+s10+$0x0 ss:$0x1], $0xffff  }
0x24b: {  	s19 =	sor.u32 $0x40, s10;
	v16 =	vadd.f32 v62, v16  }
0x24c: {  	v31 =	vld.idx.msk [tilespmem:v0+s19+$0x0 ss:$0x1], $0xffff;
	v19 =	vadd.f32 v29, v28  }
0x24d: {  	v33 =	vld.idx.msk [tilespmem:v1+s19+$0x0 ss:$0x1], $0xffff;
	v32 =	vadd.f32 v22, v30;
	v17 =	vadd.f32 v63, v16  }
0x24e: {  	v16 =	vadd.f32 v23, v19  }
0x24f: {  	v35 =	vld.idx.msk [tilespmem:v2+s19+$0x0 ss:$0x1], $0xffff;
	v22 =	vadd.f32 v24, v32;
	v34 =	vand.u32 $0x7FFFFFFF, v17  }
0x250: {  	v19 =	vsub.f32 $0.0e+00, v34;
	v23 =	vand.u32 $0x7FFFFFFF, v16  }
0x251: {  	v24 =	vand.u32 $0x7FFFFFFF, v22;
	v23 =	vsub.f32 $0.0e+00, v23  }
0x252: {  	v20 =	vadd.f32 v33, v31;
	v36 =	vsub.f32 $0.0e+00, v24;
	v19 =	vmul.f32 $1.442695020e+00, v19  }
0x253: {  	v23 =	vmul.f32 $1.442695020e+00, v23  }
0x254: {  	v20 =	vadd.f32 v35, v20;
	v37 =	vmul.f32 $1.442695020e+00, v36;
	(erf) = vpow2.f32 v19  }
0x255: {  	(erf) = vpow2.f32 v23  }
0x256: {  	v38 =	vand.u32 $0x7FFFFFFF, v20;
	(erf) = vpow2.f32 v37  }
0x257: {  	v18 =	vsub.f32 $0.0e+00, v38;
	_ =	sdelay $0x1  }
0x258: {  	v18 =	vmul.f32 $1.442695020e+00, v18;
	_ =	sdelay $0x1  }
0x259: {  	(erf) = vpow2.f32 v18;
	_ =	sdelay $0x1  }
0x25a: {  	v19 =	vpop (erf)  }
0x25b: {  	v18 =	vpop (erf)  }
0x25c: {  	v39 =	vpop (erf)  }
0x25d: {  	v40 =	vmul.f32 $1.044844690e-01, v39;
	_ =	sdelay $0x1  }
0x25e: {  	v23 =	vsub.f32 $4.179378750e-01, v40;
	_ =	sdelay $0x1  }
0x25f: {  	v41 =	vpop (erf);
	v23 =	vmul.f32 v23, v39  }
0x260: {  	v25 =	vmul.f32 $5.437093230e-02, v41  }
0x261: {  	v23 =	vadd.f32 $-7.705729010e-01, v23  }
0x262: {  	v25 =	vsub.f32 $2.164487090e-01, v25  }
0x263: {  	v23 =	vmul.f32 v23, v39  }
0x264: {  	v25 =	vmul.f32 v25, v41  }
0x265: {  	v23 =	vadd.f32 $9.534207580e-01, v23  }
0x266: {  	v25 =	vadd.f32 $-4.650204480e-01, v25  }
0x267: {  	v23 =	vmul.f32 v23, v39  }
0x268: {  	v25 =	vmul.f32 v25, v41  }
0x269: {  	v23 =	vadd.f32 $-9.962757220e-01, v23  }
0x26a: {  	v25 =	vadd.f32 $9.959657780e-01, v25  }
0x26b: {  	v21 =	vmul.f32 v23, v39  }
0x26c: {  	v42 =	vmul.f32 v25, v41  }
0x26d: {  	v21 =	vadd.f32 $9.999489780e-01, v21  }
0x26e: {  	v23 =	vadd.f32 $7.942077350e-05, v42  }
0x26f: {  	v20 =	vmax.f32 v20, $0.0e+00;
	v43 =	vsub.f32 $1.000000000e+00, v21  }
0x270: {  	vm8 =	vge.f32 v22, $0.0e+00;
	v20 =	vadd.f32 v23, v20  }
0x271: {  	v21 =	vsel vm8, v21, v43  }
0x272: {  	s16 =	sshll.u32 s18, $0x6;
	v20 =	vmul.f32 v20, v21  }
0x273: {  	s16 =	sand.u32 $0x3FFFFFC0, s16  }
0x274: {  	s20 =	sor.u32 $0x10, s10;
	[tilespmem:v3+s16+$0x0 ss:$0x1] =	vst.idx.msk $0xffff, v20  }
0x275: {  	v20 =	vld.idx.msk [tilespmem:v0+s20+$0x0 ss:$0x1], $0xffff  }
0x276: {  	v44 =	vld.idx.msk [tilespmem:v1+s20+$0x0 ss:$0x1], $0xffff;
	_ =	sdelay $0x1  }
0x277: {  	v45 =	vld.idx.msk [tilespmem:v2+s20+$0x0 ss:$0x1], $0xffff  }
0x278: {  	s18 =	sor.u32 $0x50, s10  }
0x279: {  	v46 =	vld.idx.msk [tilespmem:v0+s18+$0x0 ss:$0x1], $0xffff  }
0x27a: {  	v47 =	vld.idx.msk [tilespmem:v1+s18+$0x0 ss:$0x1], $0xffff;
	v20 =	vadd.f32 v44, v20;
	_ =	sdelay $0x1  }
0x27b: {  	v48 =	vld.idx.msk [tilespmem:v2+s18+$0x0 ss:$0x1], $0xffff;
	v20 =	vadd.f32 v45, v20;
	_ =	sdelay $0x1  }
0x27c: {  	v49 =	vand.u32 $0x7FFFFFFF, v20  }
0x27d: {  	v21 =	vadd.f32 v47, v46;
	v50 =	vsub.f32 $0.0e+00, v49;
	_ =	sdelay $0x1  }
0x27e: {  	v21 =	vadd.f32 v48, v21;
	v51 =	vmul.f32 $1.442695020e+00, v50;
	_ =	sdelay $0x1  }
0x27f: {  	v52 =	vand.u32 $0x7FFFFFFF, v21;
	(erf) = vpow2.f32 v51  }
0x280: {  	v22 =	vsub.f32 $0.0e+00, v52;
	_ =	sdelay $0x1  }
0x281: {  	v22 =	vmul.f32 $1.442695020e+00, v22;
	_ =	sdelay $0x1  }
0x282: {  	(erf) = vpow2.f32 v22;
	_ =	sdelay $0x3  }
0x283: {  	v53 =	vpop (erf)  }
0x284: {  	v54 =	vmul.f32 $1.044844690e-01, v53;
	_ =	sdelay $0x1  }
0x285: {  	v23 =	vsub.f32 $4.179378750e-01, v54;
	_ =	sdelay $0x1  }
0x286: {  	v55 =	vpop (erf);
	v23 =	vmul.f32 v23, v53  }
0x287: {  	v56 =	vmul.f32 $5.437093230e-02, v55  }
0x288: {  	v23 =	vadd.f32 $-7.705729010e-01, v23  }
0x289: {  	v25 =	vsub.f32 $2.164487090e-01, v56  }
0x28a: {  	v23 =	vmul.f32 v23, v53  }
0x28b: {  	v25 =	vmul.f32 v25, v55  }
0x28c: {  	v23 =	vadd.f32 $9.534207580e-01, v23  }
0x28d: {  	v25 =	vadd.f32 $-4.650204480e-01, v25  }
0x28e: {  	v23 =	vmul.f32 v23, v53  }
0x28f: {  	v25 =	vmul.f32 v25, v55  }
0x290: {  	v23 =	vadd.f32 $-9.962757220e-01, v23  }
0x291: {  	v25 =	vadd.f32 $9.959657780e-01, v25  }
0x292: {  	v22 =	vmul.f32 v23, v53  }
0x293: {  	v57 =	vmul.f32 v25, v55  }
0x294: {  	v22 =	vadd.f32 $9.999489780e-01, v22  }
0x295: {  	v23 =	vadd.f32 $7.942077350e-05, v57  }
0x296: {  	v21 =	vmax.f32 v21, $0.0e+00;
	v58 =	vsub.f32 $1.000000000e+00, v22  }
0x297: {  	vm9 =	vge.f32 v20, $0.0e+00;
	v59 =	vadd.f32 v23, v21  }
0x298: {  	v60 =	vsel vm9, v22, v58  }
0x299: {  	v20 =	vmul.f32 v59, v60;
	_ =	sdelay $0x1  }
0x29a: {  	s19 =	sor.u32 $0x20, s10;
	[tilespmem:v3+s16+$0x10 ss:$0x1] =	vst.idx.msk $0xffff, v20  }
0x29b: {  	v20 =	vld.idx.msk [tilespmem:v0+s19+$0x0 ss:$0x1], $0xffff  }
0x29c: {  	v61 =	vld.idx.msk [tilespmem:v1+s19+$0x0 ss:$0x1], $0xffff;
	_ =	sdelay $0x1  }
0x29d: {  	v62 =	vld.idx.msk [tilespmem:v2+s19+$0x0 ss:$0x1], $0xffff  }
0x29e: {  	s20 =	sor.u32 $0x60, s10  }
0x29f: {  	v63 =	vld.idx.msk [tilespmem:v0+s20+$0x0 ss:$0x1], $0xffff  }
0x2a0: {  	v28 =	vld.idx.msk [tilespmem:v1+s20+$0x0 ss:$0x1], $0xffff;
	v20 =	vadd.f32 v61, v20;
	_ =	sdelay $0x1  }
0x2a1: {  	v29 =	vld.idx.msk [tilespmem:v2+s20+$0x0 ss:$0x1], $0xffff;
	v20 =	vadd.f32 v62, v20;
	_ =	sdelay $0x1  }
0x2a2: {  	v30 =	vand.u32 $0x7FFFFFFF, v20  }
0x2a3: {  	v21 =	vadd.f32 v28, v63;
	v31 =	vsub.f32 $0.0e+00, v30;
	_ =	sdelay $0x1  }
0x2a4: {  	v21 =	vadd.f32 v29, v21;
	v32 =	vmul.f32 $1.442695020e+00, v31;
	_ =	sdelay $0x1  }
0x2a5: {  	v33 =	vand.u32 $0x7FFFFFFF, v21;
	(erf) = vpow2.f32 v32  }
0x2a6: {  	v22 =	vsub.f32 $0.0e+00, v33;
	_ =	sdelay $0x1  }
0x2a7: {  	v22 =	vmul.f32 $1.442695020e+00, v22;
	_ =	sdelay $0x1  }
0x2a8: {  	(erf) = vpow2.f32 v22;
	_ =	sdelay $0x3  }
0x2a9: {  	v34 =	vpop (erf)  }
0x2aa: {  	v35 =	vmul.f32 $1.044844690e-01, v34;
	_ =	sdelay $0x1  }
0x2ab: {  	v23 =	vsub.f32 $4.179378750e-01, v35;
	_ =	sdelay $0x1  }
0x2ac: {  	v36 =	vpop (erf);
	v23 =	vmul.f32 v23, v34  }
0x2ad: {  	v37 =	vmul.f32 $5.437093230e-02, v36  }
0x2ae: {  	v23 =	vadd.f32 $-7.705729010e-01, v23  }
0x2af: {  	v25 =	vsub.f32 $2.164487090e-01, v37  }
0x2b0: {  	v23 =	vmul.f32 v23, v34  }
0x2b1: {  	v25 =	vmul.f32 v25, v36  }
0x2b2: {  	v23 =	vadd.f32 $9.534207580e-01, v23  }
0x2b3: {  	v25 =	vadd.f32 $-4.650204480e-01, v25  }
0x2b4: {  	v23 =	vmul.f32 v23, v34  }
0x2b5: {  	v25 =	vmul.f32 v25, v36  }
0x2b6: {  	v23 =	vadd.f32 $-9.962757220e-01, v23  }
0x2b7: {  	v25 =	vadd.f32 $9.959657780e-01, v25  }
0x2b8: {  	v22 =	vmul.f32 v23, v34  }
0x2b9: {  	v38 =	vmul.f32 v25, v36  }
0x2ba: {  	v22 =	vadd.f32 $9.999489780e-01, v22  }
0x2bb: {  	v23 =	vadd.f32 $7.942077350e-05, v38  }
0x2bc: {  	v21 =	vmax.f32 v21, $0.0e+00;
	v39 =	vsub.f32 $1.000000000e+00, v22  }
0x2bd: {  	vm10 =	vge.f32 v20, $0.0e+00;
	v40 =	vadd.f32 v23, v21  }
0x2be: {  	v41 =	vsel vm10, v22, v39  }
0x2bf: {  	v20 =	vmul.f32 v40, v41;
	_ =	sdelay $0x1  }
0x2c0: {  	s18 =	sor.u32 $0x30, s10;
	[tilespmem:v3+s16+$0x20 ss:$0x1] =	vst.idx.msk $0xffff, v20  }
0x2c1: {  	v20 =	vld.idx.msk [tilespmem:v0+s18+$0x0 ss:$0x1], $0xffff  }
0x2c2: {  	v42 =	vld.idx.msk [tilespmem:v1+s18+$0x0 ss:$0x1], $0xffff  }
0x2c3: {  	v43 =	vld.idx.msk [tilespmem:v2+s18+$0x0 ss:$0x1], $0xffff;
	s18 =	sor.u32 $0x70, s10  }
0x2c4: {  	s19 =	sor.u32 $0x5, s22;
	v44 =	vld.idx.msk [tilespmem:v0+s18+$0x0 ss:$0x1], $0xffff  }
0x2c5: {  	s10 =	sshll.u32 s19, $0x7;
	v45 =	vld.idx.msk [tilespmem:v1+s18+$0x0 ss:$0x1], $0xffff  }
0x2c6: {  	v46 =	vld.idx.msk [tilespmem:v0+s10+$0x0 ss:$0x1], $0xffff  }
0x2c7: {  	v26 =	vld.idx.msk [tilespmem:v1+s10+$0x0 ss:$0x1], $0xffff  }
0x2c8: {  	v27 =	vld.idx.msk [tilespmem:v2+s18+$0x0 ss:$0x1], $0xffff  }
0x2c9: {  	v28 =	vld.idx.msk [tilespmem:v2+s10+$0x0 ss:$0x1], $0xffff  }
0x2ca: {  	s20 =	sor.u32 $0x40, s10;
	v20 =	vadd.f32 v42, v20  }
0x2cb: {  	v47 =	vld.idx.msk [tilespmem:v0+s20+$0x0 ss:$0x1], $0xffff;
	v23 =	vadd.f32 v45, v44  }
0x2cc: {  	v49 =	vld.idx.msk [tilespmem:v1+s20+$0x0 ss:$0x1], $0xffff;
	v48 =	vadd.f32 v26, v46;
	v21 =	vadd.f32 v43, v20  }
0x2cd: {  	v20 =	vadd.f32 v27, v23  }
0x2ce: {  	v51 =	vld.idx.msk [tilespmem:v2+s20+$0x0 ss:$0x1], $0xffff;
	v26 =	vadd.f32 v28, v48;
	v50 =	vand.u32 $0x7FFFFFFF, v21  }
0x2cf: {  	v23 =	vsub.f32 $0.0e+00, v50;
	v27 =	vand.u32 $0x7FFFFFFF, v20  }
0x2d0: {  	v28 =	vand.u32 $0x7FFFFFFF, v26;
	v27 =	vsub.f32 $0.0e+00, v27  }
0x2d1: {  	v24 =	vadd.f32 v49, v47;
	v52 =	vsub.f32 $0.0e+00, v28;
	v23 =	vmul.f32 $1.442695020e+00, v23  }
0x2d2: {  	v27 =	vmul.f32 $1.442695020e+00, v27  }
0x2d3: {  	v24 =	vadd.f32 v51, v24;
	v53 =	vmul.f32 $1.442695020e+00, v52;
	(erf) = vpow2.f32 v23  }
0x2d4: {  	(erf) = vpow2.f32 v27  }
0x2d5: {  	v54 =	vand.u32 $0x7FFFFFFF, v24;
	(erf) = vpow2.f32 v53  }
0x2d6: {  	v22 =	vsub.f32 $0.0e+00, v54;
	_ =	sdelay $0x1  }
0x2d7: {  	v22 =	vmul.f32 $1.442695020e+00, v22;
	_ =	sdelay $0x1  }
0x2d8: {  	(erf) = vpow2.f32 v22;
	_ =	sdelay $0x1  }
0x2d9: {  	v23 =	vpop (erf)  }
0x2da: {  	v22 =	vpop (erf)  }
0x2db: {  	v55 =	vpop (erf)  }
0x2dc: {  	v56 =	vmul.f32 $1.044844690e-01, v55;
	_ =	sdelay $0x1  }
0x2dd: {  	v27 =	vsub.f32 $4.179378750e-01, v56;
	_ =	sdelay $0x1  }
0x2de: {  	v57 =	vpop (erf);
	v27 =	vmul.f32 v27, v55  }
0x2df: {  	v29 =	vmul.f32 $5.437093230e-02, v57  }
0x2e0: {  	v27 =	vadd.f32 $-7.705729010e-01, v27  }
0x2e1: {  	v29 =	vsub.f32 $2.164487090e-01, v29  }
0x2e2: {  	v27 =	vmul.f32 v27, v55  }
0x2e3: {  	v29 =	vmul.f32 v29, v57  }
0x2e4: {  	v27 =	vadd.f32 $9.534207580e-01, v27  }
0x2e5: {  	v29 =	vadd.f32 $-4.650204480e-01, v29  }
0x2e6: {  	v27 =	vmul.f32 v27, v55  }
0x2e7: {  	v29 =	vmul.f32 v29, v57  }
0x2e8: {  	v27 =	vadd.f32 $-9.962757220e-01, v27  }
0x2e9: {  	v29 =	vadd.f32 $9.959657780e-01, v29  }
0x2ea: {  	v25 =	vmul.f32 v27, v55  }
0x2eb: {  	v58 =	vmul.f32 v29, v57  }
0x2ec: {  	v25 =	vadd.f32 $9.999489780e-01, v25  }
0x2ed: {  	v27 =	vadd.f32 $7.942077350e-05, v58  }
0x2ee: {  	v24 =	vmax.f32 v24, $0.0e+00;
	v59 =	vsub.f32 $1.000000000e+00, v25  }
0x2ef: {  	vm11 =	vge.f32 v26, $0.0e+00;
	v24 =	vadd.f32 v27, v24  }
0x2f0: {  	v25 =	vsel vm11, v25, v59  }
0x2f1: {  	s17 =	sshll.u32 s19, $0x6;
	v24 =	vmul.f32 v24, v25  }
0x2f2: {  	s17 =	sand.u32 $0x3FFFFFC0, s17  }
0x2f3: {  	s19 =	sor.u32 $0x10, s10;
	[tilespmem:v3+s17+$0x0 ss:$0x1] =	vst.idx.msk $0xffff, v24  }
0x2f4: {  	v24 =	vld.idx.msk [tilespmem:v0+s19+$0x0 ss:$0x1], $0xffff  }
0x2f5: {  	v60 =	vld.idx.msk [tilespmem:v1+s19+$0x0 ss:$0x1], $0xffff;
	_ =	sdelay $0x1  }
0x2f6: {  	v61 =	vld.idx.msk [tilespmem:v2+s19+$0x0 ss:$0x1], $0xffff  }
0x2f7: {  	s20 =	sor.u32 $0x50, s10  }
0x2f8: {  	v62 =	vld.idx.msk [tilespmem:v0+s20+$0x0 ss:$0x1], $0xffff  }
0x2f9: {  	v63 =	vld.idx.msk [tilespmem:v1+s20+$0x0 ss:$0x1], $0xffff;
	v24 =	vadd.f32 v60, v24;
	_ =	sdelay $0x1  }
0x2fa: {  	v32 =	vld.idx.msk [tilespmem:v2+s20+$0x0 ss:$0x1], $0xffff;
	v24 =	vadd.f32 v61, v24;
	_ =	sdelay $0x1  }
0x2fb: {  	v33 =	vand.u32 $0x7FFFFFFF, v24  }
0x2fc: {  	v25 =	vadd.f32 v63, v62;
	v34 =	vsub.f32 $0.0e+00, v33;
	_ =	sdelay $0x1  }
0x2fd: {  	v25 =	vadd.f32 v32, v25;
	v35 =	vmul.f32 $1.442695020e+00, v34;
	_ =	sdelay $0x1  }
0x2fe: {  	v36 =	vand.u32 $0x7FFFFFFF, v25;
	(erf) = vpow2.f32 v35  }
0x2ff: {  	v26 =	vsub.f32 $0.0e+00, v36;
	_ =	sdelay $0x1  }
0x300: {  	v26 =	vmul.f32 $1.442695020e+00, v26;
	_ =	sdelay $0x1  }
0x301: {  	(erf) = vpow2.f32 v26;
	_ =	sdelay $0x3  }
0x302: {  	v37 =	vpop (erf)  }
0x303: {  	v38 =	vmul.f32 $1.044844690e-01, v37;
	_ =	sdelay $0x1  }
0x304: {  	v27 =	vsub.f32 $4.179378750e-01, v38;
	_ =	sdelay $0x1  }
0x305: {  	v39 =	vpop (erf);
	v27 =	vmul.f32 v27, v37  }
0x306: {  	v40 =	vmul.f32 $5.437093230e-02, v39  }
0x307: {  	v27 =	vadd.f32 $-7.705729010e-01, v27  }
0x308: {  	v29 =	vsub.f32 $2.164487090e-01, v40  }
0x309: {  	v27 =	vmul.f32 v27, v37  }
0x30a: {  	v29 =	vmul.f32 v29, v39  }
0x30b: {  	v27 =	vadd.f32 $9.534207580e-01, v27  }
0x30c: {  	v29 =	vadd.f32 $-4.650204480e-01, v29  }
0x30d: {  	v27 =	vmul.f32 v27, v37  }
0x30e: {  	v29 =	vmul.f32 v29, v39  }
0x30f: {  	v27 =	vadd.f32 $-9.962757220e-01, v27  }
0x310: {  	v29 =	vadd.f32 $9.959657780e-01, v29  }
0x311: {  	v26 =	vmul.f32 v27, v37  }
0x312: {  	v41 =	vmul.f32 v29, v39  }
0x313: {  	v26 =	vadd.f32 $9.999489780e-01, v26  }
0x314: {  	v27 =	vadd.f32 $7.942077350e-05, v41  }
0x315: {  	v25 =	vmax.f32 v25, $0.0e+00;
	v42 =	vsub.f32 $1.000000000e+00, v26  }
0x316: {  	vm12 =	vge.f32 v24, $0.0e+00;
	v43 =	vadd.f32 v27, v25  }
0x317: {  	v44 =	vsel vm12, v26, v42  }
0x318: {  	v24 =	vmul.f32 v43, v44;
	_ =	sdelay $0x1  }
0x319: {  	s19 =	sor.u32 $0x20, s10;
	[tilespmem:v3+s17+$0x10 ss:$0x1] =	vst.idx.msk $0xffff, v24  }
0x31a: {  	v24 =	vld.idx.msk [tilespmem:v0+s19+$0x0 ss:$0x1], $0xffff  }
0x31b: {  	v45 =	vld.idx.msk [tilespmem:v1+s19+$0x0 ss:$0x1], $0xffff;
	_ =	sdelay $0x1  }
0x31c: {  	v46 =	vld.idx.msk [tilespmem:v2+s19+$0x0 ss:$0x1], $0xffff  }
0x31d: {  	s20 =	sor.u32 $0x60, s10  }
0x31e: {  	v47 =	vld.idx.msk [tilespmem:v0+s20+$0x0 ss:$0x1], $0xffff  }
0x31f: {  	v48 =	vld.idx.msk [tilespmem:v1+s20+$0x0 ss:$0x1], $0xffff;
	v24 =	vadd.f32 v45, v24;
	_ =	sdelay $0x1  }
0x320: {  	v49 =	vld.idx.msk [tilespmem:v2+s20+$0x0 ss:$0x1], $0xffff;
	v24 =	vadd.f32 v46, v24;
	_ =	sdelay $0x1  }
0x321: {  	v50 =	vand.u32 $0x7FFFFFFF, v24  }
0x322: {  	v25 =	vadd.f32 v48, v47;
	v51 =	vsub.f32 $0.0e+00, v50;
	_ =	sdelay $0x1  }
0x323: {  	v25 =	vadd.f32 v49, v25;
	v52 =	vmul.f32 $1.442695020e+00, v51;
	_ =	sdelay $0x1  }
0x324: {  	v53 =	vand.u32 $0x7FFFFFFF, v25;
	(erf) = vpow2.f32 v52  }
0x325: {  	v26 =	vsub.f32 $0.0e+00, v53;
	_ =	sdelay $0x1  }
0x326: {  	v26 =	vmul.f32 $1.442695020e+00, v26;
	_ =	sdelay $0x1  }
0x327: {  	(erf) = vpow2.f32 v26;
	_ =	sdelay $0x3  }
0x328: {  	v54 =	vpop (erf)  }
0x329: {  	v55 =	vmul.f32 $1.044844690e-01, v54;
	_ =	sdelay $0x1  }
0x32a: {  	v27 =	vsub.f32 $4.179378750e-01, v55;
	_ =	sdelay $0x1  }
0x32b: {  	v56 =	vpop (erf);
	v27 =	vmul.f32 v27, v54  }
0x32c: {  	v57 =	vmul.f32 $5.437093230e-02, v56  }
0x32d: {  	v27 =	vadd.f32 $-7.705729010e-01, v27  }
0x32e: {  	v29 =	vsub.f32 $2.164487090e-01, v57  }
0x32f: {  	v27 =	vmul.f32 v27, v54  }
0x330: {  	v29 =	vmul.f32 v29, v56  }
0x331: {  	v27 =	vadd.f32 $9.534207580e-01, v27  }
0x332: {  	v29 =	vadd.f32 $-4.650204480e-01, v29  }
0x333: {  	v27 =	vmul.f32 v27, v54  }
0x334: {  	v29 =	vmul.f32 v29, v56  }
0x335: {  	v27 =	vadd.f32 $-9.962757220e-01, v27  }
0x336: {  	v29 =	vadd.f32 $9.959657780e-01, v29  }
0x337: {  	v26 =	vmul.f32 v27, v54  }
0x338: {  	v58 =	vmul.f32 v29, v56  }
0x339: {  	v26 =	vadd.f32 $9.999489780e-01, v26  }
0x33a: {  	v27 =	vadd.f32 $7.942077350e-05, v58  }
0x33b: {  	v25 =	vmax.f32 v25, $0.0e+00;
	v59 =	vsub.f32 $1.000000000e+00, v26  }
0x33c: {  	vm13 =	vge.f32 v24, $0.0e+00;
	v60 =	vadd.f32 v27, v25  }
0x33d: {  	v61 =	vsel vm13, v26, v59  }
0x33e: {  	v24 =	vmul.f32 v60, v61;
	_ =	sdelay $0x1  }
0x33f: {  	s19 =	sor.u32 $0x30, s10;
	[tilespmem:v3+s17+$0x20 ss:$0x1] =	vst.idx.msk $0xffff, v24  }
0x340: {  	v24 =	vld.idx.msk [tilespmem:v0+s19+$0x0 ss:$0x1], $0xffff  }
0x341: {  	v62 =	vld.idx.msk [tilespmem:v1+s19+$0x0 ss:$0x1], $0xffff  }
0x342: {  	v63 =	vld.idx.msk [tilespmem:v2+s19+$0x0 ss:$0x1], $0xffff;
	s19 =	sor.u32 $0x70, s10  }
0x343: {  	s18 =	sor.u32 $0x6, s22;
	v36 =	vld.idx.msk [tilespmem:v0+s19+$0x0 ss:$0x1], $0xffff  }
0x344: {  	s10 =	sshll.u32 s18, $0x7;
	v37 =	vld.idx.msk [tilespmem:v1+s19+$0x0 ss:$0x1], $0xffff  }
0x345: {  	v38 =	vld.idx.msk [tilespmem:v0+s10+$0x0 ss:$0x1], $0xffff  }
0x346: {  	v30 =	vld.idx.msk [tilespmem:v1+s10+$0x0 ss:$0x1], $0xffff  }
0x347: {  	v31 =	vld.idx.msk [tilespmem:v2+s19+$0x0 ss:$0x1], $0xffff  }
0x348: {  	v32 =	vld.idx.msk [tilespmem:v2+s10+$0x0 ss:$0x1], $0xffff  }
0x349: {  	s20 =	sor.u32 $0x40, s10;
	v24 =	vadd.f32 v62, v24  }
0x34a: {  	v39 =	vld.idx.msk [tilespmem:v0+s20+$0x0 ss:$0x1], $0xffff;
	v27 =	vadd.f32 v37, v36  }
0x34b: {  	v41 =	vld.idx.msk [tilespmem:v1+s20+$0x0 ss:$0x1], $0xffff;
	v40 =	vadd.f32 v30, v38;
	v25 =	vadd.f32 v63, v24  }
0x34c: {  	v24 =	vadd.f32 v31, v27  }
0x34d: {  	v43 =	vld.idx.msk [tilespmem:v2+s20+$0x0 ss:$0x1], $0xffff;
	v30 =	vadd.f32 v32, v40;
	v42 =	vand.u32 $0x7FFFFFFF, v25  }
0x34e: {  	v27 =	vsub.f32 $0.0e+00, v42;
	v31 =	vand.u32 $0x7FFFFFFF, v24  }
0x34f: {  	v32 =	vand.u32 $0x7FFFFFFF, v30;
	v31 =	vsub.f32 $0.0e+00, v31  }
0x350: {  	v28 =	vadd.f32 v41, v39;
	v44 =	vsub.f32 $0.0e+00, v32;
	v27 =	vmul.f32 $1.442695020e+00, v27  }
0x351: {  	v31 =	vmul.f32 $1.442695020e+00, v31  }
0x352: {  	v28 =	vadd.f32 v43, v28;
	v45 =	vmul.f32 $1.442695020e+00, v44;
	(erf) = vpow2.f32 v27  }
0x353: {  	(erf) = vpow2.f32 v31  }
0x354: {  	v46 =	vand.u32 $0x7FFFFFFF, v28;
	(erf) = vpow2.f32 v45  }
0x355: {  	v26 =	vsub.f32 $0.0e+00, v46;
	_ =	sdelay $0x1  }
0x356: {  	v26 =	vmul.f32 $1.442695020e+00, v26;
	_ =	sdelay $0x1  }
0x357: {  	(erf) = vpow2.f32 v26;
	_ =	sdelay $0x1  }
0x358: {  	v27 =	vpop (erf)  }
0x359: {  	v26 =	vpop (erf)  }
0x35a: {  	v47 =	vpop (erf)  }
0x35b: {  	v48 =	vmul.f32 $1.044844690e-01, v47;
	_ =	sdelay $0x1  }
0x35c: {  	v31 =	vsub.f32 $4.179378750e-01, v48;
	_ =	sdelay $0x1  }
0x35d: {  	v49 =	vpop (erf);
	v31 =	vmul.f32 v31, v47  }
0x35e: {  	v33 =	vmul.f32 $5.437093230e-02, v49  }
0x35f: {  	v31 =	vadd.f32 $-7.705729010e-01, v31  }
0x360: {  	v33 =	vsub.f32 $2.164487090e-01, v33  }
0x361: {  	v31 =	vmul.f32 v31, v47  }
0x362: {  	v33 =	vmul.f32 v33, v49  }
0x363: {  	v31 =	vadd.f32 $9.534207580e-01, v31  }
0x364: {  	v33 =	vadd.f32 $-4.650204480e-01, v33  }
0x365: {  	v31 =	vmul.f32 v31, v47  }
0x366: {  	v33 =	vmul.f32 v33, v49  }
0x367: {  	v31 =	vadd.f32 $-9.962757220e-01, v31  }
0x368: {  	v33 =	vadd.f32 $9.959657780e-01, v33  }
0x369: {  	v29 =	vmul.f32 v31, v47  }
0x36a: {  	v50 =	vmul.f32 v33, v49  }
0x36b: {  	v29 =	vadd.f32 $9.999489780e-01, v29  }
0x36c: {  	v31 =	vadd.f32 $7.942077350e-05, v50  }
0x36d: {  	v28 =	vmax.f32 v28, $0.0e+00;
	v51 =	vsub.f32 $1.000000000e+00, v29  }
0x36e: {  	vm14 =	vge.f32 v30, $0.0e+00;
	v28 =	vadd.f32 v31, v28  }
0x36f: {  	v29 =	vsel vm14, v29, v51  }
0x370: {  	s18 =	sshll.u32 s18, $0x6;
	v28 =	vmul.f32 v28, v29  }
0x371: {  	s18 =	sand.u32 $0x3FFFFFC0, s18  }
0x372: {  	s20 =	sor.u32 $0x10, s10;
	[tilespmem:v3+s18+$0x0 ss:$0x1] =	vst.idx.msk $0xffff, v28  }
0x373: {  	v28 =	vld.idx.msk [tilespmem:v0+s20+$0x0 ss:$0x1], $0xffff  }
0x374: {  	v52 =	vld.idx.msk [tilespmem:v1+s20+$0x0 ss:$0x1], $0xffff;
	_ =	sdelay $0x1  }
0x375: {  	v53 =	vld.idx.msk [tilespmem:v2+s20+$0x0 ss:$0x1], $0xffff  }
0x376: {  	s20 =	sor.u32 $0x50, s10  }
0x377: {  	v54 =	vld.idx.msk [tilespmem:v0+s20+$0x0 ss:$0x1], $0xffff  }
0x378: {  	v55 =	vld.idx.msk [tilespmem:v1+s20+$0x0 ss:$0x1], $0xffff;
	v28 =	vadd.f32 v52, v28;
	_ =	sdelay $0x1  }
0x379: {  	v56 =	vld.idx.msk [tilespmem:v2+s20+$0x0 ss:$0x1], $0xffff;
	v28 =	vadd.f32 v53, v28;
	_ =	sdelay $0x1  }
0x37a: {  	v57 =	vand.u32 $0x7FFFFFFF, v28  }
0x37b: {  	v29 =	vadd.f32 v55, v54;
	v58 =	vsub.f32 $0.0e+00, v57;
	_ =	sdelay $0x1  }
0x37c: {  	v29 =	vadd.f32 v56, v29;
	v59 =	vmul.f32 $1.442695020e+00, v58;
	_ =	sdelay $0x1  }
0x37d: {  	v60 =	vand.u32 $0x7FFFFFFF, v29;
	(erf) = vpow2.f32 v59  }
0x37e: {  	v30 =	vsub.f32 $0.0e+00, v60;
	_ =	sdelay $0x1  }
0x37f: {  	v30 =	vmul.f32 $1.442695020e+00, v30;
	_ =	sdelay $0x1  }
0x380: {  	(erf) = vpow2.f32 v30;
	_ =	sdelay $0x3  }
0x381: {  	v61 =	vpop (erf)  }
0x382: {  	v62 =	vmul.f32 $1.044844690e-01, v61;
	_ =	sdelay $0x1  }
0x383: {  	v31 =	vsub.f32 $4.179378750e-01, v62;
	_ =	sdelay $0x1  }
0x384: {  	v63 =	vpop (erf);
	v31 =	vmul.f32 v31, v61  }
0x385: {  	v36 =	vmul.f32 $5.437093230e-02, v63  }
0x386: {  	v31 =	vadd.f32 $-7.705729010e-01, v31  }
0x387: {  	v33 =	vsub.f32 $2.164487090e-01, v36  }
0x388: {  	v31 =	vmul.f32 v31, v61  }
0x389: {  	v33 =	vmul.f32 v33, v63  }
0x38a: {  	v31 =	vadd.f32 $9.534207580e-01, v31  }
0x38b: {  	v33 =	vadd.f32 $-4.650204480e-01, v33  }
0x38c: {  	v31 =	vmul.f32 v31, v61  }
0x38d: {  	v33 =	vmul.f32 v33, v63  }
0x38e: {  	v31 =	vadd.f32 $-9.962757220e-01, v31  }
0x38f: {  	v33 =	vadd.f32 $9.959657780e-01, v33  }
0x390: {  	v30 =	vmul.f32 v31, v61  }
0x391: {  	v37 =	vmul.f32 v33, v63  }
0x392: {  	v30 =	vadd.f32 $9.999489780e-01, v30  }
0x393: {  	v31 =	vadd.f32 $7.942077350e-05, v37  }
0x394: {  	v29 =	vmax.f32 v29, $0.0e+00;
	v38 =	vsub.f32 $1.000000000e+00, v30  }
0x395: {  	vm15 =	vge.f32 v28, $0.0e+00;
	v39 =	vadd.f32 v31, v29  }
0x396: {  	v40 =	vsel vm15, v30, v38  }
0x397: {  	v28 =	vmul.f32 v39, v40;
	_ =	sdelay $0x1  }
0x398: {  	s20 =	sor.u32 $0x20, s10;
	[tilespmem:v3+s18+$0x10 ss:$0x1] =	vst.idx.msk $0xffff, v28  }
0x399: {  	v28 =	vld.idx.msk [tilespmem:v0+s20+$0x0 ss:$0x1], $0xffff  }
0x39a: {  	v41 =	vld.idx.msk [tilespmem:v1+s20+$0x0 ss:$0x1], $0xffff;
	_ =	sdelay $0x1  }
0x39b: {  	v42 =	vld.idx.msk [tilespmem:v2+s20+$0x0 ss:$0x1], $0xffff  }
0x39c: {  	s20 =	sor.u32 $0x60, s10  }
0x39d: {  	v43 =	vld.idx.msk [tilespmem:v0+s20+$0x0 ss:$0x1], $0xffff  }
0x39e: {  	v44 =	vld.idx.msk [tilespmem:v1+s20+$0x0 ss:$0x1], $0xffff;
	v28 =	vadd.f32 v41, v28;
	_ =	sdelay $0x1  }
0x39f: {  	v45 =	vld.idx.msk [tilespmem:v2+s20+$0x0 ss:$0x1], $0xffff;
	v28 =	vadd.f32 v42, v28;
	_ =	sdelay $0x1  }
0x3a0: {  	v46 =	vand.u32 $0x7FFFFFFF, v28  }
0x3a1: {  	v29 =	vadd.f32 v44, v43;
	v47 =	vsub.f32 $0.0e+00, v46;
	_ =	sdelay $0x1  }
0x3a2: {  	v29 =	vadd.f32 v45, v29;
	v48 =	vmul.f32 $1.442695020e+00, v47;
	_ =	sdelay $0x1  }
0x3a3: {  	v49 =	vand.u32 $0x7FFFFFFF, v29;
	(erf) = vpow2.f32 v48  }
0x3a4: {  	v30 =	vsub.f32 $0.0e+00, v49;
	_ =	sdelay $0x1  }
0x3a5: {  	v30 =	vmul.f32 $1.442695020e+00, v30;
	_ =	sdelay $0x1  }
0x3a6: {  	(erf) = vpow2.f32 v30;
	_ =	sdelay $0x3  }
0x3a7: {  	v50 =	vpop (erf)  }
0x3a8: {  	v51 =	vmul.f32 $1.044844690e-01, v50;
	_ =	sdelay $0x1  }
0x3a9: {  	v31 =	vsub.f32 $4.179378750e-01, v51;
	_ =	sdelay $0x1  }
0x3aa: {  	v52 =	vpop (erf);
	v31 =	vmul.f32 v31, v50  }
0x3ab: {  	v53 =	vmul.f32 $5.437093230e-02, v52  }
0x3ac: {  	v31 =	vadd.f32 $-7.705729010e-01, v31  }
0x3ad: {  	v33 =	vsub.f32 $2.164487090e-01, v53  }
0x3ae: {  	v31 =	vmul.f32 v31, v50  }
0x3af: {  	v33 =	vmul.f32 v33, v52  }
0x3b0: {  	v31 =	vadd.f32 $9.534207580e-01, v31  }
0x3b1: {  	v33 =	vadd.f32 $-4.650204480e-01, v33  }
0x3b2: {  	v31 =	vmul.f32 v31, v50  }
0x3b3: {  	v33 =	vmul.f32 v33, v52  }
0x3b4: {  	v31 =	vadd.f32 $-9.962757220e-01, v31  }
0x3b5: {  	v33 =	vadd.f32 $9.959657780e-01, v33  }
0x3b6: {  	v30 =	vmul.f32 v31, v50  }
0x3b7: {  	v54 =	vmul.f32 v33, v52  }
0x3b8: {  	v30 =	vadd.f32 $9.999489780e-01, v30  }
0x3b9: {  	v31 =	vadd.f32 $7.942077350e-05, v54  }
0x3ba: {  	v29 =	vmax.f32 v29, $0.0e+00;
	v55 =	vsub.f32 $1.000000000e+00, v30  }
0x3bb: {  	vm4 =	vge.f32 v28, $0.0e+00;
	v56 =	vadd.f32 v31, v29  }
0x3bc: {  	v57 =	vsel vm4, v30, v55  }
0x3bd: {  	v28 =	vmul.f32 v56, v57;
	_ =	sdelay $0x1  }
0x3be: {  	s20 =	sor.u32 $0x30, s10;
	[tilespmem:v3+s18+$0x20 ss:$0x1] =	vst.idx.msk $0xffff, v28  }
0x3bf: {  	v28 =	vld.idx.msk [tilespmem:v0+s20+$0x0 ss:$0x1], $0xffff  }
0x3c0: {  	v58 =	vld.idx.msk [tilespmem:v1+s20+$0x0 ss:$0x1], $0xffff  }
0x3c1: {  	v59 =	vld.idx.msk [tilespmem:v2+s20+$0x0 ss:$0x1], $0xffff;
	s20 =	sor.u32 $0x70, s10  }
0x3c2: {  	s19 =	sor.u32 $0x7, s22;
	v60 =	vld.idx.msk [tilespmem:v0+s20+$0x0 ss:$0x1], $0xffff  }
0x3c3: {  	s10 =	sshll.u32 s19, $0x7;
	v61 =	vld.idx.msk [tilespmem:v1+s20+$0x0 ss:$0x1], $0xffff  }
0x3c4: {  	v62 =	vld.idx.msk [tilespmem:v0+s10+$0x0 ss:$0x1], $0xffff  }
0x3c5: {  	v34 =	vld.idx.msk [tilespmem:v1+s10+$0x0 ss:$0x1], $0xffff  }
0x3c6: {  	v35 =	vld.idx.msk [tilespmem:v2+s20+$0x0 ss:$0x1], $0xffff  }
0x3c7: {  	v36 =	vld.idx.msk [tilespmem:v2+s10+$0x0 ss:$0x1], $0xffff  }
0x3c8: {  	s20 =	sor.u32 $0x40, s10;
	v28 =	vadd.f32 v58, v28  }
0x3c9: {  	v63 =	vld.idx.msk [tilespmem:v0+s20+$0x0 ss:$0x1], $0xffff;
	v31 =	vadd.f32 v61, v60  }
0x3ca: {  	v40 =	vld.idx.msk [tilespmem:v1+s20+$0x0 ss:$0x1], $0xffff;
	v39 =	vadd.f32 v34, v62;
	v29 =	vadd.f32 v59, v28  }
0x3cb: {  	v28 =	vadd.f32 v35, v31  }
0x3cc: {  	v42 =	vld.idx.msk [tilespmem:v2+s20+$0x0 ss:$0x1], $0xffff;
	v34 =	vadd.f32 v36, v39;
	v41 =	vand.u32 $0x7FFFFFFF, v29  }
0x3cd: {  	v31 =	vsub.f32 $0.0e+00, v41;
	v35 =	vand.u32 $0x7FFFFFFF, v28  }
0x3ce: {  	v36 =	vand.u32 $0x7FFFFFFF, v34;
	v35 =	vsub.f32 $0.0e+00, v35  }
0x3cf: {  	v32 =	vadd.f32 v40, v63;
	v43 =	vsub.f32 $0.0e+00, v36;
	v31 =	vmul.f32 $1.442695020e+00, v31  }
0x3d0: {  	v35 =	vmul.f32 $1.442695020e+00, v35  }
0x3d1: {  	v32 =	vadd.f32 v42, v32;
	v44 =	vmul.f32 $1.442695020e+00, v43;
	(erf) = vpow2.f32 v31  }
0x3d2: {  	(erf) = vpow2.f32 v35  }
0x3d3: {  	v45 =	vand.u32 $0x7FFFFFFF, v32;
	(erf) = vpow2.f32 v44  }
0x3d4: {  	v30 =	vsub.f32 $0.0e+00, v45;
	_ =	sdelay $0x1  }
0x3d5: {  	v30 =	vmul.f32 $1.442695020e+00, v30;
	_ =	sdelay $0x1  }
0x3d6: {  	(erf) = vpow2.f32 v30;
	_ =	sdelay $0x1  }
0x3d7: {  	v31 =	vpop (erf)  }
0x3d8: {  	v30 =	vpop (erf)  }
0x3d9: {  	v46 =	vpop (erf)  }
0x3da: {  	v47 =	vmul.f32 $1.044844690e-01, v46;
	_ =	sdelay $0x1  }
0x3db: {  	v35 =	vsub.f32 $4.179378750e-01, v47;
	_ =	sdelay $0x1  }
0x3dc: {  	v48 =	vpop (erf);
	v35 =	vmul.f32 v35, v46  }
0x3dd: {  	v37 =	vmul.f32 $5.437093230e-02, v48  }
0x3de: {  	v35 =	vadd.f32 $-7.705729010e-01, v35  }
0x3df: {  	v37 =	vsub.f32 $2.164487090e-01, v37  }
0x3e0: {  	v35 =	vmul.f32 v35, v46  }
0x3e1: {  	v37 =	vmul.f32 v37, v48  }
0x3e2: {  	v35 =	vadd.f32 $9.534207580e-01, v35  }
0x3e3: {  	v37 =	vadd.f32 $-4.650204480e-01, v37  }
0x3e4: {  	v35 =	vmul.f32 v35, v46  }
0x3e5: {  	v37 =	vmul.f32 v37, v48  }
0x3e6: {  	v35 =	vadd.f32 $-9.962757220e-01, v35  }
0x3e7: {  	v37 =	vadd.f32 $9.959657780e-01, v37  }
0x3e8: {  	v33 =	vmul.f32 v35, v46  }
0x3e9: {  	v49 =	vmul.f32 v37, v48  }
0x3ea: {  	v33 =	vadd.f32 $9.999489780e-01, v33  }
0x3eb: {  	v35 =	vadd.f32 $7.942077350e-05, v49  }
0x3ec: {  	v32 =	vmax.f32 v32, $0.0e+00;
	v50 =	vsub.f32 $1.000000000e+00, v33  }
0x3ed: {  	vm5 =	vge.f32 v34, $0.0e+00;
	v32 =	vadd.f32 v35, v32  }
0x3ee: {  	v33 =	vsel vm5, v33, v50  }
0x3ef: {  	s19 =	sshll.u32 s19, $0x6;
	v32 =	vmul.f32 v32, v33  }
0x3f0: {  	s19 =	sand.u32 $0x3FFFFFC0, s19  }
0x3f1: {  	s20 =	sor.u32 $0x10, s10;
	[tilespmem:v3+s19+$0x0 ss:$0x1] =	vst.idx.msk $0xffff, v32  }
0x3f2: {  	v32 =	vld.idx.msk [tilespmem:v0+s20+$0x0 ss:$0x1], $0xffff  }
0x3f3: {  	v51 =	vld.idx.msk [tilespmem:v1+s20+$0x0 ss:$0x1], $0xffff;
	_ =	sdelay $0x1  }
0x3f4: {  	v52 =	vld.idx.msk [tilespmem:v2+s20+$0x0 ss:$0x1], $0xffff  }
0x3f5: {  	s20 =	sor.u32 $0x50, s10  }
0x3f6: {  	v53 =	vld.idx.msk [tilespmem:v0+s20+$0x0 ss:$0x1], $0xffff  }
0x3f7: {  	v54 =	vld.idx.msk [tilespmem:v1+s20+$0x0 ss:$0x1], $0xffff;
	v32 =	vadd.f32 v51, v32;
	_ =	sdelay $0x1  }
0x3f8: {  	v55 =	vld.idx.msk [tilespmem:v2+s20+$0x0 ss:$0x1], $0xffff;
	v32 =	vadd.f32 v52, v32;
	_ =	sdelay $0x1  }
0x3f9: {  	v56 =	vand.u32 $0x7FFFFFFF, v32  }
0x3fa: {  	v33 =	vadd.f32 v54, v53;
	v57 =	vsub.f32 $0.0e+00, v56;
	_ =	sdelay $0x1  }
0x3fb: {  	v33 =	vadd.f32 v55, v33;
	v58 =	vmul.f32 $1.442695020e+00, v57;
	_ =	sdelay $0x1  }
0x3fc: {  	v59 =	vand.u32 $0x7FFFFFFF, v33;
	(erf) = vpow2.f32 v58  }
0x3fd: {  	v34 =	vsub.f32 $0.0e+00, v59;
	_ =	sdelay $0x1  }
0x3fe: {  	v34 =	vmul.f32 $1.442695020e+00, v34;
	_ =	sdelay $0x1  }
0x3ff: {  	(erf) = vpow2.f32 v34;
	_ =	sdelay $0x3  }
0x400: {  	v60 =	vpop (erf)  }
0x401: {  	v61 =	vmul.f32 $1.044844690e-01, v60;
	_ =	sdelay $0x1  }
0x402: {  	v35 =	vsub.f32 $4.179378750e-01, v61;
	_ =	sdelay $0x1  }
0x403: {  	v62 =	vpop (erf);
	v35 =	vmul.f32 v35, v60  }
0x404: {  	v63 =	vmul.f32 $5.437093230e-02, v62  }
0x405: {  	v35 =	vadd.f32 $-7.705729010e-01, v35  }
0x406: {  	v37 =	vsub.f32 $2.164487090e-01, v63  }
0x407: {  	v35 =	vmul.f32 v35, v60  }
0x408: {  	v37 =	vmul.f32 v37, v62  }
0x409: {  	v35 =	vadd.f32 $9.534207580e-01, v35  }
0x40a: {  	v37 =	vadd.f32 $-4.650204480e-01, v37  }
0x40b: {  	v35 =	vmul.f32 v35, v60  }
0x40c: {  	v37 =	vmul.f32 v37, v62  }
0x40d: {  	v35 =	vadd.f32 $-9.962757220e-01, v35  }
0x40e: {  	v37 =	vadd.f32 $9.959657780e-01, v37  }
0x40f: {  	v34 =	vmul.f32 v35, v60  }
0x410: {  	v39 =	vmul.f32 v37, v62  }
0x411: {  	v34 =	vadd.f32 $9.999489780e-01, v34  }
0x412: {  	v35 =	vadd.f32 $7.942077350e-05, v39  }
0x413: {  	v33 =	vmax.f32 v33, $0.0e+00;
	v40 =	vsub.f32 $1.000000000e+00, v34  }
0x414: {  	vm6 =	vge.f32 v32, $0.0e+00;
	v41 =	vadd.f32 v35, v33  }
0x415: {  	v42 =	vsel vm6, v34, v40  }
0x416: {  	v32 =	vmul.f32 v41, v42;
	_ =	sdelay $0x1  }
0x417: {  	s20 =	sor.u32 $0x20, s10;
	[tilespmem:v3+s19+$0x10 ss:$0x1] =	vst.idx.msk $0xffff, v32  }
0x418: {  	v32 =	vld.idx.msk [tilespmem:v0+s20+$0x0 ss:$0x1], $0xffff  }
0x419: {  	v43 =	vld.idx.msk [tilespmem:v1+s20+$0x0 ss:$0x1], $0xffff;
	_ =	sdelay $0x1  }
0x41a: {  	v44 =	vld.idx.msk [tilespmem:v2+s20+$0x0 ss:$0x1], $0xffff;
	_ =	sdelay $0x2  }
0x41b: {  	v32 =	vadd.f32 v43, v32;
	_ =	sdelay $0x1  }
0x41c: {  	s20 =	sor.u32 $0x60, s10;
	v32 =	vadd.f32 v44, v32  }
0x41d: {  	v45 =	vld.idx.msk [tilespmem:v0+s20+$0x0 ss:$0x1], $0xffff  }
0x41e: {  	v46 =	vld.idx.msk [tilespmem:v1+s20+$0x0 ss:$0x1], $0xffff;
	v34 =	vand.u32 $0x7FFFFFFF, v32  }
0x41f: {  	v34 =	vsub.f32 $0.0e+00, v34  }
0x420: {  	v47 =	vld.idx.msk [tilespmem:v2+s20+$0x0 ss:$0x1], $0xffff  }
0x421: {  	v34 =	vmul.f32 $1.442695020e+00, v34;
	_ =	sdelay $0x1  }
0x422: {  	v33 =	vadd.f32 v46, v45;
	(erf) = vpow2.f32 v34;
	_ =	sdelay $0x1  }
0x423: {  	v33 =	vadd.f32 v47, v33;
	_ =	sdelay $0x1  }
0x424: {  	v49 =	vand.u32 $0x7FFFFFFF, v33  }
0x425: {  	v35 =	vsub.f32 $0.0e+00, v49;
	_ =	sdelay $0x1  }
0x426: {  	v35 =	vmul.f32 $1.442695020e+00, v35;
	_ =	sdelay $0x1  }
0x427: {  	v50 =	vpop (erf);
	(erf) = vpow2.f32 v35  }
0x428: {  	v38 =	vmul.f32 $1.044844690e-01, v11  }
0x429: {  	v48 =	vmul.f32 $1.044844690e-01, v7  }
0x42a: {  	v38 =	vsub.f32 $4.179378750e-01, v38;
	v53 =	vmul.f32 $5.437093230e-02, v6  }
0x42b: {  	v4 =	vmax.f32 v4, $0.0e+00;
	v8 =	vmax.f32 v8, $0.0e+00;
	v34 =	vsub.f32 $4.179378750e-01, v48  }
0x42c: {  	v55 =	vmul.f32 v38, v11;
	v37 =	vsub.f32 $2.164487090e-01, v53;
	v51 =	vmul.f32 $1.044844690e-01, v50  }
0x42d: {  	v12 =	vmax.f32 v12, $0.0e+00;
	vm7 =	vge.f32 v5, $0.0e+00;
	v34 =	vmul.f32 v34, v7  }
0x42e: {  	v54 =	vmul.f32 v37, v6;
	v37 =	vadd.f32 $-7.705729010e-01, v55;
	v52 =	vsub.f32 $4.179378750e-01, v51  }
0x42f: {  	v16 =	vmax.f32 v16, $0.0e+00;
	vm9 =	vge.f32 v9, $0.0e+00;
	v34 =	vadd.f32 $-7.705729010e-01, v34  }
0x430: {  	vm10 =	vge.f32 v13, $0.0e+00;
	v37 =	vmul.f32 v37, v11;
	v35 =	vmul.f32 v52, v50;
	v56 =	vpop (erf)  }
0x431: {  	vm11 =	vge.f32 v17, $0.0e+00;
	v34 =	vmul.f32 v34, v7;
	v39 =	vmul.f32 $5.437093230e-02, v56  }
0x432: {  	v37 =	vadd.f32 $9.534207580e-01, v37;
	v46 =	vmul.f32 $1.044844690e-01, v19;
	v35 =	vadd.f32 $-7.705729010e-01, v35  }
0x433: {  	v58 =	vmul.f32 $5.437093230e-02, v10;
	v34 =	vadd.f32 $9.534207580e-01, v34;
	v39 =	vsub.f32 $2.164487090e-01, v39  }
0x434: {  	v61 =	vmul.f32 v37, v11;
	v48 =	vsub.f32 $4.179378750e-01, v46;
	v35 =	vmul.f32 v35, v50  }
0x435: {  	v59 =	vsub.f32 $2.164487090e-01, v58;
	v34 =	vmul.f32 v34, v7;
	v39 =	vmul.f32 v39, v56  }
0x436: {  	v36 =	vadd.f32 $-9.962757220e-01, v61;
	v9 =	vmul.f32 v48, v19;
	v35 =	vadd.f32 $9.534207580e-01, v35  }
0x437: {  	vm12 =	vge.f32 v21, $0.0e+00;
	v34 =	vadd.f32 $-9.962757220e-01, v34;
	v62 =	vadd.f32 $-4.650204480e-01, v39  }
0x438: {  	v11 =	vmul.f32 v36, v11;
	v9 =	vadd.f32 $-7.705729010e-01, v9;
	v35 =	vmul.f32 v35, v50  }
0x439: {  	v7 =	vmul.f32 v34, v7;
	v34 =	vadd.f32 $-4.650204480e-01, v54;
	v37 =	vmul.f32 v62, v56  }
0x43a: {  	v60 =	vmul.f32 $1.044844690e-01, v15;
	v43 =	vadd.f32 $9.999489780e-01, v11;
	v35 =	vadd.f32 $-9.962757220e-01, v35  }
0x43b: {  	v9 =	vmul.f32 v9, v19;
	v34 =	vmul.f32 v34, v6;
	v41 =	vadd.f32 $9.959657780e-01, v37  }
0x43c: {  	v47 =	vmul.f32 $5.437093230e-02, v14;
	v7 =	vadd.f32 $9.999489780e-01, v7;
	v35 =	vmul.f32 v35, v50  }
0x43d: {  	v9 =	vadd.f32 $9.534207580e-01, v9;
	v57 =	vadd.f32 $9.959657780e-01, v34;
	v44 =	vmul.f32 v41, v56  }
0x43e: {  	vm8 =	vge.f32 v32, $0.0e+00;
	v5 =	vsub.f32 $1.000000000e+00, v7;
	v40 =	vadd.f32 $9.999489780e-01, v35  }
0x43f: {  	v33 =	vmax.f32 v33, $0.0e+00;
	v6 =	vmul.f32 v57, v6;
	v11 =	vadd.f32 $7.942077350e-05, v44  }
0x440: {  	v9 =	vmul.f32 v9, v19;
	v5 =	vsel vm7, v7, v5;
	v45 =	vsub.f32 $1.000000000e+00, v40  }
0x441: {  	v7 =	vmul.f32 v59, v10;
	v6 =	vadd.f32 $7.942077350e-05, v6;
	v11 =	vadd.f32 v11, v33  }
0x442: {  	v9 =	vadd.f32 $-9.962757220e-01, v9;
	v34 =	vsub.f32 $4.179378750e-01, v60;
	v32 =	vsel vm8, v40, v45  }
0x443: {  	v63 =	vadd.f32 $-4.650204480e-01, v7;
	v4 =	vadd.f32 v6, v4;
	v11 =	vmul.f32 v11, v32  }
0x444: {  	vm13 =	vge.f32 v25, $0.0e+00;
	v9 =	vmul.f32 v9, v19;
	v39 =	vmul.f32 v34, v15  }
0x445: {  	vm14 =	vge.f32 v29, $0.0e+00;
	s20 =	sor.u32 $0x30, s10;
	v4 =	vmul.f32 v4, v5;
	v5 =	vmul.f32 v63, v10;
	[tilespmem:v3+s19+$0x20 ss:$0x1] =	vst.idx.msk $0xffff, v11  }
0x446: {  	v49 =	vsub.f32 $2.164487090e-01, v47;
	v51 =	vmul.f32 $1.044844690e-01, v23;
	v9 =	vadd.f32 $9.999489780e-01, v9;
	v53 =	vld.idx.msk [tilespmem:v0+s20+$0x0 ss:$0x1], $0xffff  }
0x447: {  	v58 =	vmul.f32 $5.437093230e-02, v18;
	v42 =	vadd.f32 $-7.705729010e-01, v39;
	v5 =	vadd.f32 $9.959657780e-01, v5;
	v55 =	vld.idx.msk [tilespmem:v1+s20+$0x0 ss:$0x1], $0xffff  }
0x448: {  	v47 =	vmul.f32 $1.044844690e-01, v31;
	v54 =	vsub.f32 $4.179378750e-01, v51;
	v50 =	vsub.f32 $1.000000000e+00, v43  }
0x449: {  	v39 =	vsub.f32 $1.000000000e+00, v9;
	v6 =	vmul.f32 v42, v15;
	v5 =	vmul.f32 v5, v10;
	v57 =	vld.idx.msk [tilespmem:v2+s20+$0x0 ss:$0x1], $0xffff  }
0x44a: {  	s10 =	sor.u32 $0x70, s10;
	v7 =	vsel vm9, v43, v50;
	v50 =	vsub.f32 $4.179378750e-01, v47;
	v10 =	vmul.f32 v49, v14  }
0x44b: {  	v46 =	vmul.f32 $5.437093230e-02, v26;
	v6 =	vadd.f32 $9.534207580e-01, v6;
	v5 =	vadd.f32 $7.942077350e-05, v5;
	v60 =	vld.idx.msk [tilespmem:v0+s10+$0x0 ss:$0x1], $0xffff  }
0x44c: {  	v37 =	vmul.f32 $1.044844690e-01, v27;
	v52 =	vadd.f32 $-4.650204480e-01, v10;
	v61 =	vld.idx.msk [tilespmem:v1+s10+$0x0 ss:$0x1], $0xffff;
	v10 =	vadd.f32 v55, v53  }
0x44d: {  	v9 =	vsel vm11, v9, v39;
	v6 =	vmul.f32 v6, v15;
	v5 =	vadd.f32 v5, v8  }
0x44e: {  	v49 =	vsub.f32 $2.164487090e-01, v46;
	v56 =	vmul.f32 v52, v14;
	v63 =	vld.idx.msk [tilespmem:v2+s10+$0x0 ss:$0x1], $0xffff;
	v8 =	vadd.f32 v57, v10  }
0x44f: {  	v45 =	vmax.f32 v20, $0.0e+00;
	v6 =	vadd.f32 $-9.962757220e-01, v6;
	v5 =	vmul.f32 v5, v7  }
0x450: {  	v7 =	vadd.f32 $9.959657780e-01, v56;
	v32 =	vsub.f32 $2.164487090e-01, v58;
	v34 =	vand.u32 $0x7FFFFFFF, v8  }
0x451: {  	v11 =	vmul.f32 v54, v23;
	v33 =	vadd.f32 v61, v60;
	v19 =	vsub.f32 $0.0e+00, v34  }
0x452: {  	v6 =	vmul.f32 v6, v15;
	v15 =	vsub.f32 $4.179378750e-01, v37;
	v62 =	vmul.f32 v32, v18  }
0x453: {  	v11 =	vadd.f32 $-7.705729010e-01, v11;
	v35 =	vadd.f32 v63, v33;
	v36 =	vmul.f32 $1.442695020e+00, v19  }
0x454: {  	v58 =	vmax.f32 v24, $0.0e+00;
	v7 =	vmul.f32 v7, v14;
	v13 =	vadd.f32 $-4.650204480e-01, v62  }
0x455: {  	v11 =	vmul.f32 v11, v23;
	v38 =	vand.u32 $0x7FFFFFFF, v35;
	(erf) = vpow2.f32 v36  }
0x456: {  	v6 =	vadd.f32 $9.999489780e-01, v6;
	v13 =	vmul.f32 v13, v18;
	v14 =	vsub.f32 $0.0e+00, v38  }
0x457: {  	v32 =	vmul.f32 $5.437093230e-02, v22;
	v15 =	vmul.f32 v15, v27;
	v11 =	vadd.f32 $9.534207580e-01, v11  }
0x458: {  	v54 =	vmul.f32 $5.437093230e-02, v30;
	v13 =	vadd.f32 $9.959657780e-01, v13;
	v14 =	vmul.f32 $1.442695020e+00, v14  }
0x459: {  	v7 =	vadd.f32 $7.942077350e-05, v7;
	v10 =	vsub.f32 $2.164487090e-01, v32;
	v11 =	vmul.f32 v11, v23  }
0x45a: {  	v59 =	vsub.f32 $1.000000000e+00, v6;
	v13 =	vmul.f32 v13, v18;
	(erf) = vpow2.f32 v14  }
0x45b: {  	v40 =	vadd.f32 $-7.705729010e-01, v15;
	v7 =	vadd.f32 v7, v12;
	v10 =	vmul.f32 v10, v22  }
0x45c: {  	v6 =	vsel vm10, v6, v59;
	v11 =	vadd.f32 $-9.962757220e-01, v11;
	v13 =	vadd.f32 $7.942077350e-05, v13  }
0x45d: {  	v43 =	vmul.f32 v40, v27;
	v53 =	vmul.f32 v50, v31;
	v10 =	vadd.f32 $-4.650204480e-01, v10  }
0x45e: {  	v6 =	vmul.f32 v7, v6;
	v11 =	vmul.f32 v11, v23;
	v13 =	vadd.f32 v13, v16;
	v44 =	vpop (erf)  }
0x45f: {  	v15 =	vadd.f32 $-7.705729010e-01, v53;
	v10 =	vmul.f32 v10, v22;
	v48 =	vmul.f32 $1.044844690e-01, v44  }
0x460: {  	v11 =	vadd.f32 $9.999489780e-01, v11;
	v41 =	vmul.f32 v13, v9;
	v13 =	vadd.f32 $9.534207580e-01, v43  }
0x461: {  	v15 =	vmul.f32 v15, v31;
	v10 =	vadd.f32 $9.959657780e-01, v10;
	v52 =	vsub.f32 $4.179378750e-01, v48  }
0x462: {  	v16 =	vsub.f32 $2.164487090e-01, v54;
	v42 =	vsub.f32 $1.000000000e+00, v11;
	v51 =	vmul.f32 v13, v27  }
0x463: {  	v15 =	vadd.f32 $9.534207580e-01, v15;
	v10 =	vmul.f32 v10, v22;
	v55 =	vpop (erf);
	v13 =	vmul.f32 v52, v44  }
0x464: {  	v9 =	vsel vm12, v11, v42;
	v11 =	vmul.f32 v49, v26;
	v56 =	vmul.f32 $5.437093230e-02, v55  }
0x465: {  	v61 =	vmax.f32 v28, $0.0e+00;
	v10 =	vadd.f32 $7.942077350e-05, v10;
	v13 =	vadd.f32 $-7.705729010e-01, v13  }
0x466: {  	v16 =	vmul.f32 v16, v30;
	v11 =	vadd.f32 $-4.650204480e-01, v11;
	v18 =	vsub.f32 $2.164487090e-01, v56  }
0x467: {  	v15 =	vmul.f32 v15, v31;
	v10 =	vadd.f32 v10, v45;
	v13 =	vmul.f32 v13, v44  }
0x468: {  	v16 =	vadd.f32 $-4.650204480e-01, v16;
	v11 =	vmul.f32 v11, v26;
	v18 =	vmul.f32 v18, v55  }
0x469: {  	v9 =	vmul.f32 v10, v9;
	v10 =	vadd.f32 $-9.962757220e-01, v51;
	v13 =	vadd.f32 $9.534207580e-01, v13  }
0x46a: {  	v16 =	vmul.f32 v16, v30;
	v11 =	vadd.f32 $9.959657780e-01, v11;
	v18 =	vadd.f32 $-4.650204480e-01, v18  }
0x46b: {  	v15 =	vadd.f32 $-9.962757220e-01, v15;
	v10 =	vmul.f32 v10, v27;
	v13 =	vmul.f32 v13, v44  }
0x46c: {  	v16 =	vadd.f32 $9.959657780e-01, v16;
	v11 =	vmul.f32 v11, v26;
	v18 =	vmul.f32 v18, v55  }
0x46d: {  	v15 =	vmul.f32 v15, v31;
	v10 =	vadd.f32 $9.999489780e-01, v10;
	v13 =	vadd.f32 $-9.962757220e-01, v13  }
0x46e: {  	v16 =	vmul.f32 v16, v30;
	v11 =	vadd.f32 $7.942077350e-05, v11;
	v18 =	vadd.f32 $9.959657780e-01, v18  }
0x46f: {  	v60 =	vadd.f32 $9.999489780e-01, v15;
	v57 =	vsub.f32 $1.000000000e+00, v10;
	v13 =	vmul.f32 v13, v44  }
0x470: {  	[tilespmem:v3+s9+$0x30 ss:$0x1] =	vst.idx.msk $0xffff, v4;
	v4 =	vadd.f32 $7.942077350e-05, v16;
	v11 =	vadd.f32 v11, v58;
	v59 =	vmul.f32 v18, v55  }
0x471: {  	[tilespmem:v3+s11+$0x30 ss:$0x1] =	vst.idx.msk $0xffff, v5;
	v5 =	vsub.f32 $1.000000000e+00, v60;
	v10 =	vsel vm13, v10, v57;
	v13 =	vadd.f32 $9.999489780e-01, v13  }
0x472: {  	v4 =	vadd.f32 v4, v61;
	v10 =	vmul.f32 v11, v10;
	v11 =	vadd.f32 $7.942077350e-05, v59  }
0x473: {  	p0 =	slt.u32 s22, $0x48;
	[tilespmem:v3+s12+$0x30 ss:$0x1] =	vst.idx.msk $0xffff, v6;
	v12 =	vmax.f32 v35, $0.0e+00;
	v5 =	vsel vm14, v60, v5;
	v62 =	vsub.f32 $1.000000000e+00, v13  }
.Ltmp1:
0x474: {  	vm15 =	vge.f32 v8, $0.0e+00;
	[tilespmem:v3+s15+$0x30 ss:$0x1] =	vst.idx.msk $0xffff, v41;
	v4 =	vmul.f32 v4, v5;
	v63 =	vadd.f32 v11, v12;
	(pc) =	sbr.rel @p0 .LBB2_5-.Ltmp1, $4  }
0x475: {  	[tilespmem:v3+s16+$0x30 ss:$0x1] =	vst.idx.msk $0xffff, v9;
	v5 =	vsel vm15, v13, v62  }
0x476: {  	[tilespmem:v3+s18+$0x30 ss:$0x1] =	vst.idx.msk $0xffff, v4;
	v5 =	vmul.f32 v63, v5  }
0x477: {  	s20 =	sadd.s32 $0x8, s22;
	[tilespmem:v3+s17+$0x30 ss:$0x1] =	vst.idx.msk $0xffff, v10  }
0x478: {  	s22 =	smov.u32 s20;
	[tilespmem:v3+s19+$0x30 ss:$0x1] =	vst.idx.msk $0xffff, v5  }
0x479: {  	s9 =	smul.u32 $0x140, s28;
	p0 =	sne.s32 s25, $0xFA  }
.Ltmp2:
0x47a: {  	_ = 	snop;
	(pc) =	sbr.rel @p0 .LBB2_2-.Ltmp2, $4  }
0x47b: {  	_ = 	snop  }
0x47c: {  	s9 =	sshrl.u32 s9, $0x2  }
0x47d: {  	[spmem:s1] =	stream.indirect.scatter.add.f32 [tilespmem:s26], [sflag:$0x5], $0x40, s9, s23, $0xb8;
	[tilespmem:$0x1BA80] =	vst v63  }
0x47e: {  	s9 =	smov.u32 s25  }
0x47f: {  	_ =	swait.ge [sflag:s0], $0x1400  }
0x480: {  	[sflag:s0] =	ssyncset.done $0x0  }
0x481: {  	[sflag:s0] =	ssyncadd.s32 $0xFFFFEC00  }
0x482: {  	_ =	swait.ge [sflag:s0], $0x1400  }
0x483: {  	[sflag:s0] =	ssyncset.done $0x0  }
0x484: {  	[sflag:s0] =	ssyncadd.s32 $0xFFFFEC00  }
0x485: {  	[bflag:$0x0] =	sbarrier.arrive $0xFFFF  }
0x486: {  	s16 =	rddreg [dreg:$0x4]  }
0x487: {  	s9 =	rddreg [dreg:$0xa]  }
0x488: {  	s10 =	rddreg [dreg:$0xc]  }
0x489: {  	[hbm:s9], [sflag:s16] =	dma.local [spmem:s10], $0x1400  }
0x48a: {  	_ =	swait.ge [sflag:s21], $0x1400  }
0x48b: {  	s24 =	sadd.s32 $0x1, s24;
	s28 =	rddreg [dreg:$0xb]  }
0x48c: {  	p0 =	sne.s32 s24, s28  }
.Ltmp3:
0x48d: {  	_ = 	snop;
	(pc) =	sbr.rel @p0 .LBB2_1-.Ltmp3, $3  }
0x48e: {  	_ =	sdelay $0x1  }
0x48f: {  	[sflag:s21] =	ssyncset.done $0x0  }
0x490: {  	[sflag:s21] =	ssyncadd.s32 $0xFFFFEC00  }
0x491: {  	_ =	sfence.sel $0x180000  }
0x492: {  	[bflag:$0x0] =	sbarrier.arrive $0xFFFF  }
0x493: {  	_ =	strace $0x9000004A  }
0x494: {  	s0 =	stileid.u32;
	[bflag:$0x2] =	sbarrier.arrive $0xFFFF  }
0x495: {  	p0 =	sne.s32 s0, $0x0;
	s0 =	rddreg [dreg:$0x2]  }
0x496: {  	s0 =	sadd.s32 @!p0 $0x100000, s0  }
0x497: {  	[sflag:s0] =	ssyncadd.tile.s32 @!p0 $0x1;
	_ =	shalt  }
.Lfunc_end2:
_tile_overlayer_lowered:
.L_overlay_start_2:
0x498: {  	(tag) =	ssettag $0x2  }
0x499: {  	s0 =	rddreg [dreg:$0x0];
	s2 =	stileid.u32  }
0x49a: {  	s1 =	rddreg [dreg:$0x1];
	p0 =	sne.s32 s2, $0x0  }
0x49b: {  	s3 =	rddreg [dreg:$0x2];
	[bflag:$0x3] =	sbarrier.arrive $0xFFFF;
	s2 =	simm.s32 @!p0 $0x1C06  }
0x49c: {  	[timem:s3], [sflag:s2] =	dma.local @!p0 [hbm:s0], s1  }
0x49d: {  	s0 =	simm.s32 @!p0 $0x6  }
0x49e: {  	_ =	swait.ge @!p0 [sflag:s0], s1  }
0x49f: {  	s1 =	ssub.s32 @!p0 $0x0, s1;
	[sflag:s0] =	ssyncset.done @!p0 $0x0  }
0x4a0: {  	[sflag:s0] =	ssyncadd.s32 @!p0 s1  }
0x4a1: {  	[bflag:$0x3] =	sbarrier.arrive $0xFFFF  }
0x4a2: {  	_ =	shalt  }

// kernel: kernel.8.cloned.1.call-start
scs
__scs_entry_jumppad:
0x0: {  	(pc) =	sbr.rel $0x88, $3  }
0x1: {  	(tag) =	ssettag $0x0;
	lr =	simm.s32 $0x1  }
0x2: {  	[smem:$0x3F8F] =	sst lr;
	_ =	strace $0xD0000000  }
0x3: {  	_ = 	snop  }
0x4: {  	_ = 	snop  }
0x5: {  	_ = 	snop  }
0x6: {  	_ = 	snop  }
0x7: {  	_ = 	snop  }
__scs_overlays_trampoline_lowered:
0x8: {  	[smem:$0x3F9E] =	sst s0  }
0x9: {  	[smem:$0x3F9F] =	sst s1  }
0xa: {  	[smem:$0x3FA0] =	sst s2  }
0xb: {  	[smem:$0x3FA1] =	sst s3  }
0xc: {  	[smem:$0x3FA2] =	sst s4  }
0xd: {  	[smem:$0x3FA3] =	sst s5  }
0xe: {  	[smem:$0x3FA4] =	sst s6  }
0xf: {  	[smem:$0x3FA5] =	sst s7  }
0x10: {  	[smem:$0x3FA6] =	sst s8  }
0x11: {  	[smem:$0x3FA7] =	sst s9;
	s0 =	simm.s32 @!p0 $0x0  }
0x12: {  	s1 =	sld [smem:$0x3F8D];
	s0 =	simm.s32 @p0 $0x1  }
0x13: {  	[smem:$0x3FA8] =	sst s0;
	s0 =	simm.s32 @!p1 $0x0  }
0x14: {  	s2 =	sld [smem:$0x3F8C];
	s0 =	simm.s32 @p1 $0x1  }
0x15: {  	[smem:$0x3FA9] =	sst s0;
	s0 =	simm.s32 @!p2 $0x0  }
0x16: {  	s3 =	sld [smem:$0x3FDB];
	s0 =	simm.s32 @p2 $0x1  }
0x17: {  	s4 =	simm.s32 $0x1BF5;
	[smem:$0x3FAB] =	sst s0  }
0x18: {  	s0 =	sld [smem:$0x3F8E];
	_ =	swait.ge [sflag:s4], $0x0  }
0x19: {  	s7 =	sld [smem:$0x3F8F]  }
0x1a: {  	s8 =	sadd.s32 $0xFFFFE003, lr  }
0x1b: {  	s9 =	sadd.s32 $0xFFFFFEF7, lr;
	s5 =	simm.s32 $0xFFFFFFFF;
	p2 =	slt.u32 s8, $0xFFFFF086  }
0x1c: {  	p1 =	slt.u32 s9, $0xF7A;
	s5 =	simm.s32 @!p2 $0x0  }
0x1d: {  	s5 =	simm.s32 @p1 $0x1;
	p0 =	seq.s32 s7, s2  }
0x1e: {  	s7 =	smul.u32 @!p0 $0xF7A, s2;
	p2 =	seq.s32 @!p0 s5, $0x0  }
0x1f: {  	s9 =	smul.u32 $0xF7A, s1;
	s8 =	simm.s32 @!p0 $0x1BF5;
	p2 =	por !p2, p0  }
0x20: {  	[sflag:s8] =	ssyncset.s32 @!p0 $0xFFFFF086;
	s6 =	sadd.s32 @!p0 s3, s7;
	s7 =	simm.s32 @!p0 $0x108  }
0x21: {  	s3 =	sadd.s32 s3, s9;
	s6 =	sadd.s32 @!p0 $0x88, s6;
	s7 =	simm.s32 @p2 $0x1082  }
0x22: {  	[simem:s7], [sflag:s8] =	dma.local @!p0 [hbm:s6], $0xF7A  }
0x23: {  	s9 =	sor.u32 $0xD0000000, s2;
	s6 =	simm.s32 $0x108;
	_ =	swait.ge @!p0 [sflag:s8], $0x0  }
0x24: {  	s3 =	sadd.s32 $0x88, s3;
	s6 =	simm.s32 @!p1 $0x1082;
	[sflag:s4] =	ssyncset.s32 $0xFFFFF086  }
0x25: {  	[simem:s6], [sflag:s4] =	dma.local [hbm:s3], $0xF7A  }
0x26: {  	[smem:$0x3F8F] =	sst s1;
	(tag) =	ssettag s2;
	_ =	strace s9  }
0x27: {  	s1 =	sld [smem:$0x3F9F]  }
0x28: {  	s2 =	sld [smem:$0x3FA0]  }
0x29: {  	s4 =	sld [smem:$0x3FA2]  }
0x2a: {  	p0 =	seq.s32 s5, $0x0;
	s5 =	sld [smem:$0x3FA3]  }
0x2b: {  	s6 =	sld [smem:$0x3FA4]  }
0x2c: {  	s7 =	sld [smem:$0x3FA5]  }
0x2d: {  	s3 =	simm.s32 $0x108;
	s8 =	sld [smem:$0x3FA6]  }
0x2e: {  	s3 =	simm.s32 @!p0 $0x1082;
	s9 =	sld [smem:$0x3FA7]  }
0x2f: {  	lr =	sadd.s32 s0, s3;
	s0 =	sld [smem:$0x3F9E]  }
0x30: {  	s3 =	sld [smem:$0x3FA1]  }
0x31: {  	[smem:$0x3FAA] =	sst s10  }
0x32: {  	s10 =	sld [smem:$0x3FA8];
	_ =	sdelay $0x3  }
0x33: {  	p0 =	seq.s32 s10, $0x1;
	s10 =	sld [smem:$0x3FAA];
	_ =	sdelay $0x3  }
0x34: {  	[smem:$0x3FAA] =	sst s10  }
0x35: {  	s10 =	sld [smem:$0x3FA9];
	_ =	sdelay $0x3  }
0x36: {  	p1 =	seq.s32 s10, $0x1;
	s10 =	sld [smem:$0x3FAA];
	_ =	sdelay $0x3  }
0x37: {  	[smem:$0x3FAA] =	sst s10  }
0x38: {  	s10 =	sld [smem:$0x3FAB]  }
0x39: {  	_ = 	snop;
	(pc) =	sbr.ind lr, $3  }
0x3a: {  	_ = 	snop  }
0x3b: {  	_ = 	snop  }
0x3c: {  	p2 =	seq.s32 s10, $0x1;
	s10 =	sld [smem:$0x3FAA]  }
0x3d: {  	_ =	shalt  }
0x3e: {  	_ =	shalt  }
0x3f: {  	_ =	shalt  }
0x40: {  	_ =	shalt  }
0x41: {  	_ =	shalt  }
0x42: {  	_ =	shalt  }
0x43: {  	_ =	shalt  }
0x44: {  	_ =	shalt  }
0x45: {  	_ =	shalt  }
0x46: {  	_ =	shalt  }
0x47: {  	_ =	shalt  }
0x48: {  	_ =	shalt  }
0x49: {  	_ =	shalt  }
0x4a: {  	_ =	shalt  }
0x4b: {  	_ =	shalt  }
0x4c: {  	_ =	shalt  }
0x4d: {  	_ =	shalt  }
0x4e: {  	_ =	shalt  }
0x4f: {  	_ =	shalt  }
0x50: {  	_ =	shalt  }
0x51: {  	_ =	shalt  }
0x52: {  	_ =	shalt  }
0x53: {  	_ =	shalt  }
0x54: {  	_ =	shalt  }
0x55: {  	_ =	shalt  }
0x56: {  	_ =	shalt  }
0x57: {  	_ =	shalt  }
0x58: {  	_ =	shalt  }
0x59: {  	_ =	shalt  }
0x5a: {  	_ =	shalt  }
0x5b: {  	_ =	shalt  }
0x5c: {  	_ =	shalt  }
0x5d: {  	_ =	shalt  }
0x5e: {  	_ =	shalt  }
0x5f: {  	_ =	shalt  }
0x60: {  	_ =	shalt  }
0x61: {  	_ =	shalt  }
0x62: {  	_ =	shalt  }
0x63: {  	_ =	shalt  }
0x64: {  	_ =	shalt  }
0x65: {  	_ =	shalt  }
0x66: {  	_ =	shalt  }
0x67: {  	_ =	shalt  }
0x68: {  	_ =	shalt  }
0x69: {  	_ =	shalt  }
0x6a: {  	_ =	shalt  }
0x6b: {  	_ =	shalt  }
0x6c: {  	_ =	shalt  }
0x6d: {  	_ =	shalt  }
0x6e: {  	_ =	shalt  }
0x6f: {  	_ =	shalt  }
0x70: {  	_ =	shalt  }
0x71: {  	_ =	shalt  }
0x72: {  	_ =	shalt  }
0x73: {  	_ =	shalt  }
0x74: {  	_ =	shalt  }
0x75: {  	_ =	shalt  }
0x76: {  	_ =	shalt  }
0x77: {  	_ =	shalt  }
0x78: {  	_ =	shalt  }
0x79: {  	_ =	shalt  }
0x7a: {  	_ =	shalt  }
0x7b: {  	_ =	shalt  }
0x7c: {  	_ =	shalt  }
0x7d: {  	_ =	shalt  }
0x7e: {  	_ =	shalt  }
0x7f: {  	_ =	shalt  }
0x80: {  	_ =	shalt  }
0x81: {  	_ =	shalt  }
0x82: {  	_ =	shalt  }
0x83: {  	_ =	shalt  }
0x84: {  	_ =	shalt  }
0x85: {  	_ =	shalt  }
0x86: {  	_ =	shalt  }
0x87: {  	_ =	shalt  }
.Lfunc_end0:
.L_simem_size_0:
called_computation_lowered:
.L_overlay_start_0:
0x88: {  	s2 =	sld [smem:$0x3FD9]  }
0x89: {  	s3 =	sld [smem:$0x3FFE];
	_ =	sdelay $0x1  }
0x8a: {  	s1 =	srdreg.scid  }
0x8b: {  	s0 =	sand.u32 $0x1, s1  }
0x8c: {  	s16 =	sshll.u32 s0, $0xA;
	s2 =	sadd.s32 s3, s2  }
0x8d: {  	s2 =	sadd.s32 s2, s16  }
0x8e: {  	[smem:$0x3FB6] =	sst s2  }
0x8f: {  	_ = 	snop  }
0x90: {  	(tm) =	ssettm $0x1  }
0x91: {  	s17 =	sld [smem:$0x3FFB];
	_ =	sdelay $0x3  }
0x92: {  	_ =	strace s17  }
0x93: {  	s2 =	sld [smem:$0x3FFC];
	_ =	sdelay $0x3  }
0x94: {  	_ =	strace s2  }
0x95: {  	s2 =	sld [smem:$0x3FFD];
	_ =	sdelay $0x3  }
0x96: {  	_ =	strace s2  }
0x97: {  	_ =	strace $0x8FFFFFFF  }
0x98: {  	s18 =	sld [smem:$0x3FDB];
	_ =	sdelay $0x1  }
0x99: {  	s19 =	simm.s32 $_scs_section_size  }
0x9a: {  	s4 =	simm.s32 $_size__tile_overlayer_lowered;
	s5 =	simm.s32 $_tile_overlayer_lowered  }
0x9b: {  	s22 =	simm.s32 $0x1BFF;
	s21 =	sshll.u32 s5, $0x1;
	s2 =	sadd.s32 s19, s18  }
0x9c: {  	s6 =	simm.s32 $0x0;
	s20 =	sshll.u32 s4, $0x1;
	s4 =	sadd.s32 s21, s2  }
0x9d: {  	[timem:s6], [sflag:s22] =	dma.local [hbm:s4], s20  }
0x9e: {  	_ =	swait.ge [sflag:s22], s20  }
0x9f: {  	s3 =	ssub.s32 $0x0, s20;
	[sflag:s22] =	ssyncset.done $0x0  }
0xa0: {  	[sflag:s22] =	ssyncadd.s32 s3;
	_ =	sdelay $0x1  }
0xa1: {  	s23 =	simm.s32 $0x1B8B  }
0xa2: {  	_ =	swait.ge [sflag:s23], $0x1  }
0xa3: {  	[sflag:s23] =	ssyncset.done $0x0  }
0xa4: {  	s25 =	simm.s32 $0x1B8E;
	s24 =	sld [smem:$0x3FFE];
	[sflag:s23] =	ssyncadd.s32 $0xFFFFFFFF  }
0xa5: {  	s26 =	simm.s32 $execute0_lowered;
	[smem:$0x3FD2] =	sst s25  }
0xa6: {  	s4 =	sshll.u32 s26, $0x1;
	_ =	strace $0x80000046;
	[dreg:$0x1] =	wrdreg $0xFFFFFFFF  }
0xa7: {  	s28 =	simm.s32 $_size_execute0_lowered;
	s2 =	sadd.s32 s2, s4;
	[dreg:$0x0] =	wrdreg $0x0  }
0xa8: {  	s4 =	sshll.u32 s28, $0x1;
	[dreg:$0x2] =	wrdreg s2  }
0xa9: {  	[dreg:$0x3] =	wrdreg s4  }
0xaa: {  	[dreg:$0x4] =	wrdreg $0xC0  }
0xab: {  	_ =	task [dreg:s6], $0x5FFFF  }
0xac: {  	[dreg:$0x1] =	wrdreg $0xFFFFFFFF  }
0xad: {  	[dreg:$0x0] =	wrdreg $0x60  }
0xae: {  	[dreg:$0x2] =	wrdreg s24  }
0xaf: {  	[dreg:$0x3] =	wrdreg $0x11A800  }
0xb0: {  	[dreg:$0x4] =	wrdreg $0x9  }
0xb1: {  	_ =	task.clear_ibuf [dreg:s6], $0x5FFFF;
	_ =	strace $0x90000046  }
0xb2: {  	s29 =	simm.s32 $0x9;
	_ =	strace $0x80000048  }
0xb3: {  	_ =	swait.ge [sflag:s29], $0x1  }
0xb4: {  	[sflag:s29] =	ssyncadd.s32 $0xFFFFFFFF  }
0xb5: {  	_ =	strace $0x90000048  }
0xb6: {  	_ =	sfence  }
0xb7: {  	s30 =	sld [smem:$0x0];
	_ =	sdelay $0x2  }
0xb8: {  	s31 =	sshll.u32 s1, $0xD;
	s1 =	sshrl.u32 s1, $0x2  }
0xb9: {  	s3 =	sand.u32 $0x4000, s31;
	s1 =	sadd.s32 s1, s30  }
0xba: {  	s0 =	sor.u32 s3, s0;
	s1 =	sshll.u32 s1, $0x11  }
0xbb: {  	s0 =	sor.u32 s1, s0  }
0xbc: {  	s0 =	sadd.s32 $0x8F2B, s0  }
0xbd: {  	[sflag:s0] =	ssyncadd.remote.s32 $0x1  }
0xbe: {  	_ =	sfence.sel $0xFFFF  }
0xbf: {  	[dreg:$0x0] =	wrdreg $0xFFFFFFFF;
	(pc) =	sbr.abs _section_cstart, $3  }
0xc0: {  	[dreg:$0x1] =	wrdreg $0xFFFFFFFF  }
0xc1: {  	_ =	task.clear_ibuf [dreg:s6], $0x2FFFF;
	_ =	strace $0x9FFFFFFF  }
0xc2: {  	(tm) =	ssettm $0x7FFFFFFF  }
0xc3: {  	_ =	shalt  }
tec
execute0_lowered:
.L_overlay_start_1:
0x0: {  	(tag) =	ssettag $0x1  }
0x1: {  	s0 =	rddreg [dreg:$0x0]  }
0x2: {  	s1 =	rddreg [dreg:$0x1]  }
0x3: {  	s2 =	simm.s32 $0x0;
	s3 =	srdreg.scid;
	s14 =	stileid.u32  }
0x4: {  	s29 =	simm.s32 $0x1;
	s30 =	simm.s32 $0x2;
	s31 =	simm.s32 $0x3  }
0x5: {  	[smem:$0x7FF] =	sst s2;
	s9 =	smul.u32 $0xA000, s14;
	s4 =	sadd.s32 $0x4F1A00, s0  }
0x6: {  	s3 =	sand.u32 $0x1, s3;
	s5 =	sadd.s32 $0x4E7C00, s0;
	s19 =	smul.u32 $0x271000, s14  }
0x7: {  	s20 =	sshll.u32 s14, $0x6;
	s6 =	smul.u32 $0x27100, s3;
	_ =	strace $0x80000047  }
0x8: {  	s7 =	smul.u32 $0xA0000, s3;
	s12 =	ssub.s32 $0x2, s3;
	s16 =	sor.u32 $0x1C06, s20  }
0x9: {  	s8 =	sshrl.u32 s9, $0x3;
	s13 =	sshrl.u32 s12, $0x1;
	[dreg:$0x4] =	wrdreg s16  }
0xa: {  	s10 =	sadd.s32 s6, s0;
	s6 =	sadd.s32 $0x597C00, s0;
	s11 =	sadd.s32 s8, s0  }
0xb: {  	s7 =	sadd.s32 s9, s7;
	s8 =	smul.u32 $0x2710000, s3;
	s18 =	ssub.s32 s12, s13  }
0xc: {  	s9 =	sadd.s32 s9, s1;
	s3 =	simm.s32 $0x4;
	s17 =	sshrl.u32 s7, $0x3  }
0xd: {  	s7 =	smul.u32 $0x4E20, s14;
	s11 =	sadd.s32 $0x5C00, s11;
	s13 =	sadd.s32 $0x549A00, s10  }
0xe: {  	s28 =	smax.u32 s18, $0x1;
	s0 =	sadd.s32 s17, s0;
	[dreg:$0x3] =	wrdreg s11  }
0xf: {  	[dreg:$0xb] =	wrdreg s28;
	s15 =	sshrl.u32 s7, $0x3;
	s0 =	sadd.s32 $0x19C00, s0  }
0x10: {  	s22 =	sadd.s32 s19, s8;
	s21 =	sadd.s32 s4, s15;
	[dreg:$0xa] =	wrdreg s0  }
0x11: {  	s11 =	sshrl.u32 s22, $0x3;
	s23 =	sadd.s32 s5, s15;
	[dreg:$0x5] =	wrdreg s21  }
0x12: {  	s24 =	sadd.s32 s6, s11;
	s25 =	sadd.s32 $0xA, s15;
	[dreg:$0x6] =	wrdreg s23  }
0x13: {  	s14 =	sadd.s32 $0x4FB800, s10;
	[dreg:$0x7] =	wrdreg s24;
	s26 =	sadd.s32 s4, s25  }
0x14: {  	s0 =	simm.s32 $0x5;
	s10 =	sadd.s32 s5, s25;
	[dreg:$0x8] =	wrdreg s26  }
0x15: {  	s21 =	simm.s32 $0x6;
	[dreg:$0x9] =	wrdreg s10;
	s10 =	sshrl.u32 s9, $0x3  }
0x16: {  	s23 =	simm.s32 $0x50;
	s24 =	simm.s32 $0x0;
	[dreg:$0xc] =	wrdreg s10  }
.LBB2_1:
0x17: {  	s9 =	rddreg [dreg:$0x3]  }
0x18: {  	[spmem:s10], [sflag:s16] =	dma.local [hbm:s9], $0x1400  }
0x19: {  	_ =	swait.ge [sflag:s21], $0x1400  }
0x1a: {  	[sflag:s21] =	ssyncset.done $0x0  }
0x1b: {  	[sflag:s21] =	ssyncadd.s32 $0xFFFFEC00  }
0x1c: {  	[bflag:$0x0] =	sbarrier.arrive $0xFFFF  }
0x1d: {  	s15 =	rddreg [dreg:$0x5]  }
0x1e: {  	[tilespmem:s2], [sflag:$0x6] =	stream.linear.gather [hbm4b:s15+s2], $0x50, $0x38;
	[tilespmem:$0x1BA80] =	vst v63  }
0x1f: {  	_ =	swait.ge [sflag:s21], $0x50  }
0x20: {  	[sflag:s21] =	ssyncset.done $0x0  }
0x21: {  	s17 =	simm.s32 $0x140;
	s16 =	rddreg [dreg:$0x6];
	[sflag:s21] =	ssyncadd.s32 $0xFFFFFFB0  }
0x22: {  	[tilespmem:s17], [sflag:$0x6] =	stream.linear.gather [hbm4b:s16+s2], $0x50, $0x38;
	[tilespmem:$0x1BA80] =	vst v63  }
0x23: {  	_ =	swait.ge [sflag:s21], $0x50  }
0x24: {  	[sflag:s21] =	ssyncset.done $0x0  }
0x25: {  	s18 =	simm.s32 $0x280;
	[sflag:s21] =	ssyncadd.s32 $0xFFFFFFB0  }
0x26: {  	[tilespmem:s18], [sflag:$0x1] =	stream.indirect.gather [hbm4b:s13+s23], $0x80, s2, s23, $0xb8;
	[tilespmem:$0x1BA80] =	vst v63  }
0x27: {  	s19 =	simm.s32 $0x5280  }
0x28: {  	[tilespmem:s19], [sflag:$0x2] =	stream.indirect.gather [hbm4b:s14+s23], $0x80, s17, s23, $0xb8;
	[tilespmem:$0x1BA80] =	vst v63  }
0x29: {  	s22 =	simm.s32 $0xA280;
	s20 =	rddreg [dreg:$0x7]  }
0x2a: {  	[tilespmem:s22], [sflag:$0x3] =	stream.linear.gather [hbm4b:s20+s2], $0x2800, $0x38;
	[tilespmem:$0x1BA80] =	vst v63  }
0x2b: {  	s25 =	rddreg [dreg:$0x8]  }
0x2c: {  	[tilespmem:s23], [sflag:$0x4] =	stream.linear.gather [hbm4b:s25+s2], $0x50, $0x38;
	[tilespmem:$0x1BA80] =	vst v63  }
0x2d: {  	s28 =	simm.s32 $0x190;
	s9 =	simm.s32 $0x0;
	s26 =	rddreg [dreg:$0x9]  }
0x2e: {  	[tilespmem:s28], [sflag:$0x4] =	stream.linear.gather [hbm4b:s26+s2], $0x50, $0x38;
	[tilespmem:$0x1BA80] =	vst v63  }
.LBB2_2:
0x2f: {  	p0 =	slt.u32 s9, $0x2  }
0x30: {  	p1 =	seq.s32 @!p0 s9, $0xF9  }
0x31: {  	p1 =	por p0, !p1  }
.Ltmp0:
0x32: {  	_ = 	snop;
	(pc) =	sbr.rel @!p1 .LBB2_4-.Ltmp0, $4  }
0x33: {  	s11 =	simm.s32 @!p0 $0x5  }
0x34: {  	_ =	swait.ge @!p0 [sflag:s11], $0x1400  }
0x35: {  	[sflag:s11] =	ssyncset.done @!p0 $0x0  }
0x36: {  	s10 =	sand.u32 $0x1, s9;
	s25 =	sadd.s32 $0x1, s9;
	[sflag:s11] =	ssyncadd.s32 @!p0 $0xFFFFEC00  }
0x37: {  	_ =	swait.ge [sflag:s3], $0x50  }
0x38: {  	[sflag:s3] =	ssyncset.done $0x0  }
0x39: {  	s11 =	sxor.u32 $0x1, s10;
	[sflag:s3] =	ssyncadd.s32 $0xFFFFFFB0  }
0x3a: {  	s12 =	sand.u32 $0x3, s25;
	s11 =	smul.u32 $0x2800, s11;
	_ =	swait.ge [sflag:s3], $0x50  }
0x3b: {  	s12 =	smul.u32 $0x50, s12;
	[sflag:s3] =	ssyncset.done $0x0  }
0x3c: {  	s16 =	smul.u32 $0x50, s25;
	s15 =	sor.u32 $0x280, s11;
	[sflag:s3] =	ssyncadd.s32 $0xFFFFFFB0  }
0x3d: {  	[tilespmem:s15], [sflag:$0x1] =	stream.indirect.gather [hbm4b:s13+s23], $0x80, s12, s23, $0xb8;
	[tilespmem:$0x1BA80] =	vst v63  }
0x3e: {  	s28 =	sadd.s32 s7, s16;
	s26 =	sadd.s32 $0x5280, s11;
	s12 =	sadd.s32 $0x140, s12  }
0x3f: {  	[tilespmem:s26], [sflag:$0x2] =	stream.indirect.gather [hbm4b:s14+s23], $0x80, s12, s23, $0xb8;
	[tilespmem:$0x1BA80] =	vst v63  }
0x40: {  	s12 =	sshll.u32 s28, $0x7  }
0x41: {  	s12 =	sadd.s32 s8, s12  }
0x42: {  	p0 =	sgt.u32 s9, $0xF7;
	s15 =	sadd.s32 $0x2, s9;
	s12 =	sshrl.u32 s12, $0x3  }
0x43: {  	s11 =	sadd.s32 $0xA280, s11;
	s16 =	smul.u32 @!p0 $0x50, s15;
	s12 =	sadd.s32 s6, s12  }
0x44: {  	[tilespmem:s11], [sflag:$0x3] =	stream.linear.gather [hbm4b:s12+s2], $0x2800, $0x38;
	[tilespmem:$0x1BA80] =	vst v63  }
0x45: {  	s11 =	sand.u32 $0x3, s15;
	s12 =	sadd.s32 @!p0 s7, s16  }
0x46: {  	s11 =	smul.u32 @!p0 $0x50, s11;
	s12 =	sshrl.u32 @!p0 s12, $0x3  }
0x47: {  	s16 =	simm.s32 @!p0 $0x0;
	s15 =	sadd.s32 @!p0 s4, s12  }
0x48: {  	[tilespmem:s11], [sflag:$0x4] =	stream.linear.gather @!p0 [hbm4b:s15+s16], $0x50, $0x38;
	[tilespmem:$0x1BA80] =	vst v63  }
0x49: {  	s12 =	sadd.s32 @!p0 s5, s12;
	s11 =	sadd.s32 @!p0 $0x140, s11  }
0x4a: {  	[tilespmem:s11], [sflag:$0x4] =	stream.linear.gather @!p0 [hbm4b:s12+s16], $0x50, $0x38;
	[tilespmem:$0x1BA80] =	vst v63  }
.LBB2_4:
0x4b: {  	_ =	swait.ge [sflag:s29], $0x2800  }
0x4c: {  	[sflag:s29] =	ssyncset.done $0x0  }
0x4d: {  	s11 =	smul.u32 $0x2800, s10;
	[sflag:s29] =	ssyncadd.s32 $0xFFFFD800  }
0x4e: {  	_ =	swait.ge [sflag:s30], $0x2800  }
0x4f: {  	s26 =	smul.u32 $0x5000, s10;
	s12 =	sor.u32 $0x280, s11;
	[sflag:s30] =	ssyncset.done $0x0  }
0x50: {  	s15 =	sadd.s32 $0x5280, s11;
	v0 =	vmov s12;
	[sflag:s30] =	ssyncadd.s32 $0xFFFFD800  }
0x51: {  	s10 =	sshrl.u32 s26, $0x2;
	v1 =	vmov s15;
	_ =	swait.ge [sflag:s31], $0x2800  }
0x52: {  	s11 =	sadd.s32 $0xA280, s11;
	s26 =	sadd.s32 $0xF280, s10;
	[sflag:s31] =	ssyncset.done $0x0  }
0x53: {  	s28 =	sand.u32 $0x3, s9;
	s22 =	simm.s32 $0x0;
	v2 =	vmov s11;
	v3 =	vmov s26;
	[sflag:s31] =	ssyncadd.s32 $0xFFFFD800  }
.LBB2_5:
0x54: {  	s10 =	sshll.u32 s22, $0x7  }
0x55: {  	v4 =	vld.idx.msk [tilespmem:v0+s10+$0x0 ss:$0x1], $0xffff  }
0x56: {  	v5 =	vld.idx.msk [tilespmem:v1+s10+$0x0 ss:$0x1], $0xffff;
	_ =	sdelay $0x1  }
0x57: {  	v6 =	vld.idx.msk [tilespmem:v2+s10+$0x0 ss:$0x1], $0xffff  }
0x58: {  	s9 =	sor.u32 $0x40, s10  }
0x59: {  	v7 =	vld.idx.msk [tilespmem:v0+s9+$0x0 ss:$0x1], $0xffff  }
0x5a: {  	v4 =	vadd.f32 v5, v4;
	v5 =	vld.idx.msk [tilespmem:v1+s9+$0x0 ss:$0x1], $0xffff;
	_ =	sdelay $0x1  }
0x5b: {  	v59 =	vld.idx.msk [tilespmem:v2+s9+$0x0 ss:$0x1], $0xffff;
	v4 =	vadd.f32 v6, v4;
	_ =	sdelay $0x1  }
0x5c: {  	v8 =	vand.u32 $0x7FFFFFFF, v4  }
0x5d: {  	v5 =	vadd.f32 v5, v7;
	v60 =	vsub.f32 $0.0e+00, v8;
	_ =	sdelay $0x1  }
0x5e: {  	v5 =	vadd.f32 v59, v5;
	v61 =	vmul.f32 $1.442695020e+00, v60;
	_ =	sdelay $0x1  }
0x5f: {  	(erf) = vpow2.f32 v61;
	v62 =	vand.u32 $0x7FFFFFFF, v5  }
0x60: {  	v6 =	vsub.f32 $0.0e+00, v62;
	_ =	sdelay $0x1  }
0x61: {  	v6 =	vmul.f32 $1.442695020e+00, v6;
	_ =	sdelay $0x1  }
0x62: {  	(erf) = vpow2.f32 v6;
	_ =	sdelay $0x3  }
0x63: {  	v63 =	vpop (erf)  }
0x64: {  	v11 =	vmul.f32 $1.044844690e-01, v63;
	_ =	sdelay $0x1  }
0x65: {  	v7 =	vsub.f32 $4.179378750e-01, v11;
	_ =	sdelay $0x1  }
0x66: {  	v7 =	vmul.f32 v7, v63;
	v12 =	vpop (erf)  }
0x67: {  	v9 =	vmul.f32 $5.437093230e-02, v12  }
0x68: {  	v7 =	vadd.f32 $-7.705729010e-01, v7  }
0x69: {  	v9 =	vsub.f32 $2.164487090e-01, v9  }
0x6a: {  	v7 =	vmul.f32 v7, v63  }
0x6b: {  	v9 =	vmul.f32 v9, v12  }
0x6c: {  	v7 =	vadd.f32 $9.534207580e-01, v7  }
0x6d: {  	v9 =	vadd.f32 $-4.650204480e-01, v9  }
0x6e: {  	v7 =	vmul.f32 v7, v63  }
0x6f: {  	v9 =	vmul.f32 v9, v12  }
0x70: {  	v7 =	vadd.f32 $-9.962757220e-01, v7  }
0x71: {  	v9 =	vadd.f32 $9.959657780e-01, v9  }
0x72: {  	v6 =	vmul.f32 v7, v63  }
0x73: {  	v13 =	vmul.f32 v9, v12  }
0x74: {  	v6 =	vadd.f32 $9.999489780e-01, v6  }
0x75: {  	v7 =	vadd.f32 $7.942077350e-05, v13  }
0x76: {  	v5 =	vmax.f32 v5, $0.0e+00;
	v14 =	vsub.f32 $1.000000000e+00, v6  }
0x77: {  	vm0 =	vge.f32 v4, $0.0e+00;
	v4 =	vadd.f32 v7, v5  }
0x78: {  	v5 =	vsel vm0, v6, v14  }
0x79: {  	s18 =	sshll.u32 s22, $0x6;
	v4 =	vmul.f32 v4, v5  }
0x7a: {  	s9 =	sand.u32 $0x3FFFFFC0, s18  }
0x7b: {  	s11 =	sor.u32 $0x10, s10;
	[tilespmem:v3+s9+$0x0 ss:$0x1] =	vst.idx.msk $0xffff, v4  }
0x7c: {  	v4 =	vld.idx.msk [tilespmem:v0+s11+$0x0 ss:$0x1], $0xffff  }
0x7d: {  	v5 =	vld.idx.msk [tilespmem:v1+s11+$0x0 ss:$0x1], $0xffff;
	_ =	sdelay $0x1  }
0x7e: {  	v15 =	vld.idx.msk [tilespmem:v2+s11+$0x0 ss:$0x1], $0xffff  }
0x7f: {  	s19 =	sor.u32 $0x50, s10  }
0x80: {  	v16 =	vld.idx.msk [tilespmem:v0+s19+$0x0 ss:$0x1], $0xffff  }
0x81: {  	v4 =	vadd.f32 v5, v4;
	v5 =	vld.idx.msk [tilespmem:v1+s19+$0x0 ss:$0x1], $0xffff;
	_ =	sdelay $0x1  }
0x82: {  	v17 =	vld.idx.msk [tilespmem:v2+s19+$0x0 ss:$0x1], $0xffff;
	v4 =	vadd.f32 v15, v4;
	_ =	sdelay $0x1  }
0x83: {  	v18 =	vand.u32 $0x7FFFFFFF, v4  }
0x84: {  	v5 =	vadd.f32 v5, v16;
	v19 =	vsub.f32 $0.0e+00, v18;
	_ =	sdelay $0x1  }
0x85: {  	v5 =	vadd.f32 v17, v5;
	v20 =	vmul.f32 $1.442695020e+00, v19;
	_ =	sdelay $0x1  }
0x86: {  	(erf) = vpow2.f32 v20;
	v21 =	vand.u32 $0x7FFFFFFF, v5  }
0x87: {  	v6 =	vsub.f32 $0.0e+00, v21;
	_ =	sdelay $0x1  }
0x88: {  	v6 =	vmul.f32 $1.442695020e+00, v6;
	_ =	sdelay $0x1  }
0x89: {  	(erf) = vpow2.f32 v6;
	_ =	sdelay $0x3  }
0x8a: {  	v22 =	vpop (erf)  }
0x8b: {  	v23 =	vmul.f32 $1.044844690e-01, v22;
	_ =	sdelay $0x1  }
0x8c: {  	v7 =	vsub.f32 $4.179378750e-01, v23;
	_ =	sdelay $0x1  }
0x8d: {  	v7 =	vmul.f32 v7, v22;
	v24 =	vpop (erf)  }
0x8e: {  	v25 =	vmul.f32 $5.437093230e-02, v24  }
0x8f: {  	v7 =	vadd.f32 $-7.705729010e-01, v7  }
0x90: {  	v9 =	vsub.f32 $2.164487090e-01, v25  }
0x91: {  	v7 =	vmul.f32 v7, v22  }
0x92: {  	v9 =	vmul.f32 v9, v24  }
0x93: {  	v7 =	vadd.f32 $9.534207580e-01, v7  }
0x94: {  	v9 =	vadd.f32 $-4.650204480e-01, v9  }
0x95: {  	v7 =	vmul.f32 v7, v22  }
0x96: {  	v9 =	vmul.f32 v9, v24  }
0x97: {  	v7 =	vadd.f32 $-9.962757220e-01, v7  }
0x98: {  	v9 =	vadd.f32 $9.959657780e-01, v9  }
0x99: {  	v6 =	vmul.f32 v7, v22  }
0x9a: {  	v26 =	vmul.f32 v9, v24  }
0x9b: {  	v6 =	vadd.f32 $9.999489780e-01, v6  }
0x9c: {  	v7 =	vadd.f32 $7.942077350e-05, v26  }
0x9d: {  	v5 =	vmax.f32 v5, $0.0e+00;
	v27 =	vsub.f32 $1.000000000e+00, v6  }
0x9e: {  	vm9 =	vge.f32 v4, $0.0e+00;
	v4 =	vadd.f32 v7, v5  }
0x9f: {  	v5 =	vsel vm9, v6, v27  }
0xa0: {  	v4 =	vmul.f32 v4, v5;
	_ =	sdelay $0x1  }
0xa1: {  	s20 =	sor.u32 $0x20, s10;
	[tilespmem:v3+s9+$0x10 ss:$0x1] =	vst.idx.msk $0xffff, v4  }
0xa2: {  	v4 =	vld.idx.msk [tilespmem:v0+s20+$0x0 ss:$0x1], $0xffff  }
0xa3: {  	v5 =	vld.idx.msk [tilespmem:v1+s20+$0x0 ss:$0x1], $0xffff;
	_ =	sdelay $0x1  }
0xa4: {  	v28 =	vld.idx.msk [tilespmem:v2+s20+$0x0 ss:$0x1], $0xffff  }
0xa5: {  	s12 =	sor.u32 $0x60, s10  }
0xa6: {  	v29 =	vld.idx.msk [tilespmem:v0+s12+$0x0 ss:$0x1], $0xffff  }
0xa7: {  	v4 =	vadd.f32 v5, v4;
	v5 =	vld.idx.msk [tilespmem:v1+s12+$0x0 ss:$0x1], $0xffff;
	_ =	sdelay $0x1  }
0xa8: {  	v30 =	vld.idx.msk [tilespmem:v2+s12+$0x0 ss:$0x1], $0xffff;
	v4 =	vadd.f32 v28, v4;
	_ =	sdelay $0x1  }
0xa9: {  	v31 =	vand.u32 $0x7FFFFFFF, v4  }
0xaa: {  	v5 =	vadd.f32 v5, v29;
	v32 =	vsub.f32 $0.0e+00, v31;
	_ =	sdelay $0x1  }
0xab: {  	v5 =	vadd.f32 v30, v5;
	v33 =	vmul.f32 $1.442695020e+00, v32;
	_ =	sdelay $0x1  }
0xac: {  	(erf) = vpow2.f32 v33;
	v34 =	vand.u32 $0x7FFFFFFF, v5  }
0xad: {  	v6 =	vsub.f32 $0.0e+00, v34;
	_ =	sdelay $0x1  }
0xae: {  	v6 =	vmul.f32 $1.442695020e+00, v6;
	_ =	sdelay $0x1  }
0xaf: {  	(erf) = vpow2.f32 v6;
	_ =	sdelay $0x3  }
0xb0: {  	v35 =	vpop (erf)  }
0xb1: {  	v36 =	vmul.f32 $1.044844690e-01, v35;
	_ =	sdelay $0x1  }
0xb2: {  	v7 =	vsub.f32 $4.179378750e-01, v36;
	_ =	sdelay $0x1  }
0xb3: {  	v7 =	vmul.f32 v7, v35;
	v37 =	vpop (erf)  }
0xb4: {  	v38 =	vmul.f32 $5.437093230e-02, v37  }
0xb5: {  	v7 =	vadd.f32 $-7.705729010e-01, v7  }
0xb6: {  	v9 =	vsub.f32 $2.164487090e-01, v38  }
0xb7: {  	v7 =	vmul.f32 v7, v35  }
0xb8: {  	v9 =	vmul.f32 v9, v37  }
0xb9: {  	v7 =	vadd.f32 $9.534207580e-01, v7  }
0xba: {  	v9 =	vadd.f32 $-4.650204480e-01, v9  }
0xbb: {  	v7 =	vmul.f32 v7, v35  }
0xbc: {  	v9 =	vmul.f32 v9, v37  }
0xbd: {  	v7 =	vadd.f32 $-9.962757220e-01, v7  }
0xbe: {  	v9 =	vadd.f32 $9.959657780e-01, v9  }
0xbf: {  	v6 =	vmul.f32 v7, v35  }
0xc0: {  	v39 =	vmul.f32 v9, v37  }
0xc1: {  	v6 =	vadd.f32 $9.999489780e-01, v6  }
0xc2: {  	v7 =	vadd.f32 $7.942077350e-05, v39  }
0xc3: {  	v5 =	vmax.f32 v5, $0.0e+00;
	v40 =	vsub.f32 $1.000000000e+00, v6  }
0xc4: {  	vm10 =	vge.f32 v4, $0.0e+00;
	v4 =	vadd.f32 v7, v5  }
0xc5: {  	s16 =	sor.u32 $0x1, s22;
	v5 =	vsel vm10, v6, v40  }
0xc6: {  	s15 =	sor.u32 $0x30, s10;
	s12 =	sor.u32 $0x70, s10;
	s10 =	sshll.u32 s16, $0x7;
	v4 =	vmul.f32 v4, v5  }
0xc7: {  	v44 =	vld.idx.msk [tilespmem:v0+s10+$0x0 ss:$0x1], $0xffff  }
0xc8: {  	v10 =	vld.idx.msk [tilespmem:v1+s10+$0x0 ss:$0x1], $0xffff;
	[tilespmem:v3+s9+$0x20 ss:$0x1] =	vst.idx.msk $0xffff, v4  }
0xc9: {  	v4 =	vld.idx.msk [tilespmem:v0+s15+$0x0 ss:$0x1], $0xffff  }
0xca: {  	v5 =	vld.idx.msk [tilespmem:v1+s15+$0x0 ss:$0x1], $0xffff  }
0xcb: {  	v42 =	vld.idx.msk [tilespmem:v0+s12+$0x0 ss:$0x1], $0xffff  }
0xcc: {  	v43 =	vld.idx.msk [tilespmem:v1+s12+$0x0 ss:$0x1], $0xffff  }
0xcd: {  	v41 =	vld.idx.msk [tilespmem:v2+s15+$0x0 ss:$0x1], $0xffff  }
0xce: {  	v11 =	vld.idx.msk [tilespmem:v2+s12+$0x0 ss:$0x1], $0xffff  }
0xcf: {  	v12 =	vld.idx.msk [tilespmem:v2+s10+$0x0 ss:$0x1], $0xffff  }
0xd0: {  	s17 =	sor.u32 $0x40, s10;
	v4 =	vadd.f32 v5, v4  }
0xd1: {  	v45 =	vld.idx.msk [tilespmem:v0+s17+$0x0 ss:$0x1], $0xffff;
	v7 =	vadd.f32 v43, v42  }
0xd2: {  	v47 =	vld.idx.msk [tilespmem:v1+s17+$0x0 ss:$0x1], $0xffff;
	v46 =	vadd.f32 v10, v44;
	v5 =	vadd.f32 v41, v4  }
0xd3: {  	v4 =	vadd.f32 v11, v7  }
0xd4: {  	v49 =	vld.idx.msk [tilespmem:v2+s17+$0x0 ss:$0x1], $0xffff;
	v10 =	vadd.f32 v12, v46;
	v48 =	vand.u32 $0x7FFFFFFF, v5  }
0xd5: {  	v11 =	vand.u32 $0x7FFFFFFF, v4;
	v7 =	vsub.f32 $0.0e+00, v48  }
0xd6: {  	v12 =	vand.u32 $0x7FFFFFFF, v10;
	v11 =	vsub.f32 $0.0e+00, v11  }
0xd7: {  	v8 =	vadd.f32 v47, v45;
	v50 =	vsub.f32 $0.0e+00, v12;
	v7 =	vmul.f32 $1.442695020e+00, v7  }
0xd8: {  	v11 =	vmul.f32 $1.442695020e+00, v11  }
0xd9: {  	v8 =	vadd.f32 v49, v8;
	v51 =	vmul.f32 $1.442695020e+00, v50;
	(erf) = vpow2.f32 v7  }
0xda: {  	(erf) = vpow2.f32 v11  }
0xdb: {  	v52 =	vand.u32 $0x7FFFFFFF, v8;
	(erf) = vpow2.f32 v51  }
0xdc: {  	v6 =	vsub.f32 $0.0e+00, v52;
	_ =	sdelay $0x1  }
0xdd: {  	v6 =	vmul.f32 $1.442695020e+00, v6;
	_ =	sdelay $0x1  }
0xde: {  	(erf) = vpow2.f32 v6;
	_ =	sdelay $0x1  }
0xdf: {  	v7 =	vpop (erf)  }
0xe0: {  	v6 =	vpop (erf)  }
0xe1: {  	v53 =	vpop (erf)  }
0xe2: {  	v54 =	vmul.f32 $1.044844690e-01, v53;
	_ =	sdelay $0x1  }
0xe3: {  	v11 =	vsub.f32 $4.179378750e-01, v54;
	_ =	sdelay $0x1  }
0xe4: {  	v55 =	vpop (erf);
	v11 =	vmul.f32 v11, v53  }
0xe5: {  	v13 =	vmul.f32 $5.437093230e-02, v55  }
0xe6: {  	v11 =	vadd.f32 $-7.705729010e-01, v11  }
0xe7: {  	v13 =	vsub.f32 $2.164487090e-01, v13  }
0xe8: {  	v11 =	vmul.f32 v11, v53  }
0xe9: {  	v13 =	vmul.f32 v13, v55  }
0xea: {  	v11 =	vadd.f32 $9.534207580e-01, v11  }
0xeb: {  	v13 =	vadd.f32 $-4.650204480e-01, v13  }
0xec: {  	v11 =	vmul.f32 v11, v53  }
0xed: {  	v13 =	vmul.f32 v13, v55  }
0xee: {  	v11 =	vadd.f32 $-9.962757220e-01, v11  }
0xef: {  	v13 =	vadd.f32 $9.959657780e-01, v13  }
0xf0: {  	v9 =	vmul.f32 v11, v53  }
0xf1: {  	v56 =	vmul.f32 v13, v55  }
0xf2: {  	v9 =	vadd.f32 $9.999489780e-01, v9  }
0xf3: {  	v11 =	vadd.f32 $7.942077350e-05, v56  }
0xf4: {  	v8 =	vmax.f32 v8, $0.0e+00;
	v57 =	vsub.f32 $1.000000000e+00, v9  }
0xf5: {  	vm11 =	vge.f32 v10, $0.0e+00;
	v8 =	vadd.f32 v11, v8  }
0xf6: {  	v9 =	vsel vm11, v9, v57  }
0xf7: {  	s11 =	sshll.u32 s16, $0x6;
	v8 =	vmul.f32 v8, v9  }
0xf8: {  	s11 =	sand.u32 $0x3FFFFFC0, s11  }
0xf9: {  	s18 =	sor.u32 $0x10, s10;
	[tilespmem:v3+s11+$0x0 ss:$0x1] =	vst.idx.msk $0xffff, v8  }
0xfa: {  	v8 =	vld.idx.msk [tilespmem:v0+s18+$0x0 ss:$0x1], $0xffff  }
0xfb: {  	v58 =	vld.idx.msk [tilespmem:v1+s18+$0x0 ss:$0x1], $0xffff;
	_ =	sdelay $0x1  }
0xfc: {  	v59 =	vld.idx.msk [tilespmem:v2+s18+$0x0 ss:$0x1], $0xffff  }
0xfd: {  	s19 =	sor.u32 $0x50, s10  }
0xfe: {  	v60 =	vld.idx.msk [tilespmem:v0+s19+$0x0 ss:$0x1], $0xffff  }
0xff: {  	v61 =	vld.idx.msk [tilespmem:v1+s19+$0x0 ss:$0x1], $0xffff;
	v8 =	vadd.f32 v58, v8;
	_ =	sdelay $0x1  }
0x100: {  	v62 =	vld.idx.msk [tilespmem:v2+s19+$0x0 ss:$0x1], $0xffff;
	v8 =	vadd.f32 v59, v8;
	_ =	sdelay $0x1  }
0x101: {  	v63 =	vand.u32 $0x7FFFFFFF, v8  }
0x102: {  	v9 =	vadd.f32 v61, v60;
	v14 =	vsub.f32 $0.0e+00, v63;
	_ =	sdelay $0x1  }
0x103: {  	v9 =	vadd.f32 v62, v9;
	v15 =	vmul.f32 $1.442695020e+00, v14;
	_ =	sdelay $0x1  }
0x104: {  	v16 =	vand.u32 $0x7FFFFFFF, v9;
	(erf) = vpow2.f32 v15  }
0x105: {  	v10 =	vsub.f32 $0.0e+00, v16;
	_ =	sdelay $0x1  }
0x106: {  	v10 =	vmul.f32 $1.442695020e+00, v10;
	_ =	sdelay $0x1  }
0x107: {  	(erf) = vpow2.f32 v10;
	_ =	sdelay $0x3  }
0x108: {  	v17 =	vpop (erf)  }
0x109: {  	v18 =	vmul.f32 $1.044844690e-01, v17;
	_ =	sdelay $0x1  }
0x10a: {  	v11 =	vsub.f32 $4.179378750e-01, v18;
	_ =	sdelay $0x1  }
0x10b: {  	v19 =	vpop (erf);
	v11 =	vmul.f32 v11, v17  }
0x10c: {  	v20 =	vmul.f32 $5.437093230e-02, v19  }
0x10d: {  	v11 =	vadd.f32 $-7.705729010e-01, v11  }
0x10e: {  	v13 =	vsub.f32 $2.164487090e-01, v20  }
0x10f: {  	v11 =	vmul.f32 v11, v17  }
0x110: {  	v13 =	vmul.f32 v13, v19  }
0x111: {  	v11 =	vadd.f32 $9.534207580e-01, v11  }
0x112: {  	v13 =	vadd.f32 $-4.650204480e-01, v13  }
0x113: {  	v11 =	vmul.f32 v11, v17  }
0x114: {  	v13 =	vmul.f32 v13, v19  }
0x115: {  	v11 =	vadd.f32 $-9.962757220e-01, v11  }
0x116: {  	v13 =	vadd.f32 $9.959657780e-01, v13  }
0x117: {  	v10 =	vmul.f32 v11, v17  }
0x118: {  	v21 =	vmul.f32 v13, v19  }
0x119: {  	v10 =	vadd.f32 $9.999489780e-01, v10  }
0x11a: {  	v11 =	vadd.f32 $7.942077350e-05, v21  }
0x11b: {  	v9 =	vmax.f32 v9, $0.0e+00;
	v22 =	vsub.f32 $1.000000000e+00, v10  }
0x11c: {  	vm12 =	vge.f32 v8, $0.0e+00;
	v23 =	vadd.f32 v11, v9  }
0x11d: {  	v24 =	vsel vm12, v10, v22  }
0x11e: {  	v8 =	vmul.f32 v23, v24;
	_ =	sdelay $0x1  }
0x11f: {  	s20 =	sor.u32 $0x20, s10;
	[tilespmem:v3+s11+$0x10 ss:$0x1] =	vst.idx.msk $0xffff, v8  }
0x120: {  	v8 =	vld.idx.msk [tilespmem:v0+s20+$0x0 ss:$0x1], $0xffff  }
0x121: {  	v25 =	vld.idx.msk [tilespmem:v1+s20+$0x0 ss:$0x1], $0xffff;
	_ =	sdelay $0x1  }
0x122: {  	v26 =	vld.idx.msk [tilespmem:v2+s20+$0x0 ss:$0x1], $0xffff  }
0x123: {  	s15 =	sor.u32 $0x60, s10  }
0x124: {  	v27 =	vld.idx.msk [tilespmem:v0+s15+$0x0 ss:$0x1], $0xffff  }
0x125: {  	v28 =	vld.idx.msk [tilespmem:v1+s15+$0x0 ss:$0x1], $0xffff;
	v8 =	vadd.f32 v25, v8;
	_ =	sdelay $0x1  }
0x126: {  	v29 =	vld.idx.msk [tilespmem:v2+s15+$0x0 ss:$0x1], $0xffff;
	v8 =	vadd.f32 v26, v8;
	_ =	sdelay $0x1  }
0x127: {  	v30 =	vand.u32 $0x7FFFFFFF, v8  }
0x128: {  	v9 =	vadd.f32 v28, v27;
	v31 =	vsub.f32 $0.0e+00, v30;
	_ =	sdelay $0x1  }
0x129: {  	v9 =	vadd.f32 v29, v9;
	v32 =	vmul.f32 $1.442695020e+00, v31;
	_ =	sdelay $0x1  }
0x12a: {  	v33 =	vand.u32 $0x7FFFFFFF, v9;
	(erf) = vpow2.f32 v32  }
0x12b: {  	v10 =	vsub.f32 $0.0e+00, v33;
	_ =	sdelay $0x1  }
0x12c: {  	v10 =	vmul.f32 $1.442695020e+00, v10;
	_ =	sdelay $0x1  }
0x12d: {  	(erf) = vpow2.f32 v10;
	_ =	sdelay $0x3  }
0x12e: {  	v34 =	vpop (erf)  }
0x12f: {  	v35 =	vmul.f32 $1.044844690e-01, v34;
	_ =	sdelay $0x1  }
0x130: {  	v11 =	vsub.f32 $4.179378750e-01, v35;
	_ =	sdelay $0x1  }
0x131: {  	v36 =	vpop (erf);
	v11 =	vmul.f32 v11, v34  }
0x132: {  	v37 =	vmul.f32 $5.437093230e-02, v36  }
0x133: {  	v11 =	vadd.f32 $-7.705729010e-01, v11  }
0x134: {  	v13 =	vsub.f32 $2.164487090e-01, v37  }
0x135: {  	v11 =	vmul.f32 v11, v34  }
0x136: {  	v13 =	vmul.f32 v13, v36  }
0x137: {  	v11 =	vadd.f32 $9.534207580e-01, v11  }
0x138: {  	v13 =	vadd.f32 $-4.650204480e-01, v13  }
0x139: {  	v11 =	vmul.f32 v11, v34  }
0x13a: {  	v13 =	vmul.f32 v13, v36  }
0x13b: {  	v11 =	vadd.f32 $-9.962757220e-01, v11  }
0x13c: {  	v13 =	vadd.f32 $9.959657780e-01, v13  }
0x13d: {  	v10 =	vmul.f32 v11, v34  }
0x13e: {  	v38 =	vmul.f32 v13, v36  }
0x13f: {  	v10 =	vadd.f32 $9.999489780e-01, v10  }
0x140: {  	v11 =	vadd.f32 $7.942077350e-05, v38  }
0x141: {  	v9 =	vmax.f32 v9, $0.0e+00;
	v39 =	vsub.f32 $1.000000000e+00, v10  }
0x142: {  	vm13 =	vge.f32 v8, $0.0e+00;
	v40 =	vadd.f32 v11, v9  }
0x143: {  	s17 =	sor.u32 $0x2, s22;
	v41 =	vsel vm13, v10, v39  }
0x144: {  	s16 =	sor.u32 $0x30, s10;
	s15 =	sor.u32 $0x70, s10;
	s10 =	sshll.u32 s17, $0x7;
	v8 =	vmul.f32 v40, v41  }
0x145: {  	v46 =	vld.idx.msk [tilespmem:v0+s10+$0x0 ss:$0x1], $0xffff  }
0x146: {  	v14 =	vld.idx.msk [tilespmem:v1+s10+$0x0 ss:$0x1], $0xffff;
	[tilespmem:v3+s11+$0x20 ss:$0x1] =	vst.idx.msk $0xffff, v8  }
0x147: {  	v8 =	vld.idx.msk [tilespmem:v0+s16+$0x0 ss:$0x1], $0xffff  }
0x148: {  	v42 =	vld.idx.msk [tilespmem:v1+s16+$0x0 ss:$0x1], $0xffff  }
0x149: {  	v44 =	vld.idx.msk [tilespmem:v0+s15+$0x0 ss:$0x1], $0xffff  }
0x14a: {  	v45 =	vld.idx.msk [tilespmem:v1+s15+$0x0 ss:$0x1], $0xffff  }
0x14b: {  	v43 =	vld.idx.msk [tilespmem:v2+s16+$0x0 ss:$0x1], $0xffff  }
0x14c: {  	v15 =	vld.idx.msk [tilespmem:v2+s15+$0x0 ss:$0x1], $0xffff  }
0x14d: {  	v16 =	vld.idx.msk [tilespmem:v2+s10+$0x0 ss:$0x1], $0xffff  }
0x14e: {  	s18 =	sor.u32 $0x40, s10;
	v8 =	vadd.f32 v42, v8  }
0x14f: {  	v47 =	vld.idx.msk [tilespmem:v0+s18+$0x0 ss:$0x1], $0xffff;
	v11 =	vadd.f32 v45, v44  }
0x150: {  	v49 =	vld.idx.msk [tilespmem:v1+s18+$0x0 ss:$0x1], $0xffff;
	v48 =	vadd.f32 v14, v46;
	v9 =	vadd.f32 v43, v8  }
0x151: {  	v8 =	vadd.f32 v15, v11  }
0x152: {  	v51 =	vld.idx.msk [tilespmem:v2+s18+$0x0 ss:$0x1], $0xffff;
	v14 =	vadd.f32 v16, v48;
	v50 =	vand.u32 $0x7FFFFFFF, v9  }
0x153: {  	v15 =	vand.u32 $0x7FFFFFFF, v8;
	v11 =	vsub.f32 $0.0e+00, v50  }
0x154: {  	v16 =	vand.u32 $0x7FFFFFFF, v14;
	v15 =	vsub.f32 $0.0e+00, v15  }
0x155: {  	v12 =	vadd.f32 v49, v47;
	v52 =	vsub.f32 $0.0e+00, v16;
	v11 =	vmul.f32 $1.442695020e+00, v11  }
0x156: {  	v15 =	vmul.f32 $1.442695020e+00, v15  }
0x157: {  	v12 =	vadd.f32 v51, v12;
	v53 =	vmul.f32 $1.442695020e+00, v52;
	(erf) = vpow2.f32 v11  }
0x158: {  	(erf) = vpow2.f32 v15  }
0x159: {  	v54 =	vand.u32 $0x7FFFFFFF, v12;
	(erf) = vpow2.f32 v53  }
0x15a: {  	v10 =	vsub.f32 $0.0e+00, v54;
	_ =	sdelay $0x1  }
0x15b: {  	v10 =	vmul.f32 $1.442695020e+00, v10;
	_ =	sdelay $0x1  }
0x15c: {  	(erf) = vpow2.f32 v10;
	_ =	sdelay $0x1  }
0x15d: {  	v11 =	vpop (erf)  }
0x15e: {  	v10 =	vpop (erf)  }
0x15f: {  	v55 =	vpop (erf)  }
0x160: {  	v56 =	vmul.f32 $1.044844690e-01, v55;
	_ =	sdelay $0x1  }
0x161: {  	v15 =	vsub.f32 $4.179378750e-01, v56;
	_ =	sdelay $0x1  }
0x162: {  	v57 =	vpop (erf);
	v15 =	vmul.f32 v15, v55  }
0x163: {  	v17 =	vmul.f32 $5.437093230e-02, v57  }
0x164: {  	v15 =	vadd.f32 $-7.705729010e-01, v15  }
0x165: {  	v17 =	vsub.f32 $2.164487090e-01, v17  }
0x166: {  	v15 =	vmul.f32 v15, v55  }
0x167: {  	v17 =	vmul.f32 v17, v57  }
0x168: {  	v15 =	vadd.f32 $9.534207580e-01, v15  }
0x169: {  	v17 =	vadd.f32 $-4.650204480e-01, v17  }
0x16a: {  	v15 =	vmul.f32 v15, v55  }
0x16b: {  	v17 =	vmul.f32 v17, v57  }
0x16c: {  	v15 =	vadd.f32 $-9.962757220e-01, v15  }
0x16d: {  	v17 =	vadd.f32 $9.959657780e-01, v17  }
0x16e: {  	v13 =	vmul.f32 v15, v55  }
0x16f: {  	v58 =	vmul.f32 v17, v57  }
0x170: {  	v13 =	vadd.f32 $9.999489780e-01, v13  }
0x171: {  	v15 =	vadd.f32 $7.942077350e-05, v58  }
0x172: {  	v12 =	vmax.f32 v12, $0.0e+00;
	v59 =	vsub.f32 $1.000000000e+00, v13  }
0x173: {  	vm14 =	vge.f32 v14, $0.0e+00;
	v12 =	vadd.f32 v15, v12  }
0x174: {  	v13 =	vsel vm14, v13, v59  }
0x175: {  	s12 =	sshll.u32 s17, $0x6;
	v12 =	vmul.f32 v12, v13  }
0x176: {  	s12 =	sand.u32 $0x3FFFFFC0, s12  }
0x177: {  	s19 =	sor.u32 $0x10, s10;
	[tilespmem:v3+s12+$0x0 ss:$0x1] =	vst.idx.msk $0xffff, v12  }
0x178: {  	v12 =	vld.idx.msk [tilespmem:v0+s19+$0x0 ss:$0x1], $0xffff  }
0x179: {  	v60 =	vld.idx.msk [tilespmem:v1+s19+$0x0 ss:$0x1], $0xffff;
	_ =	sdelay $0x1  }
0x17a: {  	v61 =	vld.idx.msk [tilespmem:v2+s19+$0x0 ss:$0x1], $0xffff  }
0x17b: {  	s20 =	sor.u32 $0x50, s10  }
0x17c: {  	v62 =	vld.idx.msk [tilespmem:v0+s20+$0x0 ss:$0x1], $0xffff  }
0x17d: {  	v63 =	vld.idx.msk [tilespmem:v1+s20+$0x0 ss:$0x1], $0xffff;
	v12 =	vadd.f32 v60, v12;
	_ =	sdelay $0x1  }
0x17e: {  	v20 =	vld.idx.msk [tilespmem:v2+s20+$0x0 ss:$0x1], $0xffff;
	v12 =	vadd.f32 v61, v12;
	_ =	sdelay $0x1  }
0x17f: {  	v21 =	vand.u32 $0x7FFFFFFF, v12  }
0x180: {  	v13 =	vadd.f32 v63, v62;
	v22 =	vsub.f32 $0.0e+00, v21;
	_ =	sdelay $0x1  }
0x181: {  	v13 =	vadd.f32 v20, v13;
	v23 =	vmul.f32 $1.442695020e+00, v22;
	_ =	sdelay $0x1  }
0x182: {  	v24 =	vand.u32 $0x7FFFFFFF, v13;
	(erf) = vpow2.f32 v23  }
0x183: {  	v14 =	vsub.f32 $0.0e+00, v24;
	_ =	sdelay $0x1  }
0x184: {  	v14 =	vmul.f32 $1.442695020e+00, v14;
	_ =	sdelay $0x1  }
0x185: {  	(erf) = vpow2.f32 v14;
	_ =	sdelay $0x3  }
0x186: {  	v25 =	vpop (erf)  }
0x187: {  	v26 =	vmul.f32 $1.044844690e-01, v25;
	_ =	sdelay $0x1  }
0x188: {  	v15 =	vsub.f32 $4.179378750e-01, v26;
	_ =	sdelay $0x1  }
0x189: {  	v27 =	vpop (erf);
	v15 =	vmul.f32 v15, v25  }
0x18a: {  	v28 =	vmul.f32 $5.437093230e-02, v27  }
0x18b: {  	v15 =	vadd.f32 $-7.705729010e-01, v15  }
0x18c: {  	v17 =	vsub.f32 $2.164487090e-01, v28  }
0x18d: {  	v15 =	vmul.f32 v15, v25  }
0x18e: {  	v17 =	vmul.f32 v17, v27  }
0x18f: {  	v15 =	vadd.f32 $9.534207580e-01, v15  }
0x190: {  	v17 =	vadd.f32 $-4.650204480e-01, v17  }
0x191: {  	v15 =	vmul.f32 v15, v25  }
0x192: {  	v17 =	vmul.f32 v17, v27  }
0x193: {  	v15 =	vadd.f32 $-9.962757220e-01, v15  }
0x194: {  	v17 =	vadd.f32 $9.959657780e-01, v17  }
0x195: {  	v14 =	vmul.f32 v15, v25  }
0x196: {  	v29 =	vmul.f32 v17, v27  }
0x197: {  	v14 =	vadd.f32 $9.999489780e-01, v14  }
0x198: {  	v15 =	vadd.f32 $7.942077350e-05, v29  }
0x199: {  	v13 =	vmax.f32 v13, $0.0e+00;
	v30 =	vsub.f32 $1.000000000e+00, v14  }
0x19a: {  	vm15 =	vge.f32 v12, $0.0e+00;
	v31 =	vadd.f32 v15, v13  }
0x19b: {  	v32 =	vsel vm15, v14, v30  }
0x19c: {  	v12 =	vmul.f32 v31, v32;
	_ =	sdelay $0x1  }
0x19d: {  	s16 =	sor.u32 $0x20, s10;
	[tilespmem:v3+s12+$0x10 ss:$0x1] =	vst.idx.msk $0xffff, v12  }
0x19e: {  	v12 =	vld.idx.msk [tilespmem:v0+s16+$0x0 ss:$0x1], $0xffff  }
0x19f: {  	v33 =	vld.idx.msk [tilespmem:v1+s16+$0x0 ss:$0x1], $0xffff;
	_ =	sdelay $0x1  }
0x1a0: {  	v34 =	vld.idx.msk [tilespmem:v2+s16+$0x0 ss:$0x1], $0xffff  }
0x1a1: {  	s17 =	sor.u32 $0x60, s10  }
0x1a2: {  	v35 =	vld.idx.msk [tilespmem:v0+s17+$0x0 ss:$0x1], $0xffff  }
0x1a3: {  	v36 =	vld.idx.msk [tilespmem:v1+s17+$0x0 ss:$0x1], $0xffff;
	v12 =	vadd.f32 v33, v12;
	_ =	sdelay $0x1  }
0x1a4: {  	v37 =	vld.idx.msk [tilespmem:v2+s17+$0x0 ss:$0x1], $0xffff;
	v12 =	vadd.f32 v34, v12;
	_ =	sdelay $0x1  }
0x1a5: {  	v38 =	vand.u32 $0x7FFFFFFF, v12  }
0x1a6: {  	v13 =	vadd.f32 v36, v35;
	v39 =	vsub.f32 $0.0e+00, v38;
	_ =	sdelay $0x1  }
0x1a7: {  	v13 =	vadd.f32 v37, v13;
	v40 =	vmul.f32 $1.442695020e+00, v39;
	_ =	sdelay $0x1  }
0x1a8: {  	v41 =	vand.u32 $0x7FFFFFFF, v13;
	(erf) = vpow2.f32 v40  }
0x1a9: {  	v14 =	vsub.f32 $0.0e+00, v41;
	_ =	sdelay $0x1  }
0x1aa: {  	v14 =	vmul.f32 $1.442695020e+00, v14;
	_ =	sdelay $0x1  }
0x1ab: {  	(erf) = vpow2.f32 v14;
	_ =	sdelay $0x3  }
0x1ac: {  	v42 =	vpop (erf)  }
0x1ad: {  	v43 =	vmul.f32 $1.044844690e-01, v42;
	_ =	sdelay $0x1  }
0x1ae: {  	v15 =	vsub.f32 $4.179378750e-01, v43;
	_ =	sdelay $0x1  }
0x1af: {  	v44 =	vpop (erf);
	v15 =	vmul.f32 v15, v42  }
0x1b0: {  	v45 =	vmul.f32 $5.437093230e-02, v44  }
0x1b1: {  	v15 =	vadd.f32 $-7.705729010e-01, v15  }
0x1b2: {  	v17 =	vsub.f32 $2.164487090e-01, v45  }
0x1b3: {  	v15 =	vmul.f32 v15, v42  }
0x1b4: {  	v17 =	vmul.f32 v17, v44  }
0x1b5: {  	v15 =	vadd.f32 $9.534207580e-01, v15  }
0x1b6: {  	v17 =	vadd.f32 $-4.650204480e-01, v17  }
0x1b7: {  	v15 =	vmul.f32 v15, v42  }
0x1b8: {  	v17 =	vmul.f32 v17, v44  }
0x1b9: {  	v15 =	vadd.f32 $-9.962757220e-01, v15  }
0x1ba: {  	v17 =	vadd.f32 $9.959657780e-01, v17  }
0x1bb: {  	v14 =	vmul.f32 v15, v42  }
0x1bc: {  	v46 =	vmul.f32 v17, v44  }
0x1bd: {  	v14 =	vadd.f32 $9.999489780e-01, v14  }
0x1be: {  	v15 =	vadd.f32 $7.942077350e-05, v46  }
0x1bf: {  	v13 =	vmax.f32 v13, $0.0e+00;
	v47 =	vsub.f32 $1.000000000e+00, v14  }
0x1c0: {  	vm4 =	vge.f32 v12, $0.0e+00;
	v48 =	vadd.f32 v15, v13  }
0x1c1: {  	s19 =	sor.u32 $0x3, s22;
	v49 =	vsel vm4, v14, v47  }
0x1c2: {  	s18 =	sor.u32 $0x30, s10;
	s16 =	sor.u32 $0x70, s10;
	s10 =	sshll.u32 s19, $0x7;
	v12 =	vmul.f32 v48, v49  }
0x1c3: {  	v54 =	vld.idx.msk [tilespmem:v0+s10+$0x0 ss:$0x1], $0xffff  }
0x1c4: {  	v18 =	vld.idx.msk [tilespmem:v1+s10+$0x0 ss:$0x1], $0xffff;
	[tilespmem:v3+s12+$0x20 ss:$0x1] =	vst.idx.msk $0xffff, v12  }
0x1c5: {  	v12 =	vld.idx.msk [tilespmem:v0+s18+$0x0 ss:$0x1], $0xffff  }
0x1c6: {  	v50 =	vld.idx.msk [tilespmem:v1+s18+$0x0 ss:$0x1], $0xffff  }
0x1c7: {  	v52 =	vld.idx.msk [tilespmem:v0+s16+$0x0 ss:$0x1], $0xffff  }
0x1c8: {  	v53 =	vld.idx.msk [tilespmem:v1+s16+$0x0 ss:$0x1], $0xffff  }
0x1c9: {  	v51 =	vld.idx.msk [tilespmem:v2+s18+$0x0 ss:$0x1], $0xffff  }
0x1ca: {  	v19 =	vld.idx.msk [tilespmem:v2+s16+$0x0 ss:$0x1], $0xffff  }
0x1cb: {  	v20 =	vld.idx.msk [tilespmem:v2+s10+$0x0 ss:$0x1], $0xffff  }
0x1cc: {  	s20 =	sor.u32 $0x40, s10;
	v12 =	vadd.f32 v50, v12  }
0x1cd: {  	v55 =	vld.idx.msk [tilespmem:v0+s20+$0x0 ss:$0x1], $0xffff;
	v15 =	vadd.f32 v53, v52  }
0x1ce: {  	v57 =	vld.idx.msk [tilespmem:v1+s20+$0x0 ss:$0x1], $0xffff;
	v56 =	vadd.f32 v18, v54;
	v13 =	vadd.f32 v51, v12  }
0x1cf: {  	v12 =	vadd.f32 v19, v15  }
0x1d0: {  	v59 =	vld.idx.msk [tilespmem:v2+s20+$0x0 ss:$0x1], $0xffff;
	v18 =	vadd.f32 v20, v56;
	v58 =	vand.u32 $0x7FFFFFFF, v13  }
0x1d1: {  	v19 =	vand.u32 $0x7FFFFFFF, v12;
	v15 =	vsub.f32 $0.0e+00, v58  }
0x1d2: {  	v20 =	vand.u32 $0x7FFFFFFF, v18;
	v19 =	vsub.f32 $0.0e+00, v19  }
0x1d3: {  	v16 =	vadd.f32 v57, v55;
	v60 =	vsub.f32 $0.0e+00, v20;
	v15 =	vmul.f32 $1.442695020e+00, v15  }
0x1d4: {  	v19 =	vmul.f32 $1.442695020e+00, v19  }
0x1d5: {  	v16 =	vadd.f32 v59, v16;
	v61 =	vmul.f32 $1.442695020e+00, v60;
	(erf) = vpow2.f32 v15  }
0x1d6: {  	(erf) = vpow2.f32 v19  }
0x1d7: {  	v62 =	vand.u32 $0x7FFFFFFF, v16;
	(erf) = vpow2.f32 v61  }
0x1d8: {  	v14 =	vsub.f32 $0.0e+00, v62;
	_ =	sdelay $0x1  }
0x1d9: {  	v14 =	vmul.f32 $1.442695020e+00, v14;
	_ =	sdelay $0x1  }
0x1da: {  	(erf) = vpow2.f32 v14;
	_ =	sdelay $0x1  }
0x1db: {  	v15 =	vpop (erf)  }
0x1dc: {  	v14 =	vpop (erf)  }
0x1dd: {  	v63 =	vpop (erf)  }
0x1de: {  	v24 =	vmul.f32 $1.044844690e-01, v63;
	_ =	sdelay $0x1  }
0x1df: {  	v19 =	vsub.f32 $4.179378750e-01, v24;
	_ =	sdelay $0x1  }
0x1e0: {  	v25 =	vpop (erf);
	v19 =	vmul.f32 v19, v63  }
0x1e1: {  	v21 =	vmul.f32 $5.437093230e-02, v25  }
0x1e2: {  	v19 =	vadd.f32 $-7.705729010e-01, v19  }
0x1e3: {  	v21 =	vsub.f32 $2.164487090e-01, v21  }
0x1e4: {  	v19 =	vmul.f32 v19, v63  }
0x1e5: {  	v21 =	vmul.f32 v21, v25  }
0x1e6: {  	v19 =	vadd.f32 $9.534207580e-01, v19  }
0x1e7: {  	v21 =	vadd.f32 $-4.650204480e-01, v21  }
0x1e8: {  	v19 =	vmul.f32 v19, v63  }
0x1e9: {  	v21 =	vmul.f32 v21, v25  }
0x1ea: {  	v19 =	vadd.f32 $-9.962757220e-01, v19  }
0x1eb: {  	v21 =	vadd.f32 $9.959657780e-01, v21  }
0x1ec: {  	v17 =	vmul.f32 v19, v63  }
0x1ed: {  	v26 =	vmul.f32 v21, v25  }
0x1ee: {  	v17 =	vadd.f32 $9.999489780e-01, v17  }
0x1ef: {  	v19 =	vadd.f32 $7.942077350e-05, v26  }
0x1f0: {  	v16 =	vmax.f32 v16, $0.0e+00;
	v27 =	vsub.f32 $1.000000000e+00, v17  }
0x1f1: {  	vm5 =	vge.f32 v18, $0.0e+00;
	v16 =	vadd.f32 v19, v16  }
0x1f2: {  	v17 =	vsel vm5, v17, v27  }
0x1f3: {  	s15 =	sshll.u32 s19, $0x6;
	v16 =	vmul.f32 v16, v17  }
0x1f4: {  	s15 =	sand.u32 $0x3FFFFFC0, s15  }
0x1f5: {  	s17 =	sor.u32 $0x10, s10;
	[tilespmem:v3+s15+$0x0 ss:$0x1] =	vst.idx.msk $0xffff, v16  }
0x1f6: {  	v16 =	vld.idx.msk [tilespmem:v0+s17+$0x0 ss:$0x1], $0xffff  }
0x1f7: {  	v28 =	vld.idx.msk [tilespmem:v1+s17+$0x0 ss:$0x1], $0xffff;
	_ =	sdelay $0x1  }
0x1f8: {  	v29 =	vld.idx.msk [tilespmem:v2+s17+$0x0 ss:$0x1], $0xffff  }
0x1f9: {  	s18 =	sor.u32 $0x50, s10  }
0x1fa: {  	v30 =	vld.idx.msk [tilespmem:v0+s18+$0x0 ss:$0x1], $0xffff  }
0x1fb: {  	v31 =	vld.idx.msk [tilespmem:v1+s18+$0x0 ss:$0x1], $0xffff;
	v16 =	vadd.f32 v28, v16;
	_ =	sdelay $0x1  }
0x1fc: {  	v32 =	vld.idx.msk [tilespmem:v2+s18+$0x0 ss:$0x1], $0xffff;
	v16 =	vadd.f32 v29, v16;
	_ =	sdelay $0x1  }
0x1fd: {  	v33 =	vand.u32 $0x7FFFFFFF, v16  }
0x1fe: {  	v17 =	vadd.f32 v31, v30;
	v34 =	vsub.f32 $0.0e+00, v33;
	_ =	sdelay $0x1  }
0x1ff: {  	v17 =	vadd.f32 v32, v17;
	v35 =	vmul.f32 $1.442695020e+00, v34;
	_ =	sdelay $0x1  }
0x200: {  	v36 =	vand.u32 $0x7FFFFFFF, v17;
	(erf) = vpow2.f32 v35  }
0x201: {  	v18 =	vsub.f32 $0.0e+00, v36;
	_ =	sdelay $0x1  }
0x202: {  	v18 =	vmul.f32 $1.442695020e+00, v18;
	_ =	sdelay $0x1  }
0x203: {  	(erf) = vpow2.f32 v18;
	_ =	sdelay $0x3  }
0x204: {  	v37 =	vpop (erf)  }
0x205: {  	v38 =	vmul.f32 $1.044844690e-01, v37;
	_ =	sdelay $0x1  }
0x206: {  	v19 =	vsub.f32 $4.179378750e-01, v38;
	_ =	sdelay $0x1  }
0x207: {  	v39 =	vpop (erf);
	v19 =	vmul.f32 v19, v37  }
0x208: {  	v40 =	vmul.f32 $5.437093230e-02, v39  }
0x209: {  	v19 =	vadd.f32 $-7.705729010e-01, v19  }
0x20a: {  	v21 =	vsub.f32 $2.164487090e-01, v40  }
0x20b: {  	v19 =	vmul.f32 v19, v37  }
0x20c: {  	v21 =	vmul.f32 v21, v39  }
0x20d: {  	v19 =	vadd.f32 $9.534207580e-01, v19  }
0x20e: {  	v21 =	vadd.f32 $-4.650204480e-01, v21  }
0x20f: {  	v19 =	vmul.f32 v19, v37  }
0x210: {  	v21 =	vmul.f32 v21, v39  }
0x211: {  	v19 =	vadd.f32 $-9.962757220e-01, v19  }
0x212: {  	v21 =	vadd.f32 $9.959657780e-01, v21  }
0x213: {  	v18 =	vmul.f32 v19, v37  }
0x214: {  	v41 =	vmul.f32 v21, v39  }
0x215: {  	v18 =	vadd.f32 $9.999489780e-01, v18  }
0x216: {  	v19 =	vadd.f32 $7.942077350e-05, v41  }
0x217: {  	v17 =	vmax.f32 v17, $0.0e+00;
	v42 =	vsub.f32 $1.000000000e+00, v18  }
0x218: {  	vm6 =	vge.f32 v16, $0.0e+00;
	v43 =	vadd.f32 v19, v17  }
0x219: {  	v44 =	vsel vm6, v18, v42  }
0x21a: {  	v16 =	vmul.f32 v43, v44;
	_ =	sdelay $0x1  }
0x21b: {  	s19 =	sor.u32 $0x20, s10;
	[tilespmem:v3+s15+$0x10 ss:$0x1] =	vst.idx.msk $0xffff, v16  }
0x21c: {  	v16 =	vld.idx.msk [tilespmem:v0+s19+$0x0 ss:$0x1], $0xffff  }
0x21d: {  	v45 =	vld.idx.msk [tilespmem:v1+s19+$0x0 ss:$0x1], $0xffff;
	_ =	sdelay $0x1  }
0x21e: {  	v46 =	vld.idx.msk [tilespmem:v2+s19+$0x0 ss:$0x1], $0xffff  }
0x21f: {  	s20 =	sor.u32 $0x60, s10  }
0x220: {  	v47 =	vld.idx.msk [tilespmem:v0+s20+$0x0 ss:$0x1], $0xffff  }
0x221: {  	v48 =	vld.idx.msk [tilespmem:v1+s20+$0x0 ss:$0x1], $0xffff;
	v16 =	vadd.f32 v45, v16;
	_ =	sdelay $0x1  }
0x222: {  	v49 =	vld.idx.msk [tilespmem:v2+s20+$0x0 ss:$0x1], $0xffff;
	v16 =	vadd.f32 v46, v16;
	_ =	sdelay $0x1  }
0x223: {  	v50 =	vand.u32 $0x7FFFFFFF, v16  }
0x224: {  	v17 =	vadd.f32 v48, v47;
	v51 =	vsub.f32 $0.0e+00, v50;
	_ =	sdelay $0x1  }
0x225: {  	v17 =	vadd.f32 v49, v17;
	v52 =	vmul.f32 $1.442695020e+00, v51;
	_ =	sdelay $0x1  }
0x226: {  	v53 =	vand.u32 $0x7FFFFFFF, v17;
	(erf) = vpow2.f32 v52  }
0x227: {  	v18 =	vsub.f32 $0.0e+00, v53;
	_ =	sdelay $0x1  }
0x228: {  	v18 =	vmul.f32 $1.442695020e+00, v18;
	_ =	sdelay $0x1  }
0x229: {  	(erf) = vpow2.f32 v18;
	_ =	sdelay $0x3  }
0x22a: {  	v54 =	vpop (erf)  }
0x22b: {  	v55 =	vmul.f32 $1.044844690e-01, v54;
	_ =	sdelay $0x1  }
0x22c: {  	v19 =	vsub.f32 $4.179378750e-01, v55;
	_ =	sdelay $0x1  }
0x22d: {  	v56 =	vpop (erf);
	v19 =	vmul.f32 v19, v54  }
0x22e: {  	v57 =	vmul.f32 $5.437093230e-02, v56  }
0x22f: {  	v19 =	vadd.f32 $-7.705729010e-01, v19  }
0x230: {  	v21 =	vsub.f32 $2.164487090e-01, v57  }
0x231: {  	v19 =	vmul.f32 v19, v54  }
0x232: {  	v21 =	vmul.f32 v21, v56  }
0x233: {  	v19 =	vadd.f32 $9.534207580e-01, v19  }
0x234: {  	v21 =	vadd.f32 $-4.650204480e-01, v21  }
0x235: {  	v19 =	vmul.f32 v19, v54  }
0x236: {  	v21 =	vmul.f32 v21, v56  }
0x237: {  	v19 =	vadd.f32 $-9.962757220e-01, v19  }
0x238: {  	v21 =	vadd.f32 $9.959657780e-01, v21  }
0x239: {  	v18 =	vmul.f32 v19, v54  }
0x23a: {  	v58 =	vmul.f32 v21, v56  }
0x23b: {  	v18 =	vadd.f32 $9.999489780e-01, v18  }
0x23c: {  	v19 =	vadd.f32 $7.942077350e-05, v58  }
0x23d: {  	v17 =	vmax.f32 v17, $0.0e+00;
	v59 =	vsub.f32 $1.000000000e+00, v18  }
0x23e: {  	vm7 =	vge.f32 v16, $0.0e+00;
	v60 =	vadd.f32 v19, v17  }
0x23f: {  	v61 =	vsel vm7, v18, v59  }
0x240: {  	v16 =	vmul.f32 v60, v61;
	_ =	sdelay $0x1  }
0x241: {  	s17 =	sor.u32 $0x30, s10;
	[tilespmem:v3+s15+$0x20 ss:$0x1] =	vst.idx.msk $0xffff, v16  }
0x242: {  	v16 =	vld.idx.msk [tilespmem:v0+s17+$0x0 ss:$0x1], $0xffff  }
0x243: {  	v62 =	vld.idx.msk [tilespmem:v1+s17+$0x0 ss:$0x1], $0xffff  }
0x244: {  	v63 =	vld.idx.msk [tilespmem:v2+s17+$0x0 ss:$0x1], $0xffff;
	s17 =	sor.u32 $0x70, s10  }
0x245: {  	s18 =	sor.u32 $0x4, s22;
	v28 =	vld.idx.msk [tilespmem:v0+s17+$0x0 ss:$0x1], $0xffff  }
0x246: {  	s10 =	sshll.u32 s18, $0x7;
	v29 =	vld.idx.msk [tilespmem:v1+s17+$0x0 ss:$0x1], $0xffff  }
0x247: {  	v30 =	vld.idx.msk [tilespmem:v0+s10+$0x0 ss:$0x1], $0xffff  }
0x248: {  	v22 =	vld.idx.msk [tilespmem:v1+s10+$0x0 ss:$0x1], $0xffff  }
0x249: {  	v23 =	vld.idx.msk [tilespmem:v2+s17+$0x0 ss:$0x1], $0xffff  }
0x24a: {  	v24 =	vld.idx.msk [tilespmem:v2+s10+$0x0 ss:$0x1], $0xffff  }
0x24b: {  	s19 =	sor.u32 $0x40, s10;
	v16 =	vadd.f32 v62, v16  }
0x24c: {  	v31 =	vld.idx.msk [tilespmem:v0+s19+$0x0 ss:$0x1], $0xffff;
	v19 =	vadd.f32 v29, v28  }
0x24d: {  	v33 =	vld.idx.msk [tilespmem:v1+s19+$0x0 ss:$0x1], $0xffff;
	v32 =	vadd.f32 v22, v30;
	v17 =	vadd.f32 v63, v16  }
0x24e: {  	v16 =	vadd.f32 v23, v19  }
0x24f: {  	v35 =	vld.idx.msk [tilespmem:v2+s19+$0x0 ss:$0x1], $0xffff;
	v22 =	vadd.f32 v24, v32;
	v34 =	vand.u32 $0x7FFFFFFF, v17  }
0x250: {  	v19 =	vsub.f32 $0.0e+00, v34;
	v23 =	vand.u32 $0x7FFFFFFF, v16  }
0x251: {  	v24 =	vand.u32 $0x7FFFFFFF, v22;
	v23 =	vsub.f32 $0.0e+00, v23  }
0x252: {  	v20 =	vadd.f32 v33, v31;
	v36 =	vsub.f32 $0.0e+00, v24;
	v19 =	vmul.f32 $1.442695020e+00, v19  }
0x253: {  	v23 =	vmul.f32 $1.442695020e+00, v23  }
0x254: {  	v20 =	vadd.f32 v35, v20;
	v37 =	vmul.f32 $1.442695020e+00, v36;
	(erf) = vpow2.f32 v19  }
0x255: {  	(erf) = vpow2.f32 v23  }
0x256: {  	v38 =	vand.u32 $0x7FFFFFFF, v20;
	(erf) = vpow2.f32 v37  }
0x257: {  	v18 =	vsub.f32 $0.0e+00, v38;
	_ =	sdelay $0x1  }
0x258: {  	v18 =	vmul.f32 $1.442695020e+00, v18;
	_ =	sdelay $0x1  }
0x259: {  	(erf) = vpow2.f32 v18;
	_ =	sdelay $0x1  }
0x25a: {  	v19 =	vpop (erf)  }
0x25b: {  	v18 =	vpop (erf)  }
0x25c: {  	v39 =	vpop (erf)  }
0x25d: {  	v40 =	vmul.f32 $1.044844690e-01, v39;
	_ =	sdelay $0x1  }
0x25e: {  	v23 =	vsub.f32 $4.179378750e-01, v40;
	_ =	sdelay $0x1  }
0x25f: {  	v41 =	vpop (erf);
	v23 =	vmul.f32 v23, v39  }
0x260: {  	v25 =	vmul.f32 $5.437093230e-02, v41  }
0x261: {  	v23 =	vadd.f32 $-7.705729010e-01, v23  }
0x262: {  	v25 =	vsub.f32 $2.164487090e-01, v25  }
0x263: {  	v23 =	vmul.f32 v23, v39  }
0x264: {  	v25 =	vmul.f32 v25, v41  }
0x265: {  	v23 =	vadd.f32 $9.534207580e-01, v23  }
0x266: {  	v25 =	vadd.f32 $-4.650204480e-01, v25  }
0x267: {  	v23 =	vmul.f32 v23, v39  }
0x268: {  	v25 =	vmul.f32 v25, v41  }
0x269: {  	v23 =	vadd.f32 $-9.962757220e-01, v23  }
0x26a: {  	v25 =	vadd.f32 $9.959657780e-01, v25  }
0x26b: {  	v21 =	vmul.f32 v23, v39  }
0x26c: {  	v42 =	vmul.f32 v25, v41  }
0x26d: {  	v21 =	vadd.f32 $9.999489780e-01, v21  }
0x26e: {  	v23 =	vadd.f32 $7.942077350e-05, v42  }
0x26f: {  	v20 =	vmax.f32 v20, $0.0e+00;
	v43 =	vsub.f32 $1.000000000e+00, v21  }
0x270: {  	vm8 =	vge.f32 v22, $0.0e+00;
	v20 =	vadd.f32 v23, v20  }
0x271: {  	v21 =	vsel vm8, v21, v43  }
0x272: {  	s16 =	sshll.u32 s18, $0x6;
	v20 =	vmul.f32 v20, v21  }
0x273: {  	s16 =	sand.u32 $0x3FFFFFC0, s16  }
0x274: {  	s20 =	sor.u32 $0x10, s10;
	[tilespmem:v3+s16+$0x0 ss:$0x1] =	vst.idx.msk $0xffff, v20  }
0x275: {  	v20 =	vld.idx.msk [tilespmem:v0+s20+$0x0 ss:$0x1], $0xffff  }
0x276: {  	v44 =	vld.idx.msk [tilespmem:v1+s20+$0x0 ss:$0x1], $0xffff;
	_ =	sdelay $0x1  }
0x277: {  	v45 =	vld.idx.msk [tilespmem:v2+s20+$0x0 ss:$0x1], $0xffff  }
0x278: {  	s18 =	sor.u32 $0x50, s10  }
0x279: {  	v46 =	vld.idx.msk [tilespmem:v0+s18+$0x0 ss:$0x1], $0xffff  }
0x27a: {  	v47 =	vld.idx.msk [tilespmem:v1+s18+$0x0 ss:$0x1], $0xffff;
	v20 =	vadd.f32 v44, v20;
	_ =	sdelay $0x1  }
0x27b: {  	v48 =	vld.idx.msk [tilespmem:v2+s18+$0x0 ss:$0x1], $0xffff;
	v20 =	vadd.f32 v45, v20;
	_ =	sdelay $0x1  }
0x27c: {  	v49 =	vand.u32 $0x7FFFFFFF, v20  }
0x27d: {  	v21 =	vadd.f32 v47, v46;
	v50 =	vsub.f32 $0.0e+00, v49;
	_ =	sdelay $0x1  }
0x27e: {  	v21 =	vadd.f32 v48, v21;
	v51 =	vmul.f32 $1.442695020e+00, v50;
	_ =	sdelay $0x1  }
0x27f: {  	v52 =	vand.u32 $0x7FFFFFFF, v21;
	(erf) = vpow2.f32 v51  }
0x280: {  	v22 =	vsub.f32 $0.0e+00, v52;
	_ =	sdelay $0x1  }
0x281: {  	v22 =	vmul.f32 $1.442695020e+00, v22;
	_ =	sdelay $0x1  }
0x282: {  	(erf) = vpow2.f32 v22;
	_ =	sdelay $0x3  }
0x283: {  	v53 =	vpop (erf)  }
0x284: {  	v54 =	vmul.f32 $1.044844690e-01, v53;
	_ =	sdelay $0x1  }
0x285: {  	v23 =	vsub.f32 $4.179378750e-01, v54;
	_ =	sdelay $0x1  }
0x286: {  	v55 =	vpop (erf);
	v23 =	vmul.f32 v23, v53  }
0x287: {  	v56 =	vmul.f32 $5.437093230e-02, v55  }
0x288: {  	v23 =	vadd.f32 $-7.705729010e-01, v23  }
0x289: {  	v25 =	vsub.f32 $2.164487090e-01, v56  }
0x28a: {  	v23 =	vmul.f32 v23, v53  }
0x28b: {  	v25 =	vmul.f32 v25, v55  }
0x28c: {  	v23 =	vadd.f32 $9.534207580e-01, v23  }
0x28d: {  	v25 =	vadd.f32 $-4.650204480e-01, v25  }
0x28e: {  	v23 =	vmul.f32 v23, v53  }
0x28f: {  	v25 =	vmul.f32 v25, v55  }
0x290: {  	v23 =	vadd.f32 $-9.962757220e-01, v23  }
0x291: {  	v25 =	vadd.f32 $9.959657780e-01, v25  }
0x292: {  	v22 =	vmul.f32 v23, v53  }
0x293: {  	v57 =	vmul.f32 v25, v55  }
0x294: {  	v22 =	vadd.f32 $9.999489780e-01, v22  }
0x295: {  	v23 =	vadd.f32 $7.942077350e-05, v57  }
0x296: {  	v21 =	vmax.f32 v21, $0.0e+00;
	v58 =	vsub.f32 $1.000000000e+00, v22  }
0x297: {  	vm9 =	vge.f32 v20, $0.0e+00;
	v59 =	vadd.f32 v23, v21  }
0x298: {  	v60 =	vsel vm9, v22, v58  }
0x299: {  	v20 =	vmul.f32 v59, v60;
	_ =	sdelay $0x1  }
0x29a: {  	s19 =	sor.u32 $0x20, s10;
	[tilespmem:v3+s16+$0x10 ss:$0x1] =	vst.idx.msk $0xffff, v20  }
0x29b: {  	v20 =	vld.idx.msk [tilespmem:v0+s19+$0x0 ss:$0x1], $0xffff  }
0x29c: {  	v61 =	vld.idx.msk [tilespmem:v1+s19+$0x0 ss:$0x1], $0xffff;
	_ =	sdelay $0x1  }
0x29d: {  	v62 =	vld.idx.msk [tilespmem:v2+s19+$0x0 ss:$0x1], $0xffff  }
0x29e: {  	s20 =	sor.u32 $0x60, s10  }
0x29f: {  	v63 =	vld.idx.msk [tilespmem:v0+s20+$0x0 ss:$0x1], $0xffff  }
0x2a0: {  	v28 =	vld.idx.msk [tilespmem:v1+s20+$0x0 ss:$0x1], $0xffff;
	v20 =	vadd.f32 v61, v20;
	_ =	sdelay $0x1  }
0x2a1: {  	v29 =	vld.idx.msk [tilespmem:v2+s20+$0x0 ss:$0x1], $0xffff;
	v20 =	vadd.f32 v62, v20;
	_ =	sdelay $0x1  }
0x2a2: {  	v30 =	vand.u32 $0x7FFFFFFF, v20  }
0x2a3: {  	v21 =	vadd.f32 v28, v63;
	v31 =	vsub.f32 $0.0e+00, v30;
	_ =	sdelay $0x1  }
0x2a4: {  	v21 =	vadd.f32 v29, v21;
	v32 =	vmul.f32 $1.442695020e+00, v31;
	_ =	sdelay $0x1  }
0x2a5: {  	v33 =	vand.u32 $0x7FFFFFFF, v21;
	(erf) = vpow2.f32 v32  }
0x2a6: {  	v22 =	vsub.f32 $0.0e+00, v33;
	_ =	sdelay $0x1  }
0x2a7: {  	v22 =	vmul.f32 $1.442695020e+00, v22;
	_ =	sdelay $0x1  }
0x2a8: {  	(erf) = vpow2.f32 v22;
	_ =	sdelay $0x3  }
0x2a9: {  	v34 =	vpop (erf)  }
0x2aa: {  	v35 =	vmul.f32 $1.044844690e-01, v34;
	_ =	sdelay $0x1  }
0x2ab: {  	v23 =	vsub.f32 $4.179378750e-01, v35;
	_ =	sdelay $0x1  }
0x2ac: {  	v36 =	vpop (erf);
	v23 =	vmul.f32 v23, v34  }
0x2ad: {  	v37 =	vmul.f32 $5.437093230e-02, v36  }
0x2ae: {  	v23 =	vadd.f32 $-7.705729010e-01, v23  }
0x2af: {  	v25 =	vsub.f32 $2.164487090e-01, v37  }
0x2b0: {  	v23 =	vmul.f32 v23, v34  }
0x2b1: {  	v25 =	vmul.f32 v25, v36  }
0x2b2: {  	v23 =	vadd.f32 $9.534207580e-01, v23  }
0x2b3: {  	v25 =	vadd.f32 $-4.650204480e-01, v25  }
0x2b4: {  	v23 =	vmul.f32 v23, v34  }
0x2b5: {  	v25 =	vmul.f32 v25, v36  }
0x2b6: {  	v23 =	vadd.f32 $-9.962757220e-01, v23  }
0x2b7: {  	v25 =	vadd.f32 $9.959657780e-01, v25  }
0x2b8: {  	v22 =	vmul.f32 v23, v34  }
0x2b9: {  	v38 =	vmul.f32 v25, v36  }
0x2ba: {  	v22 =	vadd.f32 $9.999489780e-01, v22  }
0x2bb: {  	v23 =	vadd.f32 $7.942077350e-05, v38  }
0x2bc: {  	v21 =	vmax.f32 v21, $0.0e+00;
	v39 =	vsub.f32 $1.000000000e+00, v22  }
0x2bd: {  	vm10 =	vge.f32 v20, $0.0e+00;
	v40 =	vadd.f32 v23, v21  }
0x2be: {  	v41 =	vsel vm10, v22, v39  }
0x2bf: {  	v20 =	vmul.f32 v40, v41;
	_ =	sdelay $0x1  }
0x2c0: {  	s18 =	sor.u32 $0x30, s10;
	[tilespmem:v3+s16+$0x20 ss:$0x1] =	vst.idx.msk $0xffff, v20  }
0x2c1: {  	v20 =	vld.idx.msk [tilespmem:v0+s18+$0x0 ss:$0x1], $0xffff  }
0x2c2: {  	v42 =	vld.idx.msk [tilespmem:v1+s18+$0x0 ss:$0x1], $0xffff  }
0x2c3: {  	v43 =	vld.idx.msk [tilespmem:v2+s18+$0x0 ss:$0x1], $0xffff;
	s18 =	sor.u32 $0x70, s10  }
0x2c4: {  	s19 =	sor.u32 $0x5, s22;
	v44 =	vld.idx.msk [tilespmem:v0+s18+$0x0 ss:$0x1], $0xffff  }
0x2c5: {  	s10 =	sshll.u32 s19, $0x7;
	v45 =	vld.idx.msk [tilespmem:v1+s18+$0x0 ss:$0x1], $0xffff  }
0x2c6: {  	v46 =	vld.idx.msk [tilespmem:v0+s10+$0x0 ss:$0x1], $0xffff  }
0x2c7: {  	v26 =	vld.idx.msk [tilespmem:v1+s10+$0x0 ss:$0x1], $0xffff  }
0x2c8: {  	v27 =	vld.idx.msk [tilespmem:v2+s18+$0x0 ss:$0x1], $0xffff  }
0x2c9: {  	v28 =	vld.idx.msk [tilespmem:v2+s10+$0x0 ss:$0x1], $0xffff  }
0x2ca: {  	s20 =	sor.u32 $0x40, s10;
	v20 =	vadd.f32 v42, v20  }
0x2cb: {  	v47 =	vld.idx.msk [tilespmem:v0+s20+$0x0 ss:$0x1], $0xffff;
	v23 =	vadd.f32 v45, v44  }
0x2cc: {  	v49 =	vld.idx.msk [tilespmem:v1+s20+$0x0 ss:$0x1], $0xffff;
	v48 =	vadd.f32 v26, v46;
	v21 =	vadd.f32 v43, v20  }
0x2cd: {  	v20 =	vadd.f32 v27, v23  }
0x2ce: {  	v51 =	vld.idx.msk [tilespmem:v2+s20+$0x0 ss:$0x1], $0xffff;
	v26 =	vadd.f32 v28, v48;
	v50 =	vand.u32 $0x7FFFFFFF, v21  }
0x2cf: {  	v23 =	vsub.f32 $0.0e+00, v50;
	v27 =	vand.u32 $0x7FFFFFFF, v20  }
0x2d0: {  	v28 =	vand.u32 $0x7FFFFFFF, v26;
	v27 =	vsub.f32 $0.0e+00, v27  }
0x2d1: {  	v24 =	vadd.f32 v49, v47;
	v52 =	vsub.f32 $0.0e+00, v28;
	v23 =	vmul.f32 $1.442695020e+00, v23  }
0x2d2: {  	v27 =	vmul.f32 $1.442695020e+00, v27  }
0x2d3: {  	v24 =	vadd.f32 v51, v24;
	v53 =	vmul.f32 $1.442695020e+00, v52;
	(erf) = vpow2.f32 v23  }
0x2d4: {  	(erf) = vpow2.f32 v27  }
0x2d5: {  	v54 =	vand.u32 $0x7FFFFFFF, v24;
	(erf) = vpow2.f32 v53  }
0x2d6: {  	v22 =	vsub.f32 $0.0e+00, v54;
	_ =	sdelay $0x1  }
0x2d7: {  	v22 =	vmul.f32 $1.442695020e+00, v22;
	_ =	sdelay $0x1  }
0x2d8: {  	(erf) = vpow2.f32 v22;
	_ =	sdelay $0x1  }
0x2d9: {  	v23 =	vpop (erf)  }
0x2da: {  	v22 =	vpop (erf)  }
0x2db: {  	v55 =	vpop (erf)  }
0x2dc: {  	v56 =	vmul.f32 $1.044844690e-01, v55;
	_ =	sdelay $0x1  }
0x2dd: {  	v27 =	vsub.f32 $4.179378750e-01, v56;
	_ =	sdelay $0x1  }
0x2de: {  	v57 =	vpop (erf);
	v27 =	vmul.f32 v27, v55  }
0x2df: {  	v29 =	vmul.f32 $5.437093230e-02, v57  }
0x2e0: {  	v27 =	vadd.f32 $-7.705729010e-01, v27  }
0x2e1: {  	v29 =	vsub.f32 $2.164487090e-01, v29  }
0x2e2: {  	v27 =	vmul.f32 v27, v55  }
0x2e3: {  	v29 =	vmul.f32 v29, v57  }
0x2e4: {  	v27 =	vadd.f32 $9.534207580e-01, v27  }
0x2e5: {  	v29 =	vadd.f32 $-4.650204480e-01, v29  }
0x2e6: {  	v27 =	vmul.f32 v27, v55  }
0x2e7: {  	v29 =	vmul.f32 v29, v57  }
0x2e8: {  	v27 =	vadd.f32 $-9.962757220e-01, v27  }
0x2e9: {  	v29 =	vadd.f32 $9.959657780e-01, v29  }
0x2ea: {  	v25 =	vmul.f32 v27, v55  }
0x2eb: {  	v58 =	vmul.f32 v29, v57  }
0x2ec: {  	v25 =	vadd.f32 $9.999489780e-01, v25  }
0x2ed: {  	v27 =	vadd.f32 $7.942077350e-05, v58  }
0x2ee: {  	v24 =	vmax.f32 v24, $0.0e+00;
	v59 =	vsub.f32 $1.000000000e+00, v25  }
0x2ef: {  	vm11 =	vge.f32 v26, $0.0e+00;
	v24 =	vadd.f32 v27, v24  }
0x2f0: {  	v25 =	vsel vm11, v25, v59  }
0x2f1: {  	s17 =	sshll.u32 s19, $0x6;
	v24 =	vmul.f32 v24, v25  }
0x2f2: {  	s17 =	sand.u32 $0x3FFFFFC0, s17  }
0x2f3: {  	s19 =	sor.u32 $0x10, s10;
	[tilespmem:v3+s17+$0x0 ss:$0x1] =	vst.idx.msk $0xffff, v24  }
0x2f4: {  	v24 =	vld.idx.msk [tilespmem:v0+s19+$0x0 ss:$0x1], $0xffff  }
0x2f5: {  	v60 =	vld.idx.msk [tilespmem:v1+s19+$0x0 ss:$0x1], $0xffff;
	_ =	sdelay $0x1  }
0x2f6: {  	v61 =	vld.idx.msk [tilespmem:v2+s19+$0x0 ss:$0x1], $0xffff  }
0x2f7: {  	s20 =	sor.u32 $0x50, s10  }
0x2f8: {  	v62 =	vld.idx.msk [tilespmem:v0+s20+$0x0 ss:$0x1], $0xffff  }
0x2f9: {  	v63 =	vld.idx.msk [tilespmem:v1+s20+$0x0 ss:$0x1], $0xffff;
	v24 =	vadd.f32 v60, v24;
	_ =	sdelay $0x1  }
0x2fa: {  	v32 =	vld.idx.msk [tilespmem:v2+s20+$0x0 ss:$0x1], $0xffff;
	v24 =	vadd.f32 v61, v24;
	_ =	sdelay $0x1  }
0x2fb: {  	v33 =	vand.u32 $0x7FFFFFFF, v24  }
0x2fc: {  	v25 =	vadd.f32 v63, v62;
	v34 =	vsub.f32 $0.0e+00, v33;
	_ =	sdelay $0x1  }
0x2fd: {  	v25 =	vadd.f32 v32, v25;
	v35 =	vmul.f32 $1.442695020e+00, v34;
	_ =	sdelay $0x1  }
0x2fe: {  	v36 =	vand.u32 $0x7FFFFFFF, v25;
	(erf) = vpow2.f32 v35  }
0x2ff: {  	v26 =	vsub.f32 $0.0e+00, v36;
	_ =	sdelay $0x1  }
0x300: {  	v26 =	vmul.f32 $1.442695020e+00, v26;
	_ =	sdelay $0x1  }
0x301: {  	(erf) = vpow2.f32 v26;
	_ =	sdelay $0x3  }
0x302: {  	v37 =	vpop (erf)  }
0x303: {  	v38 =	vmul.f32 $1.044844690e-01, v37;
	_ =	sdelay $0x1  }
0x304: {  	v27 =	vsub.f32 $4.179378750e-01, v38;
	_ =	sdelay $0x1  }
0x305: {  	v39 =	vpop (erf);
	v27 =	vmul.f32 v27, v37  }
0x306: {  	v40 =	vmul.f32 $5.437093230e-02, v39  }
0x307: {  	v27 =	vadd.f32 $-7.705729010e-01, v27  }
0x308: {  	v29 =	vsub.f32 $2.164487090e-01, v40  }
0x309: {  	v27 =	vmul.f32 v27, v37  }
0x30a: {  	v29 =	vmul.f32 v29, v39  }
0x30b: {  	v27 =	vadd.f32 $9.534207580e-01, v27  }
0x30c: {  	v29 =	vadd.f32 $-4.650204480e-01, v29  }
0x30d: {  	v27 =	vmul.f32 v27, v37  }
0x30e: {  	v29 =	vmul.f32 v29, v39  }
0x30f: {  	v27 =	vadd.f32 $-9.962757220e-01, v27  }
0x310: {  	v29 =	vadd.f32 $9.959657780e-01, v29  }
0x311: {  	v26 =	vmul.f32 v27, v37  }
0x312: {  	v41 =	vmul.f32 v29, v39  }
0x313: {  	v26 =	vadd.f32 $9.999489780e-01, v26  }
0x314: {  	v27 =	vadd.f32 $7.942077350e-05, v41  }
0x315: {  	v25 =	vmax.f32 v25, $0.0e+00;
	v42 =	vsub.f32 $1.000000000e+00, v26  }
0x316: {  	vm12 =	vge.f32 v24, $0.0e+00;
	v43 =	vadd.f32 v27, v25  }
0x317: {  	v44 =	vsel vm12, v26, v42  }
0x318: {  	v24 =	vmul.f32 v43, v44;
	_ =	sdelay $0x1  }
0x319: {  	s19 =	sor.u32 $0x20, s10;
	[tilespmem:v3+s17+$0x10 ss:$0x1] =	vst.idx.msk $0xffff, v24  }
0x31a: {  	v24 =	vld.idx.msk [tilespmem:v0+s19+$0x0 ss:$0x1], $0xffff  }
0x31b: {  	v45 =	vld.idx.msk [tilespmem:v1+s19+$0x0 ss:$0x1], $0xffff;
	_ =	sdelay $0x1  }
0x31c: {  	v46 =	vld.idx.msk [tilespmem:v2+s19+$0x0 ss:$0x1], $0xffff  }
0x31d: {  	s20 =	sor.u32 $0x60, s10  }
0x31e: {  	v47 =	vld.idx.msk [tilespmem:v0+s20+$0x0 ss:$0x1], $0xffff  }
0x31f: {  	v48 =	vld.idx.msk [tilespmem:v1+s20+$0x0 ss:$0x1], $0xffff;
	v24 =	vadd.f32 v45, v24;
	_ =	sdelay $0x1  }
0x320: {  	v49 =	vld.idx.msk [tilespmem:v2+s20+$0x0 ss:$0x1], $0xffff;
	v24 =	vadd.f32 v46, v24;
	_ =	sdelay $0x1  }
0x321: {  	v50 =	vand.u32 $0x7FFFFFFF, v24  }
0x322: {  	v25 =	vadd.f32 v48, v47;
	v51 =	vsub.f32 $0.0e+00, v50;
	_ =	sdelay $0x1  }
0x323: {  	v25 =	vadd.f32 v49, v25;
	v52 =	vmul.f32 $1.442695020e+00, v51;
	_ =	sdelay $0x1  }
0x324: {  	v53 =	vand.u32 $0x7FFFFFFF, v25;
	(erf) = vpow2.f32 v52  }
0x325: {  	v26 =	vsub.f32 $0.0e+00, v53;
	_ =	sdelay $0x1  }
0x326: {  	v26 =	vmul.f32 $1.442695020e+00, v26;
	_ =	sdelay $0x1  }
0x327: {  	(erf) = vpow2.f32 v26;
	_ =	sdelay $0x3  }
0x328: {  	v54 =	vpop (erf)  }
0x329: {  	v55 =	vmul.f32 $1.044844690e-01, v54;
	_ =	sdelay $0x1  }
0x32a: {  	v27 =	vsub.f32 $4.179378750e-01, v55;
	_ =	sdelay $0x1  }
0x32b: {  	v56 =	vpop (erf);
	v27 =	vmul.f32 v27, v54  }
0x32c: {  	v57 =	vmul.f32 $5.437093230e-02, v56  }
0x32d: {  	v27 =	vadd.f32 $-7.705729010e-01, v27  }
0x32e: {  	v29 =	vsub.f32 $2.164487090e-01, v57  }
0x32f: {  	v27 =	vmul.f32 v27, v54  }
0x330: {  	v29 =	vmul.f32 v29, v56  }
0x331: {  	v27 =	vadd.f32 $9.534207580e-01, v27  }
0x332: {  	v29 =	vadd.f32 $-4.650204480e-01, v29  }
0x333: {  	v27 =	vmul.f32 v27, v54  }
0x334: {  	v29 =	vmul.f32 v29, v56  }
0x335: {  	v27 =	vadd.f32 $-9.962757220e-01, v27  }
0x336: {  	v29 =	vadd.f32 $9.959657780e-01, v29  }
0x337: {  	v26 =	vmul.f32 v27, v54  }
0x338: {  	v58 =	vmul.f32 v29, v56  }
0x339: {  	v26 =	vadd.f32 $9.999489780e-01, v26  }
0x33a: {  	v27 =	vadd.f32 $7.942077350e-05, v58  }
0x33b: {  	v25 =	vmax.f32 v25, $0.0e+00;
	v59 =	vsub.f32 $1.000000000e+00, v26  }
0x33c: {  	vm13 =	vge.f32 v24, $0.0e+00;
	v60 =	vadd.f32 v27, v25  }
0x33d: {  	v61 =	vsel vm13, v26, v59  }
0x33e: {  	v24 =	vmul.f32 v60, v61;
	_ =	sdelay $0x1  }
0x33f: {  	s19 =	sor.u32 $0x30, s10;
	[tilespmem:v3+s17+$0x20 ss:$0x1] =	vst.idx.msk $0xffff, v24  }
0x340: {  	v24 =	vld.idx.msk [tilespmem:v0+s19+$0x0 ss:$0x1], $0xffff  }
0x341: {  	v62 =	vld.idx.msk [tilespmem:v1+s19+$0x0 ss:$0x1], $0xffff  }
0x342: {  	v63 =	vld.idx.msk [tilespmem:v2+s19+$0x0 ss:$0x1], $0xffff;
	s19 =	sor.u32 $0x70, s10  }
0x343: {  	s18 =	sor.u32 $0x6, s22;
	v36 =	vld.idx.msk [tilespmem:v0+s19+$0x0 ss:$0x1], $0xffff  }
0x344: {  	s10 =	sshll.u32 s18, $0x7;
	v37 =	vld.idx.msk [tilespmem:v1+s19+$0x0 ss:$0x1], $0xffff  }
0x345: {  	v38 =	vld.idx.msk [tilespmem:v0+s10+$0x0 ss:$0x1], $0xffff  }
0x346: {  	v30 =	vld.idx.msk [tilespmem:v1+s10+$0x0 ss:$0x1], $0xffff  }
0x347: {  	v31 =	vld.idx.msk [tilespmem:v2+s19+$0x0 ss:$0x1], $0xffff  }
0x348: {  	v32 =	vld.idx.msk [tilespmem:v2+s10+$0x0 ss:$0x1], $0xffff  }
0x349: {  	s20 =	sor.u32 $0x40, s10;
	v24 =	vadd.f32 v62, v24  }
0x34a: {  	v39 =	vld.idx.msk [tilespmem:v0+s20+$0x0 ss:$0x1], $0xffff;
	v27 =	vadd.f32 v37, v36  }
0x34b: {  	v41 =	vld.idx.msk [tilespmem:v1+s20+$0x0 ss:$0x1], $0xffff;
	v40 =	vadd.f32 v30, v38;
	v25 =	vadd.f32 v63, v24  }
0x34c: {  	v24 =	vadd.f32 v31, v27  }
0x34d: {  	v43 =	vld.idx.msk [tilespmem:v2+s20+$0x0 ss:$0x1], $0xffff;
	v30 =	vadd.f32 v32, v40;
	v42 =	vand.u32 $0x7FFFFFFF, v25  }
0x34e: {  	v27 =	vsub.f32 $0.0e+00, v42;
	v31 =	vand.u32 $0x7FFFFFFF, v24  }
0x34f: {  	v32 =	vand.u32 $0x7FFFFFFF, v30;
	v31 =	vsub.f32 $0.0e+00, v31  }
0x350: {  	v28 =	vadd.f32 v41, v39;
	v44 =	vsub.f32 $0.0e+00, v32;
	v27 =	vmul.f32 $1.442695020e+00, v27  }
0x351: {  	v31 =	vmul.f32 $1.442695020e+00, v31  }
0x352: {  	v28 =	vadd.f32 v43, v28;
	v45 =	vmul.f32 $1.442695020e+00, v44;
	(erf) = vpow2.f32 v27  }
0x353: {  	(erf) = vpow2.f32 v31  }
0x354: {  	v46 =	vand.u32 $0x7FFFFFFF, v28;
	(erf) = vpow2.f32 v45  }
0x355: {  	v26 =	vsub.f32 $0.0e+00, v46;
	_ =	sdelay $0x1  }
0x356: {  	v26 =	vmul.f32 $1.442695020e+00, v26;
	_ =	sdelay $0x1  }
0x357: {  	(erf) = vpow2.f32 v26;
	_ =	sdelay $0x1  }
0x358: {  	v27 =	vpop (erf)  }
0x359: {  	v26 =	vpop (erf)  }
0x35a: {  	v47 =	vpop (erf)  }
0x35b: {  	v48 =	vmul.f32 $1.044844690e-01, v47;
	_ =	sdelay $0x1  }
0x35c: {  	v31 =	vsub.f32 $4.179378750e-01, v48;
	_ =	sdelay $0x1  }
0x35d: {  	v49 =	vpop (erf);
	v31 =	vmul.f32 v31, v47  }
0x35e: {  	v33 =	vmul.f32 $5.437093230e-02, v49  }
0x35f: {  	v31 =	vadd.f32 $-7.705729010e-01, v31  }
0x360: {  	v33 =	vsub.f32 $2.164487090e-01, v33  }
0x361: {  	v31 =	vmul.f32 v31, v47  }
0x362: {  	v33 =	vmul.f32 v33, v49  }
0x363: {  	v31 =	vadd.f32 $9.534207580e-01, v31  }
0x364: {  	v33 =	vadd.f32 $-4.650204480e-01, v33  }
0x365: {  	v31 =	vmul.f32 v31, v47  }
0x366: {  	v33 =	vmul.f32 v33, v49  }
0x367: {  	v31 =	vadd.f32 $-9.962757220e-01, v31  }
0x368: {  	v33 =	vadd.f32 $9.959657780e-01, v33  }
0x369: {  	v29 =	vmul.f32 v31, v47  }
0x36a: {  	v50 =	vmul.f32 v33, v49  }
0x36b: {  	v29 =	vadd.f32 $9.999489780e-01, v29  }
0x36c: {  	v31 =	vadd.f32 $7.942077350e-05, v50  }
0x36d: {  	v28 =	vmax.f32 v28, $0.0e+00;
	v51 =	vsub.f32 $1.000000000e+00, v29  }
0x36e: {  	vm14 =	vge.f32 v30, $0.0e+00;
	v28 =	vadd.f32 v31, v28  }
0x36f: {  	v29 =	vsel vm14, v29, v51  }
0x370: {  	s18 =	sshll.u32 s18, $0x6;
	v28 =	vmul.f32 v28, v29  }
0x371: {  	s18 =	sand.u32 $0x3FFFFFC0, s18  }
0x372: {  	s20 =	sor.u32 $0x10, s10;
	[tilespmem:v3+s18+$0x0 ss:$0x1] =	vst.idx.msk $0xffff, v28  }
0x373: {  	v28 =	vld.idx.msk [tilespmem:v0+s20+$0x0 ss:$0x1], $0xffff  }
0x374: {  	v52 =	vld.idx.msk [tilespmem:v1+s20+$0x0 ss:$0x1], $0xffff;
	_ =	sdelay $0x1  }
0x375: {  	v53 =	vld.idx.msk [tilespmem:v2+s20+$0x0 ss:$0x1], $0xffff  }
0x376: {  	s20 =	sor.u32 $0x50, s10  }
0x377: {  	v54 =	vld.idx.msk [tilespmem:v0+s20+$0x0 ss:$0x1], $0xffff  }
0x378: {  	v55 =	vld.idx.msk [tilespmem:v1+s20+$0x0 ss:$0x1], $0xffff;
	v28 =	vadd.f32 v52, v28;
	_ =	sdelay $0x1  }
0x379: {  	v56 =	vld.idx.msk [tilespmem:v2+s20+$0x0 ss:$0x1], $0xffff;
	v28 =	vadd.f32 v53, v28;
	_ =	sdelay $0x1  }
0x37a: {  	v57 =	vand.u32 $0x7FFFFFFF, v28  }
0x37b: {  	v29 =	vadd.f32 v55, v54;
	v58 =	vsub.f32 $0.0e+00, v57;
	_ =	sdelay $0x1  }
0x37c: {  	v29 =	vadd.f32 v56, v29;
	v59 =	vmul.f32 $1.442695020e+00, v58;
	_ =	sdelay $0x1  }
0x37d: {  	v60 =	vand.u32 $0x7FFFFFFF, v29;
	(erf) = vpow2.f32 v59  }
0x37e: {  	v30 =	vsub.f32 $0.0e+00, v60;
	_ =	sdelay $0x1  }
0x37f: {  	v30 =	vmul.f32 $1.442695020e+00, v30;
	_ =	sdelay $0x1  }
0x380: {  	(erf) = vpow2.f32 v30;
	_ =	sdelay $0x3  }
0x381: {  	v61 =	vpop (erf)  }
0x382: {  	v62 =	vmul.f32 $1.044844690e-01, v61;
	_ =	sdelay $0x1  }
0x383: {  	v31 =	vsub.f32 $4.179378750e-01, v62;
	_ =	sdelay $0x1  }
0x384: {  	v63 =	vpop (erf);
	v31 =	vmul.f32 v31, v61  }
0x385: {  	v36 =	vmul.f32 $5.437093230e-02, v63  }
0x386: {  	v31 =	vadd.f32 $-7.705729010e-01, v31  }
0x387: {  	v33 =	vsub.f32 $2.164487090e-01, v36  }
0x388: {  	v31 =	vmul.f32 v31, v61  }
0x389: {  	v33 =	vmul.f32 v33, v63  }
0x38a: {  	v31 =	vadd.f32 $9.534207580e-01, v31  }
0x38b: {  	v33 =	vadd.f32 $-4.650204480e-01, v33  }
0x38c: {  	v31 =	vmul.f32 v31, v61  }
0x38d: {  	v33 =	vmul.f32 v33, v63  }
0x38e: {  	v31 =	vadd.f32 $-9.962757220e-01, v31  }
0x38f: {  	v33 =	vadd.f32 $9.959657780e-01, v33  }
0x390: {  	v30 =	vmul.f32 v31, v61  }
0x391: {  	v37 =	vmul.f32 v33, v63  }
0x392: {  	v30 =	vadd.f32 $9.999489780e-01, v30  }
0x393: {  	v31 =	vadd.f32 $7.942077350e-05, v37  }
0x394: {  	v29 =	vmax.f32 v29, $0.0e+00;
	v38 =	vsub.f32 $1.000000000e+00, v30  }
0x395: {  	vm15 =	vge.f32 v28, $0.0e+00;
	v39 =	vadd.f32 v31, v29  }
0x396: {  	v40 =	vsel vm15, v30, v38  }
0x397: {  	v28 =	vmul.f32 v39, v40;
	_ =	sdelay $0x1  }
0x398: {  	s20 =	sor.u32 $0x20, s10;
	[tilespmem:v3+s18+$0x10 ss:$0x1] =	vst.idx.msk $0xffff, v28  }
0x399: {  	v28 =	vld.idx.msk [tilespmem:v0+s20+$0x0 ss:$0x1], $0xffff  }
0x39a: {  	v41 =	vld.idx.msk [tilespmem:v1+s20+$0x0 ss:$0x1], $0xffff;
	_ =	sdelay $0x1  }
0x39b: {  	v42 =	vld.idx.msk [tilespmem:v2+s20+$0x0 ss:$0x1], $0xffff  }
0x39c: {  	s20 =	sor.u32 $0x60, s10  }
0x39d: {  	v43 =	vld.idx.msk [tilespmem:v0+s20+$0x0 ss:$0x1], $0xffff  }
0x39e: {  	v44 =	vld.idx.msk [tilespmem:v1+s20+$0x0 ss:$0x1], $0xffff;
	v28 =	vadd.f32 v41, v28;
	_ =	sdelay $0x1  }
0x39f: {  	v45 =	vld.idx.msk [tilespmem:v2+s20+$0x0 ss:$0x1], $0xffff;
	v28 =	vadd.f32 v42, v28;
	_ =	sdelay $0x1  }
0x3a0: {  	v46 =	vand.u32 $0x7FFFFFFF, v28  }
0x3a1: {  	v29 =	vadd.f32 v44, v43;
	v47 =	vsub.f32 $0.0e+00, v46;
	_ =	sdelay $0x1  }
0x3a2: {  	v29 =	vadd.f32 v45, v29;
	v48 =	vmul.f32 $1.442695020e+00, v47;
	_ =	sdelay $0x1  }
0x3a3: {  	v49 =	vand.u32 $0x7FFFFFFF, v29;
	(erf) = vpow2.f32 v48  }
0x3a4: {  	v30 =	vsub.f32 $0.0e+00, v49;
	_ =	sdelay $0x1  }
0x3a5: {  	v30 =	vmul.f32 $1.442695020e+00, v30;
	_ =	sdelay $0x1  }
0x3a6: {  	(erf) = vpow2.f32 v30;
	_ =	sdelay $0x3  }
0x3a7: {  	v50 =	vpop (erf)  }
0x3a8: {  	v51 =	vmul.f32 $1.044844690e-01, v50;
	_ =	sdelay $0x1  }
0x3a9: {  	v31 =	vsub.f32 $4.179378750e-01, v51;
	_ =	sdelay $0x1  }
0x3aa: {  	v52 =	vpop (erf);
	v31 =	vmul.f32 v31, v50  }
0x3ab: {  	v53 =	vmul.f32 $5.437093230e-02, v52  }
0x3ac: {  	v31 =	vadd.f32 $-7.705729010e-01, v31  }
0x3ad: {  	v33 =	vsub.f32 $2.164487090e-01, v53  }
0x3ae: {  	v31 =	vmul.f32 v31, v50  }
0x3af: {  	v33 =	vmul.f32 v33, v52  }
0x3b0: {  	v31 =	vadd.f32 $9.534207580e-01, v31  }
0x3b1: {  	v33 =	vadd.f32 $-4.650204480e-01, v33  }
0x3b2: {  	v31 =	vmul.f32 v31, v50  }
0x3b3: {  	v33 =	vmul.f32 v33, v52  }
0x3b4: {  	v31 =	vadd.f32 $-9.962757220e-01, v31  }
0x3b5: {  	v33 =	vadd.f32 $9.959657780e-01, v33  }
0x3b6: {  	v30 =	vmul.f32 v31, v50  }
0x3b7: {  	v54 =	vmul.f32 v33, v52  }
0x3b8: {  	v30 =	vadd.f32 $9.999489780e-01, v30  }
0x3b9: {  	v31 =	vadd.f32 $7.942077350e-05, v54  }
0x3ba: {  	v29 =	vmax.f32 v29, $0.0e+00;
	v55 =	vsub.f32 $1.000000000e+00, v30  }
0x3bb: {  	vm4 =	vge.f32 v28, $0.0e+00;
	v56 =	vadd.f32 v31, v29  }
0x3bc: {  	v57 =	vsel vm4, v30, v55  }
0x3bd: {  	v28 =	vmul.f32 v56, v57;
	_ =	sdelay $0x1  }
0x3be: {  	s20 =	sor.u32 $0x30, s10;
	[tilespmem:v3+s18+$0x20 ss:$0x1] =	vst.idx.msk $0xffff, v28  }
0x3bf: {  	v28 =	vld.idx.msk [tilespmem:v0+s20+$0x0 ss:$0x1], $0xffff  }
0x3c0: {  	v58 =	vld.idx.msk [tilespmem:v1+s20+$0x0 ss:$0x1], $0xffff  }
0x3c1: {  	v59 =	vld.idx.msk [tilespmem:v2+s20+$0x0 ss:$0x1], $0xffff;
	s20 =	sor.u32 $0x70, s10  }
0x3c2: {  	s19 =	sor.u32 $0x7, s22;
	v60 =	vld.idx.msk [tilespmem:v0+s20+$0x0 ss:$0x1], $0xffff  }
0x3c3: {  	s10 =	sshll.u32 s19, $0x7;
	v61 =	vld.idx.msk [tilespmem:v1+s20+$0x0 ss:$0x1], $0xffff  }
0x3c4: {  	v62 =	vld.idx.msk [tilespmem:v0+s10+$0x0 ss:$0x1], $0xffff  }
0x3c5: {  	v34 =	vld.idx.msk [tilespmem:v1+s10+$0x0 ss:$0x1], $0xffff  }
0x3c6: {  	v35 =	vld.idx.msk [tilespmem:v2+s20+$0x0 ss:$0x1], $0xffff  }
0x3c7: {  	v36 =	vld.idx.msk [tilespmem:v2+s10+$0x0 ss:$0x1], $0xffff  }
0x3c8: {  	s20 =	sor.u32 $0x40, s10;
	v28 =	vadd.f32 v58, v28  }
0x3c9: {  	v63 =	vld.idx.msk [tilespmem:v0+s20+$0x0 ss:$0x1], $0xffff;
	v31 =	vadd.f32 v61, v60  }
0x3ca: {  	v40 =	vld.idx.msk [tilespmem:v1+s20+$0x0 ss:$0x1], $0xffff;
	v39 =	vadd.f32 v34, v62;
	v29 =	vadd.f32 v59, v28  }
0x3cb: {  	v28 =	vadd.f32 v35, v31  }
0x3cc: {  	v42 =	vld.idx.msk [tilespmem:v2+s20+$0x0 ss:$0x1], $0xffff;
	v34 =	vadd.f32 v36, v39;
	v41 =	vand.u32 $0x7FFFFFFF, v29  }
0x3cd: {  	v31 =	vsub.f32 $0.0e+00, v41;
	v35 =	vand.u32 $0x7FFFFFFF, v28  }
0x3ce: {  	v36 =	vand.u32 $0x7FFFFFFF, v34;
	v35 =	vsub.f32 $0.0e+00, v35  }
0x3cf: {  	v32 =	vadd.f32 v40, v63;
	v43 =	vsub.f32 $0.0e+00, v36;
	v31 =	vmul.f32 $1.442695020e+00, v31  }
0x3d0: {  	v35 =	vmul.f32 $1.442695020e+00, v35  }
0x3d1: {  	v32 =	vadd.f32 v42, v32;
	v44 =	vmul.f32 $1.442695020e+00, v43;
	(erf) = vpow2.f32 v31  }
0x3d2: {  	(erf) = vpow2.f32 v35  }
0x3d3: {  	v45 =	vand.u32 $0x7FFFFFFF, v32;
	(erf) = vpow2.f32 v44  }
0x3d4: {  	v30 =	vsub.f32 $0.0e+00, v45;
	_ =	sdelay $0x1  }
0x3d5: {  	v30 =	vmul.f32 $1.442695020e+00, v30;
	_ =	sdelay $0x1  }
0x3d6: {  	(erf) = vpow2.f32 v30;
	_ =	sdelay $0x1  }
0x3d7: {  	v31 =	vpop (erf)  }
0x3d8: {  	v30 =	vpop (erf)  }
0x3d9: {  	v46 =	vpop (erf)  }
0x3da: {  	v47 =	vmul.f32 $1.044844690e-01, v46;
	_ =	sdelay $0x1  }
0x3db: {  	v35 =	vsub.f32 $4.179378750e-01, v47;
	_ =	sdelay $0x1  }
0x3dc: {  	v48 =	vpop (erf);
	v35 =	vmul.f32 v35, v46  }
0x3dd: {  	v37 =	vmul.f32 $5.437093230e-02, v48  }
0x3de: {  	v35 =	vadd.f32 $-7.705729010e-01, v35  }
0x3df: {  	v37 =	vsub.f32 $2.164487090e-01, v37  }
0x3e0: {  	v35 =	vmul.f32 v35, v46  }
0x3e1: {  	v37 =	vmul.f32 v37, v48  }
0x3e2: {  	v35 =	vadd.f32 $9.534207580e-01, v35  }
0x3e3: {  	v37 =	vadd.f32 $-4.650204480e-01, v37  }
0x3e4: {  	v35 =	vmul.f32 v35, v46  }
0x3e5: {  	v37 =	vmul.f32 v37, v48  }
0x3e6: {  	v35 =	vadd.f32 $-9.962757220e-01, v35  }
0x3e7: {  	v37 =	vadd.f32 $9.959657780e-01, v37  }
0x3e8: {  	v33 =	vmul.f32 v35, v46  }
0x3e9: {  	v49 =	vmul.f32 v37, v48  }
0x3ea: {  	v33 =	vadd.f32 $9.999489780e-01, v33  }
0x3eb: {  	v35 =	vadd.f32 $7.942077350e-05, v49  }
0x3ec: {  	v32 =	vmax.f32 v32, $0.0e+00;
	v50 =	vsub.f32 $1.000000000e+00, v33  }
0x3ed: {  	vm5 =	vge.f32 v34, $0.0e+00;
	v32 =	vadd.f32 v35, v32  }
0x3ee: {  	v33 =	vsel vm5, v33, v50  }
0x3ef: {  	s19 =	sshll.u32 s19, $0x6;
	v32 =	vmul.f32 v32, v33  }
0x3f0: {  	s19 =	sand.u32 $0x3FFFFFC0, s19  }
0x3f1: {  	s20 =	sor.u32 $0x10, s10;
	[tilespmem:v3+s19+$0x0 ss:$0x1] =	vst.idx.msk $0xffff, v32  }
0x3f2: {  	v32 =	vld.idx.msk [tilespmem:v0+s20+$0x0 ss:$0x1], $0xffff  }
0x3f3: {  	v51 =	vld.idx.msk [tilespmem:v1+s20+$0x0 ss:$0x1], $0xffff;
	_ =	sdelay $0x1  }
0x3f4: {  	v52 =	vld.idx.msk [tilespmem:v2+s20+$0x0 ss:$0x1], $0xffff  }
0x3f5: {  	s20 =	sor.u32 $0x50, s10  }
0x3f6: {  	v53 =	vld.idx.msk [tilespmem:v0+s20+$0x0 ss:$0x1], $0xffff  }
0x3f7: {  	v54 =	vld.idx.msk [tilespmem:v1+s20+$0x0 ss:$0x1], $0xffff;
	v32 =	vadd.f32 v51, v32;
	_ =	sdelay $0x1  }
0x3f8: {  	v55 =	vld.idx.msk [tilespmem:v2+s20+$0x0 ss:$0x1], $0xffff;
	v32 =	vadd.f32 v52, v32;
	_ =	sdelay $0x1  }
0x3f9: {  	v56 =	vand.u32 $0x7FFFFFFF, v32  }
0x3fa: {  	v33 =	vadd.f32 v54, v53;
	v57 =	vsub.f32 $0.0e+00, v56;
	_ =	sdelay $0x1  }
0x3fb: {  	v33 =	vadd.f32 v55, v33;
	v58 =	vmul.f32 $1.442695020e+00, v57;
	_ =	sdelay $0x1  }
0x3fc: {  	v59 =	vand.u32 $0x7FFFFFFF, v33;
	(erf) = vpow2.f32 v58  }
0x3fd: {  	v34 =	vsub.f32 $0.0e+00, v59;
	_ =	sdelay $0x1  }
0x3fe: {  	v34 =	vmul.f32 $1.442695020e+00, v34;
	_ =	sdelay $0x1  }
0x3ff: {  	(erf) = vpow2.f32 v34;
	_ =	sdelay $0x3  }
0x400: {  	v60 =	vpop (erf)  }
0x401: {  	v61 =	vmul.f32 $1.044844690e-01, v60;
	_ =	sdelay $0x1  }
0x402: {  	v35 =	vsub.f32 $4.179378750e-01, v61;
	_ =	sdelay $0x1  }
0x403: {  	v62 =	vpop (erf);
	v35 =	vmul.f32 v35, v60  }
0x404: {  	v63 =	vmul.f32 $5.437093230e-02, v62  }
0x405: {  	v35 =	vadd.f32 $-7.705729010e-01, v35  }
0x406: {  	v37 =	vsub.f32 $2.164487090e-01, v63  }
0x407: {  	v35 =	vmul.f32 v35, v60  }
0x408: {  	v37 =	vmul.f32 v37, v62  }
0x409: {  	v35 =	vadd.f32 $9.534207580e-01, v35  }
0x40a: {  	v37 =	vadd.f32 $-4.650204480e-01, v37  }
0x40b: {  	v35 =	vmul.f32 v35, v60  }
0x40c: {  	v37 =	vmul.f32 v37, v62  }
0x40d: {  	v35 =	vadd.f32 $-9.962757220e-01, v35  }
0x40e: {  	v37 =	vadd.f32 $9.959657780e-01, v37  }
0x40f: {  	v34 =	vmul.f32 v35, v60  }
0x410: {  	v39 =	vmul.f32 v37, v62  }
0x411: {  	v34 =	vadd.f32 $9.999489780e-01, v34  }
0x412: {  	v35 =	vadd.f32 $7.942077350e-05, v39  }
0x413: {  	v33 =	vmax.f32 v33, $0.0e+00;
	v40 =	vsub.f32 $1.000000000e+00, v34  }
0x414: {  	vm6 =	vge.f32 v32, $0.0e+00;
	v41 =	vadd.f32 v35, v33  }
0x415: {  	v42 =	vsel vm6, v34, v40  }
0x416: {  	v32 =	vmul.f32 v41, v42;
	_ =	sdelay $0x1  }
0x417: {  	s20 =	sor.u32 $0x20, s10;
	[tilespmem:v3+s19+$0x10 ss:$0x1] =	vst.idx.msk $0xffff, v32  }
0x418: {  	v32 =	vld.idx.msk [tilespmem:v0+s20+$0x0 ss:$0x1], $0xffff  }
0x419: {  	v43 =	vld.idx.msk [tilespmem:v1+s20+$0x0 ss:$0x1], $0xffff;
	_ =	sdelay $0x1  }
0x41a: {  	v44 =	vld.idx.msk [tilespmem:v2+s20+$0x0 ss:$0x1], $0xffff;
	_ =	sdelay $0x2  }
0x41b: {  	v32 =	vadd.f32 v43, v32;
	_ =	sdelay $0x1  }
0x41c: {  	s20 =	sor.u32 $0x60, s10;
	v32 =	vadd.f32 v44, v32  }
0x41d: {  	v45 =	vld.idx.msk [tilespmem:v0+s20+$0x0 ss:$0x1], $0xffff  }
0x41e: {  	v46 =	vld.idx.msk [tilespmem:v1+s20+$0x0 ss:$0x1], $0xffff;
	v34 =	vand.u32 $0x7FFFFFFF, v32  }
0x41f: {  	v34 =	vsub.f32 $0.0e+00, v34  }
0x420: {  	v47 =	vld.idx.msk [tilespmem:v2+s20+$0x0 ss:$0x1], $0xffff  }
0x421: {  	v34 =	vmul.f32 $1.442695020e+00, v34;
	_ =	sdelay $0x1  }
0x422: {  	v33 =	vadd.f32 v46, v45;
	(erf) = vpow2.f32 v34;
	_ =	sdelay $0x1  }
0x423: {  	v33 =	vadd.f32 v47, v33;
	_ =	sdelay $0x1  }
0x424: {  	v49 =	vand.u32 $0x7FFFFFFF, v33  }
0x425: {  	v35 =	vsub.f32 $0.0e+00, v49;
	_ =	sdelay $0x1  }
0x426: {  	v35 =	vmul.f32 $1.442695020e+00, v35;
	_ =	sdelay $0x1  }
0x427: {  	v50 =	vpop (erf);
	(erf) = vpow2.f32 v35  }
0x428: {  	v38 =	vmul.f32 $1.044844690e-01, v11  }
0x429: {  	v48 =	vmul.f32 $1.044844690e-01, v7  }
0x42a: {  	v38 =	vsub.f32 $4.179378750e-01, v38;
	v53 =	vmul.f32 $5.437093230e-02, v6  }
0x42b: {  	v4 =	vmax.f32 v4, $0.0e+00;
	v8 =	vmax.f32 v8, $0.0e+00;
	v34 =	vsub.f32 $4.179378750e-01, v48  }
0x42c: {  	v55 =	vmul.f32 v38, v11;
	v37 =	vsub.f32 $2.164487090e-01, v53;
	v51 =	vmul.f32 $1.044844690e-01, v50  }
0x42d: {  	v12 =	vmax.f32 v12, $0.0e+00;
	vm7 =	vge.f32 v5, $0.0e+00;
	v34 =	vmul.f32 v34, v7  }
0x42e: {  	v54 =	vmul.f32 v37, v6;
	v37 =	vadd.f32 $-7.705729010e-01, v55;
	v52 =	vsub.f32 $4.179378750e-01, v51  }
0x42f: {  	v16 =	vmax.f32 v16, $0.0e+00;
	vm9 =	vge.f32 v9, $0.0e+00;
	v34 =	vadd.f32 $-7.705729010e-01, v34  }
0x430: {  	vm10 =	vge.f32 v13, $0.0e+00;
	v37 =	vmul.f32 v37, v11;
	v35 =	vmul.f32 v52, v50;
	v56 =	vpop (erf)  }
0x431: {  	vm11 =	vge.f32 v17, $0.0e+00;
	v34 =	vmul.f32 v34, v7;
	v39 =	vmul.f32 $5.437093230e-02, v56  }
0x432: {  	v37 =	vadd.f32 $9.534207580e-01, v37;
	v46 =	vmul.f32 $1.044844690e-01, v19;
	v35 =	vadd.f32 $-7.705729010e-01, v35  }
0x433: {  	v58 =	vmul.f32 $5.437093230e-02, v10;
	v34 =	vadd.f32 $9.534207580e-01, v34;
	v39 =	vsub.f32 $2.164487090e-01, v39  }
0x434: {  	v61 =	vmul.f32 v37, v11;
	v48 =	vsub.f32 $4.179378750e-01, v46;
	v35 =	vmul.f32 v35, v50  }
0x435: {  	v59 =	vsub.f32 $2.164487090e-01, v58;
	v34 =	vmul.f32 v34, v7;
	v39 =	vmul.f32 v39, v56  }
0x436: {  	v36 =	vadd.f32 $-9.962757220e-01, v61;
	v9 =	vmul.f32 v48, v19;
	v35 =	vadd.f32 $9.534207580e-01, v35  }
0x437: {  	vm12 =	vge.f32 v21, $0.0e+00;
	v34 =	vadd.f32 $-9.962757220e-01, v34;
	v62 =	vadd.f32 $-4.650204480e-01, v39  }
0x438: {  	v11 =	vmul.f32 v36, v11;
	v9 =	vadd.f32 $-7.705729010e-01, v9;
	v35 =	vmul.f32 v35, v50  }
0x439: {  	v7 =	vmul.f32 v34, v7;
	v34 =	vadd.f32 $-4.650204480e-01, v54;
	v37 =	vmul.f32 v62, v56  }
0x43a: {  	v60 =	vmul.f32 $1.044844690e-01, v15;
	v43 =	vadd.f32 $9.999489780e-01, v11;
	v35 =	vadd.f32 $-9.962757220e-01, v35  }
0x43b: {  	v9 =	vmul.f32 v9, v19;
	v34 =	vmul.f32 v34, v6;
	v41 =	vadd.f32 $9.959657780e-01, v37  }
0x43c: {  	v47 =	vmul.f32 $5.437093230e-02, v14;
	v7 =	vadd.f32 $9.999489780e-01, v7;
	v35 =	vmul.f32 v35, v50  }
0x43d: {  	v9 =	vadd.f32 $9.534207580e-01, v9;
	v57 =	vadd.f32 $9.959657780e-01, v34;
	v44 =	vmul.f32 v41, v56  }
0x43e: {  	vm8 =	vge.f32 v32, $0.0e+00;
	v5 =	vsub.f32 $1.000000000e+00, v7;
	v40 =	vadd.f32 $9.999489780e-01, v35  }
0x43f: {  	v33 =	vmax.f32 v33, $0.0e+00;
	v6 =	vmul.f32 v57, v6;
	v11 =	vadd.f32 $7.942077350e-05, v44  }
0x440: {  	v9 =	vmul.f32 v9, v19;
	v5 =	vsel vm7, v7, v5;
	v45 =	vsub.f32 $1.000000000e+00, v40  }
0x441: {  	v7 =	vmul.f32 v59, v10;
	v6 =	vadd.f32 $7.942077350e-05, v6;
	v11 =	vadd.f32 v11, v33  }
0x442: {  	v9 =	vadd.f32 $-9.962757220e-01, v9;
	v34 =	vsub.f32 $4.179378750e-01, v60;
	v32 =	vsel vm8, v40, v45  }
0x443: {  	v63 =	vadd.f32 $-4.650204480e-01, v7;
	v4 =	vadd.f32 v6, v4;
	v11 =	vmul.f32 v11, v32  }
0x444: {  	vm13 =	vge.f32 v25, $0.0e+00;
	v9 =	vmul.f32 v9, v19;
	v39 =	vmul.f32 v34, v15  }
0x445: {  	vm14 =	vge.f32 v29, $0.0e+00;
	s20 =	sor.u32 $0x30, s10;
	v4 =	vmul.f32 v4, v5;
	v5 =	vmul.f32 v63, v10;
	[tilespmem:v3+s19+$0x20 ss:$0x1] =	vst.idx.msk $0xffff, v11  }
0x446: {  	v49 =	vsub.f32 $2.164487090e-01, v47;
	v51 =	vmul.f32 $1.044844690e-01, v23;
	v9 =	vadd.f32 $9.999489780e-01, v9;
	v53 =	vld.idx.msk [tilespmem:v0+s20+$0x0 ss:$0x1], $0xffff  }
0x447: {  	v58 =	vmul.f32 $5.437093230e-02, v18;
	v42 =	vadd.f32 $-7.705729010e-01, v39;
	v5 =	vadd.f32 $9.959657780e-01, v5;
	v55 =	vld.idx.msk [tilespmem:v1+s20+$0x0 ss:$0x1], $0xffff  }
0x448: {  	v47 =	vmul.f32 $1.044844690e-01, v31;
	v54 =	vsub.f32 $4.179378750e-01, v51;
	v50 =	vsub.f32 $1.000000000e+00, v43  }
0x449: {  	v39 =	vsub.f32 $1.000000000e+00, v9;
	v6 =	vmul.f32 v42, v15;
	v5 =	vmul.f32 v5, v10;
	v57 =	vld.idx.msk [tilespmem:v2+s20+$0x0 ss:$0x1], $0xffff  }
0x44a: {  	s10 =	sor.u32 $0x70, s10;
	v7 =	vsel vm9, v43, v50;
	v50 =	vsub.f32 $4.179378750e-01, v47;
	v10 =	vmul.f32 v49, v14  }
0x44b: {  	v46 =	vmul.f32 $5.437093230e-02, v26;
	v6 =	vadd.f32 $9.534207580e-01, v6;
	v5 =	vadd.f32 $7.942077350e-05, v5;
	v60 =	vld.idx.msk [tilespmem:v0+s10+$0x0 ss:$0x1], $0xffff  }
0x44c: {  	v37 =	vmul.f32 $1.044844690e-01, v27;
	v52 =	vadd.f32 $-4.650204480e-01, v10;
	v61 =	vld.idx.msk [tilespmem:v1+s10+$0x0 ss:$0x1], $0xffff;
	v10 =	vadd.f32 v55, v53  }
0x44d: {  	v9 =	vsel vm11, v9, v39;
	v6 =	vmul.f32 v6, v15;
	v5 =	vadd.f32 v5, v8  }
0x44e: {  	v49 =	vsub.f32 $2.164487090e-01, v46;
	v56 =	vmul.f32 v52, v14;
	v63 =	vld.idx.msk [tilespmem:v2+s10+$0x0 ss:$0x1], $0xffff;
	v8 =	vadd.f32 v57, v10  }
0x44f: {  	v45 =	vmax.f32 v20, $0.0e+00;
	v6 =	vadd.f32 $-9.962757220e-01, v6;
	v5 =	vmul.f32 v5, v7  }
0x450: {  	v7 =	vadd.f32 $9.959657780e-01, v56;
	v32 =	vsub.f32 $2.164487090e-01, v58;
	v34 =	vand.u32 $0x7FFFFFFF, v8  }
0x451: {  	v11 =	vmul.f32 v54, v23;
	v33 =	vadd.f32 v61, v60;
	v19 =	vsub.f32 $0.0e+00, v34  }
0x452: {  	v6 =	vmul.f32 v6, v15;
	v15 =	vsub.f32 $4.179378750e-01, v37;
	v62 =	vmul.f32 v32, v18  }
0x453: {  	v11 =	vadd.f32 $-7.705729010e-01, v11;
	v35 =	vadd.f32 v63, v33;
	v36 =	vmul.f32 $1.442695020e+00, v19  }
0x454: {  	v58 =	vmax.f32 v24, $0.0e+00;
	v7 =	vmul.f32 v7, v14;
	v13 =	vadd.f32 $-4.650204480e-01, v62  }
0x455: {  	v11 =	vmul.f32 v11, v23;
	v38 =	vand.u32 $0x7FFFFFFF, v35;
	(erf) = vpow2.f32 v36  }
0x456: {  	v6 =	vadd.f32 $9.999489780e-01, v6;
	v13 =	vmul.f32 v13, v18;
	v14 =	vsub.f32 $0.0e+00, v38  }
0x457: {  	v32 =	vmul.f32 $5.437093230e-02, v22;
	v15 =	vmul.f32 v15, v27;
	v11 =	vadd.f32 $9.534207580e-01, v11  }
0x458: {  	v54 =	vmul.f32 $5.437093230e-02, v30;
	v13 =	vadd.f32 $9.959657780e-01, v13;
	v14 =	vmul.f32 $1.442695020e+00, v14  }
0x459: {  	v7 =	vadd.f32 $7.942077350e-05, v7;
	v10 =	vsub.f32 $2.164487090e-01, v32;
	v11 =	vmul.f32 v11, v23  }
0x45a: {  	v59 =	vsub.f32 $1.000000000e+00, v6;
	v13 =	vmul.f32 v13, v18;
	(erf) = vpow2.f32 v14  }
0x45b: {  	v40 =	vadd.f32 $-7.705729010e-01, v15;
	v7 =	vadd.f32 v7, v12;
	v10 =	vmul.f32 v10, v22  }
0x45c: {  	v6 =	vsel vm10, v6, v59;
	v11 =	vadd.f32 $-9.962757220e-01, v11;
	v13 =	vadd.f32 $7.942077350e-05, v13  }
0x45d: {  	v43 =	vmul.f32 v40, v27;
	v53 =	vmul.f32 v50, v31;
	v10 =	vadd.f32 $-4.650204480e-01, v10  }
0x45e: {  	v6 =	vmul.f32 v7, v6;
	v11 =	vmul.f32 v11, v23;
	v13 =	vadd.f32 v13, v16;
	v44 =	vpop (erf)  }
0x45f: {  	v15 =	vadd.f32 $-7.705729010e-01, v53;
	v10 =	vmul.f32 v10, v22;
	v48 =	vmul.f32 $1.044844690e-01, v44  }
0x460: {  	v11 =	vadd.f32 $9.999489780e-01, v11;
	v41 =	vmul.f32 v13, v9;
	v13 =	vadd.f32 $9.534207580e-01, v43  }
0x461: {  	v15 =	vmul.f32 v15, v31;
	v10 =	vadd.f32 $9.959657780e-01, v10;
	v52 =	vsub.f32 $4.179378750e-01, v48  }
0x462: {  	v16 =	vsub.f32 $2.164487090e-01, v54;
	v42 =	vsub.f32 $1.000000000e+00, v11;
	v51 =	vmul.f32 v13, v27  }
0x463: {  	v15 =	vadd.f32 $9.534207580e-01, v15;
	v10 =	vmul.f32 v10, v22;
	v55 =	vpop (erf);
	v13 =	vmul.f32 v52, v44  }
0x464: {  	v9 =	vsel vm12, v11, v42;
	v11 =	vmul.f32 v49, v26;
	v56 =	vmul.f32 $5.437093230e-02, v55  }
0x465: {  	v61 =	vmax.f32 v28, $0.0e+00;
	v10 =	vadd.f32 $7.942077350e-05, v10;
	v13 =	vadd.f32 $-7.705729010e-01, v13  }
0x466: {  	v16 =	vmul.f32 v16, v30;
	v11 =	vadd.f32 $-4.650204480e-01, v11;
	v18 =	vsub.f32 $2.164487090e-01, v56  }
0x467: {  	v15 =	vmul.f32 v15, v31;
	v10 =	vadd.f32 v10, v45;
	v13 =	vmul.f32 v13, v44  }
0x468: {  	v16 =	vadd.f32 $-4.650204480e-01, v16;
	v11 =	vmul.f32 v11, v26;
	v18 =	vmul.f32 v18, v55  }
0x469: {  	v9 =	vmul.f32 v10, v9;
	v10 =	vadd.f32 $-9.962757220e-01, v51;
	v13 =	vadd.f32 $9.534207580e-01, v13  }
0x46a: {  	v16 =	vmul.f32 v16, v30;
	v11 =	vadd.f32 $9.959657780e-01, v11;
	v18 =	vadd.f32 $-4.650204480e-01, v18  }
0x46b: {  	v15 =	vadd.f32 $-9.962757220e-01, v15;
	v10 =	vmul.f32 v10, v27;
	v13 =	vmul.f32 v13, v44  }
0x46c: {  	v16 =	vadd.f32 $9.959657780e-01, v16;
	v11 =	vmul.f32 v11, v26;
	v18 =	vmul.f32 v18, v55  }
0x46d: {  	v15 =	vmul.f32 v15, v31;
	v10 =	vadd.f32 $9.999489780e-01, v10;
	v13 =	vadd.f32 $-9.962757220e-01, v13  }
0x46e: {  	v16 =	vmul.f32 v16, v30;
	v11 =	vadd.f32 $7.942077350e-05, v11;
	v18 =	vadd.f32 $9.959657780e-01, v18  }
0x46f: {  	v60 =	vadd.f32 $9.999489780e-01, v15;
	v57 =	vsub.f32 $1.000000000e+00, v10;
	v13 =	vmul.f32 v13, v44  }
0x470: {  	[tilespmem:v3+s9+$0x30 ss:$0x1] =	vst.idx.msk $0xffff, v4;
	v4 =	vadd.f32 $7.942077350e-05, v16;
	v11 =	vadd.f32 v11, v58;
	v59 =	vmul.f32 v18, v55  }
0x471: {  	[tilespmem:v3+s11+$0x30 ss:$0x1] =	vst.idx.msk $0xffff, v5;
	v5 =	vsub.f32 $1.000000000e+00, v60;
	v10 =	vsel vm13, v10, v57;
	v13 =	vadd.f32 $9.999489780e-01, v13  }
0x472: {  	v4 =	vadd.f32 v4, v61;
	v10 =	vmul.f32 v11, v10;
	v11 =	vadd.f32 $7.942077350e-05, v59  }
0x473: {  	p0 =	slt.u32 s22, $0x48;
	[tilespmem:v3+s12+$0x30 ss:$0x1] =	vst.idx.msk $0xffff, v6;
	v12 =	vmax.f32 v35, $0.0e+00;
	v5 =	vsel vm14, v60, v5;
	v62 =	vsub.f32 $1.000000000e+00, v13  }
.Ltmp1:
0x474: {  	vm15 =	vge.f32 v8, $0.0e+00;
	[tilespmem:v3+s15+$0x30 ss:$0x1] =	vst.idx.msk $0xffff, v41;
	v4 =	vmul.f32 v4, v5;
	v63 =	vadd.f32 v11, v12;
	(pc) =	sbr.rel @p0 .LBB2_5-.Ltmp1, $4  }
0x475: {  	[tilespmem:v3+s16+$0x30 ss:$0x1] =	vst.idx.msk $0xffff, v9;
	v5 =	vsel vm15, v13, v62  }
0x476: {  	[tilespmem:v3+s18+$0x30 ss:$0x1] =	vst.idx.msk $0xffff, v4;
	v5 =	vmul.f32 v63, v5  }
0x477: {  	s20 =	sadd.s32 $0x8, s22;
	[tilespmem:v3+s17+$0x30 ss:$0x1] =	vst.idx.msk $0xffff, v10  }
0x478: {  	s22 =	smov.u32 s20;
	[tilespmem:v3+s19+$0x30 ss:$0x1] =	vst.idx.msk $0xffff, v5  }
0x479: {  	s9 =	smul.u32 $0x140, s28;
	p0 =	sne.s32 s25, $0xFA  }
.Ltmp2:
0x47a: {  	_ = 	snop;
	(pc) =	sbr.rel @p0 .LBB2_2-.Ltmp2, $4  }
0x47b: {  	_ = 	snop  }
0x47c: {  	s9 =	sshrl.u32 s9, $0x2  }
0x47d: {  	[spmem:s1] =	stream.indirect.scatter.add.f32 [tilespmem:s26], [sflag:$0x5], $0x40, s9, s23, $0xb8;
	[tilespmem:$0x1BA80] =	vst v63  }
0x47e: {  	s9 =	smov.u32 s25  }
0x47f: {  	_ =	swait.ge [sflag:s0], $0x1400  }
0x480: {  	[sflag:s0] =	ssyncset.done $0x0  }
0x481: {  	[sflag:s0] =	ssyncadd.s32 $0xFFFFEC00  }
0x482: {  	_ =	swait.ge [sflag:s0], $0x1400  }
0x483: {  	[sflag:s0] =	ssyncset.done $0x0  }
0x484: {  	[sflag:s0] =	ssyncadd.s32 $0xFFFFEC00  }
0x485: {  	[bflag:$0x0] =	sbarrier.arrive $0xFFFF  }
0x486: {  	s16 =	rddreg [dreg:$0x4]  }
0x487: {  	s9 =	rddreg [dreg:$0xa]  }
0x488: {  	s10 =	rddreg [dreg:$0xc]  }
0x489: {  	[hbm:s9], [sflag:s16] =	dma.local [spmem:s10], $0x1400  }
0x48a: {  	_ =	swait.ge [sflag:s21], $0x1400  }
0x48b: {  	s24 =	sadd.s32 $0x1, s24;
	s28 =	rddreg [dreg:$0xb]  }
0x48c: {  	p0 =	sne.s32 s24, s28  }
.Ltmp3:
0x48d: {  	_ = 	snop;
	(pc) =	sbr.rel @p0 .LBB2_1-.Ltmp3, $3  }
0x48e: {  	_ =	sdelay $0x1  }
0x48f: {  	[sflag:s21] =	ssyncset.done $0x0  }
0x490: {  	[sflag:s21] =	ssyncadd.s32 $0xFFFFEC00  }
0x491: {  	_ =	sfence.sel $0x180000  }
0x492: {  	[bflag:$0x0] =	sbarrier.arrive $0xFFFF  }
0x493: {  	_ =	strace $0x90000047  }
0x494: {  	s0 =	stileid.u32;
	[bflag:$0x2] =	sbarrier.arrive $0xFFFF  }
0x495: {  	p0 =	sne.s32 s0, $0x0;
	s0 =	rddreg [dreg:$0x2]  }
0x496: {  	s0 =	sadd.s32 @!p0 $0x100000, s0  }
0x497: {  	[sflag:s0] =	ssyncadd.tile.s32 @!p0 $0x1;
	_ =	shalt  }
.Lfunc_end2:
_tile_overlayer_lowered:
.L_overlay_start_2:
0x498: {  	(tag) =	ssettag $0x2  }
0x499: {  	s0 =	rddreg [dreg:$0x0];
	s2 =	stileid.u32  }
0x49a: {  	s1 =	rddreg [dreg:$0x1];
	p0 =	sne.s32 s2, $0x0  }
0x49b: {  	s3 =	rddreg [dreg:$0x2];
	[bflag:$0x3] =	sbarrier.arrive $0xFFFF;
	s2 =	simm.s32 @!p0 $0x1C06  }
0x49c: {  	[timem:s3], [sflag:s2] =	dma.local @!p0 [hbm:s0], s1  }
0x49d: {  	s0 =	simm.s32 @!p0 $0x6  }
0x49e: {  	_ =	swait.ge @!p0 [sflag:s0], s1  }
0x49f: {  	s1 =	ssub.s32 @!p0 $0x0, s1;
	[sflag:s0] =	ssyncset.done @!p0 $0x0  }
0x4a0: {  	[sflag:s0] =	ssyncadd.s32 @!p0 s1  }
0x4a1: {  	[bflag:$0x3] =	sbarrier.arrive $0xFFFF  }
0x4a2: {  	_ =	shalt  }

</sc_bundles>
